<compile_context>
chip_gen: v7x
topology: tpu7x:2x2x1
jax: 0.10.2.dev20260603
libtpu: 0.0.44.dev20260713+nightly
codegen_flags: <defaults>
</compile_context>

<pallas_src>
import functools

import jax
import jax.numpy as jnp
from jax import lax
from jax.experimental import pallas as pl
from jax.experimental.pallas import tpu as pltpu
from jax.experimental.pallas import tpu_sc as plsc

D = 64
BLK = 128
NS = 4
LAG = 3
W1 = 256

_mesh = lambda: plsc.VectorSubcoreMesh(core_axis_name="c", subcore_axis_name="s")
_params = pltpu.CompilerParams(needs_layout_passes=False)


def _build_pass1(nvocab: int):
    full_cols = (nvocab // W1) * W1
    nchunks = full_cols // W1
    info = plsc.get_sparse_core_info()
    nc, nw = info.num_cores, info.num_cores * info.num_subcores
    per_w = (nchunks + nw - 1) // nw
    tail_rows = (nvocab - full_cols) // 2

    @functools.partial(
        pl.kernel,
        mesh=_mesh(),
        out_type=jax.ShapeDtypeStruct((nvocab // 2, 128), jnp.float32),
        scratch_types=[
            pltpu.VMEM((2, D, W1), jnp.float32),
            pltpu.VMEM(((W1 // 2) * 134,), jnp.float32),
            pltpu.VMEM((2, W1 // 2, 128), jnp.float32),
            pltpu.VMEM((tail_rows, 128), jnp.float32),
            pltpu.SemaphoreType.DMA((2,)),
            pltpu.SemaphoreType.DMA((2,)),
        ],
        compiler_params=_params,
    )
    def pass1(wt_hbm, tail_hbm, out_hbm, slab, b134, bpack, tailb, sem_s, sem_o):
        wid = lax.axis_index("s") * nc + lax.axis_index("c")
        lanes = lax.iota(jnp.int32, 16)
        cvec = (
            lax.mul(lax.shift_right_logical(lanes, 1), 134)
            + lax.mul(lax.bitwise_and(lanes, 1), 65)
        )

        def chunk_id(k):
            return wid + k * nw

        def fire_slab(k, b):
            @pl.when(chunk_id(k) < nchunks)
            def _():
                pltpu.async_copy(
                    wt_hbm.at[:, pl.ds(chunk_id(k) * W1, W1)],
                    slab.at[b],
                    sem_s.at[b],
                )

        def wait_slab(b):
            pltpu.make_async_copy(
                wt_hbm.at[:, pl.ds(0, W1)], slab.at[b], sem_s.at[b]
            ).wait()

        def wait_out(b):
            pltpu.make_async_copy(
                bpack.at[b], out_hbm.at[pl.ds(0, W1 // 2)], sem_o.at[b]
            ).wait()

        @pl.when(wid == 0)
        def _():
            pltpu.sync_copy(tail_hbm, tailb)
            pltpu.sync_copy(tailb, out_hbm.at[pl.ds(full_cols // 2, tail_rows)])

        fire_slab(0, 0)

        def body(k, b):
            @pl.when(chunk_id(k) < nchunks)
            def _():
                wait_slab(b)
                fire_slab(k + 1, 1 - b)

                @plsc.parallel_loop(0, D * (W1 // 16), 1, unroll=8)
                def _scat(kk):
                    d = lax.shift_right_logical(kk, 4)
                    jb = lax.bitwise_and(kk, 15)
                    vec = slab[b, d, pl.ds(jb * 16, 16)]
                    idx = cvec + (jb * (8 * 134) + d)
                    plsc.store_scatter(b134, [idx], vec)

                @plsc.parallel_loop(0, (W1 // 2) * 8, 1, unroll=8)
                def _pack(kk):
                    p = lax.shift_right_logical(kk, 3)
                    cb = lax.bitwise_and(kk, 7)
                    off = p * 134 + jnp.where(cb < 4, cb * 16, 65 + (cb - 4) * 16)
                    v = b134[pl.ds(off, 16)]
                    bpack[b, p, pl.ds(cb * 16, 16)] = v

                @pl.when(k >= 2)
                def _():
                    wait_out(b)

                pltpu.async_copy(
                    bpack.at[b],
                    out_hbm.at[pl.ds(chunk_id(k) * (W1 // 2), W1 // 2)],
                    sem_o.at[b],
                )

        def pair(p, carry):
            body(2 * p, 0)
            body(2 * p + 1, 1)
            return carry

        lax.fori_loop(0, (per_w + 1) // 2, pair, 0)
        wait_out(0)
        wait_out(1)

    return pass1


def _build_pass2(batch: int, hist: int):
    info = plsc.get_sparse_core_info()
    nc, ns = info.num_cores, info.num_subcores
    nw = nc * ns
    assert batch == nw * BLK
    nsteps = hist
    ddim = D // 8
    bblocks = batch // BLK

    @functools.partial(
        pl.kernel,
        mesh=_mesh(),
        out_type=jax.ShapeDtypeStruct((hist, ddim, bblocks, 8, BLK), jnp.float32),
        scratch_types=[
            pltpu.VMEM((NS, BLK), jnp.int32),
            pltpu.VMEM((NS, BLK), jnp.int32),
            pltpu.VMEM((NS, BLK + 16), jnp.int32),
            pltpu.VMEM((NS, BLK, 128), jnp.float32),
            pltpu.VMEM((D * 135,), jnp.float32),
            pltpu.VMEM((NS, ddim, 8, BLK), jnp.float32),
            pltpu.SemaphoreType.DMA((NS,)),
            pltpu.SemaphoreType.DMA((NS,)),
            pltpu.SemaphoreType.DMA((NS,)),
        ],
        compiler_params=_params,
    )
    def pass2(
        ids_hbm, w_hbm, out_hbm, idx_v, pair_v, half_v, rows_v, t135, rowsP,
        sem_i, sem_g, sem_o,
    ):
        bb = lax.axis_index("s") * nc + lax.axis_index("c")
        b0 = bb * BLK
        lanes = lax.iota(jnp.int32, 16)
        lanes135 = lanes * 135

        def wait_idx(b):
            pltpu.make_async_copy(
                ids_hbm.at[0, pl.ds(0, BLK)], idx_v.at[b], sem_i.at[b]
            ).wait()

        def wait_gather(b):
            pltpu.make_async_copy(
                w_hbm.at[pl.ds(0, BLK)], rows_v.at[b], sem_g.at[b]
            ).wait()

        def wait_out(b):
            pltpu.make_async_copy(
                rowsP.at[b], out_hbm.at[0, :, 0], sem_o.at[b]
            ).wait()

        for j in range(NS):
            pltpu.async_copy(
                ids_hbm.at[j, pl.ds(b0, BLK)], idx_v.at[j], sem_i.at[j]
            )

        def step(h, b):
            @pl.when(h < nsteps)
            def _():
                wait_idx(b)
                for grp in range(8):
                    v = idx_v[b, pl.ds(grp * 16, 16)]
                    pair_v[b, pl.ds(grp * 16, 16)] = lax.shift_right_logical(v, 1)
                    half_v[b, pl.ds(grp * 16, 16)] = lax.mul(
                        lax.bitwise_and(v, 1), 64
                    )

                @pl.when(h + NS < nsteps)
                def _():
                    pltpu.async_copy(
                        ids_hbm.at[h + NS, pl.ds(b0, BLK)],
                        idx_v.at[b],
                        sem_i.at[b],
                    )

                pltpu.async_copy(
                    w_hbm.at[pair_v.at[b]], rows_v.at[b], sem_g.at[b]
                )

            @pl.when(jnp.logical_and(h >= LAG, h < nsteps + LAG))
            def _():
                g = h - LAG
                bg = (b + NS - LAG) % NS

                @pl.when(h >= NS + LAG)
                def _():
                    wait_out(bg)

                wait_gather(bg)

                @plsc.parallel_loop(0, BLK, 1, unroll=4)
                def _scat(i):
                    half = half_v[bg, pl.ds(i, 16)][0]
                    for dblk in range(4):
                        vec = rows_v[bg, i, pl.ds(half + dblk * 16, 16)]
                        idx = lanes135 + (dblk * (16 * 135) + i)
                        plsc.store_scatter(t135, [idx], vec)

                @plsc.parallel_loop(0, D * 8, 1, unroll=8)
                def _pack(kk):
                    r = lax.shift_right_logical(kk, 3)
                    cb = lax.bitwise_and(kk, 7)
                    v = t135[pl.ds(r * 135 + cb * 16, 16)]
                    rowsP[
                        bg,
                        lax.shift_right_logical(r, 3),
                        lax.bitwise_and(r, 7),
                        pl.ds(cb * 16, 16),
                    ] = v

                pltpu.async_copy(
                    rowsP.at[bg], out_hbm.at[g, :, bb], sem_o.at[bg]
                )

        def quad(p, carry):
            for q in range(NS):
                step(NS * p + q, q)
            return carry

        total = nsteps + LAG
        lax.fori_loop(0, (total + NS - 1) // NS, quad, 0)
        for j in range(NS):
            wait_out(j)

    return pass2


def kernel(input_ids, weight):
    batch, hist = input_ids.shape
    nvocab = weight.shape[0]
    ids_t = jnp.transpose(input_ids).astype(jnp.int32)
    w_t = jnp.transpose(weight)
    full = (nvocab // W1) * W1
    w_tail = weight[full:].reshape((nvocab - full) // 2, 128)
    w_pairs = _build_pass1(nvocab)(w_t, w_tail)
    out5 = _build_pass2(batch, hist)(ids_t, w_pairs)
    out = jnp.transpose(out5, (2, 4, 0, 1, 3)).reshape(batch, hist, D)
    return out

# --- scband reference (transcript-rebuilt; emitter-appended) ---
"""Pipeline reference for scband-kernel-optimized-embedding-46265387712882 (READ-ONLY COPY).

The authoritative reference and input builder live on the scoring server;
editing this copy changes nothing except your own understanding.
"""

import jax, jax.numpy as jnp
import numpy as np

NUM_EMBEDDINGS = 1000000
EMBEDDING_DIM = 64
BATCH = 4096
HIST_LEN = 200


def setup_inputs(seed: int = 0) -> dict:
    key = jax.random.key(seed)
    k_idx, k_w = jax.random.split(key)
    input_ids = jax.random.randint(k_idx, (BATCH, HIST_LEN), 0, NUM_EMBEDDINGS, dtype=jnp.int64 if jax.config.jax_enable_x64 else jnp.int32)
    weight = jax.random.normal(k_w, (NUM_EMBEDDINGS, EMBEDDING_DIM), dtype=jnp.float32) * 0.02
    return {"input_ids": input_ids, "weight": weight}


def reference(input_ids, weight):
    # Faithful translation of F.embedding(input_ids, self.weight)
    return jnp.take(weight, input_ids, axis=0)

if __name__ == "__main__":
    import jax
    _d = setup_inputs()
    print(jax.jit(kernel)(*tuple(_d.values())))

</pallas_src>

<mosaic_0001>
#map = affine_map<(d0, d1) -> (0, 0)>
module attributes {stable_mosaic.version = 14 : i64} {
  func.func @pass1(%arg0: i32, %arg1: i32, %arg2: memref<64x1000000xf32, #tpu.memory_space<hbm>>, %arg3: memref<32x128xf32, #tpu.memory_space<hbm>>, %arg4: memref<500000x128xf32, #tpu.memory_space<hbm>>, %arg5: memref<2x64x256xf32, #tpu.memory_space<vmem>>, %arg6: memref<17152xf32, #tpu.memory_space<vmem>>, %arg7: memref<2x128x128xf32, #tpu.memory_space<vmem>>, %arg8: memref<32x128xf32, #tpu.memory_space<vmem>>, %arg9: memref<2x!tpu.dma_semaphore, #tpu.memory_space<semaphore_mem>>, %arg10: memref<2x!tpu.dma_semaphore, #tpu.memory_space<semaphore_mem>>) attributes {dimension_semantics = [#tpu.dimension_semantics<core_parallel>, #tpu.dimension_semantics<subcore_parallel>], iteration_bounds = array<i64: 2, 16>, scalar_prefetch = 0 : i64, scratch_operands = 6 : i64, tpu.core_type = #tpu.core_type<sc_vector_subcore>, window_params = [{transform_indices = #map}, {transform_indices = #map}, {transform_indices = #map}]} {
    %mul3A = arith.constant 2 : i32
    %mul3A_0 = arith.muli %arg1, %mul3A : i32
    %add3A = arith.addi %mul3A_0, %arg0 : i32
    %iota3A = tpu.iota {dimensions = array<i32: 0>} : vector<16xi32>
    %shift_right_logical3A = arith.constant 1 : i32
    %shift_right_logical3A_1 = vector.broadcast %shift_right_logical3A : i32 to vector<16xi32>
    %shift_right_logical3A_2 = arith.shrui %iota3A, %shift_right_logical3A_1 : vector<16xi32>
    %mul3A_3 = arith.constant 134 : i32
    %mul3A_4 = vector.broadcast %mul3A_3 : i32 to vector<16xi32>
    %mul3A_5 = arith.muli %shift_right_logical3A_2, %mul3A_4 : vector<16xi32>
    %and3A = arith.constant 1 : i32
    %and3A_6 = vector.broadcast %and3A : i32 to vector<16xi32>
    %and3A_7 = arith.andi %iota3A, %and3A_6 : vector<16xi32>
    %mul3A_8 = arith.constant 65 : i32
    %mul3A_9 = vector.broadcast %mul3A_8 : i32 to vector<16xi32>
    %mul3A_10 = arith.muli %and3A_7, %mul3A_9 : vector<16xi32>
    %add3A_11 = arith.addi %mul3A_5, %mul3A_10 : vector<16xi32>
    %eq3A = arith.constant 0 : i32
    %eq3A_12 = arith.cmpi eq, %add3A, %eq3A : i32
    %convert_element_type3A = arith.extui %eq3A_12 : i1 to i32
    %cond3A = arith.constant 0 : i32
    %cond3A_13 = arith.cmpi ne, %convert_element_type3A, %cond3A : i32
    scf.if %cond3A_13 {
      "tpu.region"() ({
        %run_scoped3A = tpu.sem_alloc : memref<!tpu.dma_semaphore, #tpu.memory_space<semaphore_mem>>
        tpu.enqueue_dma source(%arg3 : memref<32x128xf32, #tpu.memory_space<hbm>>) target(%arg8 : memref<32x128xf32, #tpu.memory_space<vmem>>) target_semaphore(%run_scoped3A : memref<!tpu.dma_semaphore, #tpu.memory_space<semaphore_mem>>)
        tpu.wait_dma2 semaphore(%run_scoped3A : memref<!tpu.dma_semaphore, #tpu.memory_space<semaphore_mem>>) src(%arg3 : memref<32x128xf32, #tpu.memory_space<hbm>>) dst(%arg8 : memref<32x128xf32, #tpu.memory_space<vmem>>)
        tpu.yield
      }) : () -> ()
      "tpu.region"() ({
        %run_scoped3A = tpu.sem_alloc : memref<!tpu.dma_semaphore, #tpu.memory_space<semaphore_mem>>
        %dma_start3A = arith.constant 499968 : i32
        %dma_start3A_60 = arith.constant 0 : i32
        %dma_start3A_61 = tpu.memref_slice %arg4[%dma_start3A, %dma_start3A_60] : memref<500000x128xf32, #tpu.memory_space<hbm>> -> memref<32x128xf32, #tpu.memory_space<hbm>>
        %dma_start3A_62 = arith.constant 499968 : i32
        %dma_start3A_63 = arith.constant 0 : i32
        %dma_start3A_64 = tpu.memref_slice %arg4[%dma_start3A_62, %dma_start3A_63] : memref<500000x128xf32, #tpu.memory_space<hbm>> -> memref<32x128xf32, #tpu.memory_space<hbm>>
        tpu.enqueue_dma source(%arg8 : memref<32x128xf32, #tpu.memory_space<vmem>>) target(%dma_start3A_64 : memref<32x128xf32, #tpu.memory_space<hbm>>) target_semaphore(%run_scoped3A : memref<!tpu.dma_semaphore, #tpu.memory_space<semaphore_mem>>)
        %dma_wait3A_65 = arith.constant 499968 : i32
        %dma_wait3A_66 = arith.constant 0 : i32
        %dma_wait3A_67 = tpu.memref_slice %arg4[%dma_wait3A_65, %dma_wait3A_66] : memref<500000x128xf32, #tpu.memory_space<hbm>> -> memref<32x128xf32, #tpu.memory_space<hbm>>
        %dma_wait3A_68 = arith.constant 499968 : i32
        %dma_wait3A_69 = arith.constant 0 : i32
        %dma_wait3A_70 = tpu.memref_slice %arg4[%dma_wait3A_68, %dma_wait3A_69] : memref<500000x128xf32, #tpu.memory_space<hbm>> -> memref<32x128xf32, #tpu.memory_space<hbm>>
        tpu.wait_dma2 semaphore(%run_scoped3A : memref<!tpu.dma_semaphore, #tpu.memory_space<semaphore_mem>>) src(%arg8 : memref<32x128xf32, #tpu.memory_space<vmem>>) dst(%dma_wait3A_70 : memref<32x128xf32, #tpu.memory_space<hbm>>)
        tpu.yield
      }) : () -> ()
    } else {
    }
    %add3A_14 = arith.constant 0 : i32
    %add3A_15 = arith.addi %add3A, %add3A_14 : i32
    %lt3A = arith.constant 3906 : i32
    %lt3A_16 = arith.cmpi slt, %add3A_15, %lt3A : i32
    %convert_element_type3A_17 = arith.extui %lt3A_16 : i1 to i32
    %cond3A_18 = arith.constant 0 : i32
    %cond3A_19 = arith.cmpi ne, %convert_element_type3A_17, %cond3A_18 : i32
    scf.if %cond3A_19 {
      %add3A_60 = arith.constant 0 : i32
      %add3A_61 = arith.addi %add3A, %add3A_60 : i32
      %mul3A_62 = arith.constant 256 : i32
      %mul3A_63 = arith.muli %add3A_61, %mul3A_62 : i32
      %dma_start3A = arith.constant 0 : i32
      %dma_start3A_64 = arith.constant 0 : i32
      %dma_start3A_65 = arith.constant 0 : i32
      %dma_start3A_66 = arith.constant 0 : i32
      %dma_start3A_67 = tpu.memref_slice %arg5[%dma_start3A, %dma_start3A_65, %dma_start3A_66] : memref<2x64x256xf32, #tpu.memory_space<vmem>> -> memref<1x64x256xf32, #tpu.memory_space<vmem>>
      %dma_start3A_68 = tpu.memref_squeeze %dma_start3A_67 : memref<1x64x256xf32, #tpu.memory_space<vmem>> -> memref<64x256xf32, #tpu.memory_space<vmem>>
      %dma_start3A_69 = arith.constant 0 : i32
      %dma_start3A_70 = tpu.memref_slice %arg2[%dma_start3A_69, %mul3A_63] : memref<64x1000000xf32, #tpu.memory_space<hbm>> -> memref<64x256xf32, #tpu.memory_space<hbm>>
      %dma_start3A_71 = tpu.memref_slice %arg9[%dma_start3A_64] : memref<2x!tpu.dma_semaphore, #tpu.memory_space<semaphore_mem>> -> memref<1x!tpu.dma_semaphore, #tpu.memory_space<semaphore_mem>>
      %dma_start3A_72 = tpu.memref_squeeze %dma_start3A_71 : memref<1x!tpu.dma_semaphore, #tpu.memory_space<semaphore_mem>> -> memref<!tpu.dma_semaphore, #tpu.memory_space<semaphore_mem>>
      %dma_start3A_73 = arith.constant 0 : i32
      %dma_start3A_74 = arith.constant 0 : i32
      %dma_start3A_75 = tpu.memref_slice %arg5[%dma_start3A, %dma_start3A_73, %dma_start3A_74] : memref<2x64x256xf32, #tpu.memory_space<vmem>> -> memref<1x64x256xf32, #tpu.memory_space<vmem>>
      %dma_start3A_76 = tpu.memref_squeeze %dma_start3A_75 : memref<1x64x256xf32, #tpu.memory_space<vmem>> -> memref<64x256xf32, #tpu.memory_space<vmem>>
      %dma_start3A_77 = arith.constant 0 : i32
      %dma_start3A_78 = tpu.memref_slice %arg2[%dma_start3A_77, %mul3A_63] : memref<64x1000000xf32, #tpu.memory_space<hbm>> -> memref<64x256xf32, #tpu.memory_space<hbm>>
      tpu.enqueue_dma source(%dma_start3A_78 : memref<64x256xf32, #tpu.memory_space<hbm>>) target(%dma_start3A_76 : memref<64x256xf32, #tpu.memory_space<vmem>>) target_semaphore(%dma_start3A_72 : memref<!tpu.dma_semaphore, #tpu.memory_space<semaphore_mem>>)
    } else {
    }
    %scan3A = arith.constant 0 : i32
    %scan3A_20 = arith.constant 0 : i32
    %scan3A_21 = arith.constant 62 : i32
    %scan3A_22 = arith.addi %scan3A_20, %scan3A_21 : i32
    %scan3A_23 = arith.constant 1 : i32
    scf.for %scan3A_60 = %scan3A_20 to %scan3A_22 step %scan3A_23  : i32 {
      %mul3A_61 = arith.constant 2 : i32
      %mul3A_62 = arith.muli %mul3A_61, %scan3A_60 : i32
      %mul3A_63 = arith.constant 32 : i32
      %mul3A_64 = arith.muli %mul3A_62, %mul3A_63 : i32
      %add3A_65 = arith.addi %add3A, %mul3A_64 : i32
      %lt3A_66 = arith.constant 3906 : i32
      %lt3A_67 = arith.cmpi slt, %add3A_65, %lt3A_66 : i32
      %convert_element_type3A_68 = arith.extui %lt3A_67 : i1 to i32
      %cond3A_69 = arith.constant 0 : i32
      %cond3A_70 = arith.cmpi ne, %convert_element_type3A_68, %cond3A_69 : i32
      scf.if %cond3A_70 {
        %dma_wait3A_83 = arith.constant 0 : i32
        %dma_wait3A_84 = arith.constant 0 : i32
        %dma_wait3A_85 = arith.constant 0 : i32
        %dma_wait3A_86 = arith.constant 0 : i32
        %dma_wait3A_87 = tpu.memref_slice %arg5[%dma_wait3A_83, %dma_wait3A_85, %dma_wait3A_86] : memref<2x64x256xf32, #tpu.memory_space<vmem>> -> memref<1x64x256xf32, #tpu.memory_space<vmem>>
        %dma_wait3A_88 = tpu.memref_squeeze %dma_wait3A_87 : memref<1x64x256xf32, #tpu.memory_space<vmem>> -> memref<64x256xf32, #tpu.memory_space<vmem>>
        %dma_wait3A_89 = arith.constant 0 : i32
        %dma_wait3A_90 = arith.constant 0 : i32
        %dma_wait3A_91 = tpu.memref_slice %arg2[%dma_wait3A_89, %dma_wait3A_90] : memref<64x1000000xf32, #tpu.memory_space<hbm>> -> memref<64x256xf32, #tpu.memory_space<hbm>>
        %dma_wait3A_92 = tpu.memref_slice %arg9[%dma_wait3A_84] : memref<2x!tpu.dma_semaphore, #tpu.memory_space<semaphore_mem>> -> memref<1x!tpu.dma_semaphore, #tpu.memory_space<semaphore_mem>>
        %dma_wait3A_93 = tpu.memref_squeeze %dma_wait3A_92 : memref<1x!tpu.dma_semaphore, #tpu.memory_space<semaphore_mem>> -> memref<!tpu.dma_semaphore, #tpu.memory_space<semaphore_mem>>
        %dma_wait3A_94 = arith.constant 0 : i32
        %dma_wait3A_95 = arith.constant 0 : i32
        %dma_wait3A_96 = tpu.memref_slice %arg5[%dma_wait3A_83, %dma_wait3A_94, %dma_wait3A_95] : memref<2x64x256xf32, #tpu.memory_space<vmem>> -> memref<1x64x256xf32, #tpu.memory_space<vmem>>
        %dma_wait3A_97 = tpu.memref_squeeze %dma_wait3A_96 : memref<1x64x256xf32, #tpu.memory_space<vmem>> -> memref<64x256xf32, #tpu.memory_space<vmem>>
        %dma_wait3A_98 = arith.constant 0 : i32
        %dma_wait3A_99 = arith.constant 0 : i32
        %dma_wait3A_100 = tpu.memref_slice %arg2[%dma_wait3A_98, %dma_wait3A_99] : memref<64x1000000xf32, #tpu.memory_space<hbm>> -> memref<64x256xf32, #tpu.memory_space<hbm>>
        tpu.wait_dma2 semaphore(%dma_wait3A_93 : memref<!tpu.dma_semaphore, #tpu.memory_space<semaphore_mem>>) src(%dma_wait3A_100 : memref<64x256xf32, #tpu.memory_space<hbm>>) dst(%dma_wait3A_97 : memref<64x256xf32, #tpu.memory_space<vmem>>)
        %add3A_101 = arith.constant 1 : i32
        %add3A_102 = arith.addi %mul3A_62, %add3A_101 : i32
        %mul3A_103 = arith.constant 32 : i32
        %mul3A_104 = arith.muli %add3A_102, %mul3A_103 : i32
        %add3A_105 = arith.addi %add3A, %mul3A_104 : i32
        %lt3A_106 = arith.constant 3906 : i32
        %lt3A_107 = arith.cmpi slt, %add3A_105, %lt3A_106 : i32
        %convert_element_type3A_108 = arith.extui %lt3A_107 : i1 to i32
        %cond3A_109 = arith.constant 0 : i32
        %cond3A_110 = arith.cmpi ne, %convert_element_type3A_108, %cond3A_109 : i32
        scf.if %cond3A_110 {
          %mul3A_140 = arith.constant 32 : i32
          %mul3A_141 = arith.muli %add3A_102, %mul3A_140 : i32
          %add3A_142 = arith.addi %add3A, %mul3A_141 : i32
          %mul3A_143 = arith.constant 256 : i32
          %mul3A_144 = arith.muli %add3A_142, %mul3A_143 : i32
          %dma_start3A_145 = arith.constant 1 : i32
          %dma_start3A_146 = arith.constant 1 : i32
          %dma_start3A_147 = arith.constant 0 : i32
          %dma_start3A_148 = arith.constant 0 : i32
          %dma_start3A_149 = tpu.memref_slice %arg5[%dma_start3A_145, %dma_start3A_147, %dma_start3A_148] : memref<2x64x256xf32, #tpu.memory_space<vmem>> -> memref<1x64x256xf32, #tpu.memory_space<vmem>>
          %dma_start3A_150 = tpu.memref_squeeze %dma_start3A_149 : memref<1x64x256xf32, #tpu.memory_space<vmem>> -> memref<64x256xf32, #tpu.memory_space<vmem>>
          %dma_start3A_151 = arith.constant 0 : i32
          %dma_start3A_152 = tpu.memref_slice %arg2[%dma_start3A_151, %mul3A_144] : memref<64x1000000xf32, #tpu.memory_space<hbm>> -> memref<64x256xf32, #tpu.memory_space<hbm>>
          %dma_start3A_153 = tpu.memref_slice %arg9[%dma_start3A_146] : memref<2x!tpu.dma_semaphore, #tpu.memory_space<semaphore_mem>> -> memref<1x!tpu.dma_semaphore, #tpu.memory_space<semaphore_mem>>
          %dma_start3A_154 = tpu.memref_squeeze %dma_start3A_153 : memref<1x!tpu.dma_semaphore, #tpu.memory_space<semaphore_mem>> -> memref<!tpu.dma_semaphore, #tpu.memory_space<semaphore_mem>>
          %dma_start3A_155 = arith.constant 0 : i32
          %dma_start3A_156 = arith.constant 0 : i32
          %dma_start3A_157 = tpu.memref_slice %arg5[%dma_start3A_145, %dma_start3A_155, %dma_start3A_156] : memref<2x64x256xf32, #tpu.memory_space<vmem>> -> memref<1x64x256xf32, #tpu.memory_space<vmem>>
          %dma_start3A_158 = tpu.memref_squeeze %dma_start3A_157 : memref<1x64x256xf32, #tpu.memory_space<vmem>> -> memref<64x256xf32, #tpu.memory_space<vmem>>
          %dma_start3A_159 = arith.constant 0 : i32
          %dma_start3A_160 = tpu.memref_slice %arg2[%dma_start3A_159, %mul3A_144] : memref<64x1000000xf32, #tpu.memory_space<hbm>> -> memref<64x256xf32, #tpu.memory_space<hbm>>
          tpu.enqueue_dma source(%dma_start3A_160 : memref<64x256xf32, #tpu.memory_space<hbm>>) target(%dma_start3A_158 : memref<64x256xf32, #tpu.memory_space<vmem>>) target_semaphore(%dma_start3A_154 : memref<!tpu.dma_semaphore, #tpu.memory_space<semaphore_mem>>)
        } else {
        }
        %parallel_loop3A = arith.constant 0 : i32
        %parallel_loop3A_111 = arith.constant 1024 : i32
        %parallel_loop3A_112 = arith.constant 1 : i32
        scf.for %parallel_loop3A_140 = %parallel_loop3A to %parallel_loop3A_111 step %parallel_loop3A_112  : i32 {
          %parallel_loop3A_141 = arith.constant 4 : i32
          %parallel_loop3A_142 = arith.shrui %parallel_loop3A_140, %parallel_loop3A_141 : i32
          %parallel_loop3A_143 = arith.constant 15 : i32
          %parallel_loop3A_144 = arith.andi %parallel_loop3A_140, %parallel_loop3A_143 : i32
          %parallel_loop3A_145 = arith.constant 16 : i32
          %parallel_loop3A_146 = arith.muli %parallel_loop3A_144, %parallel_loop3A_145 : i32
          %parallel_loop3A_147 = arith.constant 0 : i32
          %parallel_loop3A_148 = arith.index_cast %parallel_loop3A_147 : i32 to index
          %parallel_loop3A_149 = arith.index_cast %parallel_loop3A_142 : i32 to index
          %parallel_loop3A_150 = arith.index_cast %parallel_loop3A_146 : i32 to index
          %parallel_loop3A_151 = tpu.vector_load %arg5[%parallel_loop3A_148, %parallel_loop3A_149, %parallel_loop3A_150] {strides = array<i32>} : memref<2x64x256xf32, #tpu.memory_space<vmem>>, vector<16xf32>,
          %parallel_loop3A_152 = arith.constant 1072 : i32
          %parallel_loop3A_153 = arith.muli %parallel_loop3A_144, %parallel_loop3A_152 : i32
          %parallel_loop3A_154 = arith.addi %parallel_loop3A_153, %parallel_loop3A_142 : i32
          %parallel_loop3A_155 = vector.broadcast %parallel_loop3A_154 : i32 to vector<16xi32>
          %parallel_loop3A_156 = arith.addi %add3A_11, %parallel_loop3A_155 : vector<16xi32>
          tpu.vector_store_idx %arg6[%parallel_loop3A_156], %parallel_loop3A_151 : memref<17152xf32, #tpu.memory_space<vmem>>[vector<16xi32>], vector<16xf32>,
        } {sc.loop_unroll_factor = 8 : i64, sc.parallel_access}
        %parallel_loop3A_113 = arith.constant 0 : i32
        %parallel_loop3A_114 = arith.constant 1024 : i32
        %parallel_loop3A_115 = arith.constant 1 : i32
        scf.for %parallel_loop3A_140 = %parallel_loop3A_113 to %parallel_loop3A_114 step %parallel_loop3A_115  : i32 {
          %parallel_loop3A_141 = arith.constant 3 : i32
          %parallel_loop3A_142 = arith.shrui %parallel_loop3A_140, %parallel_loop3A_141 : i32
          %parallel_loop3A_143 = arith.constant 7 : i32
          %parallel_loop3A_144 = arith.andi %parallel_loop3A_140, %parallel_loop3A_143 : i32
          %parallel_loop3A_145 = arith.constant 134 : i32
          %parallel_loop3A_146 = arith.muli %parallel_loop3A_142, %parallel_loop3A_145 : i32
          %parallel_loop3A_147 = arith.constant 4 : i32
          %parallel_loop3A_148 = arith.cmpi slt, %parallel_loop3A_144, %parallel_loop3A_147 : i32
          %parallel_loop3A_149 = arith.constant 16 : i32
          %parallel_loop3A_150 = arith.muli %parallel_loop3A_144, %parallel_loop3A_149 : i32
          %parallel_loop3A_151 = arith.constant 4 : i32
          %parallel_loop3A_152 = arith.subi %parallel_loop3A_144, %parallel_loop3A_151 : i32
          %parallel_loop3A_153 = arith.constant 16 : i32
          %parallel_loop3A_154 = arith.muli %parallel_loop3A_152, %parallel_loop3A_153 : i32
          %parallel_loop3A_155 = arith.constant 65 : i32
          %parallel_loop3A_156 = arith.addi %parallel_loop3A_155, %parallel_loop3A_154 : i32
          %parallel_loop3A_157 = arith.select %parallel_loop3A_148, %parallel_loop3A_150, %parallel_loop3A_156 : i32
          %parallel_loop3A_158 = arith.addi %parallel_loop3A_146, %parallel_loop3A_157 : i32
          %parallel_loop3A_159 = arith.index_cast %parallel_loop3A_158 : i32 to index
          %parallel_loop3A_160 = tpu.vector_load %arg6[%parallel_loop3A_159] {strides = array<i32>} : memref<17152xf32, #tpu.memory_space<vmem>>, vector<16xf32>,
          %parallel_loop3A_161 = arith.constant 16 : i32
          %parallel_loop3A_162 = arith.muli %parallel_loop3A_144, %parallel_loop3A_161 : i32
          %parallel_loop3A_163 = arith.constant 0 : i32
          %parallel_loop3A_164 = arith.index_cast %parallel_loop3A_163 : i32 to index
          %parallel_loop3A_165 = arith.index_cast %parallel_loop3A_142 : i32 to index
          %parallel_loop3A_166 = arith.index_cast %parallel_loop3A_162 : i32 to index
          %parallel_loop3A_167 = tpu.vector_load %arg7[%parallel_loop3A_164, %parallel_loop3A_165, %parallel_loop3A_166] {strides = array<i32>} : memref<2x128x128xf32, #tpu.memory_space<vmem>>, vector<16xf32>,
          tpu.vector_store %arg7[%parallel_loop3A_164, %parallel_loop3A_165, %parallel_loop3A_166], %parallel_loop3A_160 {strides = array<i32>} : memref<2x128x128xf32, #tpu.memory_space<vmem>>, vector<16xf32>,
        } {sc.loop_unroll_factor = 8 : i64, sc.parallel_access}
        %ge3A = arith.constant 2 : i32
        %ge3A_116 = arith.cmpi sge, %mul3A_62, %ge3A : i32
        %convert_element_type3A_117 = arith.extui %ge3A_116 : i1 to i32
        %cond3A_118 = arith.constant 0 : i32
        %cond3A_119 = arith.cmpi ne, %convert_element_type3A_117, %cond3A_118 : i32
        scf.if %cond3A_119 {
          %dma_wait3A_140 = arith.constant 0 : i32
          %dma_wait3A_141 = arith.constant 0 : i32
          %dma_wait3A_142 = arith.constant 0 : i32
          %dma_wait3A_143 = arith.constant 0 : i32
          %dma_wait3A_144 = tpu.memref_slice %arg7[%dma_wait3A_140, %dma_wait3A_142, %dma_wait3A_143] : memref<2x128x128xf32, #tpu.memory_space<vmem>> -> memref<1x128x128xf32, #tpu.memory_space<vmem>>
          %dma_wait3A_145 = tpu.memref_squeeze %dma_wait3A_144 : memref<1x128x128xf32, #tpu.memory_space<vmem>> -> memref<128x128xf32, #tpu.memory_space<vmem>>
          %dma_wait3A_146 = arith.constant 0 : i32
          %dma_wait3A_147 = arith.constant 0 : i32
          %dma_wait3A_148 = tpu.memref_slice %arg4[%dma_wait3A_146, %dma_wait3A_147] : memref<500000x128xf32, #tpu.memory_space<hbm>> -> memref<128x128xf32, #tpu.memory_space<hbm>>
          %dma_wait3A_149 = tpu.memref_slice %arg10[%dma_wait3A_141] : memref<2x!tpu.dma_semaphore, #tpu.memory_space<semaphore_mem>> -> memref<1x!tpu.dma_semaphore, #tpu.memory_space<semaphore_mem>>
          %dma_wait3A_150 = tpu.memref_squeeze %dma_wait3A_149 : memref<1x!tpu.dma_semaphore, #tpu.memory_space<semaphore_mem>> -> memref<!tpu.dma_semaphore, #tpu.memory_space<semaphore_mem>>
          %dma_wait3A_151 = arith.constant 0 : i32
          %dma_wait3A_152 = arith.constant 0 : i32
          %dma_wait3A_153 = tpu.memref_slice %arg4[%dma_wait3A_151, %dma_wait3A_152] : memref<500000x128xf32, #tpu.memory_space<hbm>> -> memref<128x128xf32, #tpu.memory_space<hbm>>
          %dma_wait3A_154 = arith.constant 0 : i32
          %dma_wait3A_155 = arith.constant 0 : i32
          %dma_wait3A_156 = tpu.memref_slice %arg7[%dma_wait3A_140, %dma_wait3A_154, %dma_wait3A_155] : memref<2x128x128xf32, #tpu.memory_space<vmem>> -> memref<1x128x128xf32, #tpu.memory_space<vmem>>
          %dma_wait3A_157 = tpu.memref_squeeze %dma_wait3A_156 : memref<1x128x128xf32, #tpu.memory_space<vmem>> -> memref<128x128xf32, #tpu.memory_space<vmem>>
          tpu.wait_dma2 semaphore(%dma_wait3A_150 : memref<!tpu.dma_semaphore, #tpu.memory_space<semaphore_mem>>) src(%dma_wait3A_157 : memref<128x128xf32, #tpu.memory_space<vmem>>) dst(%dma_wait3A_153 : memref<128x128xf32, #tpu.memory_space<hbm>>)
        } else {
        }
        %mul3A_120 = arith.constant 32 : i32
        %mul3A_121 = arith.muli %mul3A_62, %mul3A_120 : i32
        %add3A_122 = arith.addi %add3A, %mul3A_121 : i32
        %mul3A_123 = arith.constant 128 : i32
        %mul3A_124 = arith.muli %add3A_122, %mul3A_123 : i32
        %dma_start3A = arith.constant 0 : i32
        %dma_start3A_125 = arith.constant 0 : i32
        %dma_start3A_126 = arith.constant 0 : i32
        %dma_start3A_127 = arith.constant 0 : i32
        %dma_start3A_128 = tpu.memref_slice %arg7[%dma_start3A, %dma_start3A_126, %dma_start3A_127] : memref<2x128x128xf32, #tpu.memory_space<vmem>> -> memref<1x128x128xf32, #tpu.memory_space<vmem>>
        %dma_start3A_129 = tpu.memref_squeeze %dma_start3A_128 : memref<1x128x128xf32, #tpu.memory_space<vmem>> -> memref<128x128xf32, #tpu.memory_space<vmem>>
        %dma_start3A_130 = arith.constant 0 : i32
        %dma_start3A_131 = tpu.memref_slice %arg4[%mul3A_124, %dma_start3A_130] : memref<500000x128xf32, #tpu.memory_space<hbm>> -> memref<128x128xf32, #tpu.memory_space<hbm>>
        %dma_start3A_132 = tpu.memref_slice %arg10[%dma_start3A_125] : memref<2x!tpu.dma_semaphore, #tpu.memory_space<semaphore_mem>> -> memref<1x!tpu.dma_semaphore, #tpu.memory_space<semaphore_mem>>
        %dma_start3A_133 = tpu.memref_squeeze %dma_start3A_132 : memref<1x!tpu.dma_semaphore, #tpu.memory_space<semaphore_mem>> -> memref<!tpu.dma_semaphore, #tpu.memory_space<semaphore_mem>>
        %dma_start3A_134 = arith.constant 0 : i32
        %dma_start3A_135 = tpu.memref_slice %arg4[%mul3A_124, %dma_start3A_134] : memref<500000x128xf32, #tpu.memory_space<hbm>> -> memref<128x128xf32, #tpu.memory_space<hbm>>
        %dma_start3A_136 = arith.constant 0 : i32
        %dma_start3A_137 = arith.constant 0 : i32
        %dma_start3A_138 = tpu.memref_slice %arg7[%dma_start3A, %dma_start3A_136, %dma_start3A_137] : memref<2x128x128xf32, #tpu.memory_space<vmem>> -> memref<1x128x128xf32, #tpu.memory_space<vmem>>
        %dma_start3A_139 = tpu.memref_squeeze %dma_start3A_138 : memref<1x128x128xf32, #tpu.memory_space<vmem>> -> memref<128x128xf32, #tpu.memory_space<vmem>>
        tpu.enqueue_dma source(%dma_start3A_139 : memref<128x128xf32, #tpu.memory_space<vmem>>) target(%dma_start3A_135 : memref<128x128xf32, #tpu.memory_space<hbm>>) target_semaphore(%dma_start3A_133 : memref<!tpu.dma_semaphore, #tpu.memory_space<semaphore_mem>>)
      } else {
      }
      %mul3A_71 = arith.constant 2 : i32
      %mul3A_72 = arith.muli %mul3A_71, %scan3A_60 : i32
      %add3A_73 = arith.constant 1 : i32
      %add3A_74 = arith.addi %mul3A_72, %add3A_73 : i32
      %mul3A_75 = arith.constant 32 : i32
      %mul3A_76 = arith.muli %add3A_74, %mul3A_75 : i32
      %add3A_77 = arith.addi %add3A, %mul3A_76 : i32
      %lt3A_78 = arith.constant 3906 : i32
      %lt3A_79 = arith.cmpi slt, %add3A_77, %lt3A_78 : i32
      %convert_element_type3A_80 = arith.extui %lt3A_79 : i1 to i32
      %cond3A_81 = arith.constant 0 : i32
      %cond3A_82 = arith.cmpi ne, %convert_element_type3A_80, %cond3A_81 : i32
      scf.if %cond3A_82 {
        %dma_wait3A_83 = arith.constant 1 : i32
        %dma_wait3A_84 = arith.constant 1 : i32
        %dma_wait3A_85 = arith.constant 0 : i32
        %dma_wait3A_86 = arith.constant 0 : i32
        %dma_wait3A_87 = tpu.memref_slice %arg5[%dma_wait3A_83, %dma_wait3A_85, %dma_wait3A_86] : memref<2x64x256xf32, #tpu.memory_space<vmem>> -> memref<1x64x256xf32, #tpu.memory_space<vmem>>
        %dma_wait3A_88 = tpu.memref_squeeze %dma_wait3A_87 : memref<1x64x256xf32, #tpu.memory_space<vmem>> -> memref<64x256xf32, #tpu.memory_space<vmem>>
        %dma_wait3A_89 = arith.constant 0 : i32
        %dma_wait3A_90 = arith.constant 0 : i32
        %dma_wait3A_91 = tpu.memref_slice %arg2[%dma_wait3A_89, %dma_wait3A_90] : memref<64x1000000xf32, #tpu.memory_space<hbm>> -> memref<64x256xf32, #tpu.memory_space<hbm>>
        %dma_wait3A_92 = tpu.memref_slice %arg9[%dma_wait3A_84] : memref<2x!tpu.dma_semaphore, #tpu.memory_space<semaphore_mem>> -> memref<1x!tpu.dma_semaphore, #tpu.memory_space<semaphore_mem>>
        %dma_wait3A_93 = tpu.memref_squeeze %dma_wait3A_92 : memref<1x!tpu.dma_semaphore, #tpu.memory_space<semaphore_mem>> -> memref<!tpu.dma_semaphore, #tpu.memory_space<semaphore_mem>>
        %dma_wait3A_94 = arith.constant 0 : i32
        %dma_wait3A_95 = arith.constant 0 : i32
        %dma_wait3A_96 = tpu.memref_slice %arg5[%dma_wait3A_83, %dma_wait3A_94, %dma_wait3A_95] : memref<2x64x256xf32, #tpu.memory_space<vmem>> -> memref<1x64x256xf32, #tpu.memory_space<vmem>>
        %dma_wait3A_97 = tpu.memref_squeeze %dma_wait3A_96 : memref<1x64x256xf32, #tpu.memory_space<vmem>> -> memref<64x256xf32, #tpu.memory_space<vmem>>
        %dma_wait3A_98 = arith.constant 0 : i32
        %dma_wait3A_99 = arith.constant 0 : i32
        %dma_wait3A_100 = tpu.memref_slice %arg2[%dma_wait3A_98, %dma_wait3A_99] : memref<64x1000000xf32, #tpu.memory_space<hbm>> -> memref<64x256xf32, #tpu.memory_space<hbm>>
        tpu.wait_dma2 semaphore(%dma_wait3A_93 : memref<!tpu.dma_semaphore, #tpu.memory_space<semaphore_mem>>) src(%dma_wait3A_100 : memref<64x256xf32, #tpu.memory_space<hbm>>) dst(%dma_wait3A_97 : memref<64x256xf32, #tpu.memory_space<vmem>>)
        %add3A_101 = arith.constant 1 : i32
        %add3A_102 = arith.addi %add3A_74, %add3A_101 : i32
        %mul3A_103 = arith.constant 32 : i32
        %mul3A_104 = arith.muli %add3A_102, %mul3A_103 : i32
        %add3A_105 = arith.addi %add3A, %mul3A_104 : i32
        %lt3A_106 = arith.constant 3906 : i32
        %lt3A_107 = arith.cmpi slt, %add3A_105, %lt3A_106 : i32
        %convert_element_type3A_108 = arith.extui %lt3A_107 : i1 to i32
        %cond3A_109 = arith.constant 0 : i32
        %cond3A_110 = arith.cmpi ne, %convert_element_type3A_108, %cond3A_109 : i32
        scf.if %cond3A_110 {
          %mul3A_140 = arith.constant 32 : i32
          %mul3A_141 = arith.muli %add3A_102, %mul3A_140 : i32
          %add3A_142 = arith.addi %add3A, %mul3A_141 : i32
          %mul3A_143 = arith.constant 256 : i32
          %mul3A_144 = arith.muli %add3A_142, %mul3A_143 : i32
          %dma_start3A_145 = arith.constant 0 : i32
          %dma_start3A_146 = arith.constant 0 : i32
          %dma_start3A_147 = arith.constant 0 : i32
          %dma_start3A_148 = arith.constant 0 : i32
          %dma_start3A_149 = tpu.memref_slice %arg5[%dma_start3A_145, %dma_start3A_147, %dma_start3A_148] : memref<2x64x256xf32, #tpu.memory_space<vmem>> -> memref<1x64x256xf32, #tpu.memory_space<vmem>>
          %dma_start3A_150 = tpu.memref_squeeze %dma_start3A_149 : memref<1x64x256xf32, #tpu.memory_space<vmem>> -> memref<64x256xf32, #tpu.memory_space<vmem>>
          %dma_start3A_151 = arith.constant 0 : i32
          %dma_start3A_152 = tpu.memref_slice %arg2[%dma_start3A_151, %mul3A_144] : memref<64x1000000xf32, #tpu.memory_space<hbm>> -> memref<64x256xf32, #tpu.memory_space<hbm>>
          %dma_start3A_153 = tpu.memref_slice %arg9[%dma_start3A_146] : memref<2x!tpu.dma_semaphore, #tpu.memory_space<semaphore_mem>> -> memref<1x!tpu.dma_semaphore, #tpu.memory_space<semaphore_mem>>
          %dma_start3A_154 = tpu.memref_squeeze %dma_start3A_153 : memref<1x!tpu.dma_semaphore, #tpu.memory_space<semaphore_mem>> -> memref<!tpu.dma_semaphore, #tpu.memory_space<semaphore_mem>>
          %dma_start3A_155 = arith.constant 0 : i32
          %dma_start3A_156 = arith.constant 0 : i32
          %dma_start3A_157 = tpu.memref_slice %arg5[%dma_start3A_145, %dma_start3A_155, %dma_start3A_156] : memref<2x64x256xf32, #tpu.memory_space<vmem>> -> memref<1x64x256xf32, #tpu.memory_space<vmem>>
          %dma_start3A_158 = tpu.memref_squeeze %dma_start3A_157 : memref<1x64x256xf32, #tpu.memory_space<vmem>> -> memref<64x256xf32, #tpu.memory_space<vmem>>
          %dma_start3A_159 = arith.constant 0 : i32
          %dma_start3A_160 = tpu.memref_slice %arg2[%dma_start3A_159, %mul3A_144] : memref<64x1000000xf32, #tpu.memory_space<hbm>> -> memref<64x256xf32, #tpu.memory_space<hbm>>
          tpu.enqueue_dma source(%dma_start3A_160 : memref<64x256xf32, #tpu.memory_space<hbm>>) target(%dma_start3A_158 : memref<64x256xf32, #tpu.memory_space<vmem>>) target_semaphore(%dma_start3A_154 : memref<!tpu.dma_semaphore, #tpu.memory_space<semaphore_mem>>)
        } else {
        }
        %parallel_loop3A = arith.constant 0 : i32
        %parallel_loop3A_111 = arith.constant 1024 : i32
        %parallel_loop3A_112 = arith.constant 1 : i32
        scf.for %parallel_loop3A_140 = %parallel_loop3A to %parallel_loop3A_111 step %parallel_loop3A_112  : i32 {
          %parallel_loop3A_141 = arith.constant 4 : i32
          %parallel_loop3A_142 = arith.shrui %parallel_loop3A_140, %parallel_loop3A_141 : i32
          %parallel_loop3A_143 = arith.constant 15 : i32
          %parallel_loop3A_144 = arith.andi %parallel_loop3A_140, %parallel_loop3A_143 : i32
          %parallel_loop3A_145 = arith.constant 16 : i32
          %parallel_loop3A_146 = arith.muli %parallel_loop3A_144, %parallel_loop3A_145 : i32
          %parallel_loop3A_147 = arith.constant 1 : i32
          %parallel_loop3A_148 = arith.index_cast %parallel_loop3A_147 : i32 to index
          %parallel_loop3A_149 = arith.index_cast %parallel_loop3A_142 : i32 to index
          %parallel_loop3A_150 = arith.index_cast %parallel_loop3A_146 : i32 to index
          %parallel_loop3A_151 = tpu.vector_load %arg5[%parallel_loop3A_148, %parallel_loop3A_149, %parallel_loop3A_150] {strides = array<i32>} : memref<2x64x256xf32, #tpu.memory_space<vmem>>, vector<16xf32>,
          %parallel_loop3A_152 = arith.constant 1072 : i32
          %parallel_loop3A_153 = arith.muli %parallel_loop3A_144, %parallel_loop3A_152 : i32
          %parallel_loop3A_154 = arith.addi %parallel_loop3A_153, %parallel_loop3A_142 : i32
          %parallel_loop3A_155 = vector.broadcast %parallel_loop3A_154 : i32 to vector<16xi32>
          %parallel_loop3A_156 = arith.addi %add3A_11, %parallel_loop3A_155 : vector<16xi32>
          tpu.vector_store_idx %arg6[%parallel_loop3A_156], %parallel_loop3A_151 : memref<17152xf32, #tpu.memory_space<vmem>>[vector<16xi32>], vector<16xf32>,
        } {sc.loop_unroll_factor = 8 : i64, sc.parallel_access}
        %parallel_loop3A_113 = arith.constant 0 : i32
        %parallel_loop3A_114 = arith.constant 1024 : i32
        %parallel_loop3A_115 = arith.constant 1 : i32
        scf.for %parallel_loop3A_140 = %parallel_loop3A_113 to %parallel_loop3A_114 step %parallel_loop3A_115  : i32 {
          %parallel_loop3A_141 = arith.constant 3 : i32
          %parallel_loop3A_142 = arith.shrui %parallel_loop3A_140, %parallel_loop3A_141 : i32
          %parallel_loop3A_143 = arith.constant 7 : i32
          %parallel_loop3A_144 = arith.andi %parallel_loop3A_140, %parallel_loop3A_143 : i32
          %parallel_loop3A_145 = arith.constant 134 : i32
          %parallel_loop3A_146 = arith.muli %parallel_loop3A_142, %parallel_loop3A_145 : i32
          %parallel_loop3A_147 = arith.constant 4 : i32
          %parallel_loop3A_148 = arith.cmpi slt, %parallel_loop3A_144, %parallel_loop3A_147 : i32
          %parallel_loop3A_149 = arith.constant 16 : i32
          %parallel_loop3A_150 = arith.muli %parallel_loop3A_144, %parallel_loop3A_149 : i32
          %parallel_loop3A_151 = arith.constant 4 : i32
          %parallel_loop3A_152 = arith.subi %parallel_loop3A_144, %parallel_loop3A_151 : i32
          %parallel_loop3A_153 = arith.constant 16 : i32
          %parallel_loop3A_154 = arith.muli %parallel_loop3A_152, %parallel_loop3A_153 : i32
          %parallel_loop3A_155 = arith.constant 65 : i32
          %parallel_loop3A_156 = arith.addi %parallel_loop3A_155, %parallel_loop3A_154 : i32
          %parallel_loop3A_157 = arith.select %parallel_loop3A_148, %parallel_loop3A_150, %parallel_loop3A_156 : i32
          %parallel_loop3A_158 = arith.addi %parallel_loop3A_146, %parallel_loop3A_157 : i32
          %parallel_loop3A_159 = arith.index_cast %parallel_loop3A_158 : i32 to index
          %parallel_loop3A_160 = tpu.vector_load %arg6[%parallel_loop3A_159] {strides = array<i32>} : memref<17152xf32, #tpu.memory_space<vmem>>, vector<16xf32>,
          %parallel_loop3A_161 = arith.constant 16 : i32
          %parallel_loop3A_162 = arith.muli %parallel_loop3A_144, %parallel_loop3A_161 : i32
          %parallel_loop3A_163 = arith.constant 1 : i32
          %parallel_loop3A_164 = arith.index_cast %parallel_loop3A_163 : i32 to index
          %parallel_loop3A_165 = arith.index_cast %parallel_loop3A_142 : i32 to index
          %parallel_loop3A_166 = arith.index_cast %parallel_loop3A_162 : i32 to index
          %parallel_loop3A_167 = tpu.vector_load %arg7[%parallel_loop3A_164, %parallel_loop3A_165, %parallel_loop3A_166] {strides = array<i32>} : memref<2x128x128xf32, #tpu.memory_space<vmem>>, vector<16xf32>,
          tpu.vector_store %arg7[%parallel_loop3A_164, %parallel_loop3A_165, %parallel_loop3A_166], %parallel_loop3A_160 {strides = array<i32>} : memref<2x128x128xf32, #tpu.memory_space<vmem>>, vector<16xf32>,
        } {sc.loop_unroll_factor = 8 : i64, sc.parallel_access}
        %ge3A = arith.constant 2 : i32
        %ge3A_116 = arith.cmpi sge, %add3A_74, %ge3A : i32
        %convert_element_type3A_117 = arith.extui %ge3A_116 : i1 to i32
        %cond3A_118 = arith.constant 0 : i32
        %cond3A_119 = arith.cmpi ne, %convert_element_type3A_117, %cond3A_118 : i32
        scf.if %cond3A_119 {
          %dma_wait3A_140 = arith.constant 1 : i32
          %dma_wait3A_141 = arith.constant 1 : i32
          %dma_wait3A_142 = arith.constant 0 : i32
          %dma_wait3A_143 = arith.constant 0 : i32
          %dma_wait3A_144 = tpu.memref_slice %arg7[%dma_wait3A_140, %dma_wait3A_142, %dma_wait3A_143] : memref<2x128x128xf32, #tpu.memory_space<vmem>> -> memref<1x128x128xf32, #tpu.memory_space<vmem>>
          %dma_wait3A_145 = tpu.memref_squeeze %dma_wait3A_144 : memref<1x128x128xf32, #tpu.memory_space<vmem>> -> memref<128x128xf32, #tpu.memory_space<vmem>>
          %dma_wait3A_146 = arith.constant 0 : i32
          %dma_wait3A_147 = arith.constant 0 : i32
          %dma_wait3A_148 = tpu.memref_slice %arg4[%dma_wait3A_146, %dma_wait3A_147] : memref<500000x128xf32, #tpu.memory_space<hbm>> -> memref<128x128xf32, #tpu.memory_space<hbm>>
          %dma_wait3A_149 = tpu.memref_slice %arg10[%dma_wait3A_141] : memref<2x!tpu.dma_semaphore, #tpu.memory_space<semaphore_mem>> -> memref<1x!tpu.dma_semaphore, #tpu.memory_space<semaphore_mem>>
          %dma_wait3A_150 = tpu.memref_squeeze %dma_wait3A_149 : memref<1x!tpu.dma_semaphore, #tpu.memory_space<semaphore_mem>> -> memref<!tpu.dma_semaphore, #tpu.memory_space<semaphore_mem>>
          %dma_wait3A_151 = arith.constant 0 : i32
          %dma_wait3A_152 = arith.constant 0 : i32
          %dma_wait3A_153 = tpu.memref_slice %arg4[%dma_wait3A_151, %dma_wait3A_152] : memref<500000x128xf32, #tpu.memory_space<hbm>> -> memref<128x128xf32, #tpu.memory_space<hbm>>
          %dma_wait3A_154 = arith.constant 0 : i32
          %dma_wait3A_155 = arith.constant 0 : i32
          %dma_wait3A_156 = tpu.memref_slice %arg7[%dma_wait3A_140, %dma_wait3A_154, %dma_wait3A_155] : memref<2x128x128xf32, #tpu.memory_space<vmem>> -> memref<1x128x128xf32, #tpu.memory_space<vmem>>
          %dma_wait3A_157 = tpu.memref_squeeze %dma_wait3A_156 : memref<1x128x128xf32, #tpu.memory_space<vmem>> -> memref<128x128xf32, #tpu.memory_space<vmem>>
          tpu.wait_dma2 semaphore(%dma_wait3A_150 : memref<!tpu.dma_semaphore, #tpu.memory_space<semaphore_mem>>) src(%dma_wait3A_157 : memref<128x128xf32, #tpu.memory_space<vmem>>) dst(%dma_wait3A_153 : memref<128x128xf32, #tpu.memory_space<hbm>>)
        } else {
        }
        %mul3A_120 = arith.constant 32 : i32
        %mul3A_121 = arith.muli %add3A_74, %mul3A_120 : i32
        %add3A_122 = arith.addi %add3A, %mul3A_121 : i32
        %mul3A_123 = arith.constant 128 : i32
        %mul3A_124 = arith.muli %add3A_122, %mul3A_123 : i32
        %dma_start3A = arith.constant 1 : i32
        %dma_start3A_125 = arith.constant 1 : i32
        %dma_start3A_126 = arith.constant 0 : i32
        %dma_start3A_127 = arith.constant 0 : i32
        %dma_start3A_128 = tpu.memref_slice %arg7[%dma_start3A, %dma_start3A_126, %dma_start3A_127] : memref<2x128x128xf32, #tpu.memory_space<vmem>> -> memref<1x128x128xf32, #tpu.memory_space<vmem>>
        %dma_start3A_129 = tpu.memref_squeeze %dma_start3A_128 : memref<1x128x128xf32, #tpu.memory_space<vmem>> -> memref<128x128xf32, #tpu.memory_space<vmem>>
        %dma_start3A_130 = arith.constant 0 : i32
        %dma_start3A_131 = tpu.memref_slice %arg4[%mul3A_124, %dma_start3A_130] : memref<500000x128xf32, #tpu.memory_space<hbm>> -> memref<128x128xf32, #tpu.memory_space<hbm>>
        %dma_start3A_132 = tpu.memref_slice %arg10[%dma_start3A_125] : memref<2x!tpu.dma_semaphore, #tpu.memory_space<semaphore_mem>> -> memref<1x!tpu.dma_semaphore, #tpu.memory_space<semaphore_mem>>
        %dma_start3A_133 = tpu.memref_squeeze %dma_start3A_132 : memref<1x!tpu.dma_semaphore, #tpu.memory_space<semaphore_mem>> -> memref<!tpu.dma_semaphore, #tpu.memory_space<semaphore_mem>>
        %dma_start3A_134 = arith.constant 0 : i32
        %dma_start3A_135 = tpu.memref_slice %arg4[%mul3A_124, %dma_start3A_134] : memref<500000x128xf32, #tpu.memory_space<hbm>> -> memref<128x128xf32, #tpu.memory_space<hbm>>
        %dma_start3A_136 = arith.constant 0 : i32
        %dma_start3A_137 = arith.constant 0 : i32
        %dma_start3A_138 = tpu.memref_slice %arg7[%dma_start3A, %dma_start3A_136, %dma_start3A_137] : memref<2x128x128xf32, #tpu.memory_space<vmem>> -> memref<1x128x128xf32, #tpu.memory_space<vmem>>
        %dma_start3A_139 = tpu.memref_squeeze %dma_start3A_138 : memref<1x128x128xf32, #tpu.memory_space<vmem>> -> memref<128x128xf32, #tpu.memory_space<vmem>>
        tpu.enqueue_dma source(%dma_start3A_139 : memref<128x128xf32, #tpu.memory_space<vmem>>) target(%dma_start3A_135 : memref<128x128xf32, #tpu.memory_space<hbm>>) target_semaphore(%dma_start3A_133 : memref<!tpu.dma_semaphore, #tpu.memory_space<semaphore_mem>>)
      } else {
      }
    }
    %scan3A_24 = arith.constant 62 : i32
    %dma_wait3A = arith.constant 0 : i32
    %dma_wait3A_25 = arith.constant 0 : i32
    %dma_wait3A_26 = arith.constant 0 : i32
    %dma_wait3A_27 = arith.constant 0 : i32
    %dma_wait3A_28 = tpu.memref_slice %arg7[%dma_wait3A, %dma_wait3A_26, %dma_wait3A_27] : memref<2x128x128xf32, #tpu.memory_space<vmem>> -> memref<1x128x128xf32, #tpu.memory_space<vmem>>
    %dma_wait3A_29 = tpu.memref_squeeze %dma_wait3A_28 : memref<1x128x128xf32, #tpu.memory_space<vmem>> -> memref<128x128xf32, #tpu.memory_space<vmem>>
    %dma_wait3A_30 = arith.constant 0 : i32
    %dma_wait3A_31 = arith.constant 0 : i32
    %dma_wait3A_32 = tpu.memref_slice %arg4[%dma_wait3A_30, %dma_wait3A_31] : memref<500000x128xf32, #tpu.memory_space<hbm>> -> memref<128x128xf32, #tpu.memory_space<hbm>>
    %dma_wait3A_33 = tpu.memref_slice %arg10[%dma_wait3A_25] : memref<2x!tpu.dma_semaphore, #tpu.memory_space<semaphore_mem>> -> memref<1x!tpu.dma_semaphore, #tpu.memory_space<semaphore_mem>>
    %dma_wait3A_34 = tpu.memref_squeeze %dma_wait3A_33 : memref<1x!tpu.dma_semaphore, #tpu.memory_space<semaphore_mem>> -> memref<!tpu.dma_semaphore, #tpu.memory_space<semaphore_mem>>
    %dma_wait3A_35 = arith.constant 0 : i32
    %dma_wait3A_36 = arith.constant 0 : i32
    %dma_wait3A_37 = tpu.memref_slice %arg4[%dma_wait3A_35, %dma_wait3A_36] : memref<500000x128xf32, #tpu.memory_space<hbm>> -> memref<128x128xf32, #tpu.memory_space<hbm>>
    %dma_wait3A_38 = arith.constant 0 : i32
    %dma_wait3A_39 = arith.constant 0 : i32
    %dma_wait3A_40 = tpu.memref_slice %arg7[%dma_wait3A, %dma_wait3A_38, %dma_wait3A_39] : memref<2x128x128xf32, #tpu.memory_space<vmem>> -> memref<1x128x128xf32, #tpu.memory_space<vmem>>
    %dma_wait3A_41 = tpu.memref_squeeze %dma_wait3A_40 : memref<1x128x128xf32, #tpu.memory_space<vmem>> -> memref<128x128xf32, #tpu.memory_space<vmem>>
    tpu.wait_dma2 semaphore(%dma_wait3A_34 : memref<!tpu.dma_semaphore, #tpu.memory_space<semaphore_mem>>) src(%dma_wait3A_41 : memref<128x128xf32, #tpu.memory_space<vmem>>) dst(%dma_wait3A_37 : memref<128x128xf32, #tpu.memory_space<hbm>>)
    %dma_wait3A_42 = arith.constant 1 : i32
    %dma_wait3A_43 = arith.constant 1 : i32
    %dma_wait3A_44 = arith.constant 0 : i32
    %dma_wait3A_45 = arith.constant 0 : i32
    %dma_wait3A_46 = tpu.memref_slice %arg7[%dma_wait3A_42, %dma_wait3A_44, %dma_wait3A_45] : memref<2x128x128xf32, #tpu.memory_space<vmem>> -> memref<1x128x128xf32, #tpu.memory_space<vmem>>
    %dma_wait3A_47 = tpu.memref_squeeze %dma_wait3A_46 : memref<1x128x128xf32, #tpu.memory_space<vmem>> -> memref<128x128xf32, #tpu.memory_space<vmem>>
    %dma_wait3A_48 = arith.constant 0 : i32
    %dma_wait3A_49 = arith.constant 0 : i32
    %dma_wait3A_50 = tpu.memref_slice %arg4[%dma_wait3A_48, %dma_wait3A_49] : memref<500000x128xf32, #tpu.memory_space<hbm>> -> memref<128x128xf32, #tpu.memory_space<hbm>>
    %dma_wait3A_51 = tpu.memref_slice %arg10[%dma_wait3A_43] : memref<2x!tpu.dma_semaphore, #tpu.memory_space<semaphore_mem>> -> memref<1x!tpu.dma_semaphore, #tpu.memory_space<semaphore_mem>>
    %dma_wait3A_52 = tpu.memref_squeeze %dma_wait3A_51 : memref<1x!tpu.dma_semaphore, #tpu.memory_space<semaphore_mem>> -> memref<!tpu.dma_semaphore, #tpu.memory_space<semaphore_mem>>
    %dma_wait3A_53 = arith.constant 0 : i32
    %dma_wait3A_54 = arith.constant 0 : i32
    %dma_wait3A_55 = tpu.memref_slice %arg4[%dma_wait3A_53, %dma_wait3A_54] : memref<500000x128xf32, #tpu.memory_space<hbm>> -> memref<128x128xf32, #tpu.memory_space<hbm>>
    %dma_wait3A_56 = arith.constant 0 : i32
    %dma_wait3A_57 = arith.constant 0 : i32
    %dma_wait3A_58 = tpu.memref_slice %arg7[%dma_wait3A_42, %dma_wait3A_56, %dma_wait3A_57] : memref<2x128x128xf32, #tpu.memory_space<vmem>> -> memref<1x128x128xf32, #tpu.memory_space<vmem>>
    %dma_wait3A_59 = tpu.memref_squeeze %dma_wait3A_58 : memref<1x128x128xf32, #tpu.memory_space<vmem>> -> memref<128x128xf32, #tpu.memory_space<vmem>>
    tpu.wait_dma2 semaphore(%dma_wait3A_52 : memref<!tpu.dma_semaphore, #tpu.memory_space<semaphore_mem>>) src(%dma_wait3A_59 : memref<128x128xf32, #tpu.memory_space<vmem>>) dst(%dma_wait3A_55 : memref<128x128xf32, #tpu.memory_space<hbm>>)
    return
  }
}

#map = affine_map<(d0, d1) -> (0, 0)>
#map1 = affine_map<(d0, d1) -> (0, 0, 0, 0, 0)>
module attributes {stable_mosaic.version = 14 : i64} {
  func.func @pass2(%arg0: i32, %arg1: i32, %arg2: memref<200x4096xi32, #tpu.memory_space<hbm>>, %arg3: memref<500000x128xf32, #tpu.memory_space<hbm>>, %arg4: memref<200x8x32x8x128xf32, #tpu.memory_space<hbm>>, %arg5: memref<4x128xi32, #tpu.memory_space<vmem>>, %arg6: memref<4x128xi32, #tpu.memory_space<vmem>>, %arg7: memref<4x144xi32, #tpu.memory_space<vmem>>, %arg8: memref<4x128x128xf32, #tpu.memory_space<vmem>>, %arg9: memref<8640xf32, #tpu.memory_space<vmem>>, %arg10: memref<4x8x8x128xf32, #tpu.memory_space<vmem>>, %arg11: memref<4x!tpu.dma_semaphore, #tpu.memory_space<semaphore_mem>>, %arg12: memref<4x!tpu.dma_semaphore, #tpu.memory_space<semaphore_mem>>, %arg13: memref<4x!tpu.dma_semaphore, #tpu.memory_space<semaphore_mem>>) attributes {dimension_semantics = [#tpu.dimension_semantics<core_parallel>, #tpu.dimension_semantics<subcore_parallel>], iteration_bounds = array<i64: 2, 16>, scalar_prefetch = 0 : i64, scratch_operands = 9 : i64, tpu.core_type = #tpu.core_type<sc_vector_subcore>, window_params = [{transform_indices = #map}, {transform_indices = #map}, {transform_indices = #map1}]} {
    %mul3A = arith.constant 2 : i32
    %mul3A_0 = arith.muli %arg1, %mul3A : i32
    %add3A = arith.addi %mul3A_0, %arg0 : i32
    %mul3A_1 = arith.constant 128 : i32
    %mul3A_2 = arith.muli %add3A, %mul3A_1 : i32
    %iota3A = tpu.iota {dimensions = array<i32: 0>} : vector<16xi32>
    %mul3A_3 = arith.constant 135 : i32
    %mul3A_4 = vector.broadcast %mul3A_3 : i32 to vector<16xi32>
    %mul3A_5 = arith.muli %iota3A, %mul3A_4 : vector<16xi32>
    %dma_start3A = arith.constant 0 : i32
    %dma_start3A_6 = arith.constant 0 : i32
    %dma_start3A_7 = arith.constant 0 : i32
    %dma_start3A_8 = arith.constant 0 : i32
    %dma_start3A_9 = tpu.memref_slice %arg5[%dma_start3A_6, %dma_start3A_8] : memref<4x128xi32, #tpu.memory_space<vmem>> -> memref<1x128xi32, #tpu.memory_space<vmem>>
    %dma_start3A_10 = tpu.memref_squeeze %dma_start3A_9 : memref<1x128xi32, #tpu.memory_space<vmem>> -> memref<128xi32, #tpu.memory_space<vmem>>
    %dma_start3A_11 = tpu.memref_slice %arg2[%dma_start3A, %mul3A_2] : memref<200x4096xi32, #tpu.memory_space<hbm>> -> memref<1x128xi32, #tpu.memory_space<hbm>>
    %dma_start3A_12 = tpu.memref_squeeze %dma_start3A_11 : memref<1x128xi32, #tpu.memory_space<hbm>> -> memref<128xi32, #tpu.memory_space<hbm>>
    %dma_start3A_13 = tpu.memref_slice %arg11[%dma_start3A_7] : memref<4x!tpu.dma_semaphore, #tpu.memory_space<semaphore_mem>> -> memref<1x!tpu.dma_semaphore, #tpu.memory_space<semaphore_mem>>
    %dma_start3A_14 = tpu.memref_squeeze %dma_start3A_13 : memref<1x!tpu.dma_semaphore, #tpu.memory_space<semaphore_mem>> -> memref<!tpu.dma_semaphore, #tpu.memory_space<semaphore_mem>>
    %dma_start3A_15 = arith.constant 0 : i32
    %dma_start3A_16 = tpu.memref_slice %arg5[%dma_start3A_6, %dma_start3A_15] : memref<4x128xi32, #tpu.memory_space<vmem>> -> memref<1x128xi32, #tpu.memory_space<vmem>>
    %dma_start3A_17 = tpu.memref_squeeze %dma_start3A_16 : memref<1x128xi32, #tpu.memory_space<vmem>> -> memref<128xi32, #tpu.memory_space<vmem>>
    %dma_start3A_18 = tpu.memref_slice %arg2[%dma_start3A, %mul3A_2] : memref<200x4096xi32, #tpu.memory_space<hbm>> -> memref<1x128xi32, #tpu.memory_space<hbm>>
    %dma_start3A_19 = tpu.memref_squeeze %dma_start3A_18 : memref<1x128xi32, #tpu.memory_space<hbm>> -> memref<128xi32, #tpu.memory_space<hbm>>
    tpu.enqueue_dma source(%dma_start3A_19 : memref<128xi32, #tpu.memory_space<hbm>>) target(%dma_start3A_17 : memref<128xi32, #tpu.memory_space<vmem>>) target_semaphore(%dma_start3A_14 : memref<!tpu.dma_semaphore, #tpu.memory_space<semaphore_mem>>)
    %dma_start3A_20 = arith.constant 1 : i32
    %dma_start3A_21 = arith.constant 1 : i32
    %dma_start3A_22 = arith.constant 1 : i32
    %dma_start3A_23 = arith.constant 0 : i32
    %dma_start3A_24 = tpu.memref_slice %arg5[%dma_start3A_21, %dma_start3A_23] : memref<4x128xi32, #tpu.memory_space<vmem>> -> memref<1x128xi32, #tpu.memory_space<vmem>>
    %dma_start3A_25 = tpu.memref_squeeze %dma_start3A_24 : memref<1x128xi32, #tpu.memory_space<vmem>> -> memref<128xi32, #tpu.memory_space<vmem>>
    %dma_start3A_26 = tpu.memref_slice %arg2[%dma_start3A_20, %mul3A_2] : memref<200x4096xi32, #tpu.memory_space<hbm>> -> memref<1x128xi32, #tpu.memory_space<hbm>>
    %dma_start3A_27 = tpu.memref_squeeze %dma_start3A_26 : memref<1x128xi32, #tpu.memory_space<hbm>> -> memref<128xi32, #tpu.memory_space<hbm>>
    %dma_start3A_28 = tpu.memref_slice %arg11[%dma_start3A_22] : memref<4x!tpu.dma_semaphore, #tpu.memory_space<semaphore_mem>> -> memref<1x!tpu.dma_semaphore, #tpu.memory_space<semaphore_mem>>
    %dma_start3A_29 = tpu.memref_squeeze %dma_start3A_28 : memref<1x!tpu.dma_semaphore, #tpu.memory_space<semaphore_mem>> -> memref<!tpu.dma_semaphore, #tpu.memory_space<semaphore_mem>>
    %dma_start3A_30 = arith.constant 0 : i32
    %dma_start3A_31 = tpu.memref_slice %arg5[%dma_start3A_21, %dma_start3A_30] : memref<4x128xi32, #tpu.memory_space<vmem>> -> memref<1x128xi32, #tpu.memory_space<vmem>>
    %dma_start3A_32 = tpu.memref_squeeze %dma_start3A_31 : memref<1x128xi32, #tpu.memory_space<vmem>> -> memref<128xi32, #tpu.memory_space<vmem>>
    %dma_start3A_33 = tpu.memref_slice %arg2[%dma_start3A_20, %mul3A_2] : memref<200x4096xi32, #tpu.memory_space<hbm>> -> memref<1x128xi32, #tpu.memory_space<hbm>>
    %dma_start3A_34 = tpu.memref_squeeze %dma_start3A_33 : memref<1x128xi32, #tpu.memory_space<hbm>> -> memref<128xi32, #tpu.memory_space<hbm>>
    tpu.enqueue_dma source(%dma_start3A_34 : memref<128xi32, #tpu.memory_space<hbm>>) target(%dma_start3A_32 : memref<128xi32, #tpu.memory_space<vmem>>) target_semaphore(%dma_start3A_29 : memref<!tpu.dma_semaphore, #tpu.memory_space<semaphore_mem>>)
    %dma_start3A_35 = arith.constant 2 : i32
    %dma_start3A_36 = arith.constant 2 : i32
    %dma_start3A_37 = arith.constant 2 : i32
    %dma_start3A_38 = arith.constant 0 : i32
    %dma_start3A_39 = tpu.memref_slice %arg5[%dma_start3A_36, %dma_start3A_38] : memref<4x128xi32, #tpu.memory_space<vmem>> -> memref<1x128xi32, #tpu.memory_space<vmem>>
    %dma_start3A_40 = tpu.memref_squeeze %dma_start3A_39 : memref<1x128xi32, #tpu.memory_space<vmem>> -> memref<128xi32, #tpu.memory_space<vmem>>
    %dma_start3A_41 = tpu.memref_slice %arg2[%dma_start3A_35, %mul3A_2] : memref<200x4096xi32, #tpu.memory_space<hbm>> -> memref<1x128xi32, #tpu.memory_space<hbm>>
    %dma_start3A_42 = tpu.memref_squeeze %dma_start3A_41 : memref<1x128xi32, #tpu.memory_space<hbm>> -> memref<128xi32, #tpu.memory_space<hbm>>
    %dma_start3A_43 = tpu.memref_slice %arg11[%dma_start3A_37] : memref<4x!tpu.dma_semaphore, #tpu.memory_space<semaphore_mem>> -> memref<1x!tpu.dma_semaphore, #tpu.memory_space<semaphore_mem>>
    %dma_start3A_44 = tpu.memref_squeeze %dma_start3A_43 : memref<1x!tpu.dma_semaphore, #tpu.memory_space<semaphore_mem>> -> memref<!tpu.dma_semaphore, #tpu.memory_space<semaphore_mem>>
    %dma_start3A_45 = arith.constant 0 : i32
    %dma_start3A_46 = tpu.memref_slice %arg5[%dma_start3A_36, %dma_start3A_45] : memref<4x128xi32, #tpu.memory_space<vmem>> -> memref<1x128xi32, #tpu.memory_space<vmem>>
    %dma_start3A_47 = tpu.memref_squeeze %dma_start3A_46 : memref<1x128xi32, #tpu.memory_space<vmem>> -> memref<128xi32, #tpu.memory_space<vmem>>
    %dma_start3A_48 = tpu.memref_slice %arg2[%dma_start3A_35, %mul3A_2] : memref<200x4096xi32, #tpu.memory_space<hbm>> -> memref<1x128xi32, #tpu.memory_space<hbm>>
    %dma_start3A_49 = tpu.memref_squeeze %dma_start3A_48 : memref<1x128xi32, #tpu.memory_space<hbm>> -> memref<128xi32, #tpu.memory_space<hbm>>
    tpu.enqueue_dma source(%dma_start3A_49 : memref<128xi32, #tpu.memory_space<hbm>>) target(%dma_start3A_47 : memref<128xi32, #tpu.memory_space<vmem>>) target_semaphore(%dma_start3A_44 : memref<!tpu.dma_semaphore, #tpu.memory_space<semaphore_mem>>)
    %dma_start3A_50 = arith.constant 3 : i32
    %dma_start3A_51 = arith.constant 3 : i32
    %dma_start3A_52 = arith.constant 3 : i32
    %dma_start3A_53 = arith.constant 0 : i32
    %dma_start3A_54 = tpu.memref_slice %arg5[%dma_start3A_51, %dma_start3A_53] : memref<4x128xi32, #tpu.memory_space<vmem>> -> memref<1x128xi32, #tpu.memory_space<vmem>>
    %dma_start3A_55 = tpu.memref_squeeze %dma_start3A_54 : memref<1x128xi32, #tpu.memory_space<vmem>> -> memref<128xi32, #tpu.memory_space<vmem>>
    %dma_start3A_56 = tpu.memref_slice %arg2[%dma_start3A_50, %mul3A_2] : memref<200x4096xi32, #tpu.memory_space<hbm>> -> memref<1x128xi32, #tpu.memory_space<hbm>>
    %dma_start3A_57 = tpu.memref_squeeze %dma_start3A_56 : memref<1x128xi32, #tpu.memory_space<hbm>> -> memref<128xi32, #tpu.memory_space<hbm>>
    %dma_start3A_58 = tpu.memref_slice %arg11[%dma_start3A_52] : memref<4x!tpu.dma_semaphore, #tpu.memory_space<semaphore_mem>> -> memref<1x!tpu.dma_semaphore, #tpu.memory_space<semaphore_mem>>
    %dma_start3A_59 = tpu.memref_squeeze %dma_start3A_58 : memref<1x!tpu.dma_semaphore, #tpu.memory_space<semaphore_mem>> -> memref<!tpu.dma_semaphore, #tpu.memory_space<semaphore_mem>>
    %dma_start3A_60 = arith.constant 0 : i32
    %dma_start3A_61 = tpu.memref_slice %arg5[%dma_start3A_51, %dma_start3A_60] : memref<4x128xi32, #tpu.memory_space<vmem>> -> memref<1x128xi32, #tpu.memory_space<vmem>>
    %dma_start3A_62 = tpu.memref_squeeze %dma_start3A_61 : memref<1x128xi32, #tpu.memory_space<vmem>> -> memref<128xi32, #tpu.memory_space<vmem>>
    %dma_start3A_63 = tpu.memref_slice %arg2[%dma_start3A_50, %mul3A_2] : memref<200x4096xi32, #tpu.memory_space<hbm>> -> memref<1x128xi32, #tpu.memory_space<hbm>>
    %dma_start3A_64 = tpu.memref_squeeze %dma_start3A_63 : memref<1x128xi32, #tpu.memory_space<hbm>> -> memref<128xi32, #tpu.memory_space<hbm>>
    tpu.enqueue_dma source(%dma_start3A_64 : memref<128xi32, #tpu.memory_space<hbm>>) target(%dma_start3A_62 : memref<128xi32, #tpu.memory_space<vmem>>) target_semaphore(%dma_start3A_59 : memref<!tpu.dma_semaphore, #tpu.memory_space<semaphore_mem>>)
    %scan3A = arith.constant 0 : i32
    %scan3A_65 = arith.constant 0 : i32
    %scan3A_66 = arith.constant 51 : i32
    %scan3A_67 = arith.addi %scan3A_65, %scan3A_66 : i32
    %scan3A_68 = arith.constant 1 : i32
    scf.for %scan3A_173 = %scan3A_65 to %scan3A_67 step %scan3A_68  : i32 {
      %mul3A_174 = arith.constant 4 : i32
      %mul3A_175 = arith.muli %mul3A_174, %scan3A_173 : i32
      %add3A_176 = arith.constant 0 : i32
      %add3A_177 = arith.addi %mul3A_175, %add3A_176 : i32
      %lt3A = arith.constant 200 : i32
      %lt3A_178 = arith.cmpi slt, %add3A_177, %lt3A : i32
      %convert_element_type3A = arith.extui %lt3A_178 : i1 to i32
      %cond3A = arith.constant 0 : i32
      %cond3A_179 = arith.cmpi ne, %convert_element_type3A, %cond3A : i32
      scf.if %cond3A_179 {
        %dma_wait3A_237 = arith.constant 0 : i32
        %dma_wait3A_238 = arith.constant 0 : i32
        %dma_wait3A_239 = arith.constant 0 : i32
        %dma_wait3A_240 = arith.constant 0 : i32
        %dma_wait3A_241 = tpu.memref_slice %arg5[%dma_wait3A_238, %dma_wait3A_240] : memref<4x128xi32, #tpu.memory_space<vmem>> -> memref<1x128xi32, #tpu.memory_space<vmem>>
        %dma_wait3A_242 = tpu.memref_squeeze %dma_wait3A_241 : memref<1x128xi32, #tpu.memory_space<vmem>> -> memref<128xi32, #tpu.memory_space<vmem>>
        %dma_wait3A_243 = arith.constant 0 : i32
        %dma_wait3A_244 = tpu.memref_slice %arg2[%dma_wait3A_237, %dma_wait3A_243] : memref<200x4096xi32, #tpu.memory_space<hbm>> -> memref<1x128xi32, #tpu.memory_space<hbm>>
        %dma_wait3A_245 = tpu.memref_squeeze %dma_wait3A_244 : memref<1x128xi32, #tpu.memory_space<hbm>> -> memref<128xi32, #tpu.memory_space<hbm>>
        %dma_wait3A_246 = tpu.memref_slice %arg11[%dma_wait3A_239] : memref<4x!tpu.dma_semaphore, #tpu.memory_space<semaphore_mem>> -> memref<1x!tpu.dma_semaphore, #tpu.memory_space<semaphore_mem>>
        %dma_wait3A_247 = tpu.memref_squeeze %dma_wait3A_246 : memref<1x!tpu.dma_semaphore, #tpu.memory_space<semaphore_mem>> -> memref<!tpu.dma_semaphore, #tpu.memory_space<semaphore_mem>>
        %dma_wait3A_248 = arith.constant 0 : i32
        %dma_wait3A_249 = tpu.memref_slice %arg5[%dma_wait3A_238, %dma_wait3A_248] : memref<4x128xi32, #tpu.memory_space<vmem>> -> memref<1x128xi32, #tpu.memory_space<vmem>>
        %dma_wait3A_250 = tpu.memref_squeeze %dma_wait3A_249 : memref<1x128xi32, #tpu.memory_space<vmem>> -> memref<128xi32, #tpu.memory_space<vmem>>
        %dma_wait3A_251 = arith.constant 0 : i32
        %dma_wait3A_252 = tpu.memref_slice %arg2[%dma_wait3A_237, %dma_wait3A_251] : memref<200x4096xi32, #tpu.memory_space<hbm>> -> memref<1x128xi32, #tpu.memory_space<hbm>>
        %dma_wait3A_253 = tpu.memref_squeeze %dma_wait3A_252 : memref<1x128xi32, #tpu.memory_space<hbm>> -> memref<128xi32, #tpu.memory_space<hbm>>
        tpu.wait_dma2 semaphore(%dma_wait3A_247 : memref<!tpu.dma_semaphore, #tpu.memory_space<semaphore_mem>>) src(%dma_wait3A_253 : memref<128xi32, #tpu.memory_space<hbm>>) dst(%dma_wait3A_250 : memref<128xi32, #tpu.memory_space<vmem>>)
        %get3A = arith.constant 0 : i32
        %get3A_254 = arith.index_cast %get3A : i32 to index
        %get3A_255 = arith.constant 0 : index
        %get3A_256 = tpu.vector_load %arg5[%get3A_254, %get3A_255] {strides = array<i32>} : memref<4x128xi32, #tpu.memory_space<vmem>>, vector<16xi32>,
        %shift_right_logical3A = arith.constant 1 : i32
        %shift_right_logical3A_257 = vector.broadcast %shift_right_logical3A : i32 to vector<16xi32>
        %shift_right_logical3A_258 = arith.shrui %get3A_256, %shift_right_logical3A_257 : vector<16xi32>
        %swap3A = arith.constant 0 : i32
        %swap3A_259 = arith.index_cast %swap3A : i32 to index
        %swap3A_260 = arith.constant 0 : index
        %swap3A_261 = tpu.vector_load %arg6[%swap3A_259, %swap3A_260] {strides = array<i32>} : memref<4x128xi32, #tpu.memory_space<vmem>>, vector<16xi32>,
        tpu.vector_store %arg6[%swap3A_259, %swap3A_260], %shift_right_logical3A_258 {strides = array<i32>} : memref<4x128xi32, #tpu.memory_space<vmem>>, vector<16xi32>,
        %and3A_262 = arith.constant 1 : i32
        %and3A_263 = vector.broadcast %and3A_262 : i32 to vector<16xi32>
        %and3A_264 = arith.andi %get3A_256, %and3A_263 : vector<16xi32>
        %mul3A_265 = arith.constant 64 : i32
        %mul3A_266 = vector.broadcast %mul3A_265 : i32 to vector<16xi32>
        %mul3A_267 = arith.muli %and3A_264, %mul3A_266 : vector<16xi32>
        %swap3A_268 = arith.constant 0 : i32
        %swap3A_269 = arith.index_cast %swap3A_268 : i32 to index
        %swap3A_270 = arith.constant 0 : index
        %swap3A_271 = tpu.vector_load %arg7[%swap3A_269, %swap3A_270] {strides = array<i32>} : memref<4x144xi32, #tpu.memory_space<vmem>>, vector<16xi32>,
        tpu.vector_store %arg7[%swap3A_269, %swap3A_270], %mul3A_267 {strides = array<i32>} : memref<4x144xi32, #tpu.memory_space<vmem>>, vector<16xi32>,
        %get3A_272 = arith.constant 0 : i32
        %get3A_273 = arith.index_cast %get3A_272 : i32 to index
        %get3A_274 = arith.constant 16 : index
        %get3A_275 = tpu.vector_load %arg5[%get3A_273, %get3A_274] {strides = array<i32>} : memref<4x128xi32, #tpu.memory_space<vmem>>, vector<16xi32>,
        %shift_right_logical3A_276 = arith.constant 1 : i32
        %shift_right_logical3A_277 = vector.broadcast %shift_right_logical3A_276 : i32 to vector<16xi32>
        %shift_right_logical3A_278 = arith.shrui %get3A_275, %shift_right_logical3A_277 : vector<16xi32>
        %swap3A_279 = arith.constant 0 : i32
        %swap3A_280 = arith.index_cast %swap3A_279 : i32 to index
        %swap3A_281 = arith.constant 16 : index
        %swap3A_282 = tpu.vector_load %arg6[%swap3A_280, %swap3A_281] {strides = array<i32>} : memref<4x128xi32, #tpu.memory_space<vmem>>, vector<16xi32>,
        tpu.vector_store %arg6[%swap3A_280, %swap3A_281], %shift_right_logical3A_278 {strides = array<i32>} : memref<4x128xi32, #tpu.memory_space<vmem>>, vector<16xi32>,
        %and3A_283 = arith.constant 1 : i32
        %and3A_284 = vector.broadcast %and3A_283 : i32 to vector<16xi32>
        %and3A_285 = arith.andi %get3A_275, %and3A_284 : vector<16xi32>
        %mul3A_286 = arith.constant 64 : i32
        %mul3A_287 = vector.broadcast %mul3A_286 : i32 to vector<16xi32>
        %mul3A_288 = arith.muli %and3A_285, %mul3A_287 : vector<16xi32>
        %swap3A_289 = arith.constant 0 : i32
        %swap3A_290 = arith.index_cast %swap3A_289 : i32 to index
        %swap3A_291 = arith.constant 16 : index
        %swap3A_292 = tpu.vector_load %arg7[%swap3A_290, %swap3A_291] {strides = array<i32>} : memref<4x144xi32, #tpu.memory_space<vmem>>, vector<16xi32>,
        tpu.vector_store %arg7[%swap3A_290, %swap3A_291], %mul3A_288 {strides = array<i32>} : memref<4x144xi32, #tpu.memory_space<vmem>>, vector<16xi32>,
        %get3A_293 = arith.constant 0 : i32
        %get3A_294 = arith.index_cast %get3A_293 : i32 to index
        %get3A_295 = arith.constant 32 : index
        %get3A_296 = tpu.vector_load %arg5[%get3A_294, %get3A_295] {strides = array<i32>} : memref<4x128xi32, #tpu.memory_space<vmem>>, vector<16xi32>,
        %shift_right_logical3A_297 = arith.constant 1 : i32
        %shift_right_logical3A_298 = vector.broadcast %shift_right_logical3A_297 : i32 to vector<16xi32>
        %shift_right_logical3A_299 = arith.shrui %get3A_296, %shift_right_logical3A_298 : vector<16xi32>
        %swap3A_300 = arith.constant 0 : i32
        %swap3A_301 = arith.index_cast %swap3A_300 : i32 to index
        %swap3A_302 = arith.constant 32 : index
        %swap3A_303 = tpu.vector_load %arg6[%swap3A_301, %swap3A_302] {strides = array<i32>} : memref<4x128xi32, #tpu.memory_space<vmem>>, vector<16xi32>,
        tpu.vector_store %arg6[%swap3A_301, %swap3A_302], %shift_right_logical3A_299 {strides = array<i32>} : memref<4x128xi32, #tpu.memory_space<vmem>>, vector<16xi32>,
        %and3A_304 = arith.constant 1 : i32
        %and3A_305 = vector.broadcast %and3A_304 : i32 to vector<16xi32>
        %and3A_306 = arith.andi %get3A_296, %and3A_305 : vector<16xi32>
        %mul3A_307 = arith.constant 64 : i32
        %mul3A_308 = vector.broadcast %mul3A_307 : i32 to vector<16xi32>
        %mul3A_309 = arith.muli %and3A_306, %mul3A_308 : vector<16xi32>
        %swap3A_310 = arith.constant 0 : i32
        %swap3A_311 = arith.index_cast %swap3A_310 : i32 to index
        %swap3A_312 = arith.constant 32 : index
        %swap3A_313 = tpu.vector_load %arg7[%swap3A_311, %swap3A_312] {strides = array<i32>} : memref<4x144xi32, #tpu.memory_space<vmem>>, vector<16xi32>,
        tpu.vector_store %arg7[%swap3A_311, %swap3A_312], %mul3A_309 {strides = array<i32>} : memref<4x144xi32, #tpu.memory_space<vmem>>, vector<16xi32>,
        %get3A_314 = arith.constant 0 : i32
        %get3A_315 = arith.index_cast %get3A_314 : i32 to index
        %get3A_316 = arith.constant 48 : index
        %get3A_317 = tpu.vector_load %arg5[%get3A_315, %get3A_316] {strides = array<i32>} : memref<4x128xi32, #tpu.memory_space<vmem>>, vector<16xi32>,
        %shift_right_logical3A_318 = arith.constant 1 : i32
        %shift_right_logical3A_319 = vector.broadcast %shift_right_logical3A_318 : i32 to vector<16xi32>
        %shift_right_logical3A_320 = arith.shrui %get3A_317, %shift_right_logical3A_319 : vector<16xi32>
        %swap3A_321 = arith.constant 0 : i32
        %swap3A_322 = arith.index_cast %swap3A_321 : i32 to index
        %swap3A_323 = arith.constant 48 : index
        %swap3A_324 = tpu.vector_load %arg6[%swap3A_322, %swap3A_323] {strides = array<i32>} : memref<4x128xi32, #tpu.memory_space<vmem>>, vector<16xi32>,
        tpu.vector_store %arg6[%swap3A_322, %swap3A_323], %shift_right_logical3A_320 {strides = array<i32>} : memref<4x128xi32, #tpu.memory_space<vmem>>, vector<16xi32>,
        %and3A_325 = arith.constant 1 : i32
        %and3A_326 = vector.broadcast %and3A_325 : i32 to vector<16xi32>
        %and3A_327 = arith.andi %get3A_317, %and3A_326 : vector<16xi32>
        %mul3A_328 = arith.constant 64 : i32
        %mul3A_329 = vector.broadcast %mul3A_328 : i32 to vector<16xi32>
        %mul3A_330 = arith.muli %and3A_327, %mul3A_329 : vector<16xi32>
        %swap3A_331 = arith.constant 0 : i32
        %swap3A_332 = arith.index_cast %swap3A_331 : i32 to index
        %swap3A_333 = arith.constant 48 : index
        %swap3A_334 = tpu.vector_load %arg7[%swap3A_332, %swap3A_333] {strides = array<i32>} : memref<4x144xi32, #tpu.memory_space<vmem>>, vector<16xi32>,
        tpu.vector_store %arg7[%swap3A_332, %swap3A_333], %mul3A_330 {strides = array<i32>} : memref<4x144xi32, #tpu.memory_space<vmem>>, vector<16xi32>,
        %get3A_335 = arith.constant 0 : i32
        %get3A_336 = arith.index_cast %get3A_335 : i32 to index
        %get3A_337 = arith.constant 64 : index
        %get3A_338 = tpu.vector_load %arg5[%get3A_336, %get3A_337] {strides = array<i32>} : memref<4x128xi32, #tpu.memory_space<vmem>>, vector<16xi32>,
        %shift_right_logical3A_339 = arith.constant 1 : i32
        %shift_right_logical3A_340 = vector.broadcast %shift_right_logical3A_339 : i32 to vector<16xi32>
        %shift_right_logical3A_341 = arith.shrui %get3A_338, %shift_right_logical3A_340 : vector<16xi32>
        %swap3A_342 = arith.constant 0 : i32
        %swap3A_343 = arith.index_cast %swap3A_342 : i32 to index
        %swap3A_344 = arith.constant 64 : index
        %swap3A_345 = tpu.vector_load %arg6[%swap3A_343, %swap3A_344] {strides = array<i32>} : memref<4x128xi32, #tpu.memory_space<vmem>>, vector<16xi32>,
        tpu.vector_store %arg6[%swap3A_343, %swap3A_344], %shift_right_logical3A_341 {strides = array<i32>} : memref<4x128xi32, #tpu.memory_space<vmem>>, vector<16xi32>,
        %and3A_346 = arith.constant 1 : i32
        %and3A_347 = vector.broadcast %and3A_346 : i32 to vector<16xi32>
        %and3A_348 = arith.andi %get3A_338, %and3A_347 : vector<16xi32>
        %mul3A_349 = arith.constant 64 : i32
        %mul3A_350 = vector.broadcast %mul3A_349 : i32 to vector<16xi32>
        %mul3A_351 = arith.muli %and3A_348, %mul3A_350 : vector<16xi32>
        %swap3A_352 = arith.constant 0 : i32
        %swap3A_353 = arith.index_cast %swap3A_352 : i32 to index
        %swap3A_354 = arith.constant 64 : index
        %swap3A_355 = tpu.vector_load %arg7[%swap3A_353, %swap3A_354] {strides = array<i32>} : memref<4x144xi32, #tpu.memory_space<vmem>>, vector<16xi32>,
        tpu.vector_store %arg7[%swap3A_353, %swap3A_354], %mul3A_351 {strides = array<i32>} : memref<4x144xi32, #tpu.memory_space<vmem>>, vector<16xi32>,
        %get3A_356 = arith.constant 0 : i32
        %get3A_357 = arith.index_cast %get3A_356 : i32 to index
        %get3A_358 = arith.constant 80 : index
        %get3A_359 = tpu.vector_load %arg5[%get3A_357, %get3A_358] {strides = array<i32>} : memref<4x128xi32, #tpu.memory_space<vmem>>, vector<16xi32>,
        %shift_right_logical3A_360 = arith.constant 1 : i32
        %shift_right_logical3A_361 = vector.broadcast %shift_right_logical3A_360 : i32 to vector<16xi32>
        %shift_right_logical3A_362 = arith.shrui %get3A_359, %shift_right_logical3A_361 : vector<16xi32>
        %swap3A_363 = arith.constant 0 : i32
        %swap3A_364 = arith.index_cast %swap3A_363 : i32 to index
        %swap3A_365 = arith.constant 80 : index
        %swap3A_366 = tpu.vector_load %arg6[%swap3A_364, %swap3A_365] {strides = array<i32>} : memref<4x128xi32, #tpu.memory_space<vmem>>, vector<16xi32>,
        tpu.vector_store %arg6[%swap3A_364, %swap3A_365], %shift_right_logical3A_362 {strides = array<i32>} : memref<4x128xi32, #tpu.memory_space<vmem>>, vector<16xi32>,
        %and3A_367 = arith.constant 1 : i32
        %and3A_368 = vector.broadcast %and3A_367 : i32 to vector<16xi32>
        %and3A_369 = arith.andi %get3A_359, %and3A_368 : vector<16xi32>
        %mul3A_370 = arith.constant 64 : i32
        %mul3A_371 = vector.broadcast %mul3A_370 : i32 to vector<16xi32>
        %mul3A_372 = arith.muli %and3A_369, %mul3A_371 : vector<16xi32>
        %swap3A_373 = arith.constant 0 : i32
        %swap3A_374 = arith.index_cast %swap3A_373 : i32 to index
        %swap3A_375 = arith.constant 80 : index
        %swap3A_376 = tpu.vector_load %arg7[%swap3A_374, %swap3A_375] {strides = array<i32>} : memref<4x144xi32, #tpu.memory_space<vmem>>, vector<16xi32>,
        tpu.vector_store %arg7[%swap3A_374, %swap3A_375], %mul3A_372 {strides = array<i32>} : memref<4x144xi32, #tpu.memory_space<vmem>>, vector<16xi32>,
        %get3A_377 = arith.constant 0 : i32
        %get3A_378 = arith.index_cast %get3A_377 : i32 to index
        %get3A_379 = arith.constant 96 : index
        %get3A_380 = tpu.vector_load %arg5[%get3A_378, %get3A_379] {strides = array<i32>} : memref<4x128xi32, #tpu.memory_space<vmem>>, vector<16xi32>,
        %shift_right_logical3A_381 = arith.constant 1 : i32
        %shift_right_logical3A_382 = vector.broadcast %shift_right_logical3A_381 : i32 to vector<16xi32>
        %shift_right_logical3A_383 = arith.shrui %get3A_380, %shift_right_logical3A_382 : vector<16xi32>
        %swap3A_384 = arith.constant 0 : i32
        %swap3A_385 = arith.index_cast %swap3A_384 : i32 to index
        %swap3A_386 = arith.constant 96 : index
        %swap3A_387 = tpu.vector_load %arg6[%swap3A_385, %swap3A_386] {strides = array<i32>} : memref<4x128xi32, #tpu.memory_space<vmem>>, vector<16xi32>,
        tpu.vector_store %arg6[%swap3A_385, %swap3A_386], %shift_right_logical3A_383 {strides = array<i32>} : memref<4x128xi32, #tpu.memory_space<vmem>>, vector<16xi32>,
        %and3A_388 = arith.constant 1 : i32
        %and3A_389 = vector.broadcast %and3A_388 : i32 to vector<16xi32>
        %and3A_390 = arith.andi %get3A_380, %and3A_389 : vector<16xi32>
        %mul3A_391 = arith.constant 64 : i32
        %mul3A_392 = vector.broadcast %mul3A_391 : i32 to vector<16xi32>
        %mul3A_393 = arith.muli %and3A_390, %mul3A_392 : vector<16xi32>
        %swap3A_394 = arith.constant 0 : i32
        %swap3A_395 = arith.index_cast %swap3A_394 : i32 to index
        %swap3A_396 = arith.constant 96 : index
        %swap3A_397 = tpu.vector_load %arg7[%swap3A_395, %swap3A_396] {strides = array<i32>} : memref<4x144xi32, #tpu.memory_space<vmem>>, vector<16xi32>,
        tpu.vector_store %arg7[%swap3A_395, %swap3A_396], %mul3A_393 {strides = array<i32>} : memref<4x144xi32, #tpu.memory_space<vmem>>, vector<16xi32>,
        %get3A_398 = arith.constant 0 : i32
        %get3A_399 = arith.index_cast %get3A_398 : i32 to index
        %get3A_400 = arith.constant 112 : index
        %get3A_401 = tpu.vector_load %arg5[%get3A_399, %get3A_400] {strides = array<i32>} : memref<4x128xi32, #tpu.memory_space<vmem>>, vector<16xi32>,
        %shift_right_logical3A_402 = arith.constant 1 : i32
        %shift_right_logical3A_403 = vector.broadcast %shift_right_logical3A_402 : i32 to vector<16xi32>
        %shift_right_logical3A_404 = arith.shrui %get3A_401, %shift_right_logical3A_403 : vector<16xi32>
        %swap3A_405 = arith.constant 0 : i32
        %swap3A_406 = arith.index_cast %swap3A_405 : i32 to index
        %swap3A_407 = arith.constant 112 : index
        %swap3A_408 = tpu.vector_load %arg6[%swap3A_406, %swap3A_407] {strides = array<i32>} : memref<4x128xi32, #tpu.memory_space<vmem>>, vector<16xi32>,
        tpu.vector_store %arg6[%swap3A_406, %swap3A_407], %shift_right_logical3A_404 {strides = array<i32>} : memref<4x128xi32, #tpu.memory_space<vmem>>, vector<16xi32>,
        %and3A_409 = arith.constant 1 : i32
        %and3A_410 = vector.broadcast %and3A_409 : i32 to vector<16xi32>
        %and3A_411 = arith.andi %get3A_401, %and3A_410 : vector<16xi32>
        %mul3A_412 = arith.constant 64 : i32
        %mul3A_413 = vector.broadcast %mul3A_412 : i32 to vector<16xi32>
        %mul3A_414 = arith.muli %and3A_411, %mul3A_413 : vector<16xi32>
        %swap3A_415 = arith.constant 0 : i32
        %swap3A_416 = arith.index_cast %swap3A_415 : i32 to index
        %swap3A_417 = arith.constant 112 : index
        %swap3A_418 = tpu.vector_load %arg7[%swap3A_416, %swap3A_417] {strides = array<i32>} : memref<4x144xi32, #tpu.memory_space<vmem>>, vector<16xi32>,
        tpu.vector_store %arg7[%swap3A_416, %swap3A_417], %mul3A_414 {strides = array<i32>} : memref<4x144xi32, #tpu.memory_space<vmem>>, vector<16xi32>,
        %add3A_419 = arith.constant 4 : i32
        %add3A_420 = arith.addi %add3A_177, %add3A_419 : i32
        %lt3A_421 = arith.constant 200 : i32
        %lt3A_422 = arith.cmpi slt, %add3A_420, %lt3A_421 : i32
        %convert_element_type3A_423 = arith.extui %lt3A_422 : i1 to i32
        %cond3A_424 = arith.constant 0 : i32
        %cond3A_425 = arith.cmpi ne, %convert_element_type3A_423, %cond3A_424 : i32
        scf.if %cond3A_425 {
          %add3A_441 = arith.constant 4 : i32
          %add3A_442 = arith.addi %add3A_177, %add3A_441 : i32
          %dma_start3A_443 = arith.constant 0 : i32
          %dma_start3A_444 = arith.constant 0 : i32
          %dma_start3A_445 = arith.constant 0 : i32
          %dma_start3A_446 = tpu.memref_slice %arg5[%dma_start3A_443, %dma_start3A_445] : memref<4x128xi32, #tpu.memory_space<vmem>> -> memref<1x128xi32, #tpu.memory_space<vmem>>
          %dma_start3A_447 = tpu.memref_squeeze %dma_start3A_446 : memref<1x128xi32, #tpu.memory_space<vmem>> -> memref<128xi32, #tpu.memory_space<vmem>>
          %dma_start3A_448 = tpu.memref_slice %arg2[%add3A_442, %mul3A_2] : memref<200x4096xi32, #tpu.memory_space<hbm>> -> memref<1x128xi32, #tpu.memory_space<hbm>>
          %dma_start3A_449 = tpu.memref_squeeze %dma_start3A_448 : memref<1x128xi32, #tpu.memory_space<hbm>> -> memref<128xi32, #tpu.memory_space<hbm>>
          %dma_start3A_450 = tpu.memref_slice %arg11[%dma_start3A_444] : memref<4x!tpu.dma_semaphore, #tpu.memory_space<semaphore_mem>> -> memref<1x!tpu.dma_semaphore, #tpu.memory_space<semaphore_mem>>
          %dma_start3A_451 = tpu.memref_squeeze %dma_start3A_450 : memref<1x!tpu.dma_semaphore, #tpu.memory_space<semaphore_mem>> -> memref<!tpu.dma_semaphore, #tpu.memory_space<semaphore_mem>>
          %dma_start3A_452 = arith.constant 0 : i32
          %dma_start3A_453 = tpu.memref_slice %arg5[%dma_start3A_443, %dma_start3A_452] : memref<4x128xi32, #tpu.memory_space<vmem>> -> memref<1x128xi32, #tpu.memory_space<vmem>>
          %dma_start3A_454 = tpu.memref_squeeze %dma_start3A_453 : memref<1x128xi32, #tpu.memory_space<vmem>> -> memref<128xi32, #tpu.memory_space<vmem>>
          %dma_start3A_455 = tpu.memref_slice %arg2[%add3A_442, %mul3A_2] : memref<200x4096xi32, #tpu.memory_space<hbm>> -> memref<1x128xi32, #tpu.memory_space<hbm>>
          %dma_start3A_456 = tpu.memref_squeeze %dma_start3A_455 : memref<1x128xi32, #tpu.memory_space<hbm>> -> memref<128xi32, #tpu.memory_space<hbm>>
          tpu.enqueue_dma source(%dma_start3A_456 : memref<128xi32, #tpu.memory_space<hbm>>) target(%dma_start3A_454 : memref<128xi32, #tpu.memory_space<vmem>>) target_semaphore(%dma_start3A_451 : memref<!tpu.dma_semaphore, #tpu.memory_space<semaphore_mem>>)
        } else {
        }
        %dma_start3A_426 = arith.constant 0 : i32
        %dma_start3A_427 = arith.constant 0 : i32
        %dma_start3A_428 = arith.constant 0 : i32
        %dma_start3A_429 = arith.constant 0 : i32
        %dma_start3A_430 = arith.constant 0 : i32
        %dma_start3A_431 = tpu.memref_slice %arg8[%dma_start3A_427, %dma_start3A_429, %dma_start3A_430] : memref<4x128x128xf32, #tpu.memory_space<vmem>> -> memref<1x128x128xf32, #tpu.memory_space<vmem>>
        %dma_start3A_432 = tpu.memref_squeeze %dma_start3A_431 : memref<1x128x128xf32, #tpu.memory_space<vmem>> -> memref<128x128xf32, #tpu.memory_space<vmem>>
        %dma_start3A_433 = arith.constant 0 : i32
        %dma_start3A_434 = tpu.memref_slice %arg6[%dma_start3A_426, %dma_start3A_433] : memref<4x128xi32, #tpu.memory_space<vmem>> -> memref<1x128xi32, #tpu.memory_space<vmem>>
        %dma_start3A_435 = tpu.memref_squeeze %dma_start3A_434 : memref<1x128xi32, #tpu.memory_space<vmem>> -> memref<128xi32, #tpu.memory_space<vmem>>
        %dma_start3A_436 = arith.constant 0 : i32
        %dma_start3A_437 = arith.constant 0 : i32
        %dma_start3A_438 = tpu.memref_slice %arg3[%dma_start3A_436, %dma_start3A_437] : memref<500000x128xf32, #tpu.memory_space<hbm>> -> memref<500000x128xf32, #tpu.memory_space<hbm>>
        %dma_start3A_439 = tpu.memref_slice %arg12[%dma_start3A_428] : memref<4x!tpu.dma_semaphore, #tpu.memory_space<semaphore_mem>> -> memref<1x!tpu.dma_semaphore, #tpu.memory_space<semaphore_mem>>
        %dma_start3A_440 = tpu.memref_squeeze %dma_start3A_439 : memref<1x!tpu.dma_semaphore, #tpu.memory_space<semaphore_mem>> -> memref<!tpu.dma_semaphore, #tpu.memory_space<semaphore_mem>>
        tpu.enqueue_indirect_dma source(%dma_start3A_438 : memref<500000x128xf32, #tpu.memory_space<hbm>>) target(%dma_start3A_432 : memref<128x128xf32, #tpu.memory_space<vmem>>) offsets(%dma_start3A_435 : memref<128xi32, #tpu.memory_space<vmem>>) semaphore(%dma_start3A_440 : memref<!tpu.dma_semaphore, #tpu.memory_space<semaphore_mem>>)
      } else {
      }
      %ge3A = arith.constant 3 : i32
      %ge3A_180 = arith.cmpi sge, %add3A_177, %ge3A : i32
      %lt3A_181 = arith.constant 203 : i32
      %lt3A_182 = arith.cmpi slt, %add3A_177, %lt3A_181 : i32
      %and3A = arith.andi %ge3A_180, %lt3A_182 : i1
      %convert_element_type3A_183 = arith.extui %and3A : i1 to i32
      %cond3A_184 = arith.constant 0 : i32
      %cond3A_185 = arith.cmpi ne, %convert_element_type3A_183, %cond3A_184 : i32
      scf.if %cond3A_185 {
        %sub3A = arith.constant 3 : i32
        %sub3A_237 = arith.subi %add3A_177, %sub3A : i32
        %ge3A_238 = arith.constant 7 : i32
        %ge3A_239 = arith.cmpi sge, %add3A_177, %ge3A_238 : i32
        %convert_element_type3A_240 = arith.extui %ge3A_239 : i1 to i32
        %cond3A_241 = arith.constant 0 : i32
        %cond3A_242 = arith.cmpi ne, %convert_element_type3A_240, %cond3A_241 : i32
        scf.if %cond3A_242 {
          %dma_wait3A_290 = arith.constant 1 : i32
          %dma_wait3A_291 = arith.constant 0 : i32
          %dma_wait3A_292 = arith.constant 0 : i32
          %dma_wait3A_293 = arith.constant 1 : i32
          %dma_wait3A_294 = arith.constant 0 : i32
          %dma_wait3A_295 = arith.constant 0 : i32
          %dma_wait3A_296 = arith.constant 0 : i32
          %dma_wait3A_297 = tpu.memref_slice %arg10[%dma_wait3A_290, %dma_wait3A_294, %dma_wait3A_295, %dma_wait3A_296] : memref<4x8x8x128xf32, #tpu.memory_space<vmem>> -> memref<1x8x8x128xf32, #tpu.memory_space<vmem>>
          %dma_wait3A_298 = tpu.memref_squeeze %dma_wait3A_297 : memref<1x8x8x128xf32, #tpu.memory_space<vmem>> -> memref<8x8x128xf32, #tpu.memory_space<vmem>>
          %dma_wait3A_299 = arith.constant 0 : i32
          %dma_wait3A_300 = arith.constant 0 : i32
          %dma_wait3A_301 = arith.constant 0 : i32
          %dma_wait3A_302 = tpu.memref_slice %arg4[%dma_wait3A_291, %dma_wait3A_299, %dma_wait3A_292, %dma_wait3A_300, %dma_wait3A_301] : memref<200x8x32x8x128xf32, #tpu.memory_space<hbm>> -> memref<1x8x1x8x128xf32, #tpu.memory_space<hbm>>
          %dma_wait3A_303 = tpu.memref_squeeze %dma_wait3A_302 : memref<1x8x1x8x128xf32, #tpu.memory_space<hbm>> -> memref<8x8x128xf32, #tpu.memory_space<hbm>>
          %dma_wait3A_304 = tpu.memref_slice %arg13[%dma_wait3A_293] : memref<4x!tpu.dma_semaphore, #tpu.memory_space<semaphore_mem>> -> memref<1x!tpu.dma_semaphore, #tpu.memory_space<semaphore_mem>>
          %dma_wait3A_305 = tpu.memref_squeeze %dma_wait3A_304 : memref<1x!tpu.dma_semaphore, #tpu.memory_space<semaphore_mem>> -> memref<!tpu.dma_semaphore, #tpu.memory_space<semaphore_mem>>
          %dma_wait3A_306 = arith.constant 0 : i32
          %dma_wait3A_307 = arith.constant 0 : i32
          %dma_wait3A_308 = arith.constant 0 : i32
          %dma_wait3A_309 = tpu.memref_slice %arg4[%dma_wait3A_291, %dma_wait3A_306, %dma_wait3A_292, %dma_wait3A_307, %dma_wait3A_308] : memref<200x8x32x8x128xf32, #tpu.memory_space<hbm>> -> memref<1x8x1x8x128xf32, #tpu.memory_space<hbm>>
          %dma_wait3A_310 = tpu.memref_squeeze %dma_wait3A_309 : memref<1x8x1x8x128xf32, #tpu.memory_space<hbm>> -> memref<8x8x128xf32, #tpu.memory_space<hbm>>
          %dma_wait3A_311 = arith.constant 0 : i32
          %dma_wait3A_312 = arith.constant 0 : i32
          %dma_wait3A_313 = arith.constant 0 : i32
          %dma_wait3A_314 = tpu.memref_slice %arg10[%dma_wait3A_290, %dma_wait3A_311, %dma_wait3A_312, %dma_wait3A_313] : memref<4x8x8x128xf32, #tpu.memory_space<vmem>> -> memref<1x8x8x128xf32, #tpu.memory_space<vmem>>
          %dma_wait3A_315 = tpu.memref_squeeze %dma_wait3A_314 : memref<1x8x8x128xf32, #tpu.memory_space<vmem>> -> memref<8x8x128xf32, #tpu.memory_space<vmem>>
          tpu.wait_dma2 semaphore(%dma_wait3A_305 : memref<!tpu.dma_semaphore, #tpu.memory_space<semaphore_mem>>) src(%dma_wait3A_315 : memref<8x8x128xf32, #tpu.memory_space<vmem>>) dst(%dma_wait3A_310 : memref<8x8x128xf32, #tpu.memory_space<hbm>>)
        } else {
        }
        %dma_wait3A_243 = arith.constant 1 : i32
        %dma_wait3A_244 = arith.constant 1 : i32
        %dma_wait3A_245 = arith.constant 0 : i32
        %dma_wait3A_246 = arith.constant 0 : i32
        %dma_wait3A_247 = tpu.memref_slice %arg8[%dma_wait3A_243, %dma_wait3A_245, %dma_wait3A_246] : memref<4x128x128xf32, #tpu.memory_space<vmem>> -> memref<1x128x128xf32, #tpu.memory_space<vmem>>
        %dma_wait3A_248 = tpu.memref_squeeze %dma_wait3A_247 : memref<1x128x128xf32, #tpu.memory_space<vmem>> -> memref<128x128xf32, #tpu.memory_space<vmem>>
        %dma_wait3A_249 = arith.constant 0 : i32
        %dma_wait3A_250 = arith.constant 0 : i32
        %dma_wait3A_251 = tpu.memref_slice %arg3[%dma_wait3A_249, %dma_wait3A_250] : memref<500000x128xf32, #tpu.memory_space<hbm>> -> memref<128x128xf32, #tpu.memory_space<hbm>>
        %dma_wait3A_252 = tpu.memref_slice %arg12[%dma_wait3A_244] : memref<4x!tpu.dma_semaphore, #tpu.memory_space<semaphore_mem>> -> memref<1x!tpu.dma_semaphore, #tpu.memory_space<semaphore_mem>>
        %dma_wait3A_253 = tpu.memref_squeeze %dma_wait3A_252 : memref<1x!tpu.dma_semaphore, #tpu.memory_space<semaphore_mem>> -> memref<!tpu.dma_semaphore, #tpu.memory_space<semaphore_mem>>
        %dma_wait3A_254 = arith.constant 0 : i32
        %dma_wait3A_255 = arith.constant 0 : i32
        %dma_wait3A_256 = tpu.memref_slice %arg8[%dma_wait3A_243, %dma_wait3A_254, %dma_wait3A_255] : memref<4x128x128xf32, #tpu.memory_space<vmem>> -> memref<1x128x128xf32, #tpu.memory_space<vmem>>
        %dma_wait3A_257 = tpu.memref_squeeze %dma_wait3A_256 : memref<1x128x128xf32, #tpu.memory_space<vmem>> -> memref<128x128xf32, #tpu.memory_space<vmem>>
        %dma_wait3A_258 = arith.constant 0 : i32
        %dma_wait3A_259 = arith.constant 0 : i32
        %dma_wait3A_260 = tpu.memref_slice %arg3[%dma_wait3A_258, %dma_wait3A_259] : memref<500000x128xf32, #tpu.memory_space<hbm>> -> memref<128x128xf32, #tpu.memory_space<hbm>>
        tpu.wait_dma2 semaphore(%dma_wait3A_253 : memref<!tpu.dma_semaphore, #tpu.memory_space<semaphore_mem>>) src(%dma_wait3A_260 : memref<128x128xf32, #tpu.memory_space<hbm>>) dst(%dma_wait3A_257 : memref<128x128xf32, #tpu.memory_space<vmem>>)
        %parallel_loop3A = arith.constant 0 : i32
        %parallel_loop3A_261 = arith.constant 128 : i32
        %parallel_loop3A_262 = arith.constant 1 : i32
        scf.for %parallel_loop3A_290 = %parallel_loop3A to %parallel_loop3A_261 step %parallel_loop3A_262  : i32 {
          %parallel_loop3A_291 = arith.constant 1 : i32
          %parallel_loop3A_292 = arith.index_cast %parallel_loop3A_291 : i32 to index
          %parallel_loop3A_293 = arith.index_cast %parallel_loop3A_290 : i32 to index
          %parallel_loop3A_294 = tpu.vector_load %arg7[%parallel_loop3A_292, %parallel_loop3A_293] {strides = array<i32>} : memref<4x144xi32, #tpu.memory_space<vmem>>, vector<16xi32>,
          %parallel_loop3A_295 = vector.extract_strided_slice %parallel_loop3A_294 {offsets = [0], sizes = [1], strides = [1]} : vector<16xi32> to vector<1xi32>
          %parallel_loop3A_296 = vector.extract %parallel_loop3A_295[0] : i32 from vector<1xi32>
          %parallel_loop3A_297 = arith.constant 0 : i32
          %parallel_loop3A_298 = arith.addi %parallel_loop3A_296, %parallel_loop3A_297 : i32
          %parallel_loop3A_299 = arith.constant 1 : i32
          %parallel_loop3A_300 = arith.index_cast %parallel_loop3A_299 : i32 to index
          %parallel_loop3A_301 = arith.index_cast %parallel_loop3A_290 : i32 to index
          %parallel_loop3A_302 = arith.index_cast %parallel_loop3A_298 : i32 to index
          %parallel_loop3A_303 = tpu.vector_load %arg8[%parallel_loop3A_300, %parallel_loop3A_301, %parallel_loop3A_302] {strides = array<i32>} : memref<4x128x128xf32, #tpu.memory_space<vmem>>, vector<16xf32>,
          %parallel_loop3A_304 = arith.constant 0 : i32
          %parallel_loop3A_305 = arith.addi %parallel_loop3A_304, %parallel_loop3A_290 : i32
          %parallel_loop3A_306 = vector.broadcast %parallel_loop3A_305 : i32 to vector<16xi32>
          %parallel_loop3A_307 = arith.addi %mul3A_5, %parallel_loop3A_306 : vector<16xi32>
          tpu.vector_store_idx %arg9[%parallel_loop3A_307], %parallel_loop3A_303 : memref<8640xf32, #tpu.memory_space<vmem>>[vector<16xi32>], vector<16xf32>,
          %parallel_loop3A_308 = arith.constant 16 : i32
          %parallel_loop3A_309 = arith.addi %parallel_loop3A_296, %parallel_loop3A_308 : i32
          %parallel_loop3A_310 = arith.constant 1 : i32
          %parallel_loop3A_311 = arith.index_cast %parallel_loop3A_310 : i32 to index
          %parallel_loop3A_312 = arith.index_cast %parallel_loop3A_290 : i32 to index
          %parallel_loop3A_313 = arith.index_cast %parallel_loop3A_309 : i32 to index
          %parallel_loop3A_314 = tpu.vector_load %arg8[%parallel_loop3A_311, %parallel_loop3A_312, %parallel_loop3A_313] {strides = array<i32>} : memref<4x128x128xf32, #tpu.memory_space<vmem>>, vector<16xf32>,
          %parallel_loop3A_315 = arith.constant 2160 : i32
          %parallel_loop3A_316 = arith.addi %parallel_loop3A_315, %parallel_loop3A_290 : i32
          %parallel_loop3A_317 = vector.broadcast %parallel_loop3A_316 : i32 to vector<16xi32>
          %parallel_loop3A_318 = arith.addi %mul3A_5, %parallel_loop3A_317 : vector<16xi32>
          tpu.vector_store_idx %arg9[%parallel_loop3A_318], %parallel_loop3A_314 : memref<8640xf32, #tpu.memory_space<vmem>>[vector<16xi32>], vector<16xf32>,
          %parallel_loop3A_319 = arith.constant 32 : i32
          %parallel_loop3A_320 = arith.addi %parallel_loop3A_296, %parallel_loop3A_319 : i32
          %parallel_loop3A_321 = arith.constant 1 : i32
          %parallel_loop3A_322 = arith.index_cast %parallel_loop3A_321 : i32 to index
          %parallel_loop3A_323 = arith.index_cast %parallel_loop3A_290 : i32 to index
          %parallel_loop3A_324 = arith.index_cast %parallel_loop3A_320 : i32 to index
          %parallel_loop3A_325 = tpu.vector_load %arg8[%parallel_loop3A_322, %parallel_loop3A_323, %parallel_loop3A_324] {strides = array<i32>} : memref<4x128x128xf32, #tpu.memory_space<vmem>>, vector<16xf32>,
          %parallel_loop3A_326 = arith.constant 4320 : i32
          %parallel_loop3A_327 = arith.addi %parallel_loop3A_326, %parallel_loop3A_290 : i32
          %parallel_loop3A_328 = vector.broadcast %parallel_loop3A_327 : i32 to vector<16xi32>
          %parallel_loop3A_329 = arith.addi %mul3A_5, %parallel_loop3A_328 : vector<16xi32>
          tpu.vector_store_idx %arg9[%parallel_loop3A_329], %parallel_loop3A_325 : memref<8640xf32, #tpu.memory_space<vmem>>[vector<16xi32>], vector<16xf32>,
          %parallel_loop3A_330 = arith.constant 48 : i32
          %parallel_loop3A_331 = arith.addi %parallel_loop3A_296, %parallel_loop3A_330 : i32
          %parallel_loop3A_332 = arith.constant 1 : i32
          %parallel_loop3A_333 = arith.index_cast %parallel_loop3A_332 : i32 to index
          %parallel_loop3A_334 = arith.index_cast %parallel_loop3A_290 : i32 to index
          %parallel_loop3A_335 = arith.index_cast %parallel_loop3A_331 : i32 to index
          %parallel_loop3A_336 = tpu.vector_load %arg8[%parallel_loop3A_333, %parallel_loop3A_334, %parallel_loop3A_335] {strides = array<i32>} : memref<4x128x128xf32, #tpu.memory_space<vmem>>, vector<16xf32>,
          %parallel_loop3A_337 = arith.constant 6480 : i32
          %parallel_loop3A_338 = arith.addi %parallel_loop3A_337, %parallel_loop3A_290 : i32
          %parallel_loop3A_339 = vector.broadcast %parallel_loop3A_338 : i32 to vector<16xi32>
          %parallel_loop3A_340 = arith.addi %mul3A_5, %parallel_loop3A_339 : vector<16xi32>
          tpu.vector_store_idx %arg9[%parallel_loop3A_340], %parallel_loop3A_336 : memref<8640xf32, #tpu.memory_space<vmem>>[vector<16xi32>], vector<16xf32>,
        } {sc.loop_unroll_factor = 4 : i64, sc.parallel_access}
        %parallel_loop3A_263 = arith.constant 0 : i32
        %parallel_loop3A_264 = arith.constant 512 : i32
        %parallel_loop3A_265 = arith.constant 1 : i32
        scf.for %parallel_loop3A_290 = %parallel_loop3A_263 to %parallel_loop3A_264 step %parallel_loop3A_265  : i32 {
          %parallel_loop3A_291 = arith.constant 3 : i32
          %parallel_loop3A_292 = arith.shrui %parallel_loop3A_290, %parallel_loop3A_291 : i32
          %parallel_loop3A_293 = arith.constant 7 : i32
          %parallel_loop3A_294 = arith.andi %parallel_loop3A_290, %parallel_loop3A_293 : i32
          %parallel_loop3A_295 = arith.constant 135 : i32
          %parallel_loop3A_296 = arith.muli %parallel_loop3A_292, %parallel_loop3A_295 : i32
          %parallel_loop3A_297 = arith.constant 16 : i32
          %parallel_loop3A_298 = arith.muli %parallel_loop3A_294, %parallel_loop3A_297 : i32
          %parallel_loop3A_299 = arith.addi %parallel_loop3A_296, %parallel_loop3A_298 : i32
          %parallel_loop3A_300 = arith.index_cast %parallel_loop3A_299 : i32 to index
          %parallel_loop3A_301 = tpu.vector_load %arg9[%parallel_loop3A_300] {strides = array<i32>} : memref<8640xf32, #tpu.memory_space<vmem>>, vector<16xf32>,
          %parallel_loop3A_302 = arith.constant 3 : i32
          %parallel_loop3A_303 = arith.shrui %parallel_loop3A_292, %parallel_loop3A_302 : i32
          %parallel_loop3A_304 = arith.constant 7 : i32
          %parallel_loop3A_305 = arith.andi %parallel_loop3A_292, %parallel_loop3A_304 : i32
          %parallel_loop3A_306 = arith.constant 16 : i32
          %parallel_loop3A_307 = arith.muli %parallel_loop3A_294, %parallel_loop3A_306 : i32
          %parallel_loop3A_308 = arith.constant 1 : i32
          %parallel_loop3A_309 = arith.index_cast %parallel_loop3A_308 : i32 to index
          %parallel_loop3A_310 = arith.index_cast %parallel_loop3A_303 : i32 to index
          %parallel_loop3A_311 = arith.index_cast %parallel_loop3A_305 : i32 to index
          %parallel_loop3A_312 = arith.index_cast %parallel_loop3A_307 : i32 to index
          %parallel_loop3A_313 = tpu.vector_load %arg10[%parallel_loop3A_309, %parallel_loop3A_310, %parallel_loop3A_311, %parallel_loop3A_312] {strides = array<i32>} : memref<4x8x8x128xf32, #tpu.memory_space<vmem>>, vector<16xf32>,
          tpu.vector_store %arg10[%parallel_loop3A_309, %parallel_loop3A_310, %parallel_loop3A_311, %parallel_loop3A_312], %parallel_loop3A_301 {strides = array<i32>} : memref<4x8x8x128xf32, #tpu.memory_space<vmem>>, vector<16xf32>,
        } {sc.loop_unroll_factor = 8 : i64, sc.parallel_access}
        %dma_start3A_266 = arith.constant 1 : i32
        %dma_start3A_267 = arith.constant 1 : i32
        %dma_start3A_268 = arith.constant 0 : i32
        %dma_start3A_269 = arith.constant 0 : i32
        %dma_start3A_270 = arith.constant 0 : i32
        %dma_start3A_271 = tpu.memref_slice %arg10[%dma_start3A_266, %dma_start3A_268, %dma_start3A_269, %dma_start3A_270] : memref<4x8x8x128xf32, #tpu.memory_space<vmem>> -> memref<1x8x8x128xf32, #tpu.memory_space<vmem>>
        %dma_start3A_272 = tpu.memref_squeeze %dma_start3A_271 : memref<1x8x8x128xf32, #tpu.memory_space<vmem>> -> memref<8x8x128xf32, #tpu.memory_space<vmem>>
        %dma_start3A_273 = arith.constant 0 : i32
        %dma_start3A_274 = arith.constant 0 : i32
        %dma_start3A_275 = arith.constant 0 : i32
        %dma_start3A_276 = tpu.memref_slice %arg4[%sub3A_237, %dma_start3A_273, %add3A, %dma_start3A_274, %dma_start3A_275] : memref<200x8x32x8x128xf32, #tpu.memory_space<hbm>> -> memref<1x8x1x8x128xf32, #tpu.memory_space<hbm>>
        %dma_start3A_277 = tpu.memref_squeeze %dma_start3A_276 : memref<1x8x1x8x128xf32, #tpu.memory_space<hbm>> -> memref<8x8x128xf32, #tpu.memory_space<hbm>>
        %dma_start3A_278 = tpu.memref_slice %arg13[%dma_start3A_267] : memref<4x!tpu.dma_semaphore, #tpu.memory_space<semaphore_mem>> -> memref<1x!tpu.dma_semaphore, #tpu.memory_space<semaphore_mem>>
        %dma_start3A_279 = tpu.memref_squeeze %dma_start3A_278 : memref<1x!tpu.dma_semaphore, #tpu.memory_space<semaphore_mem>> -> memref<!tpu.dma_semaphore, #tpu.memory_space<semaphore_mem>>
        %dma_start3A_280 = arith.constant 0 : i32
        %dma_start3A_281 = arith.constant 0 : i32
        %dma_start3A_282 = arith.constant 0 : i32
        %dma_start3A_283 = tpu.memref_slice %arg4[%sub3A_237, %dma_start3A_280, %add3A, %dma_start3A_281, %dma_start3A_282] : memref<200x8x32x8x128xf32, #tpu.memory_space<hbm>> -> memref<1x8x1x8x128xf32, #tpu.memory_space<hbm>>
        %dma_start3A_284 = tpu.memref_squeeze %dma_start3A_283 : memref<1x8x1x8x128xf32, #tpu.memory_space<hbm>> -> memref<8x8x128xf32, #tpu.memory_space<hbm>>
        %dma_start3A_285 = arith.constant 0 : i32
        %dma_start3A_286 = arith.constant 0 : i32
        %dma_start3A_287 = arith.constant 0 : i32
        %dma_start3A_288 = tpu.memref_slice %arg10[%dma_start3A_266, %dma_start3A_285, %dma_start3A_286, %dma_start3A_287] : memref<4x8x8x128xf32, #tpu.memory_space<vmem>> -> memref<1x8x8x128xf32, #tpu.memory_space<vmem>>
        %dma_start3A_289 = tpu.memref_squeeze %dma_start3A_288 : memref<1x8x8x128xf32, #tpu.memory_space<vmem>> -> memref<8x8x128xf32, #tpu.memory_space<vmem>>
        tpu.enqueue_dma source(%dma_start3A_289 : memref<8x8x128xf32, #tpu.memory_space<vmem>>) target(%dma_start3A_284 : memref<8x8x128xf32, #tpu.memory_space<hbm>>) target_semaphore(%dma_start3A_279 : memref<!tpu.dma_semaphore, #tpu.memory_space<semaphore_mem>>)
      } else {
      }
      %mul3A_186 = arith.constant 4 : i32
      %mul3A_187 = arith.muli %mul3A_186, %scan3A_173 : i32
      %add3A_188 = arith.constant 1 : i32
      %add3A_189 = arith.addi %mul3A_187, %add3A_188 : i32
      %lt3A_190 = arith.constant 200 : i32
      %lt3A_191 = arith.cmpi slt, %add3A_189, %lt3A_190 : i32
      %convert_element_type3A_192 = arith.extui %lt3A_191 : i1 to i32
      %cond3A_193 = arith.constant 0 : i32
      %cond3A_194 = arith.cmpi ne, %convert_element_type3A_192, %cond3A_193 : i32
      scf.if %cond3A_194 {
        %dma_wait3A_237 = arith.constant 0 : i32
        %dma_wait3A_238 = arith.constant 1 : i32
        %dma_wait3A_239 = arith.constant 1 : i32
        %dma_wait3A_240 = arith.constant 0 : i32
        %dma_wait3A_241 = tpu.memref_slice %arg5[%dma_wait3A_238, %dma_wait3A_240] : memref<4x128xi32, #tpu.memory_space<vmem>> -> memref<1x128xi32, #tpu.memory_space<vmem>>
        %dma_wait3A_242 = tpu.memref_squeeze %dma_wait3A_241 : memref<1x128xi32, #tpu.memory_space<vmem>> -> memref<128xi32, #tpu.memory_space<vmem>>
        %dma_wait3A_243 = arith.constant 0 : i32
        %dma_wait3A_244 = tpu.memref_slice %arg2[%dma_wait3A_237, %dma_wait3A_243] : memref<200x4096xi32, #tpu.memory_space<hbm>> -> memref<1x128xi32, #tpu.memory_space<hbm>>
        %dma_wait3A_245 = tpu.memref_squeeze %dma_wait3A_244 : memref<1x128xi32, #tpu.memory_space<hbm>> -> memref<128xi32, #tpu.memory_space<hbm>>
        %dma_wait3A_246 = tpu.memref_slice %arg11[%dma_wait3A_239] : memref<4x!tpu.dma_semaphore, #tpu.memory_space<semaphore_mem>> -> memref<1x!tpu.dma_semaphore, #tpu.memory_space<semaphore_mem>>
        %dma_wait3A_247 = tpu.memref_squeeze %dma_wait3A_246 : memref<1x!tpu.dma_semaphore, #tpu.memory_space<semaphore_mem>> -> memref<!tpu.dma_semaphore, #tpu.memory_space<semaphore_mem>>
        %dma_wait3A_248 = arith.constant 0 : i32
        %dma_wait3A_249 = tpu.memref_slice %arg5[%dma_wait3A_238, %dma_wait3A_248] : memref<4x128xi32, #tpu.memory_space<vmem>> -> memref<1x128xi32, #tpu.memory_space<vmem>>
        %dma_wait3A_250 = tpu.memref_squeeze %dma_wait3A_249 : memref<1x128xi32, #tpu.memory_space<vmem>> -> memref<128xi32, #tpu.memory_space<vmem>>
        %dma_wait3A_251 = arith.constant 0 : i32
        %dma_wait3A_252 = tpu.memref_slice %arg2[%dma_wait3A_237, %dma_wait3A_251] : memref<200x4096xi32, #tpu.memory_space<hbm>> -> memref<1x128xi32, #tpu.memory_space<hbm>>
        %dma_wait3A_253 = tpu.memref_squeeze %dma_wait3A_252 : memref<1x128xi32, #tpu.memory_space<hbm>> -> memref<128xi32, #tpu.memory_space<hbm>>
        tpu.wait_dma2 semaphore(%dma_wait3A_247 : memref<!tpu.dma_semaphore, #tpu.memory_space<semaphore_mem>>) src(%dma_wait3A_253 : memref<128xi32, #tpu.memory_space<hbm>>) dst(%dma_wait3A_250 : memref<128xi32, #tpu.memory_space<vmem>>)
        %get3A = arith.constant 1 : i32
        %get3A_254 = arith.index_cast %get3A : i32 to index
        %get3A_255 = arith.constant 0 : index
        %get3A_256 = tpu.vector_load %arg5[%get3A_254, %get3A_255] {strides = array<i32>} : memref<4x128xi32, #tpu.memory_space<vmem>>, vector<16xi32>,
        %shift_right_logical3A = arith.constant 1 : i32
        %shift_right_logical3A_257 = vector.broadcast %shift_right_logical3A : i32 to vector<16xi32>
        %shift_right_logical3A_258 = arith.shrui %get3A_256, %shift_right_logical3A_257 : vector<16xi32>
        %swap3A = arith.constant 1 : i32
        %swap3A_259 = arith.index_cast %swap3A : i32 to index
        %swap3A_260 = arith.constant 0 : index
        %swap3A_261 = tpu.vector_load %arg6[%swap3A_259, %swap3A_260] {strides = array<i32>} : memref<4x128xi32, #tpu.memory_space<vmem>>, vector<16xi32>,
        tpu.vector_store %arg6[%swap3A_259, %swap3A_260], %shift_right_logical3A_258 {strides = array<i32>} : memref<4x128xi32, #tpu.memory_space<vmem>>, vector<16xi32>,
        %and3A_262 = arith.constant 1 : i32
        %and3A_263 = vector.broadcast %and3A_262 : i32 to vector<16xi32>
        %and3A_264 = arith.andi %get3A_256, %and3A_263 : vector<16xi32>
        %mul3A_265 = arith.constant 64 : i32
        %mul3A_266 = vector.broadcast %mul3A_265 : i32 to vector<16xi32>
        %mul3A_267 = arith.muli %and3A_264, %mul3A_266 : vector<16xi32>
        %swap3A_268 = arith.constant 1 : i32
        %swap3A_269 = arith.index_cast %swap3A_268 : i32 to index
        %swap3A_270 = arith.constant 0 : index
        %swap3A_271 = tpu.vector_load %arg7[%swap3A_269, %swap3A_270] {strides = array<i32>} : memref<4x144xi32, #tpu.memory_space<vmem>>, vector<16xi32>,
        tpu.vector_store %arg7[%swap3A_269, %swap3A_270], %mul3A_267 {strides = array<i32>} : memref<4x144xi32, #tpu.memory_space<vmem>>, vector<16xi32>,
        %get3A_272 = arith.constant 1 : i32
        %get3A_273 = arith.index_cast %get3A_272 : i32 to index
        %get3A_274 = arith.constant 16 : index
        %get3A_275 = tpu.vector_load %arg5[%get3A_273, %get3A_274] {strides = array<i32>} : memref<4x128xi32, #tpu.memory_space<vmem>>, vector<16xi32>,
        %shift_right_logical3A_276 = arith.constant 1 : i32
        %shift_right_logical3A_277 = vector.broadcast %shift_right_logical3A_276 : i32 to vector<16xi32>
        %shift_right_logical3A_278 = arith.shrui %get3A_275, %shift_right_logical3A_277 : vector<16xi32>
        %swap3A_279 = arith.constant 1 : i32
        %swap3A_280 = arith.index_cast %swap3A_279 : i32 to index
        %swap3A_281 = arith.constant 16 : index
        %swap3A_282 = tpu.vector_load %arg6[%swap3A_280, %swap3A_281] {strides = array<i32>} : memref<4x128xi32, #tpu.memory_space<vmem>>, vector<16xi32>,
        tpu.vector_store %arg6[%swap3A_280, %swap3A_281], %shift_right_logical3A_278 {strides = array<i32>} : memref<4x128xi32, #tpu.memory_space<vmem>>, vector<16xi32>,
        %and3A_283 = arith.constant 1 : i32
        %and3A_284 = vector.broadcast %and3A_283 : i32 to vector<16xi32>
        %and3A_285 = arith.andi %get3A_275, %and3A_284 : vector<16xi32>
        %mul3A_286 = arith.constant 64 : i32
        %mul3A_287 = vector.broadcast %mul3A_286 : i32 to vector<16xi32>
        %mul3A_288 = arith.muli %and3A_285, %mul3A_287 : vector<16xi32>
        %swap3A_289 = arith.constant 1 : i32
        %swap3A_290 = arith.index_cast %swap3A_289 : i32 to index
        %swap3A_291 = arith.constant 16 : index
        %swap3A_292 = tpu.vector_load %arg7[%swap3A_290, %swap3A_291] {strides = array<i32>} : memref<4x144xi32, #tpu.memory_space<vmem>>, vector<16xi32>,
        tpu.vector_store %arg7[%swap3A_290, %swap3A_291], %mul3A_288 {strides = array<i32>} : memref<4x144xi32, #tpu.memory_space<vmem>>, vector<16xi32>,
        %get3A_293 = arith.constant 1 : i32
        %get3A_294 = arith.index_cast %get3A_293 : i32 to index
        %get3A_295 = arith.constant 32 : index
        %get3A_296 = tpu.vector_load %arg5[%get3A_294, %get3A_295] {strides = array<i32>} : memref<4x128xi32, #tpu.memory_space<vmem>>, vector<16xi32>,
        %shift_right_logical3A_297 = arith.constant 1 : i32
        %shift_right_logical3A_298 = vector.broadcast %shift_right_logical3A_297 : i32 to vector<16xi32>
        %shift_right_logical3A_299 = arith.shrui %get3A_296, %shift_right_logical3A_298 : vector<16xi32>
        %swap3A_300 = arith.constant 1 : i32
        %swap3A_301 = arith.index_cast %swap3A_300 : i32 to index
        %swap3A_302 = arith.constant 32 : index
        %swap3A_303 = tpu.vector_load %arg6[%swap3A_301, %swap3A_302] {strides = array<i32>} : memref<4x128xi32, #tpu.memory_space<vmem>>, vector<16xi32>,
        tpu.vector_store %arg6[%swap3A_301, %swap3A_302], %shift_right_logical3A_299 {strides = array<i32>} : memref<4x128xi32, #tpu.memory_space<vmem>>, vector<16xi32>,
        %and3A_304 = arith.constant 1 : i32
        %and3A_305 = vector.broadcast %and3A_304 : i32 to vector<16xi32>
        %and3A_306 = arith.andi %get3A_296, %and3A_305 : vector<16xi32>
        %mul3A_307 = arith.constant 64 : i32
        %mul3A_308 = vector.broadcast %mul3A_307 : i32 to vector<16xi32>
        %mul3A_309 = arith.muli %and3A_306, %mul3A_308 : vector<16xi32>
        %swap3A_310 = arith.constant 1 : i32
        %swap3A_311 = arith.index_cast %swap3A_310 : i32 to index
        %swap3A_312 = arith.constant 32 : index
        %swap3A_313 = tpu.vector_load %arg7[%swap3A_311, %swap3A_312] {strides = array<i32>} : memref<4x144xi32, #tpu.memory_space<vmem>>, vector<16xi32>,
        tpu.vector_store %arg7[%swap3A_311, %swap3A_312], %mul3A_309 {strides = array<i32>} : memref<4x144xi32, #tpu.memory_space<vmem>>, vector<16xi32>,
        %get3A_314 = arith.constant 1 : i32
        %get3A_315 = arith.index_cast %get3A_314 : i32 to index
        %get3A_316 = arith.constant 48 : index
        %get3A_317 = tpu.vector_load %arg5[%get3A_315, %get3A_316] {strides = array<i32>} : memref<4x128xi32, #tpu.memory_space<vmem>>, vector<16xi32>,
        %shift_right_logical3A_318 = arith.constant 1 : i32
        %shift_right_logical3A_319 = vector.broadcast %shift_right_logical3A_318 : i32 to vector<16xi32>
        %shift_right_logical3A_320 = arith.shrui %get3A_317, %shift_right_logical3A_319 : vector<16xi32>
        %swap3A_321 = arith.constant 1 : i32
        %swap3A_322 = arith.index_cast %swap3A_321 : i32 to index
        %swap3A_323 = arith.constant 48 : index
        %swap3A_324 = tpu.vector_load %arg6[%swap3A_322, %swap3A_323] {strides = array<i32>} : memref<4x128xi32, #tpu.memory_space<vmem>>, vector<16xi32>,
        tpu.vector_store %arg6[%swap3A_322, %swap3A_323], %shift_right_logical3A_320 {strides = array<i32>} : memref<4x128xi32, #tpu.memory_space<vmem>>, vector<16xi32>,
        %and3A_325 = arith.constant 1 : i32
        %and3A_326 = vector.broadcast %and3A_325 : i32 to vector<16xi32>
        %and3A_327 = arith.andi %get3A_317, %and3A_326 : vector<16xi32>
        %mul3A_328 = arith.constant 64 : i32
        %mul3A_329 = vector.broadcast %mul3A_328 : i32 to vector<16xi32>
        %mul3A_330 = arith.muli %and3A_327, %mul3A_329 : vector<16xi32>
        %swap3A_331 = arith.constant 1 : i32
        %swap3A_332 = arith.index_cast %swap3A_331 : i32 to index
        %swap3A_333 = arith.constant 48 : index
        %swap3A_334 = tpu.vector_load %arg7[%swap3A_332, %swap3A_333] {strides = array<i32>} : memref<4x144xi32, #tpu.memory_space<vmem>>, vector<16xi32>,
        tpu.vector_store %arg7[%swap3A_332, %swap3A_333], %mul3A_330 {strides = array<i32>} : memref<4x144xi32, #tpu.memory_space<vmem>>, vector<16xi32>,
        %get3A_335 = arith.constant 1 : i32
        %get3A_336 = arith.index_cast %get3A_335 : i32 to index
        %get3A_337 = arith.constant 64 : index
        %get3A_338 = tpu.vector_load %arg5[%get3A_336, %get3A_337] {strides = array<i32>} : memref<4x128xi32, #tpu.memory_space<vmem>>, vector<16xi32>,
        %shift_right_logical3A_339 = arith.constant 1 : i32
        %shift_right_logical3A_340 = vector.broadcast %shift_right_logical3A_339 : i32 to vector<16xi32>
        %shift_right_logical3A_341 = arith.shrui %get3A_338, %shift_right_logical3A_340 : vector<16xi32>
        %swap3A_342 = arith.constant 1 : i32
        %swap3A_343 = arith.index_cast %swap3A_342 : i32 to index
        %swap3A_344 = arith.constant 64 : index
        %swap3A_345 = tpu.vector_load %arg6[%swap3A_343, %swap3A_344] {strides = array<i32>} : memref<4x128xi32, #tpu.memory_space<vmem>>, vector<16xi32>,
        tpu.vector_store %arg6[%swap3A_343, %swap3A_344], %shift_right_logical3A_341 {strides = array<i32>} : memref<4x128xi32, #tpu.memory_space<vmem>>, vector<16xi32>,
        %and3A_346 = arith.constant 1 : i32
        %and3A_347 = vector.broadcast %and3A_346 : i32 to vector<16xi32>
        %and3A_348 = arith.andi %get3A_338, %and3A_347 : vector<16xi32>
        %mul3A_349 = arith.constant 64 : i32
        %mul3A_350 = vector.broadcast %mul3A_349 : i32 to vector<16xi32>
        %mul3A_351 = arith.muli %and3A_348, %mul3A_350 : vector<16xi32>
        %swap3A_352 = arith.constant 1 : i32
        %swap3A_353 = arith.index_cast %swap3A_352 : i32 to index
        %swap3A_354 = arith.constant 64 : index
        %swap3A_355 = tpu.vector_load %arg7[%swap3A_353, %swap3A_354] {strides = array<i32>} : memref<4x144xi32, #tpu.memory_space<vmem>>, vector<16xi32>,
        tpu.vector_store %arg7[%swap3A_353, %swap3A_354], %mul3A_351 {strides = array<i32>} : memref<4x144xi32, #tpu.memory_space<vmem>>, vector<16xi32>,
        %get3A_356 = arith.constant 1 : i32
        %get3A_357 = arith.index_cast %get3A_356 : i32 to index
        %get3A_358 = arith.constant 80 : index
        %get3A_359 = tpu.vector_load %arg5[%get3A_357, %get3A_358] {strides = array<i32>} : memref<4x128xi32, #tpu.memory_space<vmem>>, vector<16xi32>,
        %shift_right_logical3A_360 = arith.constant 1 : i32
        %shift_right_logical3A_361 = vector.broadcast %shift_right_logical3A_360 : i32 to vector<16xi32>
        %shift_right_logical3A_362 = arith.shrui %get3A_359, %shift_right_logical3A_361 : vector<16xi32>
        %swap3A_363 = arith.constant 1 : i32
        %swap3A_364 = arith.index_cast %swap3A_363 : i32 to index
        %swap3A_365 = arith.constant 80 : index
        %swap3A_366 = tpu.vector_load %arg6[%swap3A_364, %swap3A_365] {strides = array<i32>} : memref<4x128xi32, #tpu.memory_space<vmem>>, vector<16xi32>,
        tpu.vector_store %arg6[%swap3A_364, %swap3A_365], %shift_right_logical3A_362 {strides = array<i32>} : memref<4x128xi32, #tpu.memory_space<vmem>>, vector<16xi32>,
        %and3A_367 = arith.constant 1 : i32
        %and3A_368 = vector.broadcast %and3A_367 : i32 to vector<16xi32>
        %and3A_369 = arith.andi %get3A_359, %and3A_368 : vector<16xi32>
        %mul3A_370 = arith.constant 64 : i32
        %mul3A_371 = vector.broadcast %mul3A_370 : i32 to vector<16xi32>
        %mul3A_372 = arith.muli %and3A_369, %mul3A_371 : vector<16xi32>
        %swap3A_373 = arith.constant 1 : i32
        %swap3A_374 = arith.index_cast %swap3A_373 : i32 to index
        %swap3A_375 = arith.constant 80 : index
        %swap3A_376 = tpu.vector_load %arg7[%swap3A_374, %swap3A_375] {strides = array<i32>} : memref<4x144xi32, #tpu.memory_space<vmem>>, vector<16xi32>,
        tpu.vector_store %arg7[%swap3A_374, %swap3A_375], %mul3A_372 {strides = array<i32>} : memref<4x144xi32, #tpu.memory_space<vmem>>, vector<16xi32>,
        %get3A_377 = arith.constant 1 : i32
        %get3A_378 = arith.index_cast %get3A_377 : i32 to index
        %get3A_379 = arith.constant 96 : index
        %get3A_380 = tpu.vector_load %arg5[%get3A_378, %get3A_379] {strides = array<i32>} : memref<4x128xi32, #tpu.memory_space<vmem>>, vector<16xi32>,
        %shift_right_logical3A_381 = arith.constant 1 : i32
        %shift_right_logical3A_382 = vector.broadcast %shift_right_logical3A_381 : i32 to vector<16xi32>
        %shift_right_logical3A_383 = arith.shrui %get3A_380, %shift_right_logical3A_382 : vector<16xi32>
        %swap3A_384 = arith.constant 1 : i32
        %swap3A_385 = arith.index_cast %swap3A_384 : i32 to index
        %swap3A_386 = arith.constant 96 : index
        %swap3A_387 = tpu.vector_load %arg6[%swap3A_385, %swap3A_386] {strides = array<i32>} : memref<4x128xi32, #tpu.memory_space<vmem>>, vector<16xi32>,
        tpu.vector_store %arg6[%swap3A_385, %swap3A_386], %shift_right_logical3A_383 {strides = array<i32>} : memref<4x128xi32, #tpu.memory_space<vmem>>, vector<16xi32>,
        %and3A_388 = arith.constant 1 : i32
        %and3A_389 = vector.broadcast %and3A_388 : i32 to vector<16xi32>
        %and3A_390 = arith.andi %get3A_380, %and3A_389 : vector<16xi32>
        %mul3A_391 = arith.constant 64 : i32
        %mul3A_392 = vector.broadcast %mul3A_391 : i32 to vector<16xi32>
        %mul3A_393 = arith.muli %and3A_390, %mul3A_392 : vector<16xi32>
        %swap3A_394 = arith.constant 1 : i32
        %swap3A_395 = arith.index_cast %swap3A_394 : i32 to index
        %swap3A_396 = arith.constant 96 : index
        %swap3A_397 = tpu.vector_load %arg7[%swap3A_395, %swap3A_396] {strides = array<i32>} : memref<4x144xi32, #tpu.memory_space<vmem>>, vector<16xi32>,
        tpu.vector_store %arg7[%swap3A_395, %swap3A_396], %mul3A_393 {strides = array<i32>} : memref<4x144xi32, #tpu.memory_space<vmem>>, vector<16xi32>,
        %get3A_398 = arith.constant 1 : i32
        %get3A_399 = arith.index_cast %get3A_398 : i32 to index
        %get3A_400 = arith.constant 112 : index
        %get3A_401 = tpu.vector_load %arg5[%get3A_399, %get3A_400] {strides = array<i32>} : memref<4x128xi32, #tpu.memory_space<vmem>>, vector<16xi32>,
        %shift_right_logical3A_402 = arith.constant 1 : i32
        %shift_right_logical3A_403 = vector.broadcast %shift_right_logical3A_402 : i32 to vector<16xi32>
        %shift_right_logical3A_404 = arith.shrui %get3A_401, %shift_right_logical3A_403 : vector<16xi32>
        %swap3A_405 = arith.constant 1 : i32
        %swap3A_406 = arith.index_cast %swap3A_405 : i32 to index
        %swap3A_407 = arith.constant 112 : index
        %swap3A_408 = tpu.vector_load %arg6[%swap3A_406, %swap3A_407] {strides = array<i32>} : memref<4x128xi32, #tpu.memory_space<vmem>>, vector<16xi32>,
        tpu.vector_store %arg6[%swap3A_406, %swap3A_407], %shift_right_logical3A_404 {strides = array<i32>} : memref<4x128xi32, #tpu.memory_space<vmem>>, vector<16xi32>,
        %and3A_409 = arith.constant 1 : i32
        %and3A_410 = vector.broadcast %and3A_409 : i32 to vector<16xi32>
        %and3A_411 = arith.andi %get3A_401, %and3A_410 : vector<16xi32>
        %mul3A_412 = arith.constant 64 : i32
        %mul3A_413 = vector.broadcast %mul3A_412 : i32 to vector<16xi32>
        %mul3A_414 = arith.muli %and3A_411, %mul3A_413 : vector<16xi32>
        %swap3A_415 = arith.constant 1 : i32
        %swap3A_416 = arith.index_cast %swap3A_415 : i32 to index
        %swap3A_417 = arith.constant 112 : index
        %swap3A_418 = tpu.vector_load %arg7[%swap3A_416, %swap3A_417] {strides = array<i32>} : memref<4x144xi32, #tpu.memory_space<vmem>>, vector<16xi32>,
        tpu.vector_store %arg7[%swap3A_416, %swap3A_417], %mul3A_414 {strides = array<i32>} : memref<4x144xi32, #tpu.memory_space<vmem>>, vector<16xi32>,
        %add3A_419 = arith.constant 4 : i32
        %add3A_420 = arith.addi %add3A_189, %add3A_419 : i32
        %lt3A_421 = arith.constant 200 : i32
        %lt3A_422 = arith.cmpi slt, %add3A_420, %lt3A_421 : i32
        %convert_element_type3A_423 = arith.extui %lt3A_422 : i1 to i32
        %cond3A_424 = arith.constant 0 : i32
        %cond3A_425 = arith.cmpi ne, %convert_element_type3A_423, %cond3A_424 : i32
        scf.if %cond3A_425 {
          %add3A_441 = arith.constant 4 : i32
          %add3A_442 = arith.addi %add3A_189, %add3A_441 : i32
          %dma_start3A_443 = arith.constant 1 : i32
          %dma_start3A_444 = arith.constant 1 : i32
          %dma_start3A_445 = arith.constant 0 : i32
          %dma_start3A_446 = tpu.memref_slice %arg5[%dma_start3A_443, %dma_start3A_445] : memref<4x128xi32, #tpu.memory_space<vmem>> -> memref<1x128xi32, #tpu.memory_space<vmem>>
          %dma_start3A_447 = tpu.memref_squeeze %dma_start3A_446 : memref<1x128xi32, #tpu.memory_space<vmem>> -> memref<128xi32, #tpu.memory_space<vmem>>
          %dma_start3A_448 = tpu.memref_slice %arg2[%add3A_442, %mul3A_2] : memref<200x4096xi32, #tpu.memory_space<hbm>> -> memref<1x128xi32, #tpu.memory_space<hbm>>
          %dma_start3A_449 = tpu.memref_squeeze %dma_start3A_448 : memref<1x128xi32, #tpu.memory_space<hbm>> -> memref<128xi32, #tpu.memory_space<hbm>>
          %dma_start3A_450 = tpu.memref_slice %arg11[%dma_start3A_444] : memref<4x!tpu.dma_semaphore, #tpu.memory_space<semaphore_mem>> -> memref<1x!tpu.dma_semaphore, #tpu.memory_space<semaphore_mem>>
          %dma_start3A_451 = tpu.memref_squeeze %dma_start3A_450 : memref<1x!tpu.dma_semaphore, #tpu.memory_space<semaphore_mem>> -> memref<!tpu.dma_semaphore, #tpu.memory_space<semaphore_mem>>
          %dma_start3A_452 = arith.constant 0 : i32
          %dma_start3A_453 = tpu.memref_slice %arg5[%dma_start3A_443, %dma_start3A_452] : memref<4x128xi32, #tpu.memory_space<vmem>> -> memref<1x128xi32, #tpu.memory_space<vmem>>
          %dma_start3A_454 = tpu.memref_squeeze %dma_start3A_453 : memref<1x128xi32, #tpu.memory_space<vmem>> -> memref<128xi32, #tpu.memory_space<vmem>>
          %dma_start3A_455 = tpu.memref_slice %arg2[%add3A_442, %mul3A_2] : memref<200x4096xi32, #tpu.memory_space<hbm>> -> memref<1x128xi32, #tpu.memory_space<hbm>>
          %dma_start3A_456 = tpu.memref_squeeze %dma_start3A_455 : memref<1x128xi32, #tpu.memory_space<hbm>> -> memref<128xi32, #tpu.memory_space<hbm>>
          tpu.enqueue_dma source(%dma_start3A_456 : memref<128xi32, #tpu.memory_space<hbm>>) target(%dma_start3A_454 : memref<128xi32, #tpu.memory_space<vmem>>) target_semaphore(%dma_start3A_451 : memref<!tpu.dma_semaphore, #tpu.memory_space<semaphore_mem>>)
        } else {
        }
        %dma_start3A_426 = arith.constant 1 : i32
        %dma_start3A_427 = arith.constant 1 : i32
        %dma_start3A_428 = arith.constant 1 : i32
        %dma_start3A_429 = arith.constant 0 : i32
        %dma_start3A_430 = arith.constant 0 : i32
        %dma_start3A_431 = tpu.memref_slice %arg8[%dma_start3A_427, %dma_start3A_429, %dma_start3A_430] : memref<4x128x128xf32, #tpu.memory_space<vmem>> -> memref<1x128x128xf32, #tpu.memory_space<vmem>>
        %dma_start3A_432 = tpu.memref_squeeze %dma_start3A_431 : memref<1x128x128xf32, #tpu.memory_space<vmem>> -> memref<128x128xf32, #tpu.memory_space<vmem>>
        %dma_start3A_433 = arith.constant 0 : i32
        %dma_start3A_434 = tpu.memref_slice %arg6[%dma_start3A_426, %dma_start3A_433] : memref<4x128xi32, #tpu.memory_space<vmem>> -> memref<1x128xi32, #tpu.memory_space<vmem>>
        %dma_start3A_435 = tpu.memref_squeeze %dma_start3A_434 : memref<1x128xi32, #tpu.memory_space<vmem>> -> memref<128xi32, #tpu.memory_space<vmem>>
        %dma_start3A_436 = arith.constant 0 : i32
        %dma_start3A_437 = arith.constant 0 : i32
        %dma_start3A_438 = tpu.memref_slice %arg3[%dma_start3A_436, %dma_start3A_437] : memref<500000x128xf32, #tpu.memory_space<hbm>> -> memref<500000x128xf32, #tpu.memory_space<hbm>>
        %dma_start3A_439 = tpu.memref_slice %arg12[%dma_start3A_428] : memref<4x!tpu.dma_semaphore, #tpu.memory_space<semaphore_mem>> -> memref<1x!tpu.dma_semaphore, #tpu.memory_space<semaphore_mem>>
        %dma_start3A_440 = tpu.memref_squeeze %dma_start3A_439 : memref<1x!tpu.dma_semaphore, #tpu.memory_space<semaphore_mem>> -> memref<!tpu.dma_semaphore, #tpu.memory_space<semaphore_mem>>
        tpu.enqueue_indirect_dma source(%dma_start3A_438 : memref<500000x128xf32, #tpu.memory_space<hbm>>) target(%dma_start3A_432 : memref<128x128xf32, #tpu.memory_space<vmem>>) offsets(%dma_start3A_435 : memref<128xi32, #tpu.memory_space<vmem>>) semaphore(%dma_start3A_440 : memref<!tpu.dma_semaphore, #tpu.memory_space<semaphore_mem>>)
      } else {
      }
      %ge3A_195 = arith.constant 3 : i32
      %ge3A_196 = arith.cmpi sge, %add3A_189, %ge3A_195 : i32
      %lt3A_197 = arith.constant 203 : i32
      %lt3A_198 = arith.cmpi slt, %add3A_189, %lt3A_197 : i32
      %and3A_199 = arith.andi %ge3A_196, %lt3A_198 : i1
      %convert_element_type3A_200 = arith.extui %and3A_199 : i1 to i32
      %cond3A_201 = arith.constant 0 : i32
      %cond3A_202 = arith.cmpi ne, %convert_element_type3A_200, %cond3A_201 : i32
      scf.if %cond3A_202 {
        %sub3A = arith.constant 3 : i32
        %sub3A_237 = arith.subi %add3A_189, %sub3A : i32
        %ge3A_238 = arith.constant 7 : i32
        %ge3A_239 = arith.cmpi sge, %add3A_189, %ge3A_238 : i32
        %convert_element_type3A_240 = arith.extui %ge3A_239 : i1 to i32
        %cond3A_241 = arith.constant 0 : i32
        %cond3A_242 = arith.cmpi ne, %convert_element_type3A_240, %cond3A_241 : i32
        scf.if %cond3A_242 {
          %dma_wait3A_290 = arith.constant 2 : i32
          %dma_wait3A_291 = arith.constant 0 : i32
          %dma_wait3A_292 = arith.constant 0 : i32
          %dma_wait3A_293 = arith.constant 2 : i32
          %dma_wait3A_294 = arith.constant 0 : i32
          %dma_wait3A_295 = arith.constant 0 : i32
          %dma_wait3A_296 = arith.constant 0 : i32
          %dma_wait3A_297 = tpu.memref_slice %arg10[%dma_wait3A_290, %dma_wait3A_294, %dma_wait3A_295, %dma_wait3A_296] : memref<4x8x8x128xf32, #tpu.memory_space<vmem>> -> memref<1x8x8x128xf32, #tpu.memory_space<vmem>>
          %dma_wait3A_298 = tpu.memref_squeeze %dma_wait3A_297 : memref<1x8x8x128xf32, #tpu.memory_space<vmem>> -> memref<8x8x128xf32, #tpu.memory_space<vmem>>
          %dma_wait3A_299 = arith.constant 0 : i32
          %dma_wait3A_300 = arith.constant 0 : i32
          %dma_wait3A_301 = arith.constant 0 : i32
          %dma_wait3A_302 = tpu.memref_slice %arg4[%dma_wait3A_291, %dma_wait3A_299, %dma_wait3A_292, %dma_wait3A_300, %dma_wait3A_301] : memref<200x8x32x8x128xf32, #tpu.memory_space<hbm>> -> memref<1x8x1x8x128xf32, #tpu.memory_space<hbm>>
          %dma_wait3A_303 = tpu.memref_squeeze %dma_wait3A_302 : memref<1x8x1x8x128xf32, #tpu.memory_space<hbm>> -> memref<8x8x128xf32, #tpu.memory_space<hbm>>
          %dma_wait3A_304 = tpu.memref_slice %arg13[%dma_wait3A_293] : memref<4x!tpu.dma_semaphore, #tpu.memory_space<semaphore_mem>> -> memref<1x!tpu.dma_semaphore, #tpu.memory_space<semaphore_mem>>
          %dma_wait3A_305 = tpu.memref_squeeze %dma_wait3A_304 : memref<1x!tpu.dma_semaphore, #tpu.memory_space<semaphore_mem>> -> memref<!tpu.dma_semaphore, #tpu.memory_space<semaphore_mem>>
          %dma_wait3A_306 = arith.constant 0 : i32
          %dma_wait3A_307 = arith.constant 0 : i32
          %dma_wait3A_308 = arith.constant 0 : i32
          %dma_wait3A_309 = tpu.memref_slice %arg4[%dma_wait3A_291, %dma_wait3A_306, %dma_wait3A_292, %dma_wait3A_307, %dma_wait3A_308] : memref<200x8x32x8x128xf32, #tpu.memory_space<hbm>> -> memref<1x8x1x8x128xf32, #tpu.memory_space<hbm>>
          %dma_wait3A_310 = tpu.memref_squeeze %dma_wait3A_309 : memref<1x8x1x8x128xf32, #tpu.memory_space<hbm>> -> memref<8x8x128xf32, #tpu.memory_space<hbm>>
          %dma_wait3A_311 = arith.constant 0 : i32
          %dma_wait3A_312 = arith.constant 0 : i32
          %dma_wait3A_313 = arith.constant 0 : i32
          %dma_wait3A_314 = tpu.memref_slice %arg10[%dma_wait3A_290, %dma_wait3A_311, %dma_wait3A_312, %dma_wait3A_313] : memref<4x8x8x128xf32, #tpu.memory_space<vmem>> -> memref<1x8x8x128xf32, #tpu.memory_space<vmem>>
          %dma_wait3A_315 = tpu.memref_squeeze %dma_wait3A_314 : memref<1x8x8x128xf32, #tpu.memory_space<vmem>> -> memref<8x8x128xf32, #tpu.memory_space<vmem>>
          tpu.wait_dma2 semaphore(%dma_wait3A_305 : memref<!tpu.dma_semaphore, #tpu.memory_space<semaphore_mem>>) src(%dma_wait3A_315 : memref<8x8x128xf32, #tpu.memory_space<vmem>>) dst(%dma_wait3A_310 : memref<8x8x128xf32, #tpu.memory_space<hbm>>)
        } else {
        }
        %dma_wait3A_243 = arith.constant 2 : i32
        %dma_wait3A_244 = arith.constant 2 : i32
        %dma_wait3A_245 = arith.constant 0 : i32
        %dma_wait3A_246 = arith.constant 0 : i32
        %dma_wait3A_247 = tpu.memref_slice %arg8[%dma_wait3A_243, %dma_wait3A_245, %dma_wait3A_246] : memref<4x128x128xf32, #tpu.memory_space<vmem>> -> memref<1x128x128xf32, #tpu.memory_space<vmem>>
        %dma_wait3A_248 = tpu.memref_squeeze %dma_wait3A_247 : memref<1x128x128xf32, #tpu.memory_space<vmem>> -> memref<128x128xf32, #tpu.memory_space<vmem>>
        %dma_wait3A_249 = arith.constant 0 : i32
        %dma_wait3A_250 = arith.constant 0 : i32
        %dma_wait3A_251 = tpu.memref_slice %arg3[%dma_wait3A_249, %dma_wait3A_250] : memref<500000x128xf32, #tpu.memory_space<hbm>> -> memref<128x128xf32, #tpu.memory_space<hbm>>
        %dma_wait3A_252 = tpu.memref_slice %arg12[%dma_wait3A_244] : memref<4x!tpu.dma_semaphore, #tpu.memory_space<semaphore_mem>> -> memref<1x!tpu.dma_semaphore, #tpu.memory_space<semaphore_mem>>
        %dma_wait3A_253 = tpu.memref_squeeze %dma_wait3A_252 : memref<1x!tpu.dma_semaphore, #tpu.memory_space<semaphore_mem>> -> memref<!tpu.dma_semaphore, #tpu.memory_space<semaphore_mem>>
        %dma_wait3A_254 = arith.constant 0 : i32
        %dma_wait3A_255 = arith.constant 0 : i32
        %dma_wait3A_256 = tpu.memref_slice %arg8[%dma_wait3A_243, %dma_wait3A_254, %dma_wait3A_255] : memref<4x128x128xf32, #tpu.memory_space<vmem>> -> memref<1x128x128xf32, #tpu.memory_space<vmem>>
        %dma_wait3A_257 = tpu.memref_squeeze %dma_wait3A_256 : memref<1x128x128xf32, #tpu.memory_space<vmem>> -> memref<128x128xf32, #tpu.memory_space<vmem>>
        %dma_wait3A_258 = arith.constant 0 : i32
        %dma_wait3A_259 = arith.constant 0 : i32
        %dma_wait3A_260 = tpu.memref_slice %arg3[%dma_wait3A_258, %dma_wait3A_259] : memref<500000x128xf32, #tpu.memory_space<hbm>> -> memref<128x128xf32, #tpu.memory_space<hbm>>
        tpu.wait_dma2 semaphore(%dma_wait3A_253 : memref<!tpu.dma_semaphore, #tpu.memory_space<semaphore_mem>>) src(%dma_wait3A_260 : memref<128x128xf32, #tpu.memory_space<hbm>>) dst(%dma_wait3A_257 : memref<128x128xf32, #tpu.memory_space<vmem>>)
        %parallel_loop3A = arith.constant 0 : i32
        %parallel_loop3A_261 = arith.constant 128 : i32
        %parallel_loop3A_262 = arith.constant 1 : i32
        scf.for %parallel_loop3A_290 = %parallel_loop3A to %parallel_loop3A_261 step %parallel_loop3A_262  : i32 {
          %parallel_loop3A_291 = arith.constant 2 : i32
          %parallel_loop3A_292 = arith.index_cast %parallel_loop3A_291 : i32 to index
          %parallel_loop3A_293 = arith.index_cast %parallel_loop3A_290 : i32 to index
          %parallel_loop3A_294 = tpu.vector_load %arg7[%parallel_loop3A_292, %parallel_loop3A_293] {strides = array<i32>} : memref<4x144xi32, #tpu.memory_space<vmem>>, vector<16xi32>,
          %parallel_loop3A_295 = vector.extract_strided_slice %parallel_loop3A_294 {offsets = [0], sizes = [1], strides = [1]} : vector<16xi32> to vector<1xi32>
          %parallel_loop3A_296 = vector.extract %parallel_loop3A_295[0] : i32 from vector<1xi32>
          %parallel_loop3A_297 = arith.constant 0 : i32
          %parallel_loop3A_298 = arith.addi %parallel_loop3A_296, %parallel_loop3A_297 : i32
          %parallel_loop3A_299 = arith.constant 2 : i32
          %parallel_loop3A_300 = arith.index_cast %parallel_loop3A_299 : i32 to index
          %parallel_loop3A_301 = arith.index_cast %parallel_loop3A_290 : i32 to index
          %parallel_loop3A_302 = arith.index_cast %parallel_loop3A_298 : i32 to index
          %parallel_loop3A_303 = tpu.vector_load %arg8[%parallel_loop3A_300, %parallel_loop3A_301, %parallel_loop3A_302] {strides = array<i32>} : memref<4x128x128xf32, #tpu.memory_space<vmem>>, vector<16xf32>,
          %parallel_loop3A_304 = arith.constant 0 : i32
          %parallel_loop3A_305 = arith.addi %parallel_loop3A_304, %parallel_loop3A_290 : i32
          %parallel_loop3A_306 = vector.broadcast %parallel_loop3A_305 : i32 to vector<16xi32>
          %parallel_loop3A_307 = arith.addi %mul3A_5, %parallel_loop3A_306 : vector<16xi32>
          tpu.vector_store_idx %arg9[%parallel_loop3A_307], %parallel_loop3A_303 : memref<8640xf32, #tpu.memory_space<vmem>>[vector<16xi32>], vector<16xf32>,
          %parallel_loop3A_308 = arith.constant 16 : i32
          %parallel_loop3A_309 = arith.addi %parallel_loop3A_296, %parallel_loop3A_308 : i32
          %parallel_loop3A_310 = arith.constant 2 : i32
          %parallel_loop3A_311 = arith.index_cast %parallel_loop3A_310 : i32 to index
          %parallel_loop3A_312 = arith.index_cast %parallel_loop3A_290 : i32 to index
          %parallel_loop3A_313 = arith.index_cast %parallel_loop3A_309 : i32 to index
          %parallel_loop3A_314 = tpu.vector_load %arg8[%parallel_loop3A_311, %parallel_loop3A_312, %parallel_loop3A_313] {strides = array<i32>} : memref<4x128x128xf32, #tpu.memory_space<vmem>>, vector<16xf32>,
          %parallel_loop3A_315 = arith.constant 2160 : i32
          %parallel_loop3A_316 = arith.addi %parallel_loop3A_315, %parallel_loop3A_290 : i32
          %parallel_loop3A_317 = vector.broadcast %parallel_loop3A_316 : i32 to vector<16xi32>
          %parallel_loop3A_318 = arith.addi %mul3A_5, %parallel_loop3A_317 : vector<16xi32>
          tpu.vector_store_idx %arg9[%parallel_loop3A_318], %parallel_loop3A_314 : memref<8640xf32, #tpu.memory_space<vmem>>[vector<16xi32>], vector<16xf32>,
          %parallel_loop3A_319 = arith.constant 32 : i32
          %parallel_loop3A_320 = arith.addi %parallel_loop3A_296, %parallel_loop3A_319 : i32
          %parallel_loop3A_321 = arith.constant 2 : i32
          %parallel_loop3A_322 = arith.index_cast %parallel_loop3A_321 : i32 to index
          %parallel_loop3A_323 = arith.index_cast %parallel_loop3A_290 : i32 to index
          %parallel_loop3A_324 = arith.index_cast %parallel_loop3A_320 : i32 to index
          %parallel_loop3A_325 = tpu.vector_load %arg8[%parallel_loop3A_322, %parallel_loop3A_323, %parallel_loop3A_324] {strides = array<i32>} : memref<4x128x128xf32, #tpu.memory_space<vmem>>, vector<16xf32>,
          %parallel_loop3A_326 = arith.constant 4320 : i32
          %parallel_loop3A_327 = arith.addi %parallel_loop3A_326, %parallel_loop3A_290 : i32
          %parallel_loop3A_328 = vector.broadcast %parallel_loop3A_327 : i32 to vector<16xi32>
          %parallel_loop3A_329 = arith.addi %mul3A_5, %parallel_loop3A_328 : vector<16xi32>
          tpu.vector_store_idx %arg9[%parallel_loop3A_329], %parallel_loop3A_325 : memref<8640xf32, #tpu.memory_space<vmem>>[vector<16xi32>], vector<16xf32>,
          %parallel_loop3A_330 = arith.constant 48 : i32
          %parallel_loop3A_331 = arith.addi %parallel_loop3A_296, %parallel_loop3A_330 : i32
          %parallel_loop3A_332 = arith.constant 2 : i32
          %parallel_loop3A_333 = arith.index_cast %parallel_loop3A_332 : i32 to index
          %parallel_loop3A_334 = arith.index_cast %parallel_loop3A_290 : i32 to index
          %parallel_loop3A_335 = arith.index_cast %parallel_loop3A_331 : i32 to index
          %parallel_loop3A_336 = tpu.vector_load %arg8[%parallel_loop3A_333, %parallel_loop3A_334, %parallel_loop3A_335] {strides = array<i32>} : memref<4x128x128xf32, #tpu.memory_space<vmem>>, vector<16xf32>,
          %parallel_loop3A_337 = arith.constant 6480 : i32
          %parallel_loop3A_338 = arith.addi %parallel_loop3A_337, %parallel_loop3A_290 : i32
          %parallel_loop3A_339 = vector.broadcast %parallel_loop3A_338 : i32 to vector<16xi32>
          %parallel_loop3A_340 = arith.addi %mul3A_5, %parallel_loop3A_339 : vector<16xi32>
          tpu.vector_store_idx %arg9[%parallel_loop3A_340], %parallel_loop3A_336 : memref<8640xf32, #tpu.memory_space<vmem>>[vector<16xi32>], vector<16xf32>,
        } {sc.loop_unroll_factor = 4 : i64, sc.parallel_access}
        %parallel_loop3A_263 = arith.constant 0 : i32
        %parallel_loop3A_264 = arith.constant 512 : i32
        %parallel_loop3A_265 = arith.constant 1 : i32
        scf.for %parallel_loop3A_290 = %parallel_loop3A_263 to %parallel_loop3A_264 step %parallel_loop3A_265  : i32 {
          %parallel_loop3A_291 = arith.constant 3 : i32
          %parallel_loop3A_292 = arith.shrui %parallel_loop3A_290, %parallel_loop3A_291 : i32
          %parallel_loop3A_293 = arith.constant 7 : i32
          %parallel_loop3A_294 = arith.andi %parallel_loop3A_290, %parallel_loop3A_293 : i32
          %parallel_loop3A_295 = arith.constant 135 : i32
          %parallel_loop3A_296 = arith.muli %parallel_loop3A_292, %parallel_loop3A_295 : i32
          %parallel_loop3A_297 = arith.constant 16 : i32
          %parallel_loop3A_298 = arith.muli %parallel_loop3A_294, %parallel_loop3A_297 : i32
          %parallel_loop3A_299 = arith.addi %parallel_loop3A_296, %parallel_loop3A_298 : i32
          %parallel_loop3A_300 = arith.index_cast %parallel_loop3A_299 : i32 to index
          %parallel_loop3A_301 = tpu.vector_load %arg9[%parallel_loop3A_300] {strides = array<i32>} : memref<8640xf32, #tpu.memory_space<vmem>>, vector<16xf32>,
          %parallel_loop3A_302 = arith.constant 3 : i32
          %parallel_loop3A_303 = arith.shrui %parallel_loop3A_292, %parallel_loop3A_302 : i32
          %parallel_loop3A_304 = arith.constant 7 : i32
          %parallel_loop3A_305 = arith.andi %parallel_loop3A_292, %parallel_loop3A_304 : i32
          %parallel_loop3A_306 = arith.constant 16 : i32
          %parallel_loop3A_307 = arith.muli %parallel_loop3A_294, %parallel_loop3A_306 : i32
          %parallel_loop3A_308 = arith.constant 2 : i32
          %parallel_loop3A_309 = arith.index_cast %parallel_loop3A_308 : i32 to index
          %parallel_loop3A_310 = arith.index_cast %parallel_loop3A_303 : i32 to index
          %parallel_loop3A_311 = arith.index_cast %parallel_loop3A_305 : i32 to index
          %parallel_loop3A_312 = arith.index_cast %parallel_loop3A_307 : i32 to index
          %parallel_loop3A_313 = tpu.vector_load %arg10[%parallel_loop3A_309, %parallel_loop3A_310, %parallel_loop3A_311, %parallel_loop3A_312] {strides = array<i32>} : memref<4x8x8x128xf32, #tpu.memory_space<vmem>>, vector<16xf32>,
          tpu.vector_store %arg10[%parallel_loop3A_309, %parallel_loop3A_310, %parallel_loop3A_311, %parallel_loop3A_312], %parallel_loop3A_301 {strides = array<i32>} : memref<4x8x8x128xf32, #tpu.memory_space<vmem>>, vector<16xf32>,
        } {sc.loop_unroll_factor = 8 : i64, sc.parallel_access}
        %dma_start3A_266 = arith.constant 2 : i32
        %dma_start3A_267 = arith.constant 2 : i32
        %dma_start3A_268 = arith.constant 0 : i32
        %dma_start3A_269 = arith.constant 0 : i32
        %dma_start3A_270 = arith.constant 0 : i32
        %dma_start3A_271 = tpu.memref_slice %arg10[%dma_start3A_266, %dma_start3A_268, %dma_start3A_269, %dma_start3A_270] : memref<4x8x8x128xf32, #tpu.memory_space<vmem>> -> memref<1x8x8x128xf32, #tpu.memory_space<vmem>>
        %dma_start3A_272 = tpu.memref_squeeze %dma_start3A_271 : memref<1x8x8x128xf32, #tpu.memory_space<vmem>> -> memref<8x8x128xf32, #tpu.memory_space<vmem>>
        %dma_start3A_273 = arith.constant 0 : i32
        %dma_start3A_274 = arith.constant 0 : i32
        %dma_start3A_275 = arith.constant 0 : i32
        %dma_start3A_276 = tpu.memref_slice %arg4[%sub3A_237, %dma_start3A_273, %add3A, %dma_start3A_274, %dma_start3A_275] : memref<200x8x32x8x128xf32, #tpu.memory_space<hbm>> -> memref<1x8x1x8x128xf32, #tpu.memory_space<hbm>>
        %dma_start3A_277 = tpu.memref_squeeze %dma_start3A_276 : memref<1x8x1x8x128xf32, #tpu.memory_space<hbm>> -> memref<8x8x128xf32, #tpu.memory_space<hbm>>
        %dma_start3A_278 = tpu.memref_slice %arg13[%dma_start3A_267] : memref<4x!tpu.dma_semaphore, #tpu.memory_space<semaphore_mem>> -> memref<1x!tpu.dma_semaphore, #tpu.memory_space<semaphore_mem>>
        %dma_start3A_279 = tpu.memref_squeeze %dma_start3A_278 : memref<1x!tpu.dma_semaphore, #tpu.memory_space<semaphore_mem>> -> memref<!tpu.dma_semaphore, #tpu.memory_space<semaphore_mem>>
        %dma_start3A_280 = arith.constant 0 : i32
        %dma_start3A_281 = arith.constant 0 : i32
        %dma_start3A_282 = arith.constant 0 : i32
        %dma_start3A_283 = tpu.memref_slice %arg4[%sub3A_237, %dma_start3A_280, %add3A, %dma_start3A_281, %dma_start3A_282] : memref<200x8x32x8x128xf32, #tpu.memory_space<hbm>> -> memref<1x8x1x8x128xf32, #tpu.memory_space<hbm>>
        %dma_start3A_284 = tpu.memref_squeeze %dma_start3A_283 : memref<1x8x1x8x128xf32, #tpu.memory_space<hbm>> -> memref<8x8x128xf32, #tpu.memory_space<hbm>>
        %dma_start3A_285 = arith.constant 0 : i32
        %dma_start3A_286 = arith.constant 0 : i32
        %dma_start3A_287 = arith.constant 0 : i32
        %dma_start3A_288 = tpu.memref_slice %arg10[%dma_start3A_266, %dma_start3A_285, %dma_start3A_286, %dma_start3A_287] : memref<4x8x8x128xf32, #tpu.memory_space<vmem>> -> memref<1x8x8x128xf32, #tpu.memory_space<vmem>>
        %dma_start3A_289 = tpu.memref_squeeze %dma_start3A_288 : memref<1x8x8x128xf32, #tpu.memory_space<vmem>> -> memref<8x8x128xf32, #tpu.memory_space<vmem>>
        tpu.enqueue_dma source(%dma_start3A_289 : memref<8x8x128xf32, #tpu.memory_space<vmem>>) target(%dma_start3A_284 : memref<8x8x128xf32, #tpu.memory_space<hbm>>) target_semaphore(%dma_start3A_279 : memref<!tpu.dma_semaphore, #tpu.memory_space<semaphore_mem>>)
      } else {
      }
      %mul3A_203 = arith.constant 4 : i32
      %mul3A_204 = arith.muli %mul3A_203, %scan3A_173 : i32
      %add3A_205 = arith.constant 2 : i32
      %add3A_206 = arith.addi %mul3A_204, %add3A_205 : i32
      %lt3A_207 = arith.constant 200 : i32
      %lt3A_208 = arith.cmpi slt, %add3A_206, %lt3A_207 : i32
      %convert_element_type3A_209 = arith.extui %lt3A_208 : i1 to i32
      %cond3A_210 = arith.constant 0 : i32
      %cond3A_211 = arith.cmpi ne, %convert_element_type3A_209, %cond3A_210 : i32
      scf.if %cond3A_211 {
        %dma_wait3A_237 = arith.constant 0 : i32
        %dma_wait3A_238 = arith.constant 2 : i32
        %dma_wait3A_239 = arith.constant 2 : i32
        %dma_wait3A_240 = arith.constant 0 : i32
        %dma_wait3A_241 = tpu.memref_slice %arg5[%dma_wait3A_238, %dma_wait3A_240] : memref<4x128xi32, #tpu.memory_space<vmem>> -> memref<1x128xi32, #tpu.memory_space<vmem>>
        %dma_wait3A_242 = tpu.memref_squeeze %dma_wait3A_241 : memref<1x128xi32, #tpu.memory_space<vmem>> -> memref<128xi32, #tpu.memory_space<vmem>>
        %dma_wait3A_243 = arith.constant 0 : i32
        %dma_wait3A_244 = tpu.memref_slice %arg2[%dma_wait3A_237, %dma_wait3A_243] : memref<200x4096xi32, #tpu.memory_space<hbm>> -> memref<1x128xi32, #tpu.memory_space<hbm>>
        %dma_wait3A_245 = tpu.memref_squeeze %dma_wait3A_244 : memref<1x128xi32, #tpu.memory_space<hbm>> -> memref<128xi32, #tpu.memory_space<hbm>>
        %dma_wait3A_246 = tpu.memref_slice %arg11[%dma_wait3A_239] : memref<4x!tpu.dma_semaphore, #tpu.memory_space<semaphore_mem>> -> memref<1x!tpu.dma_semaphore, #tpu.memory_space<semaphore_mem>>
        %dma_wait3A_247 = tpu.memref_squeeze %dma_wait3A_246 : memref<1x!tpu.dma_semaphore, #tpu.memory_space<semaphore_mem>> -> memref<!tpu.dma_semaphore, #tpu.memory_space<semaphore_mem>>
        %dma_wait3A_248 = arith.constant 0 : i32
        %dma_wait3A_249 = tpu.memref_slice %arg5[%dma_wait3A_238, %dma_wait3A_248] : memref<4x128xi32, #tpu.memory_space<vmem>> -> memref<1x128xi32, #tpu.memory_space<vmem>>
        %dma_wait3A_250 = tpu.memref_squeeze %dma_wait3A_249 : memref<1x128xi32, #tpu.memory_space<vmem>> -> memref<128xi32, #tpu.memory_space<vmem>>
        %dma_wait3A_251 = arith.constant 0 : i32
        %dma_wait3A_252 = tpu.memref_slice %arg2[%dma_wait3A_237, %dma_wait3A_251] : memref<200x4096xi32, #tpu.memory_space<hbm>> -> memref<1x128xi32, #tpu.memory_space<hbm>>
        %dma_wait3A_253 = tpu.memref_squeeze %dma_wait3A_252 : memref<1x128xi32, #tpu.memory_space<hbm>> -> memref<128xi32, #tpu.memory_space<hbm>>
        tpu.wait_dma2 semaphore(%dma_wait3A_247 : memref<!tpu.dma_semaphore, #tpu.memory_space<semaphore_mem>>) src(%dma_wait3A_253 : memref<128xi32, #tpu.memory_space<hbm>>) dst(%dma_wait3A_250 : memref<128xi32, #tpu.memory_space<vmem>>)
        %get3A = arith.constant 2 : i32
        %get3A_254 = arith.index_cast %get3A : i32 to index
        %get3A_255 = arith.constant 0 : index
        %get3A_256 = tpu.vector_load %arg5[%get3A_254, %get3A_255] {strides = array<i32>} : memref<4x128xi32, #tpu.memory_space<vmem>>, vector<16xi32>,
        %shift_right_logical3A = arith.constant 1 : i32
        %shift_right_logical3A_257 = vector.broadcast %shift_right_logical3A : i32 to vector<16xi32>
        %shift_right_logical3A_258 = arith.shrui %get3A_256, %shift_right_logical3A_257 : vector<16xi32>
        %swap3A = arith.constant 2 : i32
        %swap3A_259 = arith.index_cast %swap3A : i32 to index
        %swap3A_260 = arith.constant 0 : index
        %swap3A_261 = tpu.vector_load %arg6[%swap3A_259, %swap3A_260] {strides = array<i32>} : memref<4x128xi32, #tpu.memory_space<vmem>>, vector<16xi32>,
        tpu.vector_store %arg6[%swap3A_259, %swap3A_260], %shift_right_logical3A_258 {strides = array<i32>} : memref<4x128xi32, #tpu.memory_space<vmem>>, vector<16xi32>,
        %and3A_262 = arith.constant 1 : i32
        %and3A_263 = vector.broadcast %and3A_262 : i32 to vector<16xi32>
        %and3A_264 = arith.andi %get3A_256, %and3A_263 : vector<16xi32>
        %mul3A_265 = arith.constant 64 : i32
        %mul3A_266 = vector.broadcast %mul3A_265 : i32 to vector<16xi32>
        %mul3A_267 = arith.muli %and3A_264, %mul3A_266 : vector<16xi32>
        %swap3A_268 = arith.constant 2 : i32
        %swap3A_269 = arith.index_cast %swap3A_268 : i32 to index
        %swap3A_270 = arith.constant 0 : index
        %swap3A_271 = tpu.vector_load %arg7[%swap3A_269, %swap3A_270] {strides = array<i32>} : memref<4x144xi32, #tpu.memory_space<vmem>>, vector<16xi32>,
        tpu.vector_store %arg7[%swap3A_269, %swap3A_270], %mul3A_267 {strides = array<i32>} : memref<4x144xi32, #tpu.memory_space<vmem>>, vector<16xi32>,
        %get3A_272 = arith.constant 2 : i32
        %get3A_273 = arith.index_cast %get3A_272 : i32 to index
        %get3A_274 = arith.constant 16 : index
        %get3A_275 = tpu.vector_load %arg5[%get3A_273, %get3A_274] {strides = array<i32>} : memref<4x128xi32, #tpu.memory_space<vmem>>, vector<16xi32>,
        %shift_right_logical3A_276 = arith.constant 1 : i32
        %shift_right_logical3A_277 = vector.broadcast %shift_right_logical3A_276 : i32 to vector<16xi32>
        %shift_right_logical3A_278 = arith.shrui %get3A_275, %shift_right_logical3A_277 : vector<16xi32>
        %swap3A_279 = arith.constant 2 : i32
        %swap3A_280 = arith.index_cast %swap3A_279 : i32 to index
        %swap3A_281 = arith.constant 16 : index
        %swap3A_282 = tpu.vector_load %arg6[%swap3A_280, %swap3A_281] {strides = array<i32>} : memref<4x128xi32, #tpu.memory_space<vmem>>, vector<16xi32>,
        tpu.vector_store %arg6[%swap3A_280, %swap3A_281], %shift_right_logical3A_278 {strides = array<i32>} : memref<4x128xi32, #tpu.memory_space<vmem>>, vector<16xi32>,
        %and3A_283 = arith.constant 1 : i32
        %and3A_284 = vector.broadcast %and3A_283 : i32 to vector<16xi32>
        %and3A_285 = arith.andi %get3A_275, %and3A_284 : vector<16xi32>
        %mul3A_286 = arith.constant 64 : i32
        %mul3A_287 = vector.broadcast %mul3A_286 : i32 to vector<16xi32>
        %mul3A_288 = arith.muli %and3A_285, %mul3A_287 : vector<16xi32>
        %swap3A_289 = arith.constant 2 : i32
        %swap3A_290 = arith.index_cast %swap3A_289 : i32 to index
        %swap3A_291 = arith.constant 16 : index
        %swap3A_292 = tpu.vector_load %arg7[%swap3A_290, %swap3A_291] {strides = array<i32>} : memref<4x144xi32, #tpu.memory_space<vmem>>, vector<16xi32>,
        tpu.vector_store %arg7[%swap3A_290, %swap3A_291], %mul3A_288 {strides = array<i32>} : memref<4x144xi32, #tpu.memory_space<vmem>>, vector<16xi32>,
        %get3A_293 = arith.constant 2 : i32
        %get3A_294 = arith.index_cast %get3A_293 : i32 to index
        %get3A_295 = arith.constant 32 : index
        %get3A_296 = tpu.vector_load %arg5[%get3A_294, %get3A_295] {strides = array<i32>} : memref<4x128xi32, #tpu.memory_space<vmem>>, vector<16xi32>,
        %shift_right_logical3A_297 = arith.constant 1 : i32
        %shift_right_logical3A_298 = vector.broadcast %shift_right_logical3A_297 : i32 to vector<16xi32>
        %shift_right_logical3A_299 = arith.shrui %get3A_296, %shift_right_logical3A_298 : vector<16xi32>
        %swap3A_300 = arith.constant 2 : i32
        %swap3A_301 = arith.index_cast %swap3A_300 : i32 to index
        %swap3A_302 = arith.constant 32 : index
        %swap3A_303 = tpu.vector_load %arg6[%swap3A_301, %swap3A_302] {strides = array<i32>} : memref<4x128xi32, #tpu.memory_space<vmem>>, vector<16xi32>,
        tpu.vector_store %arg6[%swap3A_301, %swap3A_302], %shift_right_logical3A_299 {strides = array<i32>} : memref<4x128xi32, #tpu.memory_space<vmem>>, vector<16xi32>,
        %and3A_304 = arith.constant 1 : i32
        %and3A_305 = vector.broadcast %and3A_304 : i32 to vector<16xi32>
        %and3A_306 = arith.andi %get3A_296, %and3A_305 : vector<16xi32>
        %mul3A_307 = arith.constant 64 : i32
        %mul3A_308 = vector.broadcast %mul3A_307 : i32 to vector<16xi32>
        %mul3A_309 = arith.muli %and3A_306, %mul3A_308 : vector<16xi32>
        %swap3A_310 = arith.constant 2 : i32
        %swap3A_311 = arith.index_cast %swap3A_310 : i32 to index
        %swap3A_312 = arith.constant 32 : index
        %swap3A_313 = tpu.vector_load %arg7[%swap3A_311, %swap3A_312] {strides = array<i32>} : memref<4x144xi32, #tpu.memory_space<vmem>>, vector<16xi32>,
        tpu.vector_store %arg7[%swap3A_311, %swap3A_312], %mul3A_309 {strides = array<i32>} : memref<4x144xi32, #tpu.memory_space<vmem>>, vector<16xi32>,
        %get3A_314 = arith.constant 2 : i32
        %get3A_315 = arith.index_cast %get3A_314 : i32 to index
        %get3A_316 = arith.constant 48 : index
        %get3A_317 = tpu.vector_load %arg5[%get3A_315, %get3A_316] {strides = array<i32>} : memref<4x128xi32, #tpu.memory_space<vmem>>, vector<16xi32>,
        %shift_right_logical3A_318 = arith.constant 1 : i32
        %shift_right_logical3A_319 = vector.broadcast %shift_right_logical3A_318 : i32 to vector<16xi32>
        %shift_right_logical3A_320 = arith.shrui %get3A_317, %shift_right_logical3A_319 : vector<16xi32>
        %swap3A_321 = arith.constant 2 : i32
        %swap3A_322 = arith.index_cast %swap3A_321 : i32 to index
        %swap3A_323 = arith.constant 48 : index
        %swap3A_324 = tpu.vector_load %arg6[%swap3A_322, %swap3A_323] {strides = array<i32>} : memref<4x128xi32, #tpu.memory_space<vmem>>, vector<16xi32>,
        tpu.vector_store %arg6[%swap3A_322, %swap3A_323], %shift_right_logical3A_320 {strides = array<i32>} : memref<4x128xi32, #tpu.memory_space<vmem>>, vector<16xi32>,
        %and3A_325 = arith.constant 1 : i32
        %and3A_326 = vector.broadcast %and3A_325 : i32 to vector<16xi32>
        %and3A_327 = arith.andi %get3A_317, %and3A_326 : vector<16xi32>
        %mul3A_328 = arith.constant 64 : i32
        %mul3A_329 = vector.broadcast %mul3A_328 : i32 to vector<16xi32>
        %mul3A_330 = arith.muli %and3A_327, %mul3A_329 : vector<16xi32>
        %swap3A_331 = arith.constant 2 : i32
        %swap3A_332 = arith.index_cast %swap3A_331 : i32 to index
        %swap3A_333 = arith.constant 48 : index
        %swap3A_334 = tpu.vector_load %arg7[%swap3A_332, %swap3A_333] {strides = array<i32>} : memref<4x144xi32, #tpu.memory_space<vmem>>, vector<16xi32>,
        tpu.vector_store %arg7[%swap3A_332, %swap3A_333], %mul3A_330 {strides = array<i32>} : memref<4x144xi32, #tpu.memory_space<vmem>>, vector<16xi32>,
        %get3A_335 = arith.constant 2 : i32
        %get3A_336 = arith.index_cast %get3A_335 : i32 to index
        %get3A_337 = arith.constant 64 : index
        %get3A_338 = tpu.vector_load %arg5[%get3A_336, %get3A_337] {strides = array<i32>} : memref<4x128xi32, #tpu.memory_space<vmem>>, vector<16xi32>,
        %shift_right_logical3A_339 = arith.constant 1 : i32
        %shift_right_logical3A_340 = vector.broadcast %shift_right_logical3A_339 : i32 to vector<16xi32>
        %shift_right_logical3A_341 = arith.shrui %get3A_338, %shift_right_logical3A_340 : vector<16xi32>
        %swap3A_342 = arith.constant 2 : i32
        %swap3A_343 = arith.index_cast %swap3A_342 : i32 to index
        %swap3A_344 = arith.constant 64 : index
        %swap3A_345 = tpu.vector_load %arg6[%swap3A_343, %swap3A_344] {strides = array<i32>} : memref<4x128xi32, #tpu.memory_space<vmem>>, vector<16xi32>,
        tpu.vector_store %arg6[%swap3A_343, %swap3A_344], %shift_right_logical3A_341 {strides = array<i32>} : memref<4x128xi32, #tpu.memory_space<vmem>>, vector<16xi32>,
        %and3A_346 = arith.constant 1 : i32
        %and3A_347 = vector.broadcast %and3A_346 : i32 to vector<16xi32>
        %and3A_348 = arith.andi %get3A_338, %and3A_347 : vector<16xi32>
        %mul3A_349 = arith.constant 64 : i32
        %mul3A_350 = vector.broadcast %mul3A_349 : i32 to vector<16xi32>
        %mul3A_351 = arith.muli %and3A_348, %mul3A_350 : vector<16xi32>
        %swap3A_352 = arith.constant 2 : i32
        %swap3A_353 = arith.index_cast %swap3A_352 : i32 to index
        %swap3A_354 = arith.constant 64 : index
        %swap3A_355 = tpu.vector_load %arg7[%swap3A_353, %swap3A_354] {strides = array<i32>} : memref<4x144xi32, #tpu.memory_space<vmem>>, vector<16xi32>,
        tpu.vector_store %arg7[%swap3A_353, %swap3A_354], %mul3A_351 {strides = array<i32>} : memref<4x144xi32, #tpu.memory_space<vmem>>, vector<16xi32>,
        %get3A_356 = arith.constant 2 : i32
        %get3A_357 = arith.index_cast %get3A_356 : i32 to index
        %get3A_358 = arith.constant 80 : index
        %get3A_359 = tpu.vector_load %arg5[%get3A_357, %get3A_358] {strides = array<i32>} : memref<4x128xi32, #tpu.memory_space<vmem>>, vector<16xi32>,
        %shift_right_logical3A_360 = arith.constant 1 : i32
        %shift_right_logical3A_361 = vector.broadcast %shift_right_logical3A_360 : i32 to vector<16xi32>
        %shift_right_logical3A_362 = arith.shrui %get3A_359, %shift_right_logical3A_361 : vector<16xi32>
        %swap3A_363 = arith.constant 2 : i32
        %swap3A_364 = arith.index_cast %swap3A_363 : i32 to index
        %swap3A_365 = arith.constant 80 : index
        %swap3A_366 = tpu.vector_load %arg6[%swap3A_364, %swap3A_365] {strides = array<i32>} : memref<4x128xi32, #tpu.memory_space<vmem>>, vector<16xi32>,
        tpu.vector_store %arg6[%swap3A_364, %swap3A_365], %shift_right_logical3A_362 {strides = array<i32>} : memref<4x128xi32, #tpu.memory_space<vmem>>, vector<16xi32>,
        %and3A_367 = arith.constant 1 : i32
        %and3A_368 = vector.broadcast %and3A_367 : i32 to vector<16xi32>
        %and3A_369 = arith.andi %get3A_359, %and3A_368 : vector<16xi32>
        %mul3A_370 = arith.constant 64 : i32
        %mul3A_371 = vector.broadcast %mul3A_370 : i32 to vector<16xi32>
        %mul3A_372 = arith.muli %and3A_369, %mul3A_371 : vector<16xi32>
        %swap3A_373 = arith.constant 2 : i32
        %swap3A_374 = arith.index_cast %swap3A_373 : i32 to index
        %swap3A_375 = arith.constant 80 : index
        %swap3A_376 = tpu.vector_load %arg7[%swap3A_374, %swap3A_375] {strides = array<i32>} : memref<4x144xi32, #tpu.memory_space<vmem>>, vector<16xi32>,
        tpu.vector_store %arg7[%swap3A_374, %swap3A_375], %mul3A_372 {strides = array<i32>} : memref<4x144xi32, #tpu.memory_space<vmem>>, vector<16xi32>,
        %get3A_377 = arith.constant 2 : i32
        %get3A_378 = arith.index_cast %get3A_377 : i32 to index
        %get3A_379 = arith.constant 96 : index
        %get3A_380 = tpu.vector_load %arg5[%get3A_378, %get3A_379] {strides = array<i32>} : memref<4x128xi32, #tpu.memory_space<vmem>>, vector<16xi32>,
        %shift_right_logical3A_381 = arith.constant 1 : i32
        %shift_right_logical3A_382 = vector.broadcast %shift_right_logical3A_381 : i32 to vector<16xi32>
        %shift_right_logical3A_383 = arith.shrui %get3A_380, %shift_right_logical3A_382 : vector<16xi32>
        %swap3A_384 = arith.constant 2 : i32
        %swap3A_385 = arith.index_cast %swap3A_384 : i32 to index
        %swap3A_386 = arith.constant 96 : index
        %swap3A_387 = tpu.vector_load %arg6[%swap3A_385, %swap3A_386] {strides = array<i32>} : memref<4x128xi32, #tpu.memory_space<vmem>>, vector<16xi32>,
        tpu.vector_store %arg6[%swap3A_385, %swap3A_386], %shift_right_logical3A_383 {strides = array<i32>} : memref<4x128xi32, #tpu.memory_space<vmem>>, vector<16xi32>,
        %and3A_388 = arith.constant 1 : i32
        %and3A_389 = vector.broadcast %and3A_388 : i32 to vector<16xi32>
        %and3A_390 = arith.andi %get3A_380, %and3A_389 : vector<16xi32>
        %mul3A_391 = arith.constant 64 : i32
        %mul3A_392 = vector.broadcast %mul3A_391 : i32 to vector<16xi32>
        %mul3A_393 = arith.muli %and3A_390, %mul3A_392 : vector<16xi32>
        %swap3A_394 = arith.constant 2 : i32
        %swap3A_395 = arith.index_cast %swap3A_394 : i32 to index
        %swap3A_396 = arith.constant 96 : index
        %swap3A_397 = tpu.vector_load %arg7[%swap3A_395, %swap3A_396] {strides = array<i32>} : memref<4x144xi32, #tpu.memory_space<vmem>>, vector<16xi32>,
        tpu.vector_store %arg7[%swap3A_395, %swap3A_396], %mul3A_393 {strides = array<i32>} : memref<4x144xi32, #tpu.memory_space<vmem>>, vector<16xi32>,
        %get3A_398 = arith.constant 2 : i32
        %get3A_399 = arith.index_cast %get3A_398 : i32 to index
        %get3A_400 = arith.constant 112 : index
        %get3A_401 = tpu.vector_load %arg5[%get3A_399, %get3A_400] {strides = array<i32>} : memref<4x128xi32, #tpu.memory_space<vmem>>, vector<16xi32>,
        %shift_right_logical3A_402 = arith.constant 1 : i32
        %shift_right_logical3A_403 = vector.broadcast %shift_right_logical3A_402 : i32 to vector<16xi32>
        %shift_right_logical3A_404 = arith.shrui %get3A_401, %shift_right_logical3A_403 : vector<16xi32>
        %swap3A_405 = arith.constant 2 : i32
        %swap3A_406 = arith.index_cast %swap3A_405 : i32 to index
        %swap3A_407 = arith.constant 112 : index
        %swap3A_408 = tpu.vector_load %arg6[%swap3A_406, %swap3A_407] {strides = array<i32>} : memref<4x128xi32, #tpu.memory_space<vmem>>, vector<16xi32>,
        tpu.vector_store %arg6[%swap3A_406, %swap3A_407], %shift_right_logical3A_404 {strides = array<i32>} : memref<4x128xi32, #tpu.memory_space<vmem>>, vector<16xi32>,
        %and3A_409 = arith.constant 1 : i32
        %and3A_410 = vector.broadcast %and3A_409 : i32 to vector<16xi32>
        %and3A_411 = arith.andi %get3A_401, %and3A_410 : vector<16xi32>
        %mul3A_412 = arith.constant 64 : i32
        %mul3A_413 = vector.broadcast %mul3A_412 : i32 to vector<16xi32>
        %mul3A_414 = arith.muli %and3A_411, %mul3A_413 : vector<16xi32>
        %swap3A_415 = arith.constant 2 : i32
        %swap3A_416 = arith.index_cast %swap3A_415 : i32 to index
        %swap3A_417 = arith.constant 112 : index
        %swap3A_418 = tpu.vector_load %arg7[%swap3A_416, %swap3A_417] {strides = array<i32>} : memref<4x144xi32, #tpu.memory_space<vmem>>, vector<16xi32>,
        tpu.vector_store %arg7[%swap3A_416, %swap3A_417], %mul3A_414 {strides = array<i32>} : memref<4x144xi32, #tpu.memory_space<vmem>>, vector<16xi32>,
        %add3A_419 = arith.constant 4 : i32
        %add3A_420 = arith.addi %add3A_206, %add3A_419 : i32
        %lt3A_421 = arith.constant 200 : i32
        %lt3A_422 = arith.cmpi slt, %add3A_420, %lt3A_421 : i32
        %convert_element_type3A_423 = arith.extui %lt3A_422 : i1 to i32
        %cond3A_424 = arith.constant 0 : i32
        %cond3A_425 = arith.cmpi ne, %convert_element_type3A_423, %cond3A_424 : i32
        scf.if %cond3A_425 {
          %add3A_441 = arith.constant 4 : i32
          %add3A_442 = arith.addi %add3A_206, %add3A_441 : i32
          %dma_start3A_443 = arith.constant 2 : i32
          %dma_start3A_444 = arith.constant 2 : i32
          %dma_start3A_445 = arith.constant 0 : i32
          %dma_start3A_446 = tpu.memref_slice %arg5[%dma_start3A_443, %dma_start3A_445] : memref<4x128xi32, #tpu.memory_space<vmem>> -> memref<1x128xi32, #tpu.memory_space<vmem>>
          %dma_start3A_447 = tpu.memref_squeeze %dma_start3A_446 : memref<1x128xi32, #tpu.memory_space<vmem>> -> memref<128xi32, #tpu.memory_space<vmem>>
          %dma_start3A_448 = tpu.memref_slice %arg2[%add3A_442, %mul3A_2] : memref<200x4096xi32, #tpu.memory_space<hbm>> -> memref<1x128xi32, #tpu.memory_space<hbm>>
          %dma_start3A_449 = tpu.memref_squeeze %dma_start3A_448 : memref<1x128xi32, #tpu.memory_space<hbm>> -> memref<128xi32, #tpu.memory_space<hbm>>
          %dma_start3A_450 = tpu.memref_slice %arg11[%dma_start3A_444] : memref<4x!tpu.dma_semaphore, #tpu.memory_space<semaphore_mem>> -> memref<1x!tpu.dma_semaphore, #tpu.memory_space<semaphore_mem>>
          %dma_start3A_451 = tpu.memref_squeeze %dma_start3A_450 : memref<1x!tpu.dma_semaphore, #tpu.memory_space<semaphore_mem>> -> memref<!tpu.dma_semaphore, #tpu.memory_space<semaphore_mem>>
          %dma_start3A_452 = arith.constant 0 : i32
          %dma_start3A_453 = tpu.memref_slice %arg5[%dma_start3A_443, %dma_start3A_452] : memref<4x128xi32, #tpu.memory_space<vmem>> -> memref<1x128xi32, #tpu.memory_space<vmem>>
          %dma_start3A_454 = tpu.memref_squeeze %dma_start3A_453 : memref<1x128xi32, #tpu.memory_space<vmem>> -> memref<128xi32, #tpu.memory_space<vmem>>
          %dma_start3A_455 = tpu.memref_slice %arg2[%add3A_442, %mul3A_2] : memref<200x4096xi32, #tpu.memory_space<hbm>> -> memref<1x128xi32, #tpu.memory_space<hbm>>
          %dma_start3A_456 = tpu.memref_squeeze %dma_start3A_455 : memref<1x128xi32, #tpu.memory_space<hbm>> -> memref<128xi32, #tpu.memory_space<hbm>>
          tpu.enqueue_dma source(%dma_start3A_456 : memref<128xi32, #tpu.memory_space<hbm>>) target(%dma_start3A_454 : memref<128xi32, #tpu.memory_space<vmem>>) target_semaphore(%dma_start3A_451 : memref<!tpu.dma_semaphore, #tpu.memory_space<semaphore_mem>>)
        } else {
        }
        %dma_start3A_426 = arith.constant 2 : i32
        %dma_start3A_427 = arith.constant 2 : i32
        %dma_start3A_428 = arith.constant 2 : i32
        %dma_start3A_429 = arith.constant 0 : i32
        %dma_start3A_430 = arith.constant 0 : i32
        %dma_start3A_431 = tpu.memref_slice %arg8[%dma_start3A_427, %dma_start3A_429, %dma_start3A_430] : memref<4x128x128xf32, #tpu.memory_space<vmem>> -> memref<1x128x128xf32, #tpu.memory_space<vmem>>
        %dma_start3A_432 = tpu.memref_squeeze %dma_start3A_431 : memref<1x128x128xf32, #tpu.memory_space<vmem>> -> memref<128x128xf32, #tpu.memory_space<vmem>>
        %dma_start3A_433 = arith.constant 0 : i32
        %dma_start3A_434 = tpu.memref_slice %arg6[%dma_start3A_426, %dma_start3A_433] : memref<4x128xi32, #tpu.memory_space<vmem>> -> memref<1x128xi32, #tpu.memory_space<vmem>>
        %dma_start3A_435 = tpu.memref_squeeze %dma_start3A_434 : memref<1x128xi32, #tpu.memory_space<vmem>> -> memref<128xi32, #tpu.memory_space<vmem>>
        %dma_start3A_436 = arith.constant 0 : i32
        %dma_start3A_437 = arith.constant 0 : i32
        %dma_start3A_438 = tpu.memref_slice %arg3[%dma_start3A_436, %dma_start3A_437] : memref<500000x128xf32, #tpu.memory_space<hbm>> -> memref<500000x128xf32, #tpu.memory_space<hbm>>
        %dma_start3A_439 = tpu.memref_slice %arg12[%dma_start3A_428] : memref<4x!tpu.dma_semaphore, #tpu.memory_space<semaphore_mem>> -> memref<1x!tpu.dma_semaphore, #tpu.memory_space<semaphore_mem>>
        %dma_start3A_440 = tpu.memref_squeeze %dma_start3A_439 : memref<1x!tpu.dma_semaphore, #tpu.memory_space<semaphore_mem>> -> memref<!tpu.dma_semaphore, #tpu.memory_space<semaphore_mem>>
        tpu.enqueue_indirect_dma source(%dma_start3A_438 : memref<500000x128xf32, #tpu.memory_space<hbm>>) target(%dma_start3A_432 : memref<128x128xf32, #tpu.memory_space<vmem>>) offsets(%dma_start3A_435 : memref<128xi32, #tpu.memory_space<vmem>>) semaphore(%dma_start3A_440 : memref<!tpu.dma_semaphore, #tpu.memory_space<semaphore_mem>>)
      } else {
      }
      %ge3A_212 = arith.constant 3 : i32
      %ge3A_213 = arith.cmpi sge, %add3A_206, %ge3A_212 : i32
      %lt3A_214 = arith.constant 203 : i32
      %lt3A_215 = arith.cmpi slt, %add3A_206, %lt3A_214 : i32
      %and3A_216 = arith.andi %ge3A_213, %lt3A_215 : i1
      %convert_element_type3A_217 = arith.extui %and3A_216 : i1 to i32
      %cond3A_218 = arith.constant 0 : i32
      %cond3A_219 = arith.cmpi ne, %convert_element_type3A_217, %cond3A_218 : i32
      scf.if %cond3A_219 {
        %sub3A = arith.constant 3 : i32
        %sub3A_237 = arith.subi %add3A_206, %sub3A : i32
        %ge3A_238 = arith.constant 7 : i32
        %ge3A_239 = arith.cmpi sge, %add3A_206, %ge3A_238 : i32
        %convert_element_type3A_240 = arith.extui %ge3A_239 : i1 to i32
        %cond3A_241 = arith.constant 0 : i32
        %cond3A_242 = arith.cmpi ne, %convert_element_type3A_240, %cond3A_241 : i32
        scf.if %cond3A_242 {
          %dma_wait3A_290 = arith.constant 3 : i32
          %dma_wait3A_291 = arith.constant 0 : i32
          %dma_wait3A_292 = arith.constant 0 : i32
          %dma_wait3A_293 = arith.constant 3 : i32
          %dma_wait3A_294 = arith.constant 0 : i32
          %dma_wait3A_295 = arith.constant 0 : i32
          %dma_wait3A_296 = arith.constant 0 : i32
          %dma_wait3A_297 = tpu.memref_slice %arg10[%dma_wait3A_290, %dma_wait3A_294, %dma_wait3A_295, %dma_wait3A_296] : memref<4x8x8x128xf32, #tpu.memory_space<vmem>> -> memref<1x8x8x128xf32, #tpu.memory_space<vmem>>
          %dma_wait3A_298 = tpu.memref_squeeze %dma_wait3A_297 : memref<1x8x8x128xf32, #tpu.memory_space<vmem>> -> memref<8x8x128xf32, #tpu.memory_space<vmem>>
          %dma_wait3A_299 = arith.constant 0 : i32
          %dma_wait3A_300 = arith.constant 0 : i32
          %dma_wait3A_301 = arith.constant 0 : i32
          %dma_wait3A_302 = tpu.memref_slice %arg4[%dma_wait3A_291, %dma_wait3A_299, %dma_wait3A_292, %dma_wait3A_300, %dma_wait3A_301] : memref<200x8x32x8x128xf32, #tpu.memory_space<hbm>> -> memref<1x8x1x8x128xf32, #tpu.memory_space<hbm>>
          %dma_wait3A_303 = tpu.memref_squeeze %dma_wait3A_302 : memref<1x8x1x8x128xf32, #tpu.memory_space<hbm>> -> memref<8x8x128xf32, #tpu.memory_space<hbm>>
          %dma_wait3A_304 = tpu.memref_slice %arg13[%dma_wait3A_293] : memref<4x!tpu.dma_semaphore, #tpu.memory_space<semaphore_mem>> -> memref<1x!tpu.dma_semaphore, #tpu.memory_space<semaphore_mem>>
          %dma_wait3A_305 = tpu.memref_squeeze %dma_wait3A_304 : memref<1x!tpu.dma_semaphore, #tpu.memory_space<semaphore_mem>> -> memref<!tpu.dma_semaphore, #tpu.memory_space<semaphore_mem>>
          %dma_wait3A_306 = arith.constant 0 : i32
          %dma_wait3A_307 = arith.constant 0 : i32
          %dma_wait3A_308 = arith.constant 0 : i32
          %dma_wait3A_309 = tpu.memref_slice %arg4[%dma_wait3A_291, %dma_wait3A_306, %dma_wait3A_292, %dma_wait3A_307, %dma_wait3A_308] : memref<200x8x32x8x128xf32, #tpu.memory_space<hbm>> -> memref<1x8x1x8x128xf32, #tpu.memory_space<hbm>>
          %dma_wait3A_310 = tpu.memref_squeeze %dma_wait3A_309 : memref<1x8x1x8x128xf32, #tpu.memory_space<hbm>> -> memref<8x8x128xf32, #tpu.memory_space<hbm>>
          %dma_wait3A_311 = arith.constant 0 : i32
          %dma_wait3A_312 = arith.constant 0 : i32
          %dma_wait3A_313 = arith.constant 0 : i32
          %dma_wait3A_314 = tpu.memref_slice %arg10[%dma_wait3A_290, %dma_wait3A_311, %dma_wait3A_312, %dma_wait3A_313] : memref<4x8x8x128xf32, #tpu.memory_space<vmem>> -> memref<1x8x8x128xf32, #tpu.memory_space<vmem>>
          %dma_wait3A_315 = tpu.memref_squeeze %dma_wait3A_314 : memref<1x8x8x128xf32, #tpu.memory_space<vmem>> -> memref<8x8x128xf32, #tpu.memory_space<vmem>>
          tpu.wait_dma2 semaphore(%dma_wait3A_305 : memref<!tpu.dma_semaphore, #tpu.memory_space<semaphore_mem>>) src(%dma_wait3A_315 : memref<8x8x128xf32, #tpu.memory_space<vmem>>) dst(%dma_wait3A_310 : memref<8x8x128xf32, #tpu.memory_space<hbm>>)
        } else {
        }
        %dma_wait3A_243 = arith.constant 3 : i32
        %dma_wait3A_244 = arith.constant 3 : i32
        %dma_wait3A_245 = arith.constant 0 : i32
        %dma_wait3A_246 = arith.constant 0 : i32
        %dma_wait3A_247 = tpu.memref_slice %arg8[%dma_wait3A_243, %dma_wait3A_245, %dma_wait3A_246] : memref<4x128x128xf32, #tpu.memory_space<vmem>> -> memref<1x128x128xf32, #tpu.memory_space<vmem>>
        %dma_wait3A_248 = tpu.memref_squeeze %dma_wait3A_247 : memref<1x128x128xf32, #tpu.memory_space<vmem>> -> memref<128x128xf32, #tpu.memory_space<vmem>>
        %dma_wait3A_249 = arith.constant 0 : i32
        %dma_wait3A_250 = arith.constant 0 : i32
        %dma_wait3A_251 = tpu.memref_slice %arg3[%dma_wait3A_249, %dma_wait3A_250] : memref<500000x128xf32, #tpu.memory_space<hbm>> -> memref<128x128xf32, #tpu.memory_space<hbm>>
        %dma_wait3A_252 = tpu.memref_slice %arg12[%dma_wait3A_244] : memref<4x!tpu.dma_semaphore, #tpu.memory_space<semaphore_mem>> -> memref<1x!tpu.dma_semaphore, #tpu.memory_space<semaphore_mem>>
        %dma_wait3A_253 = tpu.memref_squeeze %dma_wait3A_252 : memref<1x!tpu.dma_semaphore, #tpu.memory_space<semaphore_mem>> -> memref<!tpu.dma_semaphore, #tpu.memory_space<semaphore_mem>>
        %dma_wait3A_254 = arith.constant 0 : i32
        %dma_wait3A_255 = arith.constant 0 : i32
        %dma_wait3A_256 = tpu.memref_slice %arg8[%dma_wait3A_243, %dma_wait3A_254, %dma_wait3A_255] : memref<4x128x128xf32, #tpu.memory_space<vmem>> -> memref<1x128x128xf32, #tpu.memory_space<vmem>>
        %dma_wait3A_257 = tpu.memref_squeeze %dma_wait3A_256 : memref<1x128x128xf32, #tpu.memory_space<vmem>> -> memref<128x128xf32, #tpu.memory_space<vmem>>
        %dma_wait3A_258 = arith.constant 0 : i32
        %dma_wait3A_259 = arith.constant 0 : i32
        %dma_wait3A_260 = tpu.memref_slice %arg3[%dma_wait3A_258, %dma_wait3A_259] : memref<500000x128xf32, #tpu.memory_space<hbm>> -> memref<128x128xf32, #tpu.memory_space<hbm>>
        tpu.wait_dma2 semaphore(%dma_wait3A_253 : memref<!tpu.dma_semaphore, #tpu.memory_space<semaphore_mem>>) src(%dma_wait3A_260 : memref<128x128xf32, #tpu.memory_space<hbm>>) dst(%dma_wait3A_257 : memref<128x128xf32, #tpu.memory_space<vmem>>)
        %parallel_loop3A = arith.constant 0 : i32
        %parallel_loop3A_261 = arith.constant 128 : i32
        %parallel_loop3A_262 = arith.constant 1 : i32
        scf.for %parallel_loop3A_290 = %parallel_loop3A to %parallel_loop3A_261 step %parallel_loop3A_262  : i32 {
          %parallel_loop3A_291 = arith.constant 3 : i32
          %parallel_loop3A_292 = arith.index_cast %parallel_loop3A_291 : i32 to index
          %parallel_loop3A_293 = arith.index_cast %parallel_loop3A_290 : i32 to index
          %parallel_loop3A_294 = tpu.vector_load %arg7[%parallel_loop3A_292, %parallel_loop3A_293] {strides = array<i32>} : memref<4x144xi32, #tpu.memory_space<vmem>>, vector<16xi32>,
          %parallel_loop3A_295 = vector.extract_strided_slice %parallel_loop3A_294 {offsets = [0], sizes = [1], strides = [1]} : vector<16xi32> to vector<1xi32>
          %parallel_loop3A_296 = vector.extract %parallel_loop3A_295[0] : i32 from vector<1xi32>
          %parallel_loop3A_297 = arith.constant 0 : i32
          %parallel_loop3A_298 = arith.addi %parallel_loop3A_296, %parallel_loop3A_297 : i32
          %parallel_loop3A_299 = arith.constant 3 : i32
          %parallel_loop3A_300 = arith.index_cast %parallel_loop3A_299 : i32 to index
          %parallel_loop3A_301 = arith.index_cast %parallel_loop3A_290 : i32 to index
          %parallel_loop3A_302 = arith.index_cast %parallel_loop3A_298 : i32 to index
          %parallel_loop3A_303 = tpu.vector_load %arg8[%parallel_loop3A_300, %parallel_loop3A_301, %parallel_loop3A_302] {strides = array<i32>} : memref<4x128x128xf32, #tpu.memory_space<vmem>>, vector<16xf32>,
          %parallel_loop3A_304 = arith.constant 0 : i32
          %parallel_loop3A_305 = arith.addi %parallel_loop3A_304, %parallel_loop3A_290 : i32
          %parallel_loop3A_306 = vector.broadcast %parallel_loop3A_305 : i32 to vector<16xi32>
          %parallel_loop3A_307 = arith.addi %mul3A_5, %parallel_loop3A_306 : vector<16xi32>
          tpu.vector_store_idx %arg9[%parallel_loop3A_307], %parallel_loop3A_303 : memref<8640xf32, #tpu.memory_space<vmem>>[vector<16xi32>], vector<16xf32>,
          %parallel_loop3A_308 = arith.constant 16 : i32
          %parallel_loop3A_309 = arith.addi %parallel_loop3A_296, %parallel_loop3A_308 : i32
          %parallel_loop3A_310 = arith.constant 3 : i32
          %parallel_loop3A_311 = arith.index_cast %parallel_loop3A_310 : i32 to index
          %parallel_loop3A_312 = arith.index_cast %parallel_loop3A_290 : i32 to index
          %parallel_loop3A_313 = arith.index_cast %parallel_loop3A_309 : i32 to index
          %parallel_loop3A_314 = tpu.vector_load %arg8[%parallel_loop3A_311, %parallel_loop3A_312, %parallel_loop3A_313] {strides = array<i32>} : memref<4x128x128xf32, #tpu.memory_space<vmem>>, vector<16xf32>,
          %parallel_loop3A_315 = arith.constant 2160 : i32
          %parallel_loop3A_316 = arith.addi %parallel_loop3A_315, %parallel_loop3A_290 : i32
          %parallel_loop3A_317 = vector.broadcast %parallel_loop3A_316 : i32 to vector<16xi32>
          %parallel_loop3A_318 = arith.addi %mul3A_5, %parallel_loop3A_317 : vector<16xi32>
          tpu.vector_store_idx %arg9[%parallel_loop3A_318], %parallel_loop3A_314 : memref<8640xf32, #tpu.memory_space<vmem>>[vector<16xi32>], vector<16xf32>,
          %parallel_loop3A_319 = arith.constant 32 : i32
          %parallel_loop3A_320 = arith.addi %parallel_loop3A_296, %parallel_loop3A_319 : i32
          %parallel_loop3A_321 = arith.constant 3 : i32
          %parallel_loop3A_322 = arith.index_cast %parallel_loop3A_321 : i32 to index
          %parallel_loop3A_323 = arith.index_cast %parallel_loop3A_290 : i32 to index
          %parallel_loop3A_324 = arith.index_cast %parallel_loop3A_320 : i32 to index
          %parallel_loop3A_325 = tpu.vector_load %arg8[%parallel_loop3A_322, %parallel_loop3A_323, %parallel_loop3A_324] {strides = array<i32>} : memref<4x128x128xf32, #tpu.memory_space<vmem>>, vector<16xf32>,
          %parallel_loop3A_326 = arith.constant 4320 : i32
          %parallel_loop3A_327 = arith.addi %parallel_loop3A_326, %parallel_loop3A_290 : i32
          %parallel_loop3A_328 = vector.broadcast %parallel_loop3A_327 : i32 to vector<16xi32>
          %parallel_loop3A_329 = arith.addi %mul3A_5, %parallel_loop3A_328 : vector<16xi32>
          tpu.vector_store_idx %arg9[%parallel_loop3A_329], %parallel_loop3A_325 : memref<8640xf32, #tpu.memory_space<vmem>>[vector<16xi32>], vector<16xf32>,
          %parallel_loop3A_330 = arith.constant 48 : i32
          %parallel_loop3A_331 = arith.addi %parallel_loop3A_296, %parallel_loop3A_330 : i32
          %parallel_loop3A_332 = arith.constant 3 : i32
          %parallel_loop3A_333 = arith.index_cast %parallel_loop3A_332 : i32 to index
          %parallel_loop3A_334 = arith.index_cast %parallel_loop3A_290 : i32 to index
          %parallel_loop3A_335 = arith.index_cast %parallel_loop3A_331 : i32 to index
          %parallel_loop3A_336 = tpu.vector_load %arg8[%parallel_loop3A_333, %parallel_loop3A_334, %parallel_loop3A_335] {strides = array<i32>} : memref<4x128x128xf32, #tpu.memory_space<vmem>>, vector<16xf32>,
          %parallel_loop3A_337 = arith.constant 6480 : i32
          %parallel_loop3A_338 = arith.addi %parallel_loop3A_337, %parallel_loop3A_290 : i32
          %parallel_loop3A_339 = vector.broadcast %parallel_loop3A_338 : i32 to vector<16xi32>
          %parallel_loop3A_340 = arith.addi %mul3A_5, %parallel_loop3A_339 : vector<16xi32>
          tpu.vector_store_idx %arg9[%parallel_loop3A_340], %parallel_loop3A_336 : memref<8640xf32, #tpu.memory_space<vmem>>[vector<16xi32>], vector<16xf32>,
        } {sc.loop_unroll_factor = 4 : i64, sc.parallel_access}
        %parallel_loop3A_263 = arith.constant 0 : i32
        %parallel_loop3A_264 = arith.constant 512 : i32
        %parallel_loop3A_265 = arith.constant 1 : i32
        scf.for %parallel_loop3A_290 = %parallel_loop3A_263 to %parallel_loop3A_264 step %parallel_loop3A_265  : i32 {
          %parallel_loop3A_291 = arith.constant 3 : i32
          %parallel_loop3A_292 = arith.shrui %parallel_loop3A_290, %parallel_loop3A_291 : i32
          %parallel_loop3A_293 = arith.constant 7 : i32
          %parallel_loop3A_294 = arith.andi %parallel_loop3A_290, %parallel_loop3A_293 : i32
          %parallel_loop3A_295 = arith.constant 135 : i32
          %parallel_loop3A_296 = arith.muli %parallel_loop3A_292, %parallel_loop3A_295 : i32
          %parallel_loop3A_297 = arith.constant 16 : i32
          %parallel_loop3A_298 = arith.muli %parallel_loop3A_294, %parallel_loop3A_297 : i32
          %parallel_loop3A_299 = arith.addi %parallel_loop3A_296, %parallel_loop3A_298 : i32
          %parallel_loop3A_300 = arith.index_cast %parallel_loop3A_299 : i32 to index
          %parallel_loop3A_301 = tpu.vector_load %arg9[%parallel_loop3A_300] {strides = array<i32>} : memref<8640xf32, #tpu.memory_space<vmem>>, vector<16xf32>,
          %parallel_loop3A_302 = arith.constant 3 : i32
          %parallel_loop3A_303 = arith.shrui %parallel_loop3A_292, %parallel_loop3A_302 : i32
          %parallel_loop3A_304 = arith.constant 7 : i32
          %parallel_loop3A_305 = arith.andi %parallel_loop3A_292, %parallel_loop3A_304 : i32
          %parallel_loop3A_306 = arith.constant 16 : i32
          %parallel_loop3A_307 = arith.muli %parallel_loop3A_294, %parallel_loop3A_306 : i32
          %parallel_loop3A_308 = arith.constant 3 : i32
          %parallel_loop3A_309 = arith.index_cast %parallel_loop3A_308 : i32 to index
          %parallel_loop3A_310 = arith.index_cast %parallel_loop3A_303 : i32 to index
          %parallel_loop3A_311 = arith.index_cast %parallel_loop3A_305 : i32 to index
          %parallel_loop3A_312 = arith.index_cast %parallel_loop3A_307 : i32 to index
          %parallel_loop3A_313 = tpu.vector_load %arg10[%parallel_loop3A_309, %parallel_loop3A_310, %parallel_loop3A_311, %parallel_loop3A_312] {strides = array<i32>} : memref<4x8x8x128xf32, #tpu.memory_space<vmem>>, vector<16xf32>,
          tpu.vector_store %arg10[%parallel_loop3A_309, %parallel_loop3A_310, %parallel_loop3A_311, %parallel_loop3A_312], %parallel_loop3A_301 {strides = array<i32>} : memref<4x8x8x128xf32, #tpu.memory_space<vmem>>, vector<16xf32>,
        } {sc.loop_unroll_factor = 8 : i64, sc.parallel_access}
        %dma_start3A_266 = arith.constant 3 : i32
        %dma_start3A_267 = arith.constant 3 : i32
        %dma_start3A_268 = arith.constant 0 : i32
        %dma_start3A_269 = arith.constant 0 : i32
        %dma_start3A_270 = arith.constant 0 : i32
        %dma_start3A_271 = tpu.memref_slice %arg10[%dma_start3A_266, %dma_start3A_268, %dma_start3A_269, %dma_start3A_270] : memref<4x8x8x128xf32, #tpu.memory_space<vmem>> -> memref<1x8x8x128xf32, #tpu.memory_space<vmem>>
        %dma_start3A_272 = tpu.memref_squeeze %dma_start3A_271 : memref<1x8x8x128xf32, #tpu.memory_space<vmem>> -> memref<8x8x128xf32, #tpu.memory_space<vmem>>
        %dma_start3A_273 = arith.constant 0 : i32
        %dma_start3A_274 = arith.constant 0 : i32
        %dma_start3A_275 = arith.constant 0 : i32
        %dma_start3A_276 = tpu.memref_slice %arg4[%sub3A_237, %dma_start3A_273, %add3A, %dma_start3A_274, %dma_start3A_275] : memref<200x8x32x8x128xf32, #tpu.memory_space<hbm>> -> memref<1x8x1x8x128xf32, #tpu.memory_space<hbm>>
        %dma_start3A_277 = tpu.memref_squeeze %dma_start3A_276 : memref<1x8x1x8x128xf32, #tpu.memory_space<hbm>> -> memref<8x8x128xf32, #tpu.memory_space<hbm>>
        %dma_start3A_278 = tpu.memref_slice %arg13[%dma_start3A_267] : memref<4x!tpu.dma_semaphore, #tpu.memory_space<semaphore_mem>> -> memref<1x!tpu.dma_semaphore, #tpu.memory_space<semaphore_mem>>
        %dma_start3A_279 = tpu.memref_squeeze %dma_start3A_278 : memref<1x!tpu.dma_semaphore, #tpu.memory_space<semaphore_mem>> -> memref<!tpu.dma_semaphore, #tpu.memory_space<semaphore_mem>>
        %dma_start3A_280 = arith.constant 0 : i32
        %dma_start3A_281 = arith.constant 0 : i32
        %dma_start3A_282 = arith.constant 0 : i32
        %dma_start3A_283 = tpu.memref_slice %arg4[%sub3A_237, %dma_start3A_280, %add3A, %dma_start3A_281, %dma_start3A_282] : memref<200x8x32x8x128xf32, #tpu.memory_space<hbm>> -> memref<1x8x1x8x128xf32, #tpu.memory_space<hbm>>
        %dma_start3A_284 = tpu.memref_squeeze %dma_start3A_283 : memref<1x8x1x8x128xf32, #tpu.memory_space<hbm>> -> memref<8x8x128xf32, #tpu.memory_space<hbm>>
        %dma_start3A_285 = arith.constant 0 : i32
        %dma_start3A_286 = arith.constant 0 : i32
        %dma_start3A_287 = arith.constant 0 : i32
        %dma_start3A_288 = tpu.memref_slice %arg10[%dma_start3A_266, %dma_start3A_285, %dma_start3A_286, %dma_start3A_287] : memref<4x8x8x128xf32, #tpu.memory_space<vmem>> -> memref<1x8x8x128xf32, #tpu.memory_space<vmem>>
        %dma_start3A_289 = tpu.memref_squeeze %dma_start3A_288 : memref<1x8x8x128xf32, #tpu.memory_space<vmem>> -> memref<8x8x128xf32, #tpu.memory_space<vmem>>
        tpu.enqueue_dma source(%dma_start3A_289 : memref<8x8x128xf32, #tpu.memory_space<vmem>>) target(%dma_start3A_284 : memref<8x8x128xf32, #tpu.memory_space<hbm>>) target_semaphore(%dma_start3A_279 : memref<!tpu.dma_semaphore, #tpu.memory_space<semaphore_mem>>)
      } else {
      }
      %mul3A_220 = arith.constant 4 : i32
      %mul3A_221 = arith.muli %mul3A_220, %scan3A_173 : i32
      %add3A_222 = arith.constant 3 : i32
      %add3A_223 = arith.addi %mul3A_221, %add3A_222 : i32
      %lt3A_224 = arith.constant 200 : i32
      %lt3A_225 = arith.cmpi slt, %add3A_223, %lt3A_224 : i32
      %convert_element_type3A_226 = arith.extui %lt3A_225 : i1 to i32
      %cond3A_227 = arith.constant 0 : i32
      %cond3A_228 = arith.cmpi ne, %convert_element_type3A_226, %cond3A_227 : i32
      scf.if %cond3A_228 {
        %dma_wait3A_237 = arith.constant 0 : i32
        %dma_wait3A_238 = arith.constant 3 : i32
        %dma_wait3A_239 = arith.constant 3 : i32
        %dma_wait3A_240 = arith.constant 0 : i32
        %dma_wait3A_241 = tpu.memref_slice %arg5[%dma_wait3A_238, %dma_wait3A_240] : memref<4x128xi32, #tpu.memory_space<vmem>> -> memref<1x128xi32, #tpu.memory_space<vmem>>
        %dma_wait3A_242 = tpu.memref_squeeze %dma_wait3A_241 : memref<1x128xi32, #tpu.memory_space<vmem>> -> memref<128xi32, #tpu.memory_space<vmem>>
        %dma_wait3A_243 = arith.constant 0 : i32
        %dma_wait3A_244 = tpu.memref_slice %arg2[%dma_wait3A_237, %dma_wait3A_243] : memref<200x4096xi32, #tpu.memory_space<hbm>> -> memref<1x128xi32, #tpu.memory_space<hbm>>
        %dma_wait3A_245 = tpu.memref_squeeze %dma_wait3A_244 : memref<1x128xi32, #tpu.memory_space<hbm>> -> memref<128xi32, #tpu.memory_space<hbm>>
        %dma_wait3A_246 = tpu.memref_slice %arg11[%dma_wait3A_239] : memref<4x!tpu.dma_semaphore, #tpu.memory_space<semaphore_mem>> -> memref<1x!tpu.dma_semaphore, #tpu.memory_space<semaphore_mem>>
        %dma_wait3A_247 = tpu.memref_squeeze %dma_wait3A_246 : memref<1x!tpu.dma_semaphore, #tpu.memory_space<semaphore_mem>> -> memref<!tpu.dma_semaphore, #tpu.memory_space<semaphore_mem>>
        %dma_wait3A_248 = arith.constant 0 : i32
        %dma_wait3A_249 = tpu.memref_slice %arg5[%dma_wait3A_238, %dma_wait3A_248] : memref<4x128xi32, #tpu.memory_space<vmem>> -> memref<1x128xi32, #tpu.memory_space<vmem>>
        %dma_wait3A_250 = tpu.memref_squeeze %dma_wait3A_249 : memref<1x128xi32, #tpu.memory_space<vmem>> -> memref<128xi32, #tpu.memory_space<vmem>>
        %dma_wait3A_251 = arith.constant 0 : i32
        %dma_wait3A_252 = tpu.memref_slice %arg2[%dma_wait3A_237, %dma_wait3A_251] : memref<200x4096xi32, #tpu.memory_space<hbm>> -> memref<1x128xi32, #tpu.memory_space<hbm>>
        %dma_wait3A_253 = tpu.memref_squeeze %dma_wait3A_252 : memref<1x128xi32, #tpu.memory_space<hbm>> -> memref<128xi32, #tpu.memory_space<hbm>>
        tpu.wait_dma2 semaphore(%dma_wait3A_247 : memref<!tpu.dma_semaphore, #tpu.memory_space<semaphore_mem>>) src(%dma_wait3A_253 : memref<128xi32, #tpu.memory_space<hbm>>) dst(%dma_wait3A_250 : memref<128xi32, #tpu.memory_space<vmem>>)
        %get3A = arith.constant 3 : i32
        %get3A_254 = arith.index_cast %get3A : i32 to index
        %get3A_255 = arith.constant 0 : index
        %get3A_256 = tpu.vector_load %arg5[%get3A_254, %get3A_255] {strides = array<i32>} : memref<4x128xi32, #tpu.memory_space<vmem>>, vector<16xi32>,
        %shift_right_logical3A = arith.constant 1 : i32
        %shift_right_logical3A_257 = vector.broadcast %shift_right_logical3A : i32 to vector<16xi32>
        %shift_right_logical3A_258 = arith.shrui %get3A_256, %shift_right_logical3A_257 : vector<16xi32>
        %swap3A = arith.constant 3 : i32
        %swap3A_259 = arith.index_cast %swap3A : i32 to index
        %swap3A_260 = arith.constant 0 : index
        %swap3A_261 = tpu.vector_load %arg6[%swap3A_259, %swap3A_260] {strides = array<i32>} : memref<4x128xi32, #tpu.memory_space<vmem>>, vector<16xi32>,
        tpu.vector_store %arg6[%swap3A_259, %swap3A_260], %shift_right_logical3A_258 {strides = array<i32>} : memref<4x128xi32, #tpu.memory_space<vmem>>, vector<16xi32>,
        %and3A_262 = arith.constant 1 : i32
        %and3A_263 = vector.broadcast %and3A_262 : i32 to vector<16xi32>
        %and3A_264 = arith.andi %get3A_256, %and3A_263 : vector<16xi32>
        %mul3A_265 = arith.constant 64 : i32
        %mul3A_266 = vector.broadcast %mul3A_265 : i32 to vector<16xi32>
        %mul3A_267 = arith.muli %and3A_264, %mul3A_266 : vector<16xi32>
        %swap3A_268 = arith.constant 3 : i32
        %swap3A_269 = arith.index_cast %swap3A_268 : i32 to index
        %swap3A_270 = arith.constant 0 : index
        %swap3A_271 = tpu.vector_load %arg7[%swap3A_269, %swap3A_270] {strides = array<i32>} : memref<4x144xi32, #tpu.memory_space<vmem>>, vector<16xi32>,
        tpu.vector_store %arg7[%swap3A_269, %swap3A_270], %mul3A_267 {strides = array<i32>} : memref<4x144xi32, #tpu.memory_space<vmem>>, vector<16xi32>,
        %get3A_272 = arith.constant 3 : i32
        %get3A_273 = arith.index_cast %get3A_272 : i32 to index
        %get3A_274 = arith.constant 16 : index
        %get3A_275 = tpu.vector_load %arg5[%get3A_273, %get3A_274] {strides = array<i32>} : memref<4x128xi32, #tpu.memory_space<vmem>>, vector<16xi32>,
        %shift_right_logical3A_276 = arith.constant 1 : i32
        %shift_right_logical3A_277 = vector.broadcast %shift_right_logical3A_276 : i32 to vector<16xi32>
        %shift_right_logical3A_278 = arith.shrui %get3A_275, %shift_right_logical3A_277 : vector<16xi32>
        %swap3A_279 = arith.constant 3 : i32
        %swap3A_280 = arith.index_cast %swap3A_279 : i32 to index
        %swap3A_281 = arith.constant 16 : index
        %swap3A_282 = tpu.vector_load %arg6[%swap3A_280, %swap3A_281] {strides = array<i32>} : memref<4x128xi32, #tpu.memory_space<vmem>>, vector<16xi32>,
        tpu.vector_store %arg6[%swap3A_280, %swap3A_281], %shift_right_logical3A_278 {strides = array<i32>} : memref<4x128xi32, #tpu.memory_space<vmem>>, vector<16xi32>,
        %and3A_283 = arith.constant 1 : i32
        %and3A_284 = vector.broadcast %and3A_283 : i32 to vector<16xi32>
        %and3A_285 = arith.andi %get3A_275, %and3A_284 : vector<16xi32>
        %mul3A_286 = arith.constant 64 : i32
        %mul3A_287 = vector.broadcast %mul3A_286 : i32 to vector<16xi32>
        %mul3A_288 = arith.muli %and3A_285, %mul3A_287 : vector<16xi32>
        %swap3A_289 = arith.constant 3 : i32
        %swap3A_290 = arith.index_cast %swap3A_289 : i32 to index
        %swap3A_291 = arith.constant 16 : index
        %swap3A_292 = tpu.vector_load %arg7[%swap3A_290, %swap3A_291] {strides = array<i32>} : memref<4x144xi32, #tpu.memory_space<vmem>>, vector<16xi32>,
        tpu.vector_store %arg7[%swap3A_290, %swap3A_291], %mul3A_288 {strides = array<i32>} : memref<4x144xi32, #tpu.memory_space<vmem>>, vector<16xi32>,
        %get3A_293 = arith.constant 3 : i32
        %get3A_294 = arith.index_cast %get3A_293 : i32 to index
        %get3A_295 = arith.constant 32 : index
        %get3A_296 = tpu.vector_load %arg5[%get3A_294, %get3A_295] {strides = array<i32>} : memref<4x128xi32, #tpu.memory_space<vmem>>, vector<16xi32>,
        %shift_right_logical3A_297 = arith.constant 1 : i32
        %shift_right_logical3A_298 = vector.broadcast %shift_right_logical3A_297 : i32 to vector<16xi32>
        %shift_right_logical3A_299 = arith.shrui %get3A_296, %shift_right_logical3A_298 : vector<16xi32>
        %swap3A_300 = arith.constant 3 : i32
        %swap3A_301 = arith.index_cast %swap3A_300 : i32 to index
        %swap3A_302 = arith.constant 32 : index
        %swap3A_303 = tpu.vector_load %arg6[%swap3A_301, %swap3A_302] {strides = array<i32>} : memref<4x128xi32, #tpu.memory_space<vmem>>, vector<16xi32>,
        tpu.vector_store %arg6[%swap3A_301, %swap3A_302], %shift_right_logical3A_299 {strides = array<i32>} : memref<4x128xi32, #tpu.memory_space<vmem>>, vector<16xi32>,
        %and3A_304 = arith.constant 1 : i32
        %and3A_305 = vector.broadcast %and3A_304 : i32 to vector<16xi32>
        %and3A_306 = arith.andi %get3A_296, %and3A_305 : vector<16xi32>
        %mul3A_307 = arith.constant 64 : i32
        %mul3A_308 = vector.broadcast %mul3A_307 : i32 to vector<16xi32>
        %mul3A_309 = arith.muli %and3A_306, %mul3A_308 : vector<16xi32>
        %swap3A_310 = arith.constant 3 : i32
        %swap3A_311 = arith.index_cast %swap3A_310 : i32 to index
        %swap3A_312 = arith.constant 32 : index
        %swap3A_313 = tpu.vector_load %arg7[%swap3A_311, %swap3A_312] {strides = array<i32>} : memref<4x144xi32, #tpu.memory_space<vmem>>, vector<16xi32>,
        tpu.vector_store %arg7[%swap3A_311, %swap3A_312], %mul3A_309 {strides = array<i32>} : memref<4x144xi32, #tpu.memory_space<vmem>>, vector<16xi32>,
        %get3A_314 = arith.constant 3 : i32
        %get3A_315 = arith.index_cast %get3A_314 : i32 to index
        %get3A_316 = arith.constant 48 : index
        %get3A_317 = tpu.vector_load %arg5[%get3A_315, %get3A_316] {strides = array<i32>} : memref<4x128xi32, #tpu.memory_space<vmem>>, vector<16xi32>,
        %shift_right_logical3A_318 = arith.constant 1 : i32
        %shift_right_logical3A_319 = vector.broadcast %shift_right_logical3A_318 : i32 to vector<16xi32>
        %shift_right_logical3A_320 = arith.shrui %get3A_317, %shift_right_logical3A_319 : vector<16xi32>
        %swap3A_321 = arith.constant 3 : i32
        %swap3A_322 = arith.index_cast %swap3A_321 : i32 to index
        %swap3A_323 = arith.constant 48 : index
        %swap3A_324 = tpu.vector_load %arg6[%swap3A_322, %swap3A_323] {strides = array<i32>} : memref<4x128xi32, #tpu.memory_space<vmem>>, vector<16xi32>,
        tpu.vector_store %arg6[%swap3A_322, %swap3A_323], %shift_right_logical3A_320 {strides = array<i32>} : memref<4x128xi32, #tpu.memory_space<vmem>>, vector<16xi32>,
        %and3A_325 = arith.constant 1 : i32
        %and3A_326 = vector.broadcast %and3A_325 : i32 to vector<16xi32>
        %and3A_327 = arith.andi %get3A_317, %and3A_326 : vector<16xi32>
        %mul3A_328 = arith.constant 64 : i32
        %mul3A_329 = vector.broadcast %mul3A_328 : i32 to vector<16xi32>
        %mul3A_330 = arith.muli %and3A_327, %mul3A_329 : vector<16xi32>
        %swap3A_331 = arith.constant 3 : i32
        %swap3A_332 = arith.index_cast %swap3A_331 : i32 to index
        %swap3A_333 = arith.constant 48 : index
        %swap3A_334 = tpu.vector_load %arg7[%swap3A_332, %swap3A_333] {strides = array<i32>} : memref<4x144xi32, #tpu.memory_space<vmem>>, vector<16xi32>,
        tpu.vector_store %arg7[%swap3A_332, %swap3A_333], %mul3A_330 {strides = array<i32>} : memref<4x144xi32, #tpu.memory_space<vmem>>, vector<16xi32>,
        %get3A_335 = arith.constant 3 : i32
        %get3A_336 = arith.index_cast %get3A_335 : i32 to index
        %get3A_337 = arith.constant 64 : index
        %get3A_338 = tpu.vector_load %arg5[%get3A_336, %get3A_337] {strides = array<i32>} : memref<4x128xi32, #tpu.memory_space<vmem>>, vector<16xi32>,
        %shift_right_logical3A_339 = arith.constant 1 : i32
        %shift_right_logical3A_340 = vector.broadcast %shift_right_logical3A_339 : i32 to vector<16xi32>
        %shift_right_logical3A_341 = arith.shrui %get3A_338, %shift_right_logical3A_340 : vector<16xi32>
        %swap3A_342 = arith.constant 3 : i32
        %swap3A_343 = arith.index_cast %swap3A_342 : i32 to index
        %swap3A_344 = arith.constant 64 : index
        %swap3A_345 = tpu.vector_load %arg6[%swap3A_343, %swap3A_344] {strides = array<i32>} : memref<4x128xi32, #tpu.memory_space<vmem>>, vector<16xi32>,
        tpu.vector_store %arg6[%swap3A_343, %swap3A_344], %shift_right_logical3A_341 {strides = array<i32>} : memref<4x128xi32, #tpu.memory_space<vmem>>, vector<16xi32>,
        %and3A_346 = arith.constant 1 : i32
        %and3A_347 = vector.broadcast %and3A_346 : i32 to vector<16xi32>
        %and3A_348 = arith.andi %get3A_338, %and3A_347 : vector<16xi32>
        %mul3A_349 = arith.constant 64 : i32
        %mul3A_350 = vector.broadcast %mul3A_349 : i32 to vector<16xi32>
        %mul3A_351 = arith.muli %and3A_348, %mul3A_350 : vector<16xi32>
        %swap3A_352 = arith.constant 3 : i32
        %swap3A_353 = arith.index_cast %swap3A_352 : i32 to index
        %swap3A_354 = arith.constant 64 : index
        %swap3A_355 = tpu.vector_load %arg7[%swap3A_353, %swap3A_354] {strides = array<i32>} : memref<4x144xi32, #tpu.memory_space<vmem>>, vector<16xi32>,
        tpu.vector_store %arg7[%swap3A_353, %swap3A_354], %mul3A_351 {strides = array<i32>} : memref<4x144xi32, #tpu.memory_space<vmem>>, vector<16xi32>,
        %get3A_356 = arith.constant 3 : i32
        %get3A_357 = arith.index_cast %get3A_356 : i32 to index
        %get3A_358 = arith.constant 80 : index
        %get3A_359 = tpu.vector_load %arg5[%get3A_357, %get3A_358] {strides = array<i32>} : memref<4x128xi32, #tpu.memory_space<vmem>>, vector<16xi32>,
        %shift_right_logical3A_360 = arith.constant 1 : i32
        %shift_right_logical3A_361 = vector.broadcast %shift_right_logical3A_360 : i32 to vector<16xi32>
        %shift_right_logical3A_362 = arith.shrui %get3A_359, %shift_right_logical3A_361 : vector<16xi32>
        %swap3A_363 = arith.constant 3 : i32
        %swap3A_364 = arith.index_cast %swap3A_363 : i32 to index
        %swap3A_365 = arith.constant 80 : index
        %swap3A_366 = tpu.vector_load %arg6[%swap3A_364, %swap3A_365] {strides = array<i32>} : memref<4x128xi32, #tpu.memory_space<vmem>>, vector<16xi32>,
        tpu.vector_store %arg6[%swap3A_364, %swap3A_365], %shift_right_logical3A_362 {strides = array<i32>} : memref<4x128xi32, #tpu.memory_space<vmem>>, vector<16xi32>,
        %and3A_367 = arith.constant 1 : i32
        %and3A_368 = vector.broadcast %and3A_367 : i32 to vector<16xi32>
        %and3A_369 = arith.andi %get3A_359, %and3A_368 : vector<16xi32>
        %mul3A_370 = arith.constant 64 : i32
        %mul3A_371 = vector.broadcast %mul3A_370 : i32 to vector<16xi32>
        %mul3A_372 = arith.muli %and3A_369, %mul3A_371 : vector<16xi32>
        %swap3A_373 = arith.constant 3 : i32
        %swap3A_374 = arith.index_cast %swap3A_373 : i32 to index
        %swap3A_375 = arith.constant 80 : index
        %swap3A_376 = tpu.vector_load %arg7[%swap3A_374, %swap3A_375] {strides = array<i32>} : memref<4x144xi32, #tpu.memory_space<vmem>>, vector<16xi32>,
        tpu.vector_store %arg7[%swap3A_374, %swap3A_375], %mul3A_372 {strides = array<i32>} : memref<4x144xi32, #tpu.memory_space<vmem>>, vector<16xi32>,
        %get3A_377 = arith.constant 3 : i32
        %get3A_378 = arith.index_cast %get3A_377 : i32 to index
        %get3A_379 = arith.constant 96 : index
        %get3A_380 = tpu.vector_load %arg5[%get3A_378, %get3A_379] {strides = array<i32>} : memref<4x128xi32, #tpu.memory_space<vmem>>, vector<16xi32>,
        %shift_right_logical3A_381 = arith.constant 1 : i32
        %shift_right_logical3A_382 = vector.broadcast %shift_right_logical3A_381 : i32 to vector<16xi32>
        %shift_right_logical3A_383 = arith.shrui %get3A_380, %shift_right_logical3A_382 : vector<16xi32>
        %swap3A_384 = arith.constant 3 : i32
        %swap3A_385 = arith.index_cast %swap3A_384 : i32 to index
        %swap3A_386 = arith.constant 96 : index
        %swap3A_387 = tpu.vector_load %arg6[%swap3A_385, %swap3A_386] {strides = array<i32>} : memref<4x128xi32, #tpu.memory_space<vmem>>, vector<16xi32>,
        tpu.vector_store %arg6[%swap3A_385, %swap3A_386], %shift_right_logical3A_383 {strides = array<i32>} : memref<4x128xi32, #tpu.memory_space<vmem>>, vector<16xi32>,
        %and3A_388 = arith.constant 1 : i32
        %and3A_389 = vector.broadcast %and3A_388 : i32 to vector<16xi32>
        %and3A_390 = arith.andi %get3A_380, %and3A_389 : vector<16xi32>
        %mul3A_391 = arith.constant 64 : i32
        %mul3A_392 = vector.broadcast %mul3A_391 : i32 to vector<16xi32>
        %mul3A_393 = arith.muli %and3A_390, %mul3A_392 : vector<16xi32>
        %swap3A_394 = arith.constant 3 : i32
        %swap3A_395 = arith.index_cast %swap3A_394 : i32 to index
        %swap3A_396 = arith.constant 96 : index
        %swap3A_397 = tpu.vector_load %arg7[%swap3A_395, %swap3A_396] {strides = array<i32>} : memref<4x144xi32, #tpu.memory_space<vmem>>, vector<16xi32>,
        tpu.vector_store %arg7[%swap3A_395, %swap3A_396], %mul3A_393 {strides = array<i32>} : memref<4x144xi32, #tpu.memory_space<vmem>>, vector<16xi32>,
        %get3A_398 = arith.constant 3 : i32
        %get3A_399 = arith.index_cast %get3A_398 : i32 to index
        %get3A_400 = arith.constant 112 : index
        %get3A_401 = tpu.vector_load %arg5[%get3A_399, %get3A_400] {strides = array<i32>} : memref<4x128xi32, #tpu.memory_space<vmem>>, vector<16xi32>,
        %shift_right_logical3A_402 = arith.constant 1 : i32
        %shift_right_logical3A_403 = vector.broadcast %shift_right_logical3A_402 : i32 to vector<16xi32>
        %shift_right_logical3A_404 = arith.shrui %get3A_401, %shift_right_logical3A_403 : vector<16xi32>
        %swap3A_405 = arith.constant 3 : i32
        %swap3A_406 = arith.index_cast %swap3A_405 : i32 to index
        %swap3A_407 = arith.constant 112 : index
        %swap3A_408 = tpu.vector_load %arg6[%swap3A_406, %swap3A_407] {strides = array<i32>} : memref<4x128xi32, #tpu.memory_space<vmem>>, vector<16xi32>,
        tpu.vector_store %arg6[%swap3A_406, %swap3A_407], %shift_right_logical3A_404 {strides = array<i32>} : memref<4x128xi32, #tpu.memory_space<vmem>>, vector<16xi32>,
        %and3A_409 = arith.constant 1 : i32
        %and3A_410 = vector.broadcast %and3A_409 : i32 to vector<16xi32>
        %and3A_411 = arith.andi %get3A_401, %and3A_410 : vector<16xi32>
        %mul3A_412 = arith.constant 64 : i32
        %mul3A_413 = vector.broadcast %mul3A_412 : i32 to vector<16xi32>
        %mul3A_414 = arith.muli %and3A_411, %mul3A_413 : vector<16xi32>
        %swap3A_415 = arith.constant 3 : i32
        %swap3A_416 = arith.index_cast %swap3A_415 : i32 to index
        %swap3A_417 = arith.constant 112 : index
        %swap3A_418 = tpu.vector_load %arg7[%swap3A_416, %swap3A_417] {strides = array<i32>} : memref<4x144xi32, #tpu.memory_space<vmem>>, vector<16xi32>,
        tpu.vector_store %arg7[%swap3A_416, %swap3A_417], %mul3A_414 {strides = array<i32>} : memref<4x144xi32, #tpu.memory_space<vmem>>, vector<16xi32>,
        %add3A_419 = arith.constant 4 : i32
        %add3A_420 = arith.addi %add3A_223, %add3A_419 : i32
        %lt3A_421 = arith.constant 200 : i32
        %lt3A_422 = arith.cmpi slt, %add3A_420, %lt3A_421 : i32
        %convert_element_type3A_423 = arith.extui %lt3A_422 : i1 to i32
        %cond3A_424 = arith.constant 0 : i32
        %cond3A_425 = arith.cmpi ne, %convert_element_type3A_423, %cond3A_424 : i32
        scf.if %cond3A_425 {
          %add3A_441 = arith.constant 4 : i32
          %add3A_442 = arith.addi %add3A_223, %add3A_441 : i32
          %dma_start3A_443 = arith.constant 3 : i32
          %dma_start3A_444 = arith.constant 3 : i32
          %dma_start3A_445 = arith.constant 0 : i32
          %dma_start3A_446 = tpu.memref_slice %arg5[%dma_start3A_443, %dma_start3A_445] : memref<4x128xi32, #tpu.memory_space<vmem>> -> memref<1x128xi32, #tpu.memory_space<vmem>>
          %dma_start3A_447 = tpu.memref_squeeze %dma_start3A_446 : memref<1x128xi32, #tpu.memory_space<vmem>> -> memref<128xi32, #tpu.memory_space<vmem>>
          %dma_start3A_448 = tpu.memref_slice %arg2[%add3A_442, %mul3A_2] : memref<200x4096xi32, #tpu.memory_space<hbm>> -> memref<1x128xi32, #tpu.memory_space<hbm>>
          %dma_start3A_449 = tpu.memref_squeeze %dma_start3A_448 : memref<1x128xi32, #tpu.memory_space<hbm>> -> memref<128xi32, #tpu.memory_space<hbm>>
          %dma_start3A_450 = tpu.memref_slice %arg11[%dma_start3A_444] : memref<4x!tpu.dma_semaphore, #tpu.memory_space<semaphore_mem>> -> memref<1x!tpu.dma_semaphore, #tpu.memory_space<semaphore_mem>>
          %dma_start3A_451 = tpu.memref_squeeze %dma_start3A_450 : memref<1x!tpu.dma_semaphore, #tpu.memory_space<semaphore_mem>> -> memref<!tpu.dma_semaphore, #tpu.memory_space<semaphore_mem>>
          %dma_start3A_452 = arith.constant 0 : i32
          %dma_start3A_453 = tpu.memref_slice %arg5[%dma_start3A_443, %dma_start3A_452] : memref<4x128xi32, #tpu.memory_space<vmem>> -> memref<1x128xi32, #tpu.memory_space<vmem>>
          %dma_start3A_454 = tpu.memref_squeeze %dma_start3A_453 : memref<1x128xi32, #tpu.memory_space<vmem>> -> memref<128xi32, #tpu.memory_space<vmem>>
          %dma_start3A_455 = tpu.memref_slice %arg2[%add3A_442, %mul3A_2] : memref<200x4096xi32, #tpu.memory_space<hbm>> -> memref<1x128xi32, #tpu.memory_space<hbm>>
          %dma_start3A_456 = tpu.memref_squeeze %dma_start3A_455 : memref<1x128xi32, #tpu.memory_space<hbm>> -> memref<128xi32, #tpu.memory_space<hbm>>
          tpu.enqueue_dma source(%dma_start3A_456 : memref<128xi32, #tpu.memory_space<hbm>>) target(%dma_start3A_454 : memref<128xi32, #tpu.memory_space<vmem>>) target_semaphore(%dma_start3A_451 : memref<!tpu.dma_semaphore, #tpu.memory_space<semaphore_mem>>)
        } else {
        }
        %dma_start3A_426 = arith.constant 3 : i32
        %dma_start3A_427 = arith.constant 3 : i32
        %dma_start3A_428 = arith.constant 3 : i32
        %dma_start3A_429 = arith.constant 0 : i32
        %dma_start3A_430 = arith.constant 0 : i32
        %dma_start3A_431 = tpu.memref_slice %arg8[%dma_start3A_427, %dma_start3A_429, %dma_start3A_430] : memref<4x128x128xf32, #tpu.memory_space<vmem>> -> memref<1x128x128xf32, #tpu.memory_space<vmem>>
        %dma_start3A_432 = tpu.memref_squeeze %dma_start3A_431 : memref<1x128x128xf32, #tpu.memory_space<vmem>> -> memref<128x128xf32, #tpu.memory_space<vmem>>
        %dma_start3A_433 = arith.constant 0 : i32
        %dma_start3A_434 = tpu.memref_slice %arg6[%dma_start3A_426, %dma_start3A_433] : memref<4x128xi32, #tpu.memory_space<vmem>> -> memref<1x128xi32, #tpu.memory_space<vmem>>
        %dma_start3A_435 = tpu.memref_squeeze %dma_start3A_434 : memref<1x128xi32, #tpu.memory_space<vmem>> -> memref<128xi32, #tpu.memory_space<vmem>>
        %dma_start3A_436 = arith.constant 0 : i32
        %dma_start3A_437 = arith.constant 0 : i32
        %dma_start3A_438 = tpu.memref_slice %arg3[%dma_start3A_436, %dma_start3A_437] : memref<500000x128xf32, #tpu.memory_space<hbm>> -> memref<500000x128xf32, #tpu.memory_space<hbm>>
        %dma_start3A_439 = tpu.memref_slice %arg12[%dma_start3A_428] : memref<4x!tpu.dma_semaphore, #tpu.memory_space<semaphore_mem>> -> memref<1x!tpu.dma_semaphore, #tpu.memory_space<semaphore_mem>>
        %dma_start3A_440 = tpu.memref_squeeze %dma_start3A_439 : memref<1x!tpu.dma_semaphore, #tpu.memory_space<semaphore_mem>> -> memref<!tpu.dma_semaphore, #tpu.memory_space<semaphore_mem>>
        tpu.enqueue_indirect_dma source(%dma_start3A_438 : memref<500000x128xf32, #tpu.memory_space<hbm>>) target(%dma_start3A_432 : memref<128x128xf32, #tpu.memory_space<vmem>>) offsets(%dma_start3A_435 : memref<128xi32, #tpu.memory_space<vmem>>) semaphore(%dma_start3A_440 : memref<!tpu.dma_semaphore, #tpu.memory_space<semaphore_mem>>)
      } else {
      }
      %ge3A_229 = arith.constant 3 : i32
      %ge3A_230 = arith.cmpi sge, %add3A_223, %ge3A_229 : i32
      %lt3A_231 = arith.constant 203 : i32
      %lt3A_232 = arith.cmpi slt, %add3A_223, %lt3A_231 : i32
      %and3A_233 = arith.andi %ge3A_230, %lt3A_232 : i1
      %convert_element_type3A_234 = arith.extui %and3A_233 : i1 to i32
      %cond3A_235 = arith.constant 0 : i32
      %cond3A_236 = arith.cmpi ne, %convert_element_type3A_234, %cond3A_235 : i32
      scf.if %cond3A_236 {
        %sub3A = arith.constant 3 : i32
        %sub3A_237 = arith.subi %add3A_223, %sub3A : i32
        %ge3A_238 = arith.constant 7 : i32
        %ge3A_239 = arith.cmpi sge, %add3A_223, %ge3A_238 : i32
        %convert_element_type3A_240 = arith.extui %ge3A_239 : i1 to i32
        %cond3A_241 = arith.constant 0 : i32
        %cond3A_242 = arith.cmpi ne, %convert_element_type3A_240, %cond3A_241 : i32
        scf.if %cond3A_242 {
          %dma_wait3A_290 = arith.constant 0 : i32
          %dma_wait3A_291 = arith.constant 0 : i32
          %dma_wait3A_292 = arith.constant 0 : i32
          %dma_wait3A_293 = arith.constant 0 : i32
          %dma_wait3A_294 = arith.constant 0 : i32
          %dma_wait3A_295 = arith.constant 0 : i32
          %dma_wait3A_296 = arith.constant 0 : i32
          %dma_wait3A_297 = tpu.memref_slice %arg10[%dma_wait3A_290, %dma_wait3A_294, %dma_wait3A_295, %dma_wait3A_296] : memref<4x8x8x128xf32, #tpu.memory_space<vmem>> -> memref<1x8x8x128xf32, #tpu.memory_space<vmem>>
          %dma_wait3A_298 = tpu.memref_squeeze %dma_wait3A_297 : memref<1x8x8x128xf32, #tpu.memory_space<vmem>> -> memref<8x8x128xf32, #tpu.memory_space<vmem>>
          %dma_wait3A_299 = arith.constant 0 : i32
          %dma_wait3A_300 = arith.constant 0 : i32
          %dma_wait3A_301 = arith.constant 0 : i32
          %dma_wait3A_302 = tpu.memref_slice %arg4[%dma_wait3A_291, %dma_wait3A_299, %dma_wait3A_292, %dma_wait3A_300, %dma_wait3A_301] : memref<200x8x32x8x128xf32, #tpu.memory_space<hbm>> -> memref<1x8x1x8x128xf32, #tpu.memory_space<hbm>>
          %dma_wait3A_303 = tpu.memref_squeeze %dma_wait3A_302 : memref<1x8x1x8x128xf32, #tpu.memory_space<hbm>> -> memref<8x8x128xf32, #tpu.memory_space<hbm>>
          %dma_wait3A_304 = tpu.memref_slice %arg13[%dma_wait3A_293] : memref<4x!tpu.dma_semaphore, #tpu.memory_space<semaphore_mem>> -> memref<1x!tpu.dma_semaphore, #tpu.memory_space<semaphore_mem>>
          %dma_wait3A_305 = tpu.memref_squeeze %dma_wait3A_304 : memref<1x!tpu.dma_semaphore, #tpu.memory_space<semaphore_mem>> -> memref<!tpu.dma_semaphore, #tpu.memory_space<semaphore_mem>>
          %dma_wait3A_306 = arith.constant 0 : i32
          %dma_wait3A_307 = arith.constant 0 : i32
          %dma_wait3A_308 = arith.constant 0 : i32
          %dma_wait3A_309 = tpu.memref_slice %arg4[%dma_wait3A_291, %dma_wait3A_306, %dma_wait3A_292, %dma_wait3A_307, %dma_wait3A_308] : memref<200x8x32x8x128xf32, #tpu.memory_space<hbm>> -> memref<1x8x1x8x128xf32, #tpu.memory_space<hbm>>
          %dma_wait3A_310 = tpu.memref_squeeze %dma_wait3A_309 : memref<1x8x1x8x128xf32, #tpu.memory_space<hbm>> -> memref<8x8x128xf32, #tpu.memory_space<hbm>>
          %dma_wait3A_311 = arith.constant 0 : i32
          %dma_wait3A_312 = arith.constant 0 : i32
          %dma_wait3A_313 = arith.constant 0 : i32
          %dma_wait3A_314 = tpu.memref_slice %arg10[%dma_wait3A_290, %dma_wait3A_311, %dma_wait3A_312, %dma_wait3A_313] : memref<4x8x8x128xf32, #tpu.memory_space<vmem>> -> memref<1x8x8x128xf32, #tpu.memory_space<vmem>>
          %dma_wait3A_315 = tpu.memref_squeeze %dma_wait3A_314 : memref<1x8x8x128xf32, #tpu.memory_space<vmem>> -> memref<8x8x128xf32, #tpu.memory_space<vmem>>
          tpu.wait_dma2 semaphore(%dma_wait3A_305 : memref<!tpu.dma_semaphore, #tpu.memory_space<semaphore_mem>>) src(%dma_wait3A_315 : memref<8x8x128xf32, #tpu.memory_space<vmem>>) dst(%dma_wait3A_310 : memref<8x8x128xf32, #tpu.memory_space<hbm>>)
        } else {
        }
        %dma_wait3A_243 = arith.constant 0 : i32
        %dma_wait3A_244 = arith.constant 0 : i32
        %dma_wait3A_245 = arith.constant 0 : i32
        %dma_wait3A_246 = arith.constant 0 : i32
        %dma_wait3A_247 = tpu.memref_slice %arg8[%dma_wait3A_243, %dma_wait3A_245, %dma_wait3A_246] : memref<4x128x128xf32, #tpu.memory_space<vmem>> -> memref<1x128x128xf32, #tpu.memory_space<vmem>>
        %dma_wait3A_248 = tpu.memref_squeeze %dma_wait3A_247 : memref<1x128x128xf32, #tpu.memory_space<vmem>> -> memref<128x128xf32, #tpu.memory_space<vmem>>
        %dma_wait3A_249 = arith.constant 0 : i32
        %dma_wait3A_250 = arith.constant 0 : i32
        %dma_wait3A_251 = tpu.memref_slice %arg3[%dma_wait3A_249, %dma_wait3A_250] : memref<500000x128xf32, #tpu.memory_space<hbm>> -> memref<128x128xf32, #tpu.memory_space<hbm>>
        %dma_wait3A_252 = tpu.memref_slice %arg12[%dma_wait3A_244] : memref<4x!tpu.dma_semaphore, #tpu.memory_space<semaphore_mem>> -> memref<1x!tpu.dma_semaphore, #tpu.memory_space<semaphore_mem>>
        %dma_wait3A_253 = tpu.memref_squeeze %dma_wait3A_252 : memref<1x!tpu.dma_semaphore, #tpu.memory_space<semaphore_mem>> -> memref<!tpu.dma_semaphore, #tpu.memory_space<semaphore_mem>>
        %dma_wait3A_254 = arith.constant 0 : i32
        %dma_wait3A_255 = arith.constant 0 : i32
        %dma_wait3A_256 = tpu.memref_slice %arg8[%dma_wait3A_243, %dma_wait3A_254, %dma_wait3A_255] : memref<4x128x128xf32, #tpu.memory_space<vmem>> -> memref<1x128x128xf32, #tpu.memory_space<vmem>>
        %dma_wait3A_257 = tpu.memref_squeeze %dma_wait3A_256 : memref<1x128x128xf32, #tpu.memory_space<vmem>> -> memref<128x128xf32, #tpu.memory_space<vmem>>
        %dma_wait3A_258 = arith.constant 0 : i32
        %dma_wait3A_259 = arith.constant 0 : i32
        %dma_wait3A_260 = tpu.memref_slice %arg3[%dma_wait3A_258, %dma_wait3A_259] : memref<500000x128xf32, #tpu.memory_space<hbm>> -> memref<128x128xf32, #tpu.memory_space<hbm>>
        tpu.wait_dma2 semaphore(%dma_wait3A_253 : memref<!tpu.dma_semaphore, #tpu.memory_space<semaphore_mem>>) src(%dma_wait3A_260 : memref<128x128xf32, #tpu.memory_space<hbm>>) dst(%dma_wait3A_257 : memref<128x128xf32, #tpu.memory_space<vmem>>)
        %parallel_loop3A = arith.constant 0 : i32
        %parallel_loop3A_261 = arith.constant 128 : i32
        %parallel_loop3A_262 = arith.constant 1 : i32
        scf.for %parallel_loop3A_290 = %parallel_loop3A to %parallel_loop3A_261 step %parallel_loop3A_262  : i32 {
          %parallel_loop3A_291 = arith.constant 0 : i32
          %parallel_loop3A_292 = arith.index_cast %parallel_loop3A_291 : i32 to index
          %parallel_loop3A_293 = arith.index_cast %parallel_loop3A_290 : i32 to index
          %parallel_loop3A_294 = tpu.vector_load %arg7[%parallel_loop3A_292, %parallel_loop3A_293] {strides = array<i32>} : memref<4x144xi32, #tpu.memory_space<vmem>>, vector<16xi32>,
          %parallel_loop3A_295 = vector.extract_strided_slice %parallel_loop3A_294 {offsets = [0], sizes = [1], strides = [1]} : vector<16xi32> to vector<1xi32>
          %parallel_loop3A_296 = vector.extract %parallel_loop3A_295[0] : i32 from vector<1xi32>
          %parallel_loop3A_297 = arith.constant 0 : i32
          %parallel_loop3A_298 = arith.addi %parallel_loop3A_296, %parallel_loop3A_297 : i32
          %parallel_loop3A_299 = arith.constant 0 : i32
          %parallel_loop3A_300 = arith.index_cast %parallel_loop3A_299 : i32 to index
          %parallel_loop3A_301 = arith.index_cast %parallel_loop3A_290 : i32 to index
          %parallel_loop3A_302 = arith.index_cast %parallel_loop3A_298 : i32 to index
          %parallel_loop3A_303 = tpu.vector_load %arg8[%parallel_loop3A_300, %parallel_loop3A_301, %parallel_loop3A_302] {strides = array<i32>} : memref<4x128x128xf32, #tpu.memory_space<vmem>>, vector<16xf32>,
          %parallel_loop3A_304 = arith.constant 0 : i32
          %parallel_loop3A_305 = arith.addi %parallel_loop3A_304, %parallel_loop3A_290 : i32
          %parallel_loop3A_306 = vector.broadcast %parallel_loop3A_305 : i32 to vector<16xi32>
          %parallel_loop3A_307 = arith.addi %mul3A_5, %parallel_loop3A_306 : vector<16xi32>
          tpu.vector_store_idx %arg9[%parallel_loop3A_307], %parallel_loop3A_303 : memref<8640xf32, #tpu.memory_space<vmem>>[vector<16xi32>], vector<16xf32>,
          %parallel_loop3A_308 = arith.constant 16 : i32
          %parallel_loop3A_309 = arith.addi %parallel_loop3A_296, %parallel_loop3A_308 : i32
          %parallel_loop3A_310 = arith.constant 0 : i32
          %parallel_loop3A_311 = arith.index_cast %parallel_loop3A_310 : i32 to index
          %parallel_loop3A_312 = arith.index_cast %parallel_loop3A_290 : i32 to index
          %parallel_loop3A_313 = arith.index_cast %parallel_loop3A_309 : i32 to index
          %parallel_loop3A_314 = tpu.vector_load %arg8[%parallel_loop3A_311, %parallel_loop3A_312, %parallel_loop3A_313] {strides = array<i32>} : memref<4x128x128xf32, #tpu.memory_space<vmem>>, vector<16xf32>,
          %parallel_loop3A_315 = arith.constant 2160 : i32
          %parallel_loop3A_316 = arith.addi %parallel_loop3A_315, %parallel_loop3A_290 : i32
          %parallel_loop3A_317 = vector.broadcast %parallel_loop3A_316 : i32 to vector<16xi32>
          %parallel_loop3A_318 = arith.addi %mul3A_5, %parallel_loop3A_317 : vector<16xi32>
          tpu.vector_store_idx %arg9[%parallel_loop3A_318], %parallel_loop3A_314 : memref<8640xf32, #tpu.memory_space<vmem>>[vector<16xi32>], vector<16xf32>,
          %parallel_loop3A_319 = arith.constant 32 : i32
          %parallel_loop3A_320 = arith.addi %parallel_loop3A_296, %parallel_loop3A_319 : i32
          %parallel_loop3A_321 = arith.constant 0 : i32
          %parallel_loop3A_322 = arith.index_cast %parallel_loop3A_321 : i32 to index
          %parallel_loop3A_323 = arith.index_cast %parallel_loop3A_290 : i32 to index
          %parallel_loop3A_324 = arith.index_cast %parallel_loop3A_320 : i32 to index
          %parallel_loop3A_325 = tpu.vector_load %arg8[%parallel_loop3A_322, %parallel_loop3A_323, %parallel_loop3A_324] {strides = array<i32>} : memref<4x128x128xf32, #tpu.memory_space<vmem>>, vector<16xf32>,
          %parallel_loop3A_326 = arith.constant 4320 : i32
          %parallel_loop3A_327 = arith.addi %parallel_loop3A_326, %parallel_loop3A_290 : i32
          %parallel_loop3A_328 = vector.broadcast %parallel_loop3A_327 : i32 to vector<16xi32>
          %parallel_loop3A_329 = arith.addi %mul3A_5, %parallel_loop3A_328 : vector<16xi32>
          tpu.vector_store_idx %arg9[%parallel_loop3A_329], %parallel_loop3A_325 : memref<8640xf32, #tpu.memory_space<vmem>>[vector<16xi32>], vector<16xf32>,
          %parallel_loop3A_330 = arith.constant 48 : i32
          %parallel_loop3A_331 = arith.addi %parallel_loop3A_296, %parallel_loop3A_330 : i32
          %parallel_loop3A_332 = arith.constant 0 : i32
          %parallel_loop3A_333 = arith.index_cast %parallel_loop3A_332 : i32 to index
          %parallel_loop3A_334 = arith.index_cast %parallel_loop3A_290 : i32 to index
          %parallel_loop3A_335 = arith.index_cast %parallel_loop3A_331 : i32 to index
          %parallel_loop3A_336 = tpu.vector_load %arg8[%parallel_loop3A_333, %parallel_loop3A_334, %parallel_loop3A_335] {strides = array<i32>} : memref<4x128x128xf32, #tpu.memory_space<vmem>>, vector<16xf32>,
          %parallel_loop3A_337 = arith.constant 6480 : i32
          %parallel_loop3A_338 = arith.addi %parallel_loop3A_337, %parallel_loop3A_290 : i32
          %parallel_loop3A_339 = vector.broadcast %parallel_loop3A_338 : i32 to vector<16xi32>
          %parallel_loop3A_340 = arith.addi %mul3A_5, %parallel_loop3A_339 : vector<16xi32>
          tpu.vector_store_idx %arg9[%parallel_loop3A_340], %parallel_loop3A_336 : memref<8640xf32, #tpu.memory_space<vmem>>[vector<16xi32>], vector<16xf32>,
        } {sc.loop_unroll_factor = 4 : i64, sc.parallel_access}
        %parallel_loop3A_263 = arith.constant 0 : i32
        %parallel_loop3A_264 = arith.constant 512 : i32
        %parallel_loop3A_265 = arith.constant 1 : i32
        scf.for %parallel_loop3A_290 = %parallel_loop3A_263 to %parallel_loop3A_264 step %parallel_loop3A_265  : i32 {
          %parallel_loop3A_291 = arith.constant 3 : i32
          %parallel_loop3A_292 = arith.shrui %parallel_loop3A_290, %parallel_loop3A_291 : i32
          %parallel_loop3A_293 = arith.constant 7 : i32
          %parallel_loop3A_294 = arith.andi %parallel_loop3A_290, %parallel_loop3A_293 : i32
          %parallel_loop3A_295 = arith.constant 135 : i32
          %parallel_loop3A_296 = arith.muli %parallel_loop3A_292, %parallel_loop3A_295 : i32
          %parallel_loop3A_297 = arith.constant 16 : i32
          %parallel_loop3A_298 = arith.muli %parallel_loop3A_294, %parallel_loop3A_297 : i32
          %parallel_loop3A_299 = arith.addi %parallel_loop3A_296, %parallel_loop3A_298 : i32
          %parallel_loop3A_300 = arith.index_cast %parallel_loop3A_299 : i32 to index
          %parallel_loop3A_301 = tpu.vector_load %arg9[%parallel_loop3A_300] {strides = array<i32>} : memref<8640xf32, #tpu.memory_space<vmem>>, vector<16xf32>,
          %parallel_loop3A_302 = arith.constant 3 : i32
          %parallel_loop3A_303 = arith.shrui %parallel_loop3A_292, %parallel_loop3A_302 : i32
          %parallel_loop3A_304 = arith.constant 7 : i32
          %parallel_loop3A_305 = arith.andi %parallel_loop3A_292, %parallel_loop3A_304 : i32
          %parallel_loop3A_306 = arith.constant 16 : i32
          %parallel_loop3A_307 = arith.muli %parallel_loop3A_294, %parallel_loop3A_306 : i32
          %parallel_loop3A_308 = arith.constant 0 : i32
          %parallel_loop3A_309 = arith.index_cast %parallel_loop3A_308 : i32 to index
          %parallel_loop3A_310 = arith.index_cast %parallel_loop3A_303 : i32 to index
          %parallel_loop3A_311 = arith.index_cast %parallel_loop3A_305 : i32 to index
          %parallel_loop3A_312 = arith.index_cast %parallel_loop3A_307 : i32 to index
          %parallel_loop3A_313 = tpu.vector_load %arg10[%parallel_loop3A_309, %parallel_loop3A_310, %parallel_loop3A_311, %parallel_loop3A_312] {strides = array<i32>} : memref<4x8x8x128xf32, #tpu.memory_space<vmem>>, vector<16xf32>,
          tpu.vector_store %arg10[%parallel_loop3A_309, %parallel_loop3A_310, %parallel_loop3A_311, %parallel_loop3A_312], %parallel_loop3A_301 {strides = array<i32>} : memref<4x8x8x128xf32, #tpu.memory_space<vmem>>, vector<16xf32>,
        } {sc.loop_unroll_factor = 8 : i64, sc.parallel_access}
        %dma_start3A_266 = arith.constant 0 : i32
        %dma_start3A_267 = arith.constant 0 : i32
        %dma_start3A_268 = arith.constant 0 : i32
        %dma_start3A_269 = arith.constant 0 : i32
        %dma_start3A_270 = arith.constant 0 : i32
        %dma_start3A_271 = tpu.memref_slice %arg10[%dma_start3A_266, %dma_start3A_268, %dma_start3A_269, %dma_start3A_270] : memref<4x8x8x128xf32, #tpu.memory_space<vmem>> -> memref<1x8x8x128xf32, #tpu.memory_space<vmem>>
        %dma_start3A_272 = tpu.memref_squeeze %dma_start3A_271 : memref<1x8x8x128xf32, #tpu.memory_space<vmem>> -> memref<8x8x128xf32, #tpu.memory_space<vmem>>
        %dma_start3A_273 = arith.constant 0 : i32
        %dma_start3A_274 = arith.constant 0 : i32
        %dma_start3A_275 = arith.constant 0 : i32
        %dma_start3A_276 = tpu.memref_slice %arg4[%sub3A_237, %dma_start3A_273, %add3A, %dma_start3A_274, %dma_start3A_275] : memref<200x8x32x8x128xf32, #tpu.memory_space<hbm>> -> memref<1x8x1x8x128xf32, #tpu.memory_space<hbm>>
        %dma_start3A_277 = tpu.memref_squeeze %dma_start3A_276 : memref<1x8x1x8x128xf32, #tpu.memory_space<hbm>> -> memref<8x8x128xf32, #tpu.memory_space<hbm>>
        %dma_start3A_278 = tpu.memref_slice %arg13[%dma_start3A_267] : memref<4x!tpu.dma_semaphore, #tpu.memory_space<semaphore_mem>> -> memref<1x!tpu.dma_semaphore, #tpu.memory_space<semaphore_mem>>
        %dma_start3A_279 = tpu.memref_squeeze %dma_start3A_278 : memref<1x!tpu.dma_semaphore, #tpu.memory_space<semaphore_mem>> -> memref<!tpu.dma_semaphore, #tpu.memory_space<semaphore_mem>>
        %dma_start3A_280 = arith.constant 0 : i32
        %dma_start3A_281 = arith.constant 0 : i32
        %dma_start3A_282 = arith.constant 0 : i32
        %dma_start3A_283 = tpu.memref_slice %arg4[%sub3A_237, %dma_start3A_280, %add3A, %dma_start3A_281, %dma_start3A_282] : memref<200x8x32x8x128xf32, #tpu.memory_space<hbm>> -> memref<1x8x1x8x128xf32, #tpu.memory_space<hbm>>
        %dma_start3A_284 = tpu.memref_squeeze %dma_start3A_283 : memref<1x8x1x8x128xf32, #tpu.memory_space<hbm>> -> memref<8x8x128xf32, #tpu.memory_space<hbm>>
        %dma_start3A_285 = arith.constant 0 : i32
        %dma_start3A_286 = arith.constant 0 : i32
        %dma_start3A_287 = arith.constant 0 : i32
        %dma_start3A_288 = tpu.memref_slice %arg10[%dma_start3A_266, %dma_start3A_285, %dma_start3A_286, %dma_start3A_287] : memref<4x8x8x128xf32, #tpu.memory_space<vmem>> -> memref<1x8x8x128xf32, #tpu.memory_space<vmem>>
        %dma_start3A_289 = tpu.memref_squeeze %dma_start3A_288 : memref<1x8x8x128xf32, #tpu.memory_space<vmem>> -> memref<8x8x128xf32, #tpu.memory_space<vmem>>
        tpu.enqueue_dma source(%dma_start3A_289 : memref<8x8x128xf32, #tpu.memory_space<vmem>>) target(%dma_start3A_284 : memref<8x8x128xf32, #tpu.memory_space<hbm>>) target_semaphore(%dma_start3A_279 : memref<!tpu.dma_semaphore, #tpu.memory_space<semaphore_mem>>)
      } else {
      }
    }
    %scan3A_69 = arith.constant 51 : i32
    %dma_wait3A = arith.constant 0 : i32
    %dma_wait3A_70 = arith.constant 0 : i32
    %dma_wait3A_71 = arith.constant 0 : i32
    %dma_wait3A_72 = arith.constant 0 : i32
    %dma_wait3A_73 = arith.constant 0 : i32
    %dma_wait3A_74 = arith.constant 0 : i32
    %dma_wait3A_75 = arith.constant 0 : i32
    %dma_wait3A_76 = tpu.memref_slice %arg10[%dma_wait3A, %dma_wait3A_73, %dma_wait3A_74, %dma_wait3A_75] : memref<4x8x8x128xf32, #tpu.memory_space<vmem>> -> memref<1x8x8x128xf32, #tpu.memory_space<vmem>>
    %dma_wait3A_77 = tpu.memref_squeeze %dma_wait3A_76 : memref<1x8x8x128xf32, #tpu.memory_space<vmem>> -> memref<8x8x128xf32, #tpu.memory_space<vmem>>
    %dma_wait3A_78 = arith.constant 0 : i32
    %dma_wait3A_79 = arith.constant 0 : i32
    %dma_wait3A_80 = arith.constant 0 : i32
    %dma_wait3A_81 = tpu.memref_slice %arg4[%dma_wait3A_70, %dma_wait3A_78, %dma_wait3A_71, %dma_wait3A_79, %dma_wait3A_80] : memref<200x8x32x8x128xf32, #tpu.memory_space<hbm>> -> memref<1x8x1x8x128xf32, #tpu.memory_space<hbm>>
    %dma_wait3A_82 = tpu.memref_squeeze %dma_wait3A_81 : memref<1x8x1x8x128xf32, #tpu.memory_space<hbm>> -> memref<8x8x128xf32, #tpu.memory_space<hbm>>
    %dma_wait3A_83 = tpu.memref_slice %arg13[%dma_wait3A_72] : memref<4x!tpu.dma_semaphore, #tpu.memory_space<semaphore_mem>> -> memref<1x!tpu.dma_semaphore, #tpu.memory_space<semaphore_mem>>
    %dma_wait3A_84 = tpu.memref_squeeze %dma_wait3A_83 : memref<1x!tpu.dma_semaphore, #tpu.memory_space<semaphore_mem>> -> memref<!tpu.dma_semaphore, #tpu.memory_space<semaphore_mem>>
    %dma_wait3A_85 = arith.constant 0 : i32
    %dma_wait3A_86 = arith.constant 0 : i32
    %dma_wait3A_87 = arith.constant 0 : i32
    %dma_wait3A_88 = tpu.memref_slice %arg4[%dma_wait3A_70, %dma_wait3A_85, %dma_wait3A_71, %dma_wait3A_86, %dma_wait3A_87] : memref<200x8x32x8x128xf32, #tpu.memory_space<hbm>> -> memref<1x8x1x8x128xf32, #tpu.memory_space<hbm>>
    %dma_wait3A_89 = tpu.memref_squeeze %dma_wait3A_88 : memref<1x8x1x8x128xf32, #tpu.memory_space<hbm>> -> memref<8x8x128xf32, #tpu.memory_space<hbm>>
    %dma_wait3A_90 = arith.constant 0 : i32
    %dma_wait3A_91 = arith.constant 0 : i32
    %dma_wait3A_92 = arith.constant 0 : i32
    %dma_wait3A_93 = tpu.memref_slice %arg10[%dma_wait3A, %dma_wait3A_90, %dma_wait3A_91, %dma_wait3A_92] : memref<4x8x8x128xf32, #tpu.memory_space<vmem>> -> memref<1x8x8x128xf32, #tpu.memory_space<vmem>>
    %dma_wait3A_94 = tpu.memref_squeeze %dma_wait3A_93 : memref<1x8x8x128xf32, #tpu.memory_space<vmem>> -> memref<8x8x128xf32, #tpu.memory_space<vmem>>
    tpu.wait_dma2 semaphore(%dma_wait3A_84 : memref<!tpu.dma_semaphore, #tpu.memory_space<semaphore_mem>>) src(%dma_wait3A_94 : memref<8x8x128xf32, #tpu.memory_space<vmem>>) dst(%dma_wait3A_89 : memref<8x8x128xf32, #tpu.memory_space<hbm>>)
    %dma_wait3A_95 = arith.constant 1 : i32
    %dma_wait3A_96 = arith.constant 0 : i32
    %dma_wait3A_97 = arith.constant 0 : i32
    %dma_wait3A_98 = arith.constant 1 : i32
    %dma_wait3A_99 = arith.constant 0 : i32
    %dma_wait3A_100 = arith.constant 0 : i32
    %dma_wait3A_101 = arith.constant 0 : i32
    %dma_wait3A_102 = tpu.memref_slice %arg10[%dma_wait3A_95, %dma_wait3A_99, %dma_wait3A_100, %dma_wait3A_101] : memref<4x8x8x128xf32, #tpu.memory_space<vmem>> -> memref<1x8x8x128xf32, #tpu.memory_space<vmem>>
    %dma_wait3A_103 = tpu.memref_squeeze %dma_wait3A_102 : memref<1x8x8x128xf32, #tpu.memory_space<vmem>> -> memref<8x8x128xf32, #tpu.memory_space<vmem>>
    %dma_wait3A_104 = arith.constant 0 : i32
    %dma_wait3A_105 = arith.constant 0 : i32
    %dma_wait3A_106 = arith.constant 0 : i32
    %dma_wait3A_107 = tpu.memref_slice %arg4[%dma_wait3A_96, %dma_wait3A_104, %dma_wait3A_97, %dma_wait3A_105, %dma_wait3A_106] : memref<200x8x32x8x128xf32, #tpu.memory_space<hbm>> -> memref<1x8x1x8x128xf32, #tpu.memory_space<hbm>>
    %dma_wait3A_108 = tpu.memref_squeeze %dma_wait3A_107 : memref<1x8x1x8x128xf32, #tpu.memory_space<hbm>> -> memref<8x8x128xf32, #tpu.memory_space<hbm>>
    %dma_wait3A_109 = tpu.memref_slice %arg13[%dma_wait3A_98] : memref<4x!tpu.dma_semaphore, #tpu.memory_space<semaphore_mem>> -> memref<1x!tpu.dma_semaphore, #tpu.memory_space<semaphore_mem>>
    %dma_wait3A_110 = tpu.memref_squeeze %dma_wait3A_109 : memref<1x!tpu.dma_semaphore, #tpu.memory_space<semaphore_mem>> -> memref<!tpu.dma_semaphore, #tpu.memory_space<semaphore_mem>>
    %dma_wait3A_111 = arith.constant 0 : i32
    %dma_wait3A_112 = arith.constant 0 : i32
    %dma_wait3A_113 = arith.constant 0 : i32
    %dma_wait3A_114 = tpu.memref_slice %arg4[%dma_wait3A_96, %dma_wait3A_111, %dma_wait3A_97, %dma_wait3A_112, %dma_wait3A_113] : memref<200x8x32x8x128xf32, #tpu.memory_space<hbm>> -> memref<1x8x1x8x128xf32, #tpu.memory_space<hbm>>
    %dma_wait3A_115 = tpu.memref_squeeze %dma_wait3A_114 : memref<1x8x1x8x128xf32, #tpu.memory_space<hbm>> -> memref<8x8x128xf32, #tpu.memory_space<hbm>>
    %dma_wait3A_116 = arith.constant 0 : i32
    %dma_wait3A_117 = arith.constant 0 : i32
    %dma_wait3A_118 = arith.constant 0 : i32
    %dma_wait3A_119 = tpu.memref_slice %arg10[%dma_wait3A_95, %dma_wait3A_116, %dma_wait3A_117, %dma_wait3A_118] : memref<4x8x8x128xf32, #tpu.memory_space<vmem>> -> memref<1x8x8x128xf32, #tpu.memory_space<vmem>>
    %dma_wait3A_120 = tpu.memref_squeeze %dma_wait3A_119 : memref<1x8x8x128xf32, #tpu.memory_space<vmem>> -> memref<8x8x128xf32, #tpu.memory_space<vmem>>
    tpu.wait_dma2 semaphore(%dma_wait3A_110 : memref<!tpu.dma_semaphore, #tpu.memory_space<semaphore_mem>>) src(%dma_wait3A_120 : memref<8x8x128xf32, #tpu.memory_space<vmem>>) dst(%dma_wait3A_115 : memref<8x8x128xf32, #tpu.memory_space<hbm>>)
    %dma_wait3A_121 = arith.constant 2 : i32
    %dma_wait3A_122 = arith.constant 0 : i32
    %dma_wait3A_123 = arith.constant 0 : i32
    %dma_wait3A_124 = arith.constant 2 : i32
    %dma_wait3A_125 = arith.constant 0 : i32
    %dma_wait3A_126 = arith.constant 0 : i32
    %dma_wait3A_127 = arith.constant 0 : i32
    %dma_wait3A_128 = tpu.memref_slice %arg10[%dma_wait3A_121, %dma_wait3A_125, %dma_wait3A_126, %dma_wait3A_127] : memref<4x8x8x128xf32, #tpu.memory_space<vmem>> -> memref<1x8x8x128xf32, #tpu.memory_space<vmem>>
    %dma_wait3A_129 = tpu.memref_squeeze %dma_wait3A_128 : memref<1x8x8x128xf32, #tpu.memory_space<vmem>> -> memref<8x8x128xf32, #tpu.memory_space<vmem>>
    %dma_wait3A_130 = arith.constant 0 : i32
    %dma_wait3A_131 = arith.constant 0 : i32
    %dma_wait3A_132 = arith.constant 0 : i32
    %dma_wait3A_133 = tpu.memref_slice %arg4[%dma_wait3A_122, %dma_wait3A_130, %dma_wait3A_123, %dma_wait3A_131, %dma_wait3A_132] : memref<200x8x32x8x128xf32, #tpu.memory_space<hbm>> -> memref<1x8x1x8x128xf32, #tpu.memory_space<hbm>>
    %dma_wait3A_134 = tpu.memref_squeeze %dma_wait3A_133 : memref<1x8x1x8x128xf32, #tpu.memory_space<hbm>> -> memref<8x8x128xf32, #tpu.memory_space<hbm>>
    %dma_wait3A_135 = tpu.memref_slice %arg13[%dma_wait3A_124] : memref<4x!tpu.dma_semaphore, #tpu.memory_space<semaphore_mem>> -> memref<1x!tpu.dma_semaphore, #tpu.memory_space<semaphore_mem>>
    %dma_wait3A_136 = tpu.memref_squeeze %dma_wait3A_135 : memref<1x!tpu.dma_semaphore, #tpu.memory_space<semaphore_mem>> -> memref<!tpu.dma_semaphore, #tpu.memory_space<semaphore_mem>>
    %dma_wait3A_137 = arith.constant 0 : i32
    %dma_wait3A_138 = arith.constant 0 : i32
    %dma_wait3A_139 = arith.constant 0 : i32
    %dma_wait3A_140 = tpu.memref_slice %arg4[%dma_wait3A_122, %dma_wait3A_137, %dma_wait3A_123, %dma_wait3A_138, %dma_wait3A_139] : memref<200x8x32x8x128xf32, #tpu.memory_space<hbm>> -> memref<1x8x1x8x128xf32, #tpu.memory_space<hbm>>
    %dma_wait3A_141 = tpu.memref_squeeze %dma_wait3A_140 : memref<1x8x1x8x128xf32, #tpu.memory_space<hbm>> -> memref<8x8x128xf32, #tpu.memory_space<hbm>>
    %dma_wait3A_142 = arith.constant 0 : i32
    %dma_wait3A_143 = arith.constant 0 : i32
    %dma_wait3A_144 = arith.constant 0 : i32
    %dma_wait3A_145 = tpu.memref_slice %arg10[%dma_wait3A_121, %dma_wait3A_142, %dma_wait3A_143, %dma_wait3A_144] : memref<4x8x8x128xf32, #tpu.memory_space<vmem>> -> memref<1x8x8x128xf32, #tpu.memory_space<vmem>>
    %dma_wait3A_146 = tpu.memref_squeeze %dma_wait3A_145 : memref<1x8x8x128xf32, #tpu.memory_space<vmem>> -> memref<8x8x128xf32, #tpu.memory_space<vmem>>
    tpu.wait_dma2 semaphore(%dma_wait3A_136 : memref<!tpu.dma_semaphore, #tpu.memory_space<semaphore_mem>>) src(%dma_wait3A_146 : memref<8x8x128xf32, #tpu.memory_space<vmem>>) dst(%dma_wait3A_141 : memref<8x8x128xf32, #tpu.memory_space<hbm>>)
    %dma_wait3A_147 = arith.constant 3 : i32
    %dma_wait3A_148 = arith.constant 0 : i32
    %dma_wait3A_149 = arith.constant 0 : i32
    %dma_wait3A_150 = arith.constant 3 : i32
    %dma_wait3A_151 = arith.constant 0 : i32
    %dma_wait3A_152 = arith.constant 0 : i32
    %dma_wait3A_153 = arith.constant 0 : i32
    %dma_wait3A_154 = tpu.memref_slice %arg10[%dma_wait3A_147, %dma_wait3A_151, %dma_wait3A_152, %dma_wait3A_153] : memref<4x8x8x128xf32, #tpu.memory_space<vmem>> -> memref<1x8x8x128xf32, #tpu.memory_space<vmem>>
    %dma_wait3A_155 = tpu.memref_squeeze %dma_wait3A_154 : memref<1x8x8x128xf32, #tpu.memory_space<vmem>> -> memref<8x8x128xf32, #tpu.memory_space<vmem>>
    %dma_wait3A_156 = arith.constant 0 : i32
    %dma_wait3A_157 = arith.constant 0 : i32
    %dma_wait3A_158 = arith.constant 0 : i32
    %dma_wait3A_159 = tpu.memref_slice %arg4[%dma_wait3A_148, %dma_wait3A_156, %dma_wait3A_149, %dma_wait3A_157, %dma_wait3A_158] : memref<200x8x32x8x128xf32, #tpu.memory_space<hbm>> -> memref<1x8x1x8x128xf32, #tpu.memory_space<hbm>>
    %dma_wait3A_160 = tpu.memref_squeeze %dma_wait3A_159 : memref<1x8x1x8x128xf32, #tpu.memory_space<hbm>> -> memref<8x8x128xf32, #tpu.memory_space<hbm>>
    %dma_wait3A_161 = tpu.memref_slice %arg13[%dma_wait3A_150] : memref<4x!tpu.dma_semaphore, #tpu.memory_space<semaphore_mem>> -> memref<1x!tpu.dma_semaphore, #tpu.memory_space<semaphore_mem>>
    %dma_wait3A_162 = tpu.memref_squeeze %dma_wait3A_161 : memref<1x!tpu.dma_semaphore, #tpu.memory_space<semaphore_mem>> -> memref<!tpu.dma_semaphore, #tpu.memory_space<semaphore_mem>>
    %dma_wait3A_163 = arith.constant 0 : i32
    %dma_wait3A_164 = arith.constant 0 : i32
    %dma_wait3A_165 = arith.constant 0 : i32
    %dma_wait3A_166 = tpu.memref_slice %arg4[%dma_wait3A_148, %dma_wait3A_163, %dma_wait3A_149, %dma_wait3A_164, %dma_wait3A_165] : memref<200x8x32x8x128xf32, #tpu.memory_space<hbm>> -> memref<1x8x1x8x128xf32, #tpu.memory_space<hbm>>
    %dma_wait3A_167 = tpu.memref_squeeze %dma_wait3A_166 : memref<1x8x1x8x128xf32, #tpu.memory_space<hbm>> -> memref<8x8x128xf32, #tpu.memory_space<hbm>>
    %dma_wait3A_168 = arith.constant 0 : i32
    %dma_wait3A_169 = arith.constant 0 : i32
    %dma_wait3A_170 = arith.constant 0 : i32
    %dma_wait3A_171 = tpu.memref_slice %arg10[%dma_wait3A_147, %dma_wait3A_168, %dma_wait3A_169, %dma_wait3A_170] : memref<4x8x8x128xf32, #tpu.memory_space<vmem>> -> memref<1x8x8x128xf32, #tpu.memory_space<vmem>>
    %dma_wait3A_172 = tpu.memref_squeeze %dma_wait3A_171 : memref<1x8x8x128xf32, #tpu.memory_space<vmem>> -> memref<8x8x128xf32, #tpu.memory_space<vmem>>
    tpu.wait_dma2 semaphore(%dma_wait3A_162 : memref<!tpu.dma_semaphore, #tpu.memory_space<semaphore_mem>>) src(%dma_wait3A_172 : memref<8x8x128xf32, #tpu.memory_space<vmem>>) dst(%dma_wait3A_167 : memref<8x8x128xf32, #tpu.memory_space<hbm>>)
    return
  }
}

</mosaic_0001>

<sc_bundles>
// kernel: kernel.4.cloned.1.call-start
scs
__scs_entry_jumppad:
0x0: {  	(pc) =	sbr.rel $0x88, $3  }
0x1: {  	(tag) =	ssettag $0x0;
	lr =	simm.s32 $0x1  }
0x2: {  	[smem:$0x3F9F] =	sst lr;
	_ =	strace $0xD0000000  }
0x3: {  	_ = 	snop  }
0x4: {  	_ = 	snop  }
0x5: {  	_ = 	snop  }
0x6: {  	_ = 	snop  }
0x7: {  	_ = 	snop  }
__scs_overlays_trampoline_lowered:
0x8: {  	[smem:$0x3FAE] =	sst s0  }
0x9: {  	[smem:$0x3FAF] =	sst s1  }
0xa: {  	[smem:$0x3FB0] =	sst s2  }
0xb: {  	[smem:$0x3FB1] =	sst s3  }
0xc: {  	[smem:$0x3FB2] =	sst s4  }
0xd: {  	[smem:$0x3FB3] =	sst s5  }
0xe: {  	[smem:$0x3FB4] =	sst s6  }
0xf: {  	[smem:$0x3FB5] =	sst s7  }
0x10: {  	[smem:$0x3FB6] =	sst s8  }
0x11: {  	[smem:$0x3FB7] =	sst s9;
	s0 =	simm.s32 @!p0 $0x0  }
0x12: {  	s1 =	sld [smem:$0x3F9D];
	s0 =	simm.s32 @p0 $0x1  }
0x13: {  	[smem:$0x3FB8] =	sst s0;
	s0 =	simm.s32 @!p1 $0x0  }
0x14: {  	s2 =	sld [smem:$0x3F9C];
	s0 =	simm.s32 @p1 $0x1  }
0x15: {  	[smem:$0x3FB9] =	sst s0;
	s0 =	simm.s32 @!p2 $0x0  }
0x16: {  	s3 =	sld [smem:$0x3FDB];
	s0 =	simm.s32 @p2 $0x1  }
0x17: {  	s4 =	simm.s32 $0x1BF5;
	[smem:$0x3FBB] =	sst s0  }
0x18: {  	s0 =	sld [smem:$0x3F9E];
	_ =	swait.ge [sflag:s4], $0x0  }
0x19: {  	s7 =	sld [smem:$0x3F9F]  }
0x1a: {  	s8 =	sadd.s32 $0xFFFFE003, lr  }
0x1b: {  	s9 =	sadd.s32 $0xFFFFFEF7, lr;
	s5 =	simm.s32 $0xFFFFFFFF;
	p2 =	slt.u32 s8, $0xFFFFF086  }
0x1c: {  	p1 =	slt.u32 s9, $0xF7A;
	s5 =	simm.s32 @!p2 $0x0  }
0x1d: {  	s5 =	simm.s32 @p1 $0x1;
	p0 =	seq.s32 s7, s2  }
0x1e: {  	s7 =	smul.u32 @!p0 $0xF7A, s2;
	p2 =	seq.s32 @!p0 s5, $0x0  }
0x1f: {  	s9 =	smul.u32 $0xF7A, s1;
	s8 =	simm.s32 @!p0 $0x1BF5;
	p2 =	por !p2, p0  }
0x20: {  	[sflag:s8] =	ssyncset.s32 @!p0 $0xFFFFF086;
	s6 =	sadd.s32 @!p0 s3, s7;
	s7 =	simm.s32 @!p0 $0x108  }
0x21: {  	s3 =	sadd.s32 s3, s9;
	s6 =	sadd.s32 @!p0 $0x88, s6;
	s7 =	simm.s32 @p2 $0x1082  }
0x22: {  	[simem:s7], [sflag:s8] =	dma.local @!p0 [hbm:s6], $0xF7A  }
0x23: {  	s9 =	sor.u32 $0xD0000000, s2;
	s6 =	simm.s32 $0x108;
	_ =	swait.ge @!p0 [sflag:s8], $0x0  }
0x24: {  	s3 =	sadd.s32 $0x88, s3;
	s6 =	simm.s32 @!p1 $0x1082;
	[sflag:s4] =	ssyncset.s32 $0xFFFFF086  }
0x25: {  	[simem:s6], [sflag:s4] =	dma.local [hbm:s3], $0xF7A  }
0x26: {  	[smem:$0x3F9F] =	sst s1;
	(tag) =	ssettag s2;
	_ =	strace s9  }
0x27: {  	s1 =	sld [smem:$0x3FAF]  }
0x28: {  	s2 =	sld [smem:$0x3FB0]  }
0x29: {  	s4 =	sld [smem:$0x3FB2]  }
0x2a: {  	p0 =	seq.s32 s5, $0x0;
	s5 =	sld [smem:$0x3FB3]  }
0x2b: {  	s6 =	sld [smem:$0x3FB4]  }
0x2c: {  	s7 =	sld [smem:$0x3FB5]  }
0x2d: {  	s3 =	simm.s32 $0x108;
	s8 =	sld [smem:$0x3FB6]  }
0x2e: {  	s3 =	simm.s32 @!p0 $0x1082;
	s9 =	sld [smem:$0x3FB7]  }
0x2f: {  	lr =	sadd.s32 s0, s3;
	s0 =	sld [smem:$0x3FAE]  }
0x30: {  	s3 =	sld [smem:$0x3FB1]  }
0x31: {  	[smem:$0x3FBA] =	sst s10  }
0x32: {  	s10 =	sld [smem:$0x3FB8];
	_ =	sdelay $0x3  }
0x33: {  	p0 =	seq.s32 s10, $0x1;
	s10 =	sld [smem:$0x3FBA];
	_ =	sdelay $0x3  }
0x34: {  	[smem:$0x3FBA] =	sst s10  }
0x35: {  	s10 =	sld [smem:$0x3FB9];
	_ =	sdelay $0x3  }
0x36: {  	p1 =	seq.s32 s10, $0x1;
	s10 =	sld [smem:$0x3FBA];
	_ =	sdelay $0x3  }
0x37: {  	[smem:$0x3FBA] =	sst s10  }
0x38: {  	s10 =	sld [smem:$0x3FBB]  }
0x39: {  	_ = 	snop;
	(pc) =	sbr.ind lr, $3  }
0x3a: {  	_ = 	snop  }
0x3b: {  	_ = 	snop  }
0x3c: {  	p2 =	seq.s32 s10, $0x1;
	s10 =	sld [smem:$0x3FBA]  }
0x3d: {  	_ =	shalt  }
0x3e: {  	_ =	shalt  }
0x3f: {  	_ =	shalt  }
0x40: {  	_ =	shalt  }
0x41: {  	_ =	shalt  }
0x42: {  	_ =	shalt  }
0x43: {  	_ =	shalt  }
0x44: {  	_ =	shalt  }
0x45: {  	_ =	shalt  }
0x46: {  	_ =	shalt  }
0x47: {  	_ =	shalt  }
0x48: {  	_ =	shalt  }
0x49: {  	_ =	shalt  }
0x4a: {  	_ =	shalt  }
0x4b: {  	_ =	shalt  }
0x4c: {  	_ =	shalt  }
0x4d: {  	_ =	shalt  }
0x4e: {  	_ =	shalt  }
0x4f: {  	_ =	shalt  }
0x50: {  	_ =	shalt  }
0x51: {  	_ =	shalt  }
0x52: {  	_ =	shalt  }
0x53: {  	_ =	shalt  }
0x54: {  	_ =	shalt  }
0x55: {  	_ =	shalt  }
0x56: {  	_ =	shalt  }
0x57: {  	_ =	shalt  }
0x58: {  	_ =	shalt  }
0x59: {  	_ =	shalt  }
0x5a: {  	_ =	shalt  }
0x5b: {  	_ =	shalt  }
0x5c: {  	_ =	shalt  }
0x5d: {  	_ =	shalt  }
0x5e: {  	_ =	shalt  }
0x5f: {  	_ =	shalt  }
0x60: {  	_ =	shalt  }
0x61: {  	_ =	shalt  }
0x62: {  	_ =	shalt  }
0x63: {  	_ =	shalt  }
0x64: {  	_ =	shalt  }
0x65: {  	_ =	shalt  }
0x66: {  	_ =	shalt  }
0x67: {  	_ =	shalt  }
0x68: {  	_ =	shalt  }
0x69: {  	_ =	shalt  }
0x6a: {  	_ =	shalt  }
0x6b: {  	_ =	shalt  }
0x6c: {  	_ =	shalt  }
0x6d: {  	_ =	shalt  }
0x6e: {  	_ =	shalt  }
0x6f: {  	_ =	shalt  }
0x70: {  	_ =	shalt  }
0x71: {  	_ =	shalt  }
0x72: {  	_ =	shalt  }
0x73: {  	_ =	shalt  }
0x74: {  	_ =	shalt  }
0x75: {  	_ =	shalt  }
0x76: {  	_ =	shalt  }
0x77: {  	_ =	shalt  }
0x78: {  	_ =	shalt  }
0x79: {  	_ =	shalt  }
0x7a: {  	_ =	shalt  }
0x7b: {  	_ =	shalt  }
0x7c: {  	_ =	shalt  }
0x7d: {  	_ =	shalt  }
0x7e: {  	_ =	shalt  }
0x7f: {  	_ =	shalt  }
0x80: {  	_ =	shalt  }
0x81: {  	_ =	shalt  }
0x82: {  	_ =	shalt  }
0x83: {  	_ =	shalt  }
0x84: {  	_ =	shalt  }
0x85: {  	_ =	shalt  }
0x86: {  	_ =	shalt  }
0x87: {  	_ =	shalt  }
.Lfunc_end0:
.L_simem_size_0:
called_computation_lowered:
.L_overlay_start_0:
0x88: {  	s2 =	sld [smem:$0x3FD9]  }
0x89: {  	s3 =	sld [smem:$0x3FFE];
	_ =	sdelay $0x1  }
0x8a: {  	s1 =	srdreg.scid  }
0x8b: {  	s0 =	sand.u32 $0x1, s1  }
0x8c: {  	s17 =	sshll.u32 s0, $0xA;
	s2 =	sadd.s32 s3, s2  }
0x8d: {  	s2 =	sadd.s32 s2, s17  }
0x8e: {  	[smem:$0x3FC6] =	sst s2  }
0x8f: {  	_ = 	snop  }
0x90: {  	s2 =	sld [smem:$0x3FC8]  }
0x91: {  	s18 =	sld [smem:$0x3FD0];
	(tm) =	ssettm $0x1  }
0x92: {  	s4 =	sld [smem:$0x3FFB];
	_ =	sdelay $0x3  }
0x93: {  	_ =	strace s4  }
0x94: {  	s4 =	sld [smem:$0x3FFC];
	_ =	sdelay $0x3  }
0x95: {  	_ =	strace s4  }
0x96: {  	s4 =	sld [smem:$0x3FFD];
	_ =	sdelay $0x3  }
0x97: {  	_ =	strace s4  }
0x98: {  	_ =	strace $0x8FFFFFFF  }
0x99: {  	s19 =	sld [smem:$0x3FDB];
	_ =	sdelay $0x1  }
0x9a: {  	s5 =	simm.s32 $_scs_section_size  }
0x9b: {  	s6 =	simm.s32 $_size__tile_overlayer_lowered;
	s7 =	simm.s32 $_tile_overlayer_lowered  }
0x9c: {  	s22 =	simm.s32 $0x1BFF;
	s21 =	sshll.u32 s7, $0x1;
	s4 =	sadd.s32 s5, s19  }
0x9d: {  	s8 =	simm.s32 $0x0;
	s20 =	sshll.u32 s6, $0x1;
	s6 =	sadd.s32 s21, s4  }
0x9e: {  	[timem:s8], [sflag:s22] =	dma.local [hbm:s6], s20  }
0x9f: {  	_ =	swait.ge [sflag:s22], s20  }
0xa0: {  	s5 =	ssub.s32 $0x0, s20;
	[sflag:s22] =	ssyncset.done $0x0  }
0xa1: {  	[sflag:s22] =	ssyncadd.s32 s5;
	_ =	sdelay $0x1  }
0xa2: {  	s23 =	simm.s32 $0x1B8B  }
0xa3: {  	_ =	swait.ge [sflag:s23], $0x1  }
0xa4: {  	[sflag:s23] =	ssyncset.done $0x0  }
0xa5: {  	s25 =	simm.s32 $0x1B8E;
	s24 =	sld [smem:$0x3FFE];
	[sflag:s23] =	ssyncadd.s32 $0xFFFFFFFF  }
0xa6: {  	s26 =	simm.s32 $execute0_lowered;
	[smem:$0x3FD2] =	sst s25  }
0xa7: {  	s6 =	sshll.u32 s26, $0x1;
	_ =	strace $0x80000046;
	[dreg:$0x1] =	wrdreg $0xFFFFFFFF  }
0xa8: {  	s28 =	simm.s32 $_size_execute0_lowered;
	s4 =	sadd.s32 s4, s6;
	[dreg:$0x0] =	wrdreg $0x0  }
0xa9: {  	s6 =	sshll.u32 s28, $0x1;
	[dreg:$0x2] =	wrdreg s4  }
0xaa: {  	[dreg:$0x3] =	wrdreg s6  }
0xab: {  	[dreg:$0x4] =	wrdreg $0xC0  }
0xac: {  	_ =	task [dreg:s8], $0x5FFFF  }
0xad: {  	[dreg:$0x1] =	wrdreg $0xFFFFFFFF  }
0xae: {  	[dreg:$0x0] =	wrdreg $0x60  }
0xaf: {  	[dreg:$0x2] =	wrdreg s2  }
0xb0: {  	[dreg:$0x3] =	wrdreg s18  }
0xb1: {  	[dreg:$0x4] =	wrdreg s24  }
0xb2: {  	[dreg:$0x5] =	wrdreg $0x9  }
0xb3: {  	_ =	task.clear_ibuf [dreg:s8], $0x6FFFF;
	_ =	strace $0x90000046  }
0xb4: {  	s29 =	simm.s32 $0x9;
	_ =	strace $0x80000048  }
0xb5: {  	_ =	swait.ge [sflag:s29], $0x1  }
0xb6: {  	[sflag:s29] =	ssyncadd.s32 $0xFFFFFFFF  }
0xb7: {  	_ =	strace $0x90000048  }
0xb8: {  	_ =	sfence  }
0xb9: {  	s30 =	sld [smem:$0x0];
	_ =	sdelay $0x2  }
0xba: {  	s31 =	sshll.u32 s1, $0xD;
	s1 =	sshrl.u32 s1, $0x2  }
0xbb: {  	s3 =	sand.u32 $0x4000, s31;
	s1 =	sadd.s32 s1, s30  }
0xbc: {  	s0 =	sor.u32 s3, s0;
	s1 =	sshll.u32 s1, $0x11  }
0xbd: {  	s0 =	sor.u32 s1, s0  }
0xbe: {  	s0 =	sadd.s32 $0x8F2B, s0  }
0xbf: {  	[sflag:s0] =	ssyncadd.remote.s32 $0x1  }
0xc0: {  	_ =	sfence.sel $0xFFFF  }
0xc1: {  	[dreg:$0x0] =	wrdreg $0xFFFFFFFF;
	(pc) =	sbr.abs _section_cstart, $3  }
0xc2: {  	[dreg:$0x1] =	wrdreg $0xFFFFFFFF  }
0xc3: {  	_ =	task.clear_ibuf [dreg:s8], $0x2FFFF;
	_ =	strace $0x9FFFFFFF  }
0xc4: {  	(tm) =	ssettm $0x7FFFFFFF  }
0xc5: {  	_ =	shalt  }
tec
execute0_lowered:
.L_overlay_start_1:
0x0: {  	(tag) =	ssettag $0x1  }
0x1: {  	v0 =	vimm.s32 $0xC7864100  }
0x2: {  	v0 =	vunpack.c.0.s8.s32 v0;
	_ =	sdelay $0x1  }
0x3: {  	vm0 =	vcmask $0xF00;
	v0 =	vand.u32 $0xFF, v0  }
0x4: {  	vm5 =	vcmask $0x1310;
	v0 =	vnsel vm0, $0x3EB, v0  }
0x5: {  	s0 =	rddreg [dreg:$0x0];
	vm6 =	vcmask $0x1714;
	v0 =	vsel vm5, $0x10C, v0  }
0x6: {  	s1 =	rddreg [dreg:$0x2];
	s2 =	srdreg.scid;
	vm7 =	vcmask $0x1B18;
	v0 =	vsel vm6, $0x14D, v0  }
0x7: {  	s4 =	simm.s32 $0x0;
	s5 =	stileid.u32;
	vm8 =	vcmask $0x1F1C;
	s13 =	simm.s32 $0x1;
	v0 =	vsel vm7, $0x192, v0  }
0x8: {  	vm9 =	vcmask $0x2320;
	s14 =	simm.s32 $0x8000;
	s15 =	simm.s32 $0xC300;
	s16 =	simm.s32 $0x2;
	v0 =	vsel vm8, $0x1D3, v0  }
0x9: {  	vm10 =	vcmask $0x2724;
	s17 =	simm.s32 $0x10300;
	s18 =	simm.s32 $0x3;
	s19 =	simm.s32 $0x4;
	v0 =	vsel vm9, $0x218, v0  }
0xa: {  	vm11 =	vcmask $0x2B28;
	s20 =	simm.s32 $0x0;
	s2 =	sand.u32 $0x1, s2;
	[smem:$0x7FF] =	sst s4;
	v0 =	vsel vm10, $0x259, v0  }
.Ltmp0:
0xb: {  	vm12 =	vcmask $0x2F2C;
	s5 =	sshll.u32 s5, $0x1;
	s6 =	sadd.s32 $0x800, s1;
	v0 =	vsel vm11, $0x29E, v0;
	(pc) =	sbr.rel .LBB2_1-.Ltmp0, $4  }
0xc: {  	vm13 =	vcmask $0x3330;
	s1 =	sadd.s32 $0x7A1800, s1;
	s3 =	ssub.s32 $0x2, s2;
	_ =	strace $0x80000047;
	v0 =	vsel vm12, $0x2DF, v0  }
0xd: {  	vm14 =	vcmask $0x3734;
	s5 =	sor.u32 s2, s5;
	[dreg:$0x4] =	wrdreg s1;
	s7 =	sshrl.u32 s3, $0x1;
	v0 =	vsel vm13, $0x324, v0  }
0xe: {  	vm15 =	vcmask $0x3B38;
	s31 =	sshll.u32 s5, $0x8;
	s9 =	sor.u32 $0x40, s5;
	s30 =	ssub.s32 s3, s7;
	v0 =	vsel vm14, $0x365, v0  }
0xf: {  	p0 =	sne.s32 s5, $0x0;
	s8 =	sadd.s32 s0, s31;
	s10 =	smax.u32 s30, $0x1;
	v0 =	vsel vm15, $0x3AA, v0  }
.LBB2_14:
0x10: {  	s20 =	sadd.s32 $0x1, s20  }
0x11: {  	_ =	swait.ge [sflag:s18], $0x4000;
	p1 =	sne.s32 s20, s10  }
.Ltmp1:
0x12: {  	[sflag:s18] =	ssyncset.done $0x0;
	(pc) =	sbr.rel @!p1 .LBB2_15-.Ltmp1, $4  }
0x13: {  	[sflag:s18] =	ssyncadd.s32 $0xFFFFC000  }
0x14: {  	_ =	swait.ge [sflag:s19], $0x4000  }
0x15: {  	[sflag:s19] =	ssyncset.done $0x0  }
0x16: {  	[sflag:s19] =	ssyncadd.s32 $0xFFFFC000  }
.LBB2_1:
0x17: {  	s1 =	simm.s32 @!p0 $0x0;
	s2 =	simm.s32 @!p0 $0x14300;
	s3 =	rddreg [dreg:$0x1]  }
0x18: {  	[tilespmem:s2], [sflag:$0x5] =	stream.linear.gather @!p0 [hbm4b:s3+s1], $0x1000, $0x38;
	[tilespmem:$0x15300] =	vst v63  }
0x19: {  	s3 =	simm.s32 @!p0 $0x5  }
0x1a: {  	_ =	swait.ge @!p0 [sflag:s3], $0x1000  }
0x1b: {  	[sflag:s3] =	ssyncset.done @!p0 $0x0  }
0x1c: {  	s7 =	rddreg [dreg:$0x4];
	[sflag:s3] =	ssyncadd.s32 @!p0 $0xFFFFF000  }
0x1d: {  	[hbm4b:s7+s1] =	stream.linear.scatter @!p0 [tilespmem:s2], [sflag:$0x5], $0x1000, $0x38;
	[tilespmem:$0x15300] =	vst v63  }
.Ltmp2:
0x1e: {  	_ = 	snop;
	(pc) =	sbr.rel .LBB2_2-.Ltmp2, $4  }
0x1f: {  	_ =	swait.ge @!p0 [sflag:s3], $0x1000  }
0x20: {  	s30 =	simm.s32 $0x800;
	[sflag:s3] =	ssyncset.done @!p0 $0x0  }
0x21: {  	s31 =	simm.s32 $0x7A1400;
	s21 =	simm.s32 $0x0;
	[sflag:s3] =	ssyncadd.s32 @!p0 $0xFFFFF000  }
0x22: {  	[tilespmem:s4], [sflag:$0x1] =	stream.strided.gather [hbm4b:s8+s30], $0x4000, s31, s30, $0x38;
	[tilespmem:$0x15300] =	vst v63  }
.LBB2_13:
0x23: {  	s21 =	sadd.s32 $0x1, s21  }
0x24: {  	p1 =	sne.s32 s21, $0x3E  }
.Ltmp3:
0x25: {  	_ = 	snop;
	(pc) =	sbr.rel @!p1 .LBB2_14-.Ltmp3, $1  }
0x26: {  	_ =	sdelay $0x3  }
.LBB2_2:
0x27: {  	s23 =	sshll.u32 s21, $0x6  }
0x28: {  	s24 =	sor.u32 s5, s23  }
0x29: {  	p1 =	sgt.u32 s24, $0xF41  }
.Ltmp4:
0x2a: {  	_ = 	snop;
	(pc) =	sbr.rel @p1 .LBB2_13-.Ltmp4, $1  }
0x2b: {  	_ =	sdelay $0x3  }
0x2c: {  	s22 =	sor.u32 $0x20, s24;
	_ =	swait.ge [sflag:s13], $0x4000;
	s25 =	simm.s32 $0x0  }
0x2d: {  	p2 =	sgt.u32 s22, $0xF41;
	[sflag:s13] =	ssyncset.done $0x0;
	s7 =	sand.u32 $0x8, s25  }
0x2e: {  	s1 =	sshll.u32 @!p2 s22, $0x8;
	[sflag:s13] =	ssyncadd.s32 $0xFFFFC000;
	s2 =	simm.s32 @!p2 $0x800  }
0x2f: {  	s3 =	simm.s32 @!p2 $0x7A1400;
	s11 =	simm.s32 @!p2 $0x4000;
	s1 =	sadd.s32 @!p2 s0, s1  }
0x30: {  	[tilespmem:s11], [sflag:$0x2] =	stream.strided.gather @!p2 [hbm4b:s1+s2], $0x4000, s3, s2, $0x38;
	[tilespmem:$0x15300] =	vst v63  }
0x31: {  	s12 =	sshll.u32 s7, $0x7;
	s3 =	simm.s32 $0x0  }
0x32: {  	s11 =	simm.s32 $0x0;
	s2 =	smul.u32 $0x430, s7;
	s1 =	sand.u32 $0x3800, s3  }
0x33: {  	s26 =	simm.s32 $0x0;
	s3 =	sand.u32 $0x380, s11;
	s1 =	sor.u32 s12, s1  }
0x34: {  	s31 =	sor.u32 s26, s2;
	s2 =	sadd.s32 $0x0, s2;
	s1 =	sor.u32 s3, s1  }
0x35: {  	s28 =	simm.s32 $0x8;
	s3 =	sadd.s32 $0x430, s2;
	v6 =	vld [tilespmem:s1+$0x60]  }
0x36: {  	v4 =	vadd.s32 s31, v0;
	s11 =	sadd.s32 $0x860, s2;
	s26 =	sadd.s32 $0x1920, s2;
	s29 =	sadd.s32 $0x10C0, s2;
	v5 =	vld [tilespmem:s1+$0x0]  }
0x37: {  	s30 =	sadd.s32 $0x14F0, s2;
	s31 =	sand.u32 $0x8, s28;
	v3 =	vld [tilespmem:s1+$0x30];
	v7 =	vadd.s32 s26, v0;
	s26 =	sadd.s32 $0xC90, s2  }
0x38: {  	s2 =	sadd.s32 $0x1D50, s2;
	v13 =	vld [tilespmem:s1+$0x40];
	v14 =	vadd.s32 s29, v0;
	v15 =	vadd.s32 s30, v0;
	s30 =	simm.s32 $0x40;
	s12 =	smul.u32 $0x430, s31  }
0x39: {  	s29 =	simm.s32 $0x80;
	v16 =	vld [tilespmem:s1+$0x50];
	s31 =	sshll.u32 s31, $0x7;
	v1 =	vadd.s32 s3, v0;
	s3 =	simm.s32 $0x0  }
0x3a: {  	v11 =	vld [tilespmem:s1+$0x70];
	v2 =	vadd.s32 s11, v0;
	s30 =	sand.u32 $0x380, s30;
	s7 =	sand.u32 $0x3800, s29;
	s11 =	sadd.s32 $0x0, s12  }
0x3b: {  	v12 =	vld [tilespmem:s1+$0x20];
	s7 =	sor.u32 s31, s7;
	s3 =	sor.u32 s3, s12;
	s12 =	sadd.s32 $0x430, s11;
	[tilespmem:v4+s14+$0x0] =	vst.idx.msk $0xffff, v5;
	v5 =	vadd.s32 s2, v0  }
0x3c: {  	v10 =	vld [tilespmem:s1+$0x10];
	s30 =	sor.u32 s30, s7;
	v8 =	vadd.s32 s12, v0;
	[tilespmem:v7+s14+$0x0] =	vst.idx.msk $0xffff, v6  }
0x3d: {  	s31 =	sadd.s32 $0x14F0, s11;
	s1 =	sadd.s32 $0xC90, s11;
	v9 =	vld [tilespmem:s30+$0x60];
	v4 =	vadd.s32 s26, v0;
	v6 =	vadd.s32 s3, v0;
	s26 =	sadd.s32 $0x860, s11;
	[tilespmem:v14+s14+$0x0] =	vst.idx.msk $0xffff, v13  }
0x3e: {  	s3 =	sadd.s32 $0x10C0, s11;
	s2 =	sadd.s32 $0x1920, s11;
	v13 =	vld [tilespmem:s30+$0x0];
	v7 =	vadd.s32 s31, v0;
	s11 =	sadd.s32 $0x1D50, s11;
	[tilespmem:v15+s14+$0x0] =	vst.idx.msk $0xffff, v16;
	v14 =	vadd.s32 s26, v0  }
.LBB2_4:
0x3f: {  	s28 =	sadd.s32 $0x8, s28  }
0x40: {  	v15 =	vld [tilespmem:s30+$0x30];
	v16 =	vadd.s32 s2, v0;
	[tilespmem:v5+s14+$0x0] =	vst.idx.msk $0xffff, v11;
	v5 =	vadd.s32 s11, v0;
	s31 =	simm.s32 $0x8041;
	s26 =	simm.s32 $0xC340;
	s29 =	sadd.s32 $0x80, s29  }
0x41: {  	v18 =	vadd.s32 s3, v0;
	s2 =	sand.u32 $0x8, s28;
	s7 =	sshll.u32 s28, $0x3;
	v17 =	vld [tilespmem:s30+$0x40];
	[tilespmem:v2+s14+$0x0] =	vst.idx.msk $0xffff, v12;
	v2 =	vmov v14;
	p1 =	slt.u32 s28, $0x3F8  }
0x42: {  	s3 =	sand.u32 $0x380, s7;
	s7 =	sshll.u32 s2, $0x7;
	s2 =	smul.u32 $0x430, s2;
	v19 =	vld [tilespmem:s30+$0x50];
	[tilespmem:v4+s14+$0x0] =	vst.idx.msk $0xffff, v3;
	v4 =	vadd.s32 s1, v0  }
.Ltmp5:
0x43: {  	s11 =	sand.u32 $0x3800, s29;
	s1 =	sshrl.u32 s28, $0x4;
	v11 =	vld [tilespmem:s30+$0x70];
	[tilespmem:v1+s14+$0x0] =	vst.idx.msk $0xffff, v10;
	v1 =	vmov v8;
	(pc) =	sbr.rel @p1 .LBB2_4-.Ltmp5, $4  }
0x44: {  	s7 =	sor.u32 s7, s11;
	s11 =	sor.u32 s1, s2;
	s12 =	sadd.s32 s1, s2;
	[tilespmem:v6+s14+$0x0] =	vst.idx.msk $0xffff, v13;
	v12 =	vld [tilespmem:s30+$0x20]  }
0x45: {  	v6 =	vadd.s32 s11, v0;
	s1 =	sadd.s32 $0x430, s12;
	s11 =	sadd.s32 $0x860, s12;
	v10 =	vld [tilespmem:s30+$0x10];
	s30 =	sor.u32 s3, s7;
	[tilespmem:v16+s14+$0x0] =	vst.idx.msk $0xffff, v9;
	v3 =	vmov v15  }
0x46: {  	s3 =	sadd.s32 $0x10C0, s12;
	s7 =	sadd.s32 $0x14F0, s12;
	s2 =	sadd.s32 $0x1920, s12;
	v8 =	vadd.s32 s1, v0;
	v9 =	vld [tilespmem:s30+$0x60];
	[tilespmem:v18+s14+$0x0] =	vst.idx.msk $0xffff, v17  }
0x47: {  	v14 =	vadd.s32 s11, v0;
	s1 =	sadd.s32 $0xC90, s12;
	s11 =	sadd.s32 $0x1D50, s12;
	v13 =	vld [tilespmem:s30+$0x0];
	[tilespmem:v7+s14+$0x0] =	vst.idx.msk $0xffff, v19;
	v7 =	vadd.s32 s7, v0  }
0x48: {  	_ =	sdelay $0x3  }
0x49: {  	v15 =	vadd.s32 s2, v0;
	[tilespmem:v5+s14+$0x0] =	vst.idx.msk $0xffff, v11  }
0x4a: {  	v5 =	vld [tilespmem:s30+$0x40];
	v61 =	vadd.s32 s3, v0;
	[tilespmem:v4+s14+$0x0] =	vst.idx.msk $0xffff, v3  }
0x4b: {  	v3 =	vadd.s32 s11, v0;
	v4 =	vld [tilespmem:s30+$0x70];
	[tilespmem:v2+s14+$0x0] =	vst.idx.msk $0xffff, v12  }
0x4c: {  	v63 =	vld [tilespmem:s30+$0x10];
	[tilespmem:v1+s14+$0x0] =	vst.idx.msk $0xffff, v10  }
0x4d: {  	v2 =	vld [tilespmem:s30+$0x50];
	[tilespmem:v6+s14+$0x0] =	vst.idx.msk $0xffff, v13  }
0x4e: {  	v1 =	vld [tilespmem:s30+$0x20];
	[tilespmem:v15+s14+$0x0] =	vst.idx.msk $0xffff, v9  }
0x4f: {  	v62 =	vadd.s32 s1, v0;
	v6 =	vld [tilespmem:s30+$0x30];
	[tilespmem:v61+s14+$0x0] =	vst.idx.msk $0xffff, v5  }
0x50: {  	[tilespmem:v3+s14+$0x0] =	vst.idx.msk $0xffff, v4  }
0x51: {  	[tilespmem:v8+s14+$0x0] =	vst.idx.msk $0xffff, v63  }
0x52: {  	[tilespmem:v7+s14+$0x0] =	vst.idx.msk $0xffff, v2  }
0x53: {  	[tilespmem:v14+s14+$0x0] =	vst.idx.msk $0xffff, v1  }
0x54: {  	[tilespmem:v62+s14+$0x0] =	vst.idx.msk $0xffff, v6  }
0x55: {  	v4 =	vld [tilespmem:s31+$0x30]  }
0x56: {  	v5 =	vld [tilespmem:s31+$0xFFFFFFCF]  }
0x57: {  	v6 =	vld [tilespmem:s31+$0xFFFFFFDF]  }
0x58: {  	v2 =	vld [tilespmem:s31+$0xFFFFFFEF]  }
0x59: {  	v1 =	vld [tilespmem:s31+$0x0]  }
0x5a: {  	v3 =	vld [tilespmem:s31+$0x10];
	[tilespmem:s26+$0x30] =	vst v4  }
0x5b: {  	[tilespmem:s26+$0xFFFFFFD0] =	vst v5;
	v5 =	vld [tilespmem:s31+$0x20]  }
0x5c: {  	s1 =	simm.s32 $0x80C7;
	v4 =	vld [tilespmem:s31+$0xFFFFFFBF];
	[tilespmem:s26+$0xFFFFFFE0] =	vst v6  }
.LBB2_6:
0x5d: {  	v6 =	vld [tilespmem:s1+$0x30];
	s25 =	sadd.s32 $0x8, s25;
	[tilespmem:s26+$0xFFFFFFF0] =	vst v2  }
0x5e: {  	v7 =	vld [tilespmem:s1+$0xFFFFFFCF];
	p1 =	slt.u32 s25, $0x3F8;
	[tilespmem:s26+$0x0] =	vst v1  }
0x5f: {  	v8 =	vld [tilespmem:s1+$0xFFFFFFDF];
	[tilespmem:s26+$0x10] =	vst v3  }
.Ltmp6:
0x60: {  	v2 =	vld [tilespmem:s1+$0xFFFFFFEF];
	[tilespmem:s26+$0x20] =	vst v5;
	(pc) =	sbr.rel @p1 .LBB2_6-.Ltmp6, $4  }
0x61: {  	v1 =	vld [tilespmem:s1+$0x0];
	[tilespmem:s26+$0xFFFFFFC0] =	vst v4;
	s26 =	sadd.s32 $0x80, s26  }
0x62: {  	v3 =	vld [tilespmem:s1+$0x10];
	[tilespmem:s26+$0x30] =	vst v6  }
0x63: {  	[tilespmem:s26+$0xFFFFFFD0] =	vst v7;
	v5 =	vld [tilespmem:s1+$0x20]  }
0x64: {  	v4 =	vld [tilespmem:s1+$0xFFFFFFBF];
	[tilespmem:s26+$0xFFFFFFE0] =	vst v8;
	s1 =	sadd.s32 $0x86, s1  }
0x65: {  	[tilespmem:s26+$0xFFFFFFF0] =	vst v2  }
0x66: {  	[tilespmem:s26+$0x0] =	vst v1  }
0x67: {  	[tilespmem:s26+$0x10] =	vst v3  }
0x68: {  	p1 =	seq.s32 s21, $0x0;
	[tilespmem:s26+$0x20] =	vst v5  }
.Ltmp7:
0x69: {  	s1 =	simm.s32 @!p1 $0x3;
	[tilespmem:s26+$0xFFFFFFC0] =	vst v4;
	(pc) =	sbr.rel @p2 .LBB2_13-.Ltmp7, $4  }
0x6a: {  	_ =	swait.ge @!p1 [sflag:s1], $0x4000  }
0x6b: {  	s2 =	sshll.u32 s24, $0xB;
	[sflag:s1] =	ssyncset.done @!p1 $0x0  }
0x6c: {  	s31 =	sadd.s32 s6, s2;
	[sflag:s1] =	ssyncadd.s32 @!p1 $0xFFFFC000  }
0x6d: {  	[hbm4b:s31+s4] =	stream.linear.scatter [tilespmem:s15], [sflag:$0x3], $0x4000, $0x38;
	[tilespmem:$0x15300] =	vst v63  }
0x6e: {  	s1 =	sadd.s32 s9, s23;
	_ =	swait.ge [sflag:s16], $0x4000  }
0x6f: {  	s23 =	simm.s32 $0x0;
	s11 =	simm.s32 $0x0;
	s24 =	simm.s32 $0x0  }
0x70: {  	p2 =	sgt.u32 s1, $0xF41;
	[sflag:s16] =	ssyncset.done $0x0;
	s12 =	sand.u32 $0x8, s23  }
0x71: {  	s1 =	sshll.u32 @!p2 s1, $0x8;
	[sflag:s16] =	ssyncadd.s32 $0xFFFFC000;
	s2 =	simm.s32 @!p2 $0x800  }
0x72: {  	s3 =	simm.s32 @!p2 $0x7A1400;
	s7 =	simm.s32 @!p2 $0x0;
	s1 =	sadd.s32 @!p2 s0, s1  }
0x73: {  	[tilespmem:s7], [sflag:$0x1] =	stream.strided.gather @!p2 [hbm4b:s1+s2], $0x4000, s3, s2, $0x38;
	[tilespmem:$0x15300] =	vst v63  }
0x74: {  	s25 =	sshll.u32 s12, $0x7;
	s1 =	sand.u32 $0x3800, s11;
	s2 =	smul.u32 $0x430, s12  }
0x75: {  	s26 =	simm.s32 $0x0;
	s3 =	sand.u32 $0x380, s24;
	s1 =	sor.u32 s25, s1  }
0x76: {  	s1 =	sor.u32 s3, s1;
	s29 =	sor.u32 s26, s2  }
0x77: {  	s25 =	simm.s32 $0x8;
	s2 =	sadd.s32 $0x0, s2;
	v4 =	vadd.s32 s29, v0;
	v5 =	vld [tilespmem:s1+$0x4000]  }
0x78: {  	s28 =	sand.u32 $0x8, s25;
	v6 =	vld [tilespmem:s1+$0x4060];
	s11 =	sadd.s32 $0x1920, s2  }
0x79: {  	s26 =	simm.s32 $0x80;
	s30 =	sadd.s32 $0x430, s2;
	s12 =	sadd.s32 $0x10C0, s2;
	v3 =	vld [tilespmem:s1+$0x4030];
	v7 =	vadd.s32 s11, v0  }
0x7a: {  	s31 =	sadd.s32 $0x860, s2;
	s24 =	sadd.s32 $0x14F0, s2;
	v13 =	vld [tilespmem:s1+$0x4040];
	s29 =	simm.s32 $0x40;
	v14 =	vadd.s32 s12, v0  }
0x7b: {  	v16 =	vld [tilespmem:s1+$0x4050];
	s11 =	sadd.s32 $0xC90, s2;
	s2 =	sadd.s32 $0x1D50, s2;
	v15 =	vadd.s32 s24, v0;
	s24 =	smul.u32 $0x430, s28  }
0x7c: {  	v11 =	vld [tilespmem:s1+$0x4070];
	s12 =	sand.u32 $0x380, s29;
	s28 =	sshll.u32 s28, $0x7;
	s29 =	sand.u32 $0x3800, s26;
	[tilespmem:v4+s14+$0x0] =	vst.idx.msk $0xffff, v5;
	v5 =	vadd.s32 s2, v0  }
0x7d: {  	v12 =	vld [tilespmem:s1+$0x4020];
	v1 =	vadd.s32 s30, v0;
	v2 =	vadd.s32 s31, v0;
	s30 =	simm.s32 $0x0;
	s31 =	sor.u32 s28, s29;
	s29 =	sadd.s32 $0x0, s24  }
0x7e: {  	v10 =	vld [tilespmem:s1+$0x4010];
	s28 =	sor.u32 s12, s31;
	v4 =	vadd.s32 s11, v0;
	s11 =	sor.u32 s30, s24;
	s24 =	sadd.s32 $0x430, s29;
	[tilespmem:v7+s14+$0x0] =	vst.idx.msk $0xffff, v6  }
0x7f: {  	s3 =	sadd.s32 $0x10C0, s29;
	s31 =	sadd.s32 $0x14F0, s29;
	v9 =	vld [tilespmem:s28+$0x4060];
	s30 =	sadd.s32 $0x860, s29;
	v6 =	vadd.s32 s11, v0;
	v8 =	vadd.s32 s24, v0;
	[tilespmem:v14+s14+$0x0] =	vst.idx.msk $0xffff, v13  }
0x80: {  	s1 =	sadd.s32 $0xC90, s29;
	s2 =	sadd.s32 $0x1920, s29;
	v13 =	vld [tilespmem:s28+$0x4000];
	v14 =	vadd.s32 s30, v0;
	v7 =	vadd.s32 s31, v0;
	s11 =	sadd.s32 $0x1D50, s29;
	[tilespmem:v15+s14+$0x0] =	vst.idx.msk $0xffff, v16  }
.LBB2_9:
0x81: {  	s25 =	sadd.s32 $0x8, s25;
	v15 =	vld [tilespmem:s28+$0x4030];
	v16 =	vadd.s32 s2, v0;
	[tilespmem:v5+s14+$0x0] =	vst.idx.msk $0xffff, v11;
	v5 =	vadd.s32 s11, v0;
	s24 =	simm.s32 $0x10370;
	s26 =	sadd.s32 $0x80, s26  }
0x82: {  	v18 =	vadd.s32 s3, v0;
	s2 =	sand.u32 $0x8, s25;
	s7 =	sshll.u32 s25, $0x3;
	v17 =	vld [tilespmem:s28+$0x4040];
	[tilespmem:v2+s14+$0x0] =	vst.idx.msk $0xffff, v12;
	v2 =	vmov v14;
	p2 =	slt.u32 s25, $0x3F8  }
0x83: {  	s3 =	sand.u32 $0x380, s7;
	s7 =	sshll.u32 s2, $0x7;
	s2 =	smul.u32 $0x430, s2;
	v19 =	vld [tilespmem:s28+$0x4050];
	[tilespmem:v4+s14+$0x0] =	vst.idx.msk $0xffff, v3;
	v4 =	vadd.s32 s1, v0  }
.Ltmp8:
0x84: {  	s11 =	sand.u32 $0x3800, s26;
	s1 =	sshrl.u32 s25, $0x4;
	v11 =	vld [tilespmem:s28+$0x4070];
	[tilespmem:v1+s14+$0x0] =	vst.idx.msk $0xffff, v10;
	v1 =	vmov v8;
	(pc) =	sbr.rel @p2 .LBB2_9-.Ltmp8, $4  }
0x85: {  	s7 =	sor.u32 s7, s11;
	s11 =	sor.u32 s1, s2;
	s12 =	sadd.s32 s1, s2;
	[tilespmem:v6+s14+$0x0] =	vst.idx.msk $0xffff, v13;
	v12 =	vld [tilespmem:s28+$0x4020]  }
0x86: {  	v6 =	vadd.s32 s11, v0;
	s1 =	sadd.s32 $0x430, s12;
	s11 =	sadd.s32 $0x860, s12;
	v10 =	vld [tilespmem:s28+$0x4010];
	s28 =	sor.u32 s3, s7;
	[tilespmem:v16+s14+$0x0] =	vst.idx.msk $0xffff, v9;
	v3 =	vmov v15  }
0x87: {  	s3 =	sadd.s32 $0x10C0, s12;
	s7 =	sadd.s32 $0x14F0, s12;
	s2 =	sadd.s32 $0x1920, s12;
	v8 =	vadd.s32 s1, v0;
	v9 =	vld [tilespmem:s28+$0x4060];
	[tilespmem:v18+s14+$0x0] =	vst.idx.msk $0xffff, v17  }
0x88: {  	v14 =	vadd.s32 s11, v0;
	s1 =	sadd.s32 $0xC90, s12;
	s11 =	sadd.s32 $0x1D50, s12;
	v13 =	vld [tilespmem:s28+$0x4000];
	[tilespmem:v7+s14+$0x0] =	vst.idx.msk $0xffff, v19;
	v7 =	vadd.s32 s7, v0  }
0x89: {  	_ =	sdelay $0x3  }
0x8a: {  	v15 =	vadd.s32 s2, v0;
	[tilespmem:v5+s14+$0x0] =	vst.idx.msk $0xffff, v11  }
0x8b: {  	v5 =	vld [tilespmem:s28+$0x4040];
	v61 =	vadd.s32 s3, v0;
	[tilespmem:v4+s14+$0x0] =	vst.idx.msk $0xffff, v3  }
0x8c: {  	v3 =	vadd.s32 s11, v0;
	v4 =	vld [tilespmem:s28+$0x4070];
	[tilespmem:v2+s14+$0x0] =	vst.idx.msk $0xffff, v12  }
0x8d: {  	v63 =	vld [tilespmem:s28+$0x4010];
	[tilespmem:v1+s14+$0x0] =	vst.idx.msk $0xffff, v10  }
0x8e: {  	v2 =	vld [tilespmem:s28+$0x4050];
	[tilespmem:v6+s14+$0x0] =	vst.idx.msk $0xffff, v13  }
0x8f: {  	v1 =	vld [tilespmem:s28+$0x4020];
	[tilespmem:v15+s14+$0x0] =	vst.idx.msk $0xffff, v9  }
0x90: {  	v62 =	vadd.s32 s1, v0;
	v6 =	vld [tilespmem:s28+$0x4030];
	[tilespmem:v61+s14+$0x0] =	vst.idx.msk $0xffff, v5  }
0x91: {  	[tilespmem:v3+s14+$0x0] =	vst.idx.msk $0xffff, v4  }
0x92: {  	[tilespmem:v8+s14+$0x0] =	vst.idx.msk $0xffff, v63  }
0x93: {  	[tilespmem:v7+s14+$0x0] =	vst.idx.msk $0xffff, v2  }
0x94: {  	[tilespmem:v14+s14+$0x0] =	vst.idx.msk $0xffff, v1  }
0x95: {  	s31 =	simm.s32 $0x8041;
	[tilespmem:v62+s14+$0x0] =	vst.idx.msk $0xffff, v6  }
0x96: {  	v4 =	vld [tilespmem:s31+$0x30]  }
0x97: {  	v5 =	vld [tilespmem:s31+$0xFFFFFFCF]  }
0x98: {  	v6 =	vld [tilespmem:s31+$0xFFFFFFDF]  }
0x99: {  	v2 =	vld [tilespmem:s31+$0xFFFFFFEF]  }
0x9a: {  	v1 =	vld [tilespmem:s31+$0x0]  }
0x9b: {  	v3 =	vld [tilespmem:s31+$0x10];
	[tilespmem:s24+$0x0] =	vst v4  }
0x9c: {  	[tilespmem:s24+$0xFFFFFFA0] =	vst v5;
	v5 =	vld [tilespmem:s31+$0x20]  }
0x9d: {  	s1 =	simm.s32 $0x80C7;
	v4 =	vld [tilespmem:s31+$0xFFFFFFBF];
	[tilespmem:s24+$0xFFFFFFB0] =	vst v6  }
.LBB2_11:
0x9e: {  	v6 =	vld [tilespmem:s1+$0x30];
	s23 =	sadd.s32 $0x8, s23;
	[tilespmem:s24+$0xFFFFFFC0] =	vst v2  }
0x9f: {  	v7 =	vld [tilespmem:s1+$0xFFFFFFCF];
	p2 =	slt.u32 s23, $0x3F8;
	[tilespmem:s24+$0xFFFFFFD0] =	vst v1  }
0xa0: {  	v8 =	vld [tilespmem:s1+$0xFFFFFFDF];
	[tilespmem:s24+$0xFFFFFFE0] =	vst v3  }
.Ltmp9:
0xa1: {  	v2 =	vld [tilespmem:s1+$0xFFFFFFEF];
	[tilespmem:s24+$0xFFFFFFF0] =	vst v5;
	(pc) =	sbr.rel @p2 .LBB2_11-.Ltmp9, $4  }
0xa2: {  	v1 =	vld [tilespmem:s1+$0x0];
	[tilespmem:s24+$0xFFFFFF90] =	vst v4;
	s24 =	sadd.s32 $0x80, s24  }
0xa3: {  	v3 =	vld [tilespmem:s1+$0x10];
	[tilespmem:s24+$0x0] =	vst v6  }
0xa4: {  	[tilespmem:s24+$0xFFFFFFA0] =	vst v7;
	v5 =	vld [tilespmem:s1+$0x20]  }
0xa5: {  	v4 =	vld [tilespmem:s1+$0xFFFFFFBF];
	[tilespmem:s24+$0xFFFFFFB0] =	vst v8;
	s1 =	sadd.s32 $0x86, s1  }
0xa6: {  	[tilespmem:s24+$0xFFFFFFC0] =	vst v2  }
0xa7: {  	[tilespmem:s24+$0xFFFFFFD0] =	vst v1  }
0xa8: {  	[tilespmem:s24+$0xFFFFFFE0] =	vst v3  }
0xa9: {  	[tilespmem:s24+$0xFFFFFFF0] =	vst v5  }
.Ltmp10:
0xaa: {  	s1 =	simm.s32 @!p1 $0x4;
	[tilespmem:s24+$0xFFFFFF90] =	vst v4;
	(pc) =	sbr.rel .LBB2_13-.Ltmp10, $4  }
0xab: {  	_ =	swait.ge @!p1 [sflag:s1], $0x4000  }
0xac: {  	s2 =	sshll.u32 s22, $0xB;
	[sflag:s1] =	ssyncset.done @!p1 $0x0  }
0xad: {  	s31 =	sadd.s32 s6, s2;
	[sflag:s1] =	ssyncadd.s32 @!p1 $0xFFFFC000  }
0xae: {  	[hbm4b:s31+s4] =	stream.linear.scatter [tilespmem:s17], [sflag:$0x4], $0x4000, $0x38;
	[tilespmem:$0x15300] =	vst v63  }
.LBB2_15:
0xaf: {  	_ =	sfence.sel $0x180000  }
0xb0: {  	[bflag:$0x0] =	sbarrier.arrive $0xFFFF  }
0xb1: {  	_ =	strace $0x90000047  }
0xb2: {  	s0 =	stileid.u32;
	[bflag:$0x2] =	sbarrier.arrive $0xFFFF  }
0xb3: {  	p0 =	sne.s32 s0, $0x0;
	s0 =	rddreg [dreg:$0x3]  }
0xb4: {  	s0 =	sadd.s32 @!p0 $0x100000, s0  }
0xb5: {  	[sflag:s0] =	ssyncadd.tile.s32 @!p0 $0x1;
	_ =	shalt  }
.Lfunc_end2:
_tile_overlayer_lowered:
.L_overlay_start_2:
0xb6: {  	(tag) =	ssettag $0x2  }
0xb7: {  	s0 =	rddreg [dreg:$0x0];
	s2 =	stileid.u32  }
0xb8: {  	s1 =	rddreg [dreg:$0x1];
	p0 =	sne.s32 s2, $0x0  }
0xb9: {  	s3 =	rddreg [dreg:$0x2];
	[bflag:$0x3] =	sbarrier.arrive $0xFFFF;
	s2 =	simm.s32 @!p0 $0x1C05  }
0xba: {  	[timem:s3], [sflag:s2] =	dma.local @!p0 [hbm:s0], s1  }
0xbb: {  	s0 =	simm.s32 @!p0 $0x5  }
0xbc: {  	_ =	swait.ge @!p0 [sflag:s0], s1  }
0xbd: {  	s1 =	ssub.s32 @!p0 $0x0, s1;
	[sflag:s0] =	ssyncset.done @!p0 $0x0  }
0xbe: {  	[sflag:s0] =	ssyncadd.s32 @!p0 s1  }
0xbf: {  	[bflag:$0x3] =	sbarrier.arrive $0xFFFF  }
0xc0: {  	_ =	shalt  }

// kernel: kernel.7.cloned.1.call-start
scs
__scs_entry_jumppad:
0x0: {  	(pc) =	sbr.rel $0x88, $3  }
0x1: {  	(tag) =	ssettag $0x0;
	lr =	simm.s32 $0x1  }
0x2: {  	[smem:$0x3F9F] =	sst lr;
	_ =	strace $0xD0000000  }
0x3: {  	_ = 	snop  }
0x4: {  	_ = 	snop  }
0x5: {  	_ = 	snop  }
0x6: {  	_ = 	snop  }
0x7: {  	_ = 	snop  }
__scs_overlays_trampoline_lowered:
0x8: {  	[smem:$0x3FAE] =	sst s0  }
0x9: {  	[smem:$0x3FAF] =	sst s1  }
0xa: {  	[smem:$0x3FB0] =	sst s2  }
0xb: {  	[smem:$0x3FB1] =	sst s3  }
0xc: {  	[smem:$0x3FB2] =	sst s4  }
0xd: {  	[smem:$0x3FB3] =	sst s5  }
0xe: {  	[smem:$0x3FB4] =	sst s6  }
0xf: {  	[smem:$0x3FB5] =	sst s7  }
0x10: {  	[smem:$0x3FB6] =	sst s8  }
0x11: {  	[smem:$0x3FB7] =	sst s9;
	s0 =	simm.s32 @!p0 $0x0  }
0x12: {  	s1 =	sld [smem:$0x3F9D];
	s0 =	simm.s32 @p0 $0x1  }
0x13: {  	[smem:$0x3FB8] =	sst s0;
	s0 =	simm.s32 @!p1 $0x0  }
0x14: {  	s2 =	sld [smem:$0x3F9C];
	s0 =	simm.s32 @p1 $0x1  }
0x15: {  	[smem:$0x3FB9] =	sst s0;
	s0 =	simm.s32 @!p2 $0x0  }
0x16: {  	s3 =	sld [smem:$0x3FDB];
	s0 =	simm.s32 @p2 $0x1  }
0x17: {  	s4 =	simm.s32 $0x1BF5;
	[smem:$0x3FBB] =	sst s0  }
0x18: {  	s0 =	sld [smem:$0x3F9E];
	_ =	swait.ge [sflag:s4], $0x0  }
0x19: {  	s7 =	sld [smem:$0x3F9F]  }
0x1a: {  	s8 =	sadd.s32 $0xFFFFE003, lr  }
0x1b: {  	s9 =	sadd.s32 $0xFFFFFEF7, lr;
	s5 =	simm.s32 $0xFFFFFFFF;
	p2 =	slt.u32 s8, $0xFFFFF086  }
0x1c: {  	p1 =	slt.u32 s9, $0xF7A;
	s5 =	simm.s32 @!p2 $0x0  }
0x1d: {  	s5 =	simm.s32 @p1 $0x1;
	p0 =	seq.s32 s7, s2  }
0x1e: {  	s7 =	smul.u32 @!p0 $0xF7A, s2;
	p2 =	seq.s32 @!p0 s5, $0x0  }
0x1f: {  	s9 =	smul.u32 $0xF7A, s1;
	s8 =	simm.s32 @!p0 $0x1BF5;
	p2 =	por !p2, p0  }
0x20: {  	[sflag:s8] =	ssyncset.s32 @!p0 $0xFFFFF086;
	s6 =	sadd.s32 @!p0 s3, s7;
	s7 =	simm.s32 @!p0 $0x108  }
0x21: {  	s3 =	sadd.s32 s3, s9;
	s6 =	sadd.s32 @!p0 $0x88, s6;
	s7 =	simm.s32 @p2 $0x1082  }
0x22: {  	[simem:s7], [sflag:s8] =	dma.local @!p0 [hbm:s6], $0xF7A  }
0x23: {  	s9 =	sor.u32 $0xD0000000, s2;
	s6 =	simm.s32 $0x108;
	_ =	swait.ge @!p0 [sflag:s8], $0x0  }
0x24: {  	s3 =	sadd.s32 $0x88, s3;
	s6 =	simm.s32 @!p1 $0x1082;
	[sflag:s4] =	ssyncset.s32 $0xFFFFF086  }
0x25: {  	[simem:s6], [sflag:s4] =	dma.local [hbm:s3], $0xF7A  }
0x26: {  	[smem:$0x3F9F] =	sst s1;
	(tag) =	ssettag s2;
	_ =	strace s9  }
0x27: {  	s1 =	sld [smem:$0x3FAF]  }
0x28: {  	s2 =	sld [smem:$0x3FB0]  }
0x29: {  	s4 =	sld [smem:$0x3FB2]  }
0x2a: {  	p0 =	seq.s32 s5, $0x0;
	s5 =	sld [smem:$0x3FB3]  }
0x2b: {  	s6 =	sld [smem:$0x3FB4]  }
0x2c: {  	s7 =	sld [smem:$0x3FB5]  }
0x2d: {  	s3 =	simm.s32 $0x108;
	s8 =	sld [smem:$0x3FB6]  }
0x2e: {  	s3 =	simm.s32 @!p0 $0x1082;
	s9 =	sld [smem:$0x3FB7]  }
0x2f: {  	lr =	sadd.s32 s0, s3;
	s0 =	sld [smem:$0x3FAE]  }
0x30: {  	s3 =	sld [smem:$0x3FB1]  }
0x31: {  	[smem:$0x3FBA] =	sst s10  }
0x32: {  	s10 =	sld [smem:$0x3FB8];
	_ =	sdelay $0x3  }
0x33: {  	p0 =	seq.s32 s10, $0x1;
	s10 =	sld [smem:$0x3FBA];
	_ =	sdelay $0x3  }
0x34: {  	[smem:$0x3FBA] =	sst s10  }
0x35: {  	s10 =	sld [smem:$0x3FB9];
	_ =	sdelay $0x3  }
0x36: {  	p1 =	seq.s32 s10, $0x1;
	s10 =	sld [smem:$0x3FBA];
	_ =	sdelay $0x3  }
0x37: {  	[smem:$0x3FBA] =	sst s10  }
0x38: {  	s10 =	sld [smem:$0x3FBB]  }
0x39: {  	_ = 	snop;
	(pc) =	sbr.ind lr, $3  }
0x3a: {  	_ = 	snop  }
0x3b: {  	_ = 	snop  }
0x3c: {  	p2 =	seq.s32 s10, $0x1;
	s10 =	sld [smem:$0x3FBA]  }
0x3d: {  	_ =	shalt  }
0x3e: {  	_ =	shalt  }
0x3f: {  	_ =	shalt  }
0x40: {  	_ =	shalt  }
0x41: {  	_ =	shalt  }
0x42: {  	_ =	shalt  }
0x43: {  	_ =	shalt  }
0x44: {  	_ =	shalt  }
0x45: {  	_ =	shalt  }
0x46: {  	_ =	shalt  }
0x47: {  	_ =	shalt  }
0x48: {  	_ =	shalt  }
0x49: {  	_ =	shalt  }
0x4a: {  	_ =	shalt  }
0x4b: {  	_ =	shalt  }
0x4c: {  	_ =	shalt  }
0x4d: {  	_ =	shalt  }
0x4e: {  	_ =	shalt  }
0x4f: {  	_ =	shalt  }
0x50: {  	_ =	shalt  }
0x51: {  	_ =	shalt  }
0x52: {  	_ =	shalt  }
0x53: {  	_ =	shalt  }
0x54: {  	_ =	shalt  }
0x55: {  	_ =	shalt  }
0x56: {  	_ =	shalt  }
0x57: {  	_ =	shalt  }
0x58: {  	_ =	shalt  }
0x59: {  	_ =	shalt  }
0x5a: {  	_ =	shalt  }
0x5b: {  	_ =	shalt  }
0x5c: {  	_ =	shalt  }
0x5d: {  	_ =	shalt  }
0x5e: {  	_ =	shalt  }
0x5f: {  	_ =	shalt  }
0x60: {  	_ =	shalt  }
0x61: {  	_ =	shalt  }
0x62: {  	_ =	shalt  }
0x63: {  	_ =	shalt  }
0x64: {  	_ =	shalt  }
0x65: {  	_ =	shalt  }
0x66: {  	_ =	shalt  }
0x67: {  	_ =	shalt  }
0x68: {  	_ =	shalt  }
0x69: {  	_ =	shalt  }
0x6a: {  	_ =	shalt  }
0x6b: {  	_ =	shalt  }
0x6c: {  	_ =	shalt  }
0x6d: {  	_ =	shalt  }
0x6e: {  	_ =	shalt  }
0x6f: {  	_ =	shalt  }
0x70: {  	_ =	shalt  }
0x71: {  	_ =	shalt  }
0x72: {  	_ =	shalt  }
0x73: {  	_ =	shalt  }
0x74: {  	_ =	shalt  }
0x75: {  	_ =	shalt  }
0x76: {  	_ =	shalt  }
0x77: {  	_ =	shalt  }
0x78: {  	_ =	shalt  }
0x79: {  	_ =	shalt  }
0x7a: {  	_ =	shalt  }
0x7b: {  	_ =	shalt  }
0x7c: {  	_ =	shalt  }
0x7d: {  	_ =	shalt  }
0x7e: {  	_ =	shalt  }
0x7f: {  	_ =	shalt  }
0x80: {  	_ =	shalt  }
0x81: {  	_ =	shalt  }
0x82: {  	_ =	shalt  }
0x83: {  	_ =	shalt  }
0x84: {  	_ =	shalt  }
0x85: {  	_ =	shalt  }
0x86: {  	_ =	shalt  }
0x87: {  	_ =	shalt  }
.Lfunc_end0:
.L_simem_size_0:
called_computation.1_lowered:
.L_overlay_start_0:
0x88: {  	s2 =	sld [smem:$0x3FD9]  }
0x89: {  	s3 =	sld [smem:$0x3FFE];
	_ =	sdelay $0x1  }
0x8a: {  	s1 =	srdreg.scid  }
0x8b: {  	s0 =	sand.u32 $0x1, s1  }
0x8c: {  	s17 =	sshll.u32 s0, $0xA;
	s2 =	sadd.s32 s3, s2  }
0x8d: {  	s2 =	sadd.s32 s2, s17  }
0x8e: {  	[smem:$0x3FC6] =	sst s2  }
0x8f: {  	_ = 	snop  }
0x90: {  	s2 =	sld [smem:$0x3FC9]  }
0x91: {  	s18 =	sld [smem:$0x3FD0];
	(tm) =	ssettm $0x1  }
0x92: {  	s4 =	sld [smem:$0x3FFB];
	_ =	sdelay $0x3  }
0x93: {  	_ =	strace s4  }
0x94: {  	s4 =	sld [smem:$0x3FFC];
	_ =	sdelay $0x3  }
0x95: {  	_ =	strace s4  }
0x96: {  	s4 =	sld [smem:$0x3FFD];
	_ =	sdelay $0x3  }
0x97: {  	_ =	strace s4  }
0x98: {  	_ =	strace $0x8FFFFFFF  }
0x99: {  	s19 =	sld [smem:$0x3FDB];
	_ =	sdelay $0x1  }
0x9a: {  	s5 =	simm.s32 $_scs_section_size  }
0x9b: {  	s6 =	simm.s32 $_size__tile_overlayer_lowered;
	s7 =	simm.s32 $_tile_overlayer_lowered  }
0x9c: {  	s22 =	simm.s32 $0x1BFF;
	s21 =	sshll.u32 s7, $0x1;
	s4 =	sadd.s32 s5, s19  }
0x9d: {  	s8 =	simm.s32 $0x0;
	s20 =	sshll.u32 s6, $0x1;
	s6 =	sadd.s32 s21, s4  }
0x9e: {  	[timem:s8], [sflag:s22] =	dma.local [hbm:s6], s20  }
0x9f: {  	_ =	swait.ge [sflag:s22], s20  }
0xa0: {  	s5 =	ssub.s32 $0x0, s20;
	[sflag:s22] =	ssyncset.done $0x0  }
0xa1: {  	[sflag:s22] =	ssyncadd.s32 s5;
	_ =	sdelay $0x1  }
0xa2: {  	s23 =	simm.s32 $0x1B8B  }
0xa3: {  	_ =	swait.ge [sflag:s23], $0x1  }
0xa4: {  	[sflag:s23] =	ssyncset.done $0x0  }
0xa5: {  	s25 =	simm.s32 $0x1B8E;
	s24 =	sld [smem:$0x3FFE];
	[sflag:s23] =	ssyncadd.s32 $0xFFFFFFFF  }
0xa6: {  	s26 =	simm.s32 $execute0_lowered;
	[smem:$0x3FD2] =	sst s25  }
0xa7: {  	s6 =	sshll.u32 s26, $0x1;
	_ =	strace $0x80000049;
	[dreg:$0x1] =	wrdreg $0xFFFFFFFF  }
0xa8: {  	s28 =	simm.s32 $_size_execute0_lowered;
	s4 =	sadd.s32 s4, s6;
	[dreg:$0x0] =	wrdreg $0x0  }
0xa9: {  	s6 =	sshll.u32 s28, $0x1;
	[dreg:$0x2] =	wrdreg s4  }
0xaa: {  	[dreg:$0x3] =	wrdreg s6  }
0xab: {  	[dreg:$0x4] =	wrdreg $0xC0  }
0xac: {  	_ =	task [dreg:s8], $0x5FFFF  }
0xad: {  	[dreg:$0x1] =	wrdreg $0xFFFFFFFF  }
0xae: {  	[dreg:$0x0] =	wrdreg $0x60  }
0xaf: {  	[dreg:$0x2] =	wrdreg s2  }
0xb0: {  	[dreg:$0x3] =	wrdreg s24  }
0xb1: {  	[dreg:$0x4] =	wrdreg s18  }
0xb2: {  	[dreg:$0x5] =	wrdreg $0x9  }
0xb3: {  	_ =	task.clear_ibuf [dreg:s8], $0x6FFFF;
	_ =	strace $0x90000049  }
0xb4: {  	s29 =	simm.s32 $0x9;
	_ =	strace $0x8000004B  }
0xb5: {  	_ =	swait.ge [sflag:s29], $0x1  }
0xb6: {  	[sflag:s29] =	ssyncadd.s32 $0xFFFFFFFF  }
0xb7: {  	_ =	strace $0x9000004B  }
0xb8: {  	_ =	sfence  }
0xb9: {  	s30 =	sld [smem:$0x0];
	_ =	sdelay $0x2  }
0xba: {  	s31 =	sshll.u32 s1, $0xD;
	s1 =	sshrl.u32 s1, $0x2  }
0xbb: {  	s3 =	sand.u32 $0x4000, s31;
	s1 =	sadd.s32 s1, s30  }
0xbc: {  	s0 =	sor.u32 s3, s0;
	s1 =	sshll.u32 s1, $0x11  }
0xbd: {  	s0 =	sor.u32 s1, s0  }
0xbe: {  	s0 =	sadd.s32 $0x8F2B, s0  }
0xbf: {  	[sflag:s0] =	ssyncadd.remote.s32 $0x1  }
0xc0: {  	_ =	sfence.sel $0xFFFF  }
0xc1: {  	[dreg:$0x0] =	wrdreg $0xFFFFFFFF;
	(pc) =	sbr.abs _section_cstart, $3  }
0xc2: {  	[dreg:$0x1] =	wrdreg $0xFFFFFFFF  }
0xc3: {  	_ =	task.clear_ibuf [dreg:s8], $0x2FFFF;
	_ =	strace $0x9FFFFFFF  }
0xc4: {  	(tm) =	ssettm $0x7FFFFFFF  }
0xc5: {  	_ =	shalt  }
tec
execute0_lowered:
.L_overlay_start_1:
0x0: {  	(tag) =	ssettag $0x1  }
0x1: {  	s4 =	rddreg [dreg:$0x0]  }
0x2: {  	s0 =	rddreg [dreg:$0x1]  }
0x3: {  	s5 =	rddreg [dreg:$0x2];
	s3 =	simm.s32 $0x0;
	s1 =	srdreg.scid  }
0x4: {  	s2 =	stileid.u32;
	[smem:$0x7FF] =	sst s3  }
0x5: {  	s1 =	sand.u32 $0x1, s1;
	s2 =	sshll.u32 s2, $0x1;
	s0 =	sadd.s32 $0x800, s0  }
0x6: {  	_ =	strace $0x8000004A;
	s24 =	ssub.s32 $0x2, s1;
	s1 =	sor.u32 s1, s2  }
0x7: {  	[dreg:$0x4] =	wrdreg s0;
	s2 =	sshll.u32 s1, $0x7;
	s1 =	sshll.u32 s1, $0xA  }
0x8: {  	s26 =	sadd.s32 s4, s2;
	[dreg:$0x5] =	wrdreg s1  }
0x9: {  	s29 =	sor.u32 $0xFFF40000, s1;
	[dreg:$0x6] =	wrdreg s26  }
0xa: {  	s30 =	sor.u32 $0xFFF80000, s1;
	[dreg:$0xa] =	wrdreg s29  }
0xb: {  	s1 =	sor.u32 $0xFFFC0000, s1;
	[dreg:$0xb] =	wrdreg s30  }
0xc: {  	s31 =	sadd.s32 s5, s2;
	[dreg:$0xc] =	wrdreg s1  }
.Ltmp0:
0xd: {  	s4 =	sadd.s32 $0x10, s26;
	[dreg:$0xd] =	wrdreg s31;
	(pc) =	sbr.rel .LBB2_1-.Ltmp0, $4  }
0xe: {  	s25 =	sshrl.u32 s24, $0x1;
	s28 =	sadd.s32 $0x20, s26;
	[dreg:$0x7] =	wrdreg s4  }
0xf: {  	s0 =	ssub.s32 s24, s25;
	s3 =	sadd.s32 $0x30, s26;
	[dreg:$0x8] =	wrdreg s28  }
0x10: {  	v0 =	vlaneseq.u32;
	s0 =	smax.u32 s0, $0x1;
	[dreg:$0x9] =	wrdreg s3  }
0x11: {  	s21 =	simm.s32 $0x10800;
	v0 =	vmul.u32 $0x87, v0;
	s2 =	simm.s32 $0x0;
	[dreg:$0xe] =	wrdreg s0  }
.LBB2_41:
0x12: {  	s0 =	simm.s32 $0x9  }
0x13: {  	_ =	swait.ge [sflag:s0], $0x2000  }
0x14: {  	[sflag:s0] =	ssyncset.done $0x0  }
0x15: {  	s29 =	simm.s32 $0xA;
	[sflag:s0] =	ssyncadd.s32 $0xFFFFE000  }
0x16: {  	_ =	swait.ge [sflag:s29], $0x2000  }
0x17: {  	[sflag:s29] =	ssyncset.done $0x0  }
0x18: {  	s30 =	simm.s32 $0xB;
	[sflag:s29] =	ssyncadd.s32 $0xFFFFE000  }
0x19: {  	_ =	swait.ge [sflag:s30], $0x2000  }
0x1a: {  	[sflag:s30] =	ssyncset.done $0x0  }
0x1b: {  	s1 =	simm.s32 $0xC;
	[sflag:s30] =	ssyncadd.s32 $0xFFFFE000  }
0x1c: {  	_ =	swait.ge [sflag:s1], $0x2000  }
0x1d: {  	s2 =	rddreg [dreg:$0xf]  }
0x1e: {  	s31 =	rddreg [dreg:$0xe];
	s2 =	sadd.s32 $0x1, s2  }
0x1f: {  	p0 =	sne.s32 s2, s31  }
.Ltmp1:
0x20: {  	_ = 	snop;
	(pc) =	sbr.rel @!p0 .LBB2_42-.Ltmp1, $3  }
0x21: {  	_ =	sdelay $0x1  }
0x22: {  	[sflag:s1] =	ssyncset.done $0x0  }
0x23: {  	[sflag:s1] =	ssyncadd.s32 $0xFFFFE000  }
.LBB2_1:
0x24: {  	s0 =	simm.s32 $0x0;
	s1 =	rddreg [dreg:$0x6]  }
0x25: {  	[tilespmem:s0], [sflag:$0x1] =	stream.linear.gather [hbm4b:s1+s0], $0x80, $0x38;
	[tilespmem:$0x1AA00] =	vst v63  }
0x26: {  	s25 =	rddreg [dreg:$0x7];
	s26 =	simm.s32 $0x80  }
0x27: {  	[tilespmem:s26], [sflag:$0x2] =	stream.linear.gather [hbm4b:s25+s0], $0x80, $0x38;
	[tilespmem:$0x1AA00] =	vst v63  }
.Ltmp2:
0x28: {  	[dreg:$0xf] =	wrdreg s2;
	(pc) =	sbr.rel .LBB2_2-.Ltmp2, $4  }
0x29: {  	s28 =	rddreg [dreg:$0x8];
	s29 =	simm.s32 $0x100  }
0x2a: {  	[tilespmem:s29], [sflag:$0x3] =	stream.linear.gather [hbm4b:s28+s0], $0x80, $0x38;
	[tilespmem:$0x1AA00] =	vst v63  }
0x2b: {  	s30 =	rddreg [dreg:$0x9];
	s31 =	simm.s32 $0x180;
	s5 =	simm.s32 $0x0  }
0x2c: {  	[tilespmem:s31], [sflag:$0x4] =	stream.linear.gather [hbm4b:s30+s0], $0x80, $0x38;
	[tilespmem:$0x1AA00] =	vst v63  }
.LBB2_39:
0x2d: {  	[tilespmem:s1+$0x30] =	vst v1  }
0x2e: {  	[tilespmem:s1+$0x40] =	vst v2  }
0x2f: {  	[tilespmem:s1+$0x50] =	vst v3  }
0x30: {  	[tilespmem:s1+$0x60] =	vst v5  }
0x31: {  	s5 =	rddreg [dreg:$0x10];
	[tilespmem:s0+$0x12A00] =	vst v4  }
0x32: {  	s31 =	simm.s32 $0x400;
	s30 =	sshll.u32 s5, $0x11;
	s0 =	rddreg [dreg:$0xd]  }
0x33: {  	s2 =	simm.s32 $0x8000;
	s3 =	simm.s32 $0x12A00;
	s0 =	sadd.s32 s30, s0  }
0x34: {  	[hbm4b:s0+s31] =	stream.strided.scatter [tilespmem:s3], [sflag:$0x9], $0x2000, s2, s31, $0x38;
	[tilespmem:$0x1AA00] =	vst v63  }
.LBB2_40:
0x35: {  	s5 =	sadd.s32 $0x1, s5  }
0x36: {  	p0 =	sne.s32 s5, $0x33  }
.Ltmp3:
0x37: {  	_ = 	snop;
	(pc) =	sbr.rel @!p0 .LBB2_41-.Ltmp3, $1  }
0x38: {  	_ =	sdelay $0x3  }
.LBB2_2:
0x39: {  	p0 =	seq.s32 s5, $0x32  }
.Ltmp4:
0x3a: {  	_ = 	snop;
	(pc) =	sbr.rel @p0 .LBB2_6-.Ltmp4, $3  }
0x3b: {  	_ =	sdelay $0x1  }
0x3c: {  	s4 =	sshll.u32 s5, $0x2;
	[dreg:$0x10] =	wrdreg s5  }
0x3d: {  	[dreg:$0x11] =	wrdreg s4  }
0x3e: {  	s0 =	simm.s32 $0x1  }
0x3f: {  	_ =	swait.ge [sflag:s0], $0x80  }
0x40: {  	[sflag:s0] =	ssyncset.done $0x0  }
0x41: {  	[sflag:s0] =	ssyncadd.s32 $0xFFFFFF80  }
0x42: {  	v1 =	vld [tilespmem:$0x0];
	_ =	sdelay $0x1  }
0x43: {  	v2 =	vld [tilespmem:$0x10];
	_ =	sdelay $0x1  }
0x44: {  	v3 =	vld [tilespmem:$0x20]  }
0x45: {  	v4 =	vshrl.u32 v1, $0x1;
	v1 =	vshll.u32 v1, $0x6  }
0x46: {  	v62 =	vld [tilespmem:$0x30];
	[tilespmem:$0x200] =	vst v4;
	v1 =	vand.u32 $0x40, v1  }
0x47: {  	[tilespmem:$0x400] =	vst v1;
	v1 =	vshrl.u32 v2, $0x1;
	v2 =	vshll.u32 v2, $0x6  }
0x48: {  	[tilespmem:$0x210] =	vst v1;
	v1 =	vand.u32 $0x40, v2;
	v2 =	vld [tilespmem:$0x40]  }
0x49: {  	[tilespmem:$0x410] =	vst v1;
	v1 =	vshrl.u32 v3, $0x1;
	v3 =	vshll.u32 v3, $0x6  }
0x4a: {  	[tilespmem:$0x220] =	vst v1;
	v1 =	vand.u32 $0x40, v3;
	v3 =	vld [tilespmem:$0x50]  }
0x4b: {  	v4 =	vshll.u32 v62, $0x6;
	[tilespmem:$0x420] =	vst v1;
	v1 =	vshrl.u32 v62, $0x1  }
0x4c: {  	v63 =	vld [tilespmem:$0x60];
	[tilespmem:$0x230] =	vst v1;
	v1 =	vand.u32 $0x40, v4  }
0x4d: {  	[tilespmem:$0x430] =	vst v1;
	v1 =	vshrl.u32 v2, $0x1;
	v2 =	vshll.u32 v2, $0x6  }
0x4e: {  	[tilespmem:$0x240] =	vst v1;
	v1 =	vand.u32 $0x40, v2;
	v2 =	vld [tilespmem:$0x70]  }
0x4f: {  	[tilespmem:$0x440] =	vst v1;
	v1 =	vshrl.u32 v3, $0x1;
	v3 =	vshll.u32 v3, $0x6  }
0x50: {  	p1 =	sgt.u32 s5, $0x30;
	[tilespmem:$0x250] =	vst v1;
	v1 =	vand.u32 $0x40, v3  }
.Ltmp5:
0x51: {  	v3 =	vshll.u32 v63, $0x6;
	[tilespmem:$0x450] =	vst v1;
	v1 =	vshrl.u32 v63, $0x1;
	(pc) =	sbr.rel @p1 .LBB2_43-.Ltmp5, $4  }
0x52: {  	[tilespmem:$0x260] =	vst v1;
	v1 =	vand.u32 $0x40, v3  }
0x53: {  	[tilespmem:$0x460] =	vst v1;
	v1 =	vshrl.u32 v2, $0x1;
	v2 =	vshll.u32 v2, $0x6  }
0x54: {  	[tilespmem:$0x270] =	vst v1;
	v1 =	vand.u32 $0x40, v2  }
0x55: {  	[tilespmem:$0x470] =	vst v1  }
0x56: {  	s0 =	sadd.s32 $0x4, s4  }
0x57: {  	s1 =	sshll.u32 s0, $0x7;
	s0 =	sshll.u32 s0, $0xC  }
0x58: {  	s1 =	sand.u32 $0x200, s1;
	s0 =	sand.u32 $0x1F8000, s0  }
0x59: {  	s25 =	rddreg [dreg:$0x5];
	s31 =	sadd.s32 $0xFFFFFFFC, s4;
	s0 =	sor.u32 s0, s1  }
0x5a: {  	p1 =	slt.u32 s31, $0xC8;
	s0 =	sor.u32 s25, s0  }
.Ltmp6:
0x5b: {  	s26 =	rddreg [dreg:$0x0];
	s0 =	sshrl.u32 s0, $0x3;
	(pc) =	sbr.rel @!p1 .LBB2_12-.Ltmp6, $4  }
0x5c: {  	s28 =	simm.s32 $0x0;
	s29 =	rddreg [dreg:$0x4];
	s0 =	sadd.s32 s26, s0  }
0x5d: {  	[tilespmem:s28], [sflag:$0x1] =	stream.linear.gather [hbm4b:s0+s28], $0x80, $0x38;
	[tilespmem:$0x1AA00] =	vst v63  }
0x5e: {  	s30 =	simm.s32 $0x80;
	s2 =	simm.s32 $0x200;
	s3 =	simm.s32 $0x800  }
0x5f: {  	[tilespmem:s3], [sflag:$0x5] =	stream.indirect.gather [hbm4b:s29+s30], $0x80, s2, s30, $0xb8;
	[tilespmem:$0x1AA00] =	vst v63  }
0x60: {  	p1 =	slt.u32 s5, $0x2  }
.Ltmp7:
0x61: {  	_ = 	snop;
	(pc) =	sbr.rel @p1 .LBB2_7-.Ltmp7, $4  }
.Ltmp8:
0x62: {  	_ = 	snop;
	(pc) =	sbr.rel @!p1 .LBB2_6-.Ltmp8, $4  }
0x63: {  	_ = 	snop  }
0x64: {  	_ = 	snop  }
0x65: {  	_ = 	snop  }
0x66: {  	_ = 	snop  }
.LBB2_43:
0x67: {  	s0 =	rddreg [dreg:$0x4]  }
0x68: {  	s1 =	simm.s32 $0x80;
	s2 =	simm.s32 $0x200;
	s3 =	simm.s32 $0x800  }
0x69: {  	[tilespmem:s3], [sflag:$0x5] =	stream.indirect.gather [hbm4b:s0+s1], $0x80, s2, s1, $0xb8;
	[tilespmem:$0x1AA00] =	vst v63  }
.LBB2_6:
0x6a: {  	s0 =	simm.s32 $0xA  }
0x6b: {  	_ =	swait.ge [sflag:s0], $0x2000  }
0x6c: {  	[sflag:s0] =	ssyncset.done $0x0  }
0x6d: {  	[sflag:s0] =	ssyncadd.s32 $0xFFFFE000  }
.LBB2_7:
0x6e: {  	s0 =	simm.s32 $0x6  }
0x6f: {  	_ =	swait.ge [sflag:s0], $0x4000  }
0x70: {  	[sflag:s0] =	ssyncset.done $0x0  }
0x71: {  	s25 =	simm.s32 $0x483;
	[sflag:s0] =	ssyncadd.s32 $0xFFFFC000  }
0x72: {  	v1 =	vld [tilespmem:s25+$0x0]  }
0x73: {  	v2 =	vld [tilespmem:s25+$0xFFFFFFFE];
	_ =	sdelay $0x1  }
0x74: {  	v3 =	vld [tilespmem:s25+$0xFFFFFFFF];
	_ =	sdelay $0x1  }
0x75: {  	v4 =	vld [tilespmem:s25+$0xFFFFFFFD];
	(v2sf) =	vpush v1, $0x0  }
0x76: {  	(v2sf) =	vpush v2, $0x0;
	_ =	sdelay $0x1  }
0x77: {  	(v2sf) =	vpush v3, $0x0;
	_ =	sdelay $0x1  }
0x78: {  	(v2sf) =	vpush v4, $0x0;
	_ =	sdelay $0x4  }
0x79: {  	s9 =	simm.s32 $0x0  }
0x7a: {  	s24 =	simm.s32 $0x4980;
	s2 =	simm.s32 $0x4;
	s4 =	simm.s32 $0x1950  }
0x7b: {  	s14 =	simm.s32 $0x10E0;
	s28 =	simm.s32 $0x10E1;
	s31 =	simm.s32 $0x10E2  }
0x7c: {  	s7 =	simm.s32 $0x870;
	s13 =	simm.s32 $0x872;
	s11 =	simm.s32 $0x1  }
0x7d: {  	s3 =	simm.s32 $0x2;
	s16 =	simm.s32 $0x3;
	v6 =	vadd.s32 s11, v0;
	s11 =	simm.s32 $0x487  }
0x7e: {  	s0 =	simm.s32 $0x871;
	s25 =	simm.s32 $0x873;
	s5 =	spop (v2sf)  }
0x7f: {  	s1 =	sand.u32 $0x7F, s5;
	s6 =	sshll.u32 s5, $0x2;
	s10 =	spop (v2sf)  }
0x80: {  	s20 =	sadd.s32 $0x10, s5;
	s6 =	sand.u32 $0xFFFFFE00, s6;
	s8 =	sshll.u32 s1, $0x2  }
0x81: {  	s1 =	spop (v2sf);
	s12 =	sand.u32 $0x7F, s10;
	s6 =	sor.u32 s8, s6  }
0x82: {  	s18 =	sshll.u32 s10, $0x2;
	s30 =	sand.u32 $0x7F, s20;
	s6 =	sshra.s32 s6, $0x2  }
0x83: {  	s20 =	sshll.u32 s20, $0x2;
	s17 =	spop (v2sf);
	s6 =	sadd.s32 $0x4980, s6  }
0x84: {  	v2 =	vadd.s32 s16, v0;
	s19 =	sand.u32 $0x7F, s1;
	s22 =	sshll.u32 s1, $0x2;
	s16 =	sand.u32 $0xFFFFFE00, s20;
	v1 =	vld [tilespmem:s6+$0x0]  }
0x85: {  	s18 =	sand.u32 $0xFFFFFE00, s18;
	s12 =	sshll.u32 s12, $0x2;
	s20 =	sadd.s32 $0x10, s10  }
0x86: {  	s26 =	sand.u32 $0x7F, s17;
	s15 =	sshll.u32 s17, $0x2;
	s6 =	sshll.u32 s30, $0x2  }
0x87: {  	s23 =	sand.u32 $0xFFFFFE00, s22;
	s19 =	sshll.u32 s19, $0x2;
	s6 =	sor.u32 s6, s16  }
0x88: {  	s12 =	sor.u32 s12, s18;
	s18 =	simm.s32 $0x10E3;
	s6 =	sshra.s32 s6, $0x2  }
0x89: {  	s22 =	sadd.s32 $0x10, s1;
	s15 =	sand.u32 $0xFFFFFE00, s15;
	s6 =	sadd.s32 $0x4980, s6;
	[tilespmem:v2+s21+$0x0] =	vst.idx.msk $0xffff, v1  }
0x8a: {  	s8 =	sshll.u32 s26, $0x2;
	s26 =	sadd.s32 $0x20, s5;
	s12 =	sshra.s32 s12, $0x2;
	v2 =	vadd.s32 s25, v0;
	v1 =	vld [tilespmem:s6+$0x0]  }
0x8b: {  	s8 =	sor.u32 s8, s15;
	s30 =	sand.u32 $0x7F, s26;
	s15 =	sshll.u32 s26, $0x2  }
0x8c: {  	s5 =	sadd.s32 $0x30, s5;
	s15 =	sand.u32 $0xFFFFFE00, s15;
	s6 =	sshll.u32 s30, $0x2  }
0x8d: {  	s12 =	sadd.s32 $0x4980, s12;
	s26 =	sand.u32 $0x7F, s20;
	s6 =	sor.u32 s6, s15  }
0x8e: {  	s16 =	sor.u32 s19, s23;
	s8 =	sshra.s32 s8, $0x2;
	s6 =	sshra.s32 s6, $0x2  }
0x8f: {  	s19 =	sadd.s32 $0x10, s17;
	s23 =	sand.u32 $0x7F, s5;
	v5 =	vld [tilespmem:s12+$0xFFFFFF00];
	s6 =	sadd.s32 $0x4980, s6;
	[tilespmem:v2+s21+$0x0] =	vst.idx.msk $0xffff, v1  }
0x90: {  	s5 =	sshll.u32 s5, $0x2;
	s12 =	simm.s32 $0x1953;
	s16 =	sshra.s32 s16, $0x2;
	v2 =	vadd.s32 s18, v0;
	v1 =	vld [tilespmem:s6+$0x0]  }
0x91: {  	s8 =	sadd.s32 $0x4980, s8;
	s5 =	sand.u32 $0xFFFFFE00, s5;
	v10 =	vadd.s32 s12, v0;
	s12 =	simm.s32 $0x8  }
0x92: {  	s25 =	sand.u32 $0x7F, s19;
	s30 =	sand.u32 $0x7F, s22;
	s6 =	sshll.u32 s23, $0x2  }
0x93: {  	s15 =	sadd.s32 $0x4980, s16;
	s18 =	sshll.u32 s19, $0x2;
	s5 =	sor.u32 s6, s5  }
0x94: {  	v4 =	vadd.s32 s9, v0;
	v3 =	vld [tilespmem:s8+$0xFFFFFE80];
	s19 =	sshll.u32 s20, $0x2;
	s20 =	sshll.u32 s22, $0x2;
	s5 =	sshra.s32 s5, $0x2  }
0x95: {  	v8 =	vadd.s32 s3, v0;
	v7 =	vld [tilespmem:s15+$0xFFFFFF80];
	s22 =	sand.u32 $0xFFFFFE00, s18;
	s23 =	sshll.u32 s25, $0x2;
	s5 =	sadd.s32 $0x4980, s5;
	[tilespmem:v2+s21+$0x0] =	vst.idx.msk $0xffff, v1  }
0x96: {  	s25 =	sand.u32 $0xFFFFFE00, s19;
	s6 =	sshll.u32 s26, $0x2;
	s3 =	sor.u32 s23, s22;
	v9 =	vld [tilespmem:s5+$0x0]  }
0x97: {  	s8 =	sshll.u32 s30, $0x2;
	s6 =	sor.u32 s6, s25;
	s3 =	sshra.s32 s3, $0x2  }
0x98: {  	[tilespmem:v6+s21+$0x0] =	vst.idx.msk $0xffff, v5;
	s26 =	sand.u32 $0xFFFFFE00, s20;
	s6 =	sshra.s32 s6, $0x2;
	s30 =	sadd.s32 $0x4980, s3  }
0x99: {  	[tilespmem:v4+s21+$0x0] =	vst.idx.msk $0xffff, v3;
	s3 =	sadd.s32 $0x20, s17;
	s18 =	sadd.s32 $0x4980, s6;
	s5 =	sor.u32 s8, s26  }
0x9a: {  	v3 =	vld [tilespmem:s11+$0x0];
	[tilespmem:v8+s21+$0x0] =	vst.idx.msk $0xffff, v7;
	s6 =	sand.u32 $0x7F, s3;
	v2 =	vadd.s32 s7, v0;
	s7 =	simm.s32 $0x0;
	s5 =	sshra.s32 s5, $0x2  }
0x9b: {  	v1 =	vld [tilespmem:s30+$0xFFFFFE80];
	s8 =	sadd.s32 $0x20, s1;
	s29 =	sadd.s32 $0x4980, s5;
	s5 =	sadd.s32 $0x20, s10;
	[tilespmem:v10+s21+$0x0] =	vst.idx.msk $0xffff, v9  }
.LBB2_8:
0x9c: {  	p1 =	slt.u32 s12, $0x7C;
	s15 =	sshll.u32 s3, $0x2;
	s16 =	sand.u32 $0x7F, s5  }
0x9d: {  	v4 =	vld [tilespmem:s11+$0xFFFFFFFE];
	s3 =	smov.u32 s7;
	s7 =	smov.u32 s2;
	s2 =	smov.u32 s12  }
0x9e: {  	s5 =	sshll.u32 s5, $0x2;
	s19 =	sand.u32 $0x7F, s8;
	s8 =	sshll.u32 s8, $0x2;
	v5 =	vld [tilespmem:s11+$0xFFFFFFFF]  }
0x9f: {  	s6 =	sshll.u32 s6, $0x2;
	s15 =	sand.u32 $0xFFFFFE00, s15;
	s5 =	sand.u32 $0xFFFFFE00, s5;
	v6 =	vld [tilespmem:s11+$0xFFFFFFFD]  }
0xa0: {  	s8 =	sand.u32 $0xFFFFFE00, s8;
	[tilespmem:v2+s21+$0x0] =	vst.idx.msk $0xffff, v1;
	v1 =	vld [tilespmem:s18+$0xFFFFFF00];
	v2 =	vadd.s32 s0, v0;
	s0 =	sshll.u32 s16, $0x2;
	s16 =	sshll.u32 s19, $0x2  }
0xa1: {  	v7 =	vadd.s32 s13, v0;
	s6 =	sor.u32 s6, s15;
	(v2sf) =	vpush v3, $0x0;
	s0 =	sor.u32 s0, s5;
	v3 =	vld [tilespmem:s29+$0xFFFFFF80];
	s5 =	sor.u32 s16, s8  }
0xa2: {  	s6 =	sshra.s32 s6, $0x2;
	(v2sf) =	vpush v4, $0x0;
	s0 =	sshra.s32 s0, $0x2;
	s5 =	sshra.s32 s5, $0x2  }
0xa3: {  	s6 =	sadd.s32 s6, s24;
	(v2sf) =	vpush v5, $0x0;
	s0 =	sadd.s32 s0, s24;
	s5 =	sadd.s32 s5, s24  }
0xa4: {  	s1 =	sadd.s32 $0x30, s1;
	s8 =	sadd.s32 $0x30, s10;
	v5 =	vadd.s32 s14, v0;
	(v2sf) =	vpush v6, $0x0;
	v4 =	vld [tilespmem:s6+$0xFFFFFE80];
	s6 =	sadd.s32 $0x30, s17  }
0xa5: {  	s13 =	sand.u32 $0x7F, s8;
	s10 =	sand.u32 $0x7F, s6;
	s6 =	sshll.u32 s6, $0x2;
	[tilespmem:v2+s21+$0x0] =	vst.idx.msk $0xffff, v1  }
0xa6: {  	v2 =	vadd.s32 s28, v0;
	v1 =	vld [tilespmem:s0+$0xFFFFFF00];
	s0 =	sshll.u32 s8, $0x2;
	[tilespmem:v7+s21+$0x0] =	vst.idx.msk $0xffff, v3;
	s8 =	sand.u32 $0x7F, s1;
	s1 =	sshll.u32 s1, $0x2  }
0xa7: {  	v6 =	vadd.s32 s31, v0;
	s6 =	sand.u32 $0xFFFFFE00, s6;
	s10 =	sshll.u32 s10, $0x2;
	s0 =	sand.u32 $0xFFFFFE00, s0;
	v3 =	vld [tilespmem:s5+$0xFFFFFF80]  }
0xa8: {  	s5 =	sshll.u32 s13, $0x2;
	s1 =	sand.u32 $0xFFFFFE00, s1;
	s8 =	sshll.u32 s8, $0x2  }
0xa9: {  	s6 =	sor.u32 s10, s6;
	s0 =	sor.u32 s5, s0;
	s1 =	sor.u32 s8, s1;
	[tilespmem:v5+s21+$0x0] =	vst.idx.msk $0xffff, v4  }
0xaa: {  	s5 =	sshra.s32 s6, $0x2;
	s0 =	sshra.s32 s0, $0x2;
	s1 =	sshra.s32 s1, $0x2  }
0xab: {  	s5 =	sadd.s32 s5, s24;
	s0 =	sadd.s32 s0, s24;
	s1 =	sadd.s32 s1, s24;
	[tilespmem:v2+s21+$0x0] =	vst.idx.msk $0xffff, v1  }
0xac: {  	v2 =	vadd.s32 s4, v0;
	v1 =	vld [tilespmem:s5+$0xFFFFFE80];
	s5 =	sadd.s32 $0x1951, s3;
	[tilespmem:v6+s21+$0x0] =	vst.idx.msk $0xffff, v3  }
0xad: {  	s30 =	sadd.s32 $0x870, s7;
	s4 =	sadd.s32 $0x1950, s7;
	v3 =	vld [tilespmem:s0+$0xFFFFFF00];
	v4 =	vadd.s32 s5, v0;
	s0 =	sadd.s32 $0x1952, s3  }
0xae: {  	s14 =	sadd.s32 $0x10E0, s7;
	s31 =	sadd.s32 $0x10E2, s7;
	s28 =	sadd.s32 $0x10E1, s7;
	v5 =	vld [tilespmem:s1+$0xFFFFFF80];
	v6 =	vadd.s32 s0, v0  }
0xaf: {  	s18 =	sadd.s32 $0x2, s7;
	s13 =	sadd.s32 $0x872, s7;
	s0 =	sadd.s32 $0x871, s7  }
0xb0: {  	s19 =	sadd.s32 $0x3, s7;
	s3 =	sadd.s32 $0x1, s7;
	s16 =	spop (v2sf)  }
0xb1: {  	s1 =	sand.u32 $0x7F, s16;
	s5 =	sshll.u32 s16, $0x2;
	s10 =	spop (v2sf);
	[tilespmem:v2+s21+$0x0] =	vst.idx.msk $0xffff, v1  }
0xb2: {  	s5 =	sand.u32 $0xFFFFFE00, s5;
	s6 =	sshll.u32 s1, $0x2;
	s1 =	spop (v2sf);
	[tilespmem:v4+s21+$0x0] =	vst.idx.msk $0xffff, v3  }
0xb3: {  	s8 =	sand.u32 $0x7F, s10;
	s5 =	sor.u32 s6, s5;
	s17 =	spop (v2sf);
	[tilespmem:v6+s21+$0x0] =	vst.idx.msk $0xffff, v5  }
0xb4: {  	s24 =	sadd.s32 $0x200, s24;
	s6 =	sand.u32 $0x7F, s17;
	s5 =	sshra.s32 s5, $0x2  }
0xb5: {  	s20 =	sshll.u32 s10, $0x2;
	s15 =	sshll.u32 s17, $0x2;
	s5 =	sadd.s32 s5, s24  }
0xb6: {  	v2 =	vadd.s32 s19, v0;
	s22 =	sand.u32 $0x7F, s1;
	s19 =	sshll.u32 s1, $0x2;
	v1 =	vld [tilespmem:s5+$0x0];
	s5 =	sadd.s32 $0x10, s16  }
0xb7: {  	s20 =	sand.u32 $0xFFFFFE00, s20;
	s23 =	sand.u32 $0x7F, s5;
	s5 =	sshll.u32 s5, $0x2  }
0xb8: {  	s15 =	sand.u32 $0xFFFFFE00, s15;
	s5 =	sand.u32 $0xFFFFFE00, s5;
	s23 =	sshll.u32 s23, $0x2  }
0xb9: {  	s8 =	sshll.u32 s8, $0x2;
	s6 =	sshll.u32 s6, $0x2;
	s5 =	sor.u32 s23, s5  }
0xba: {  	v6 =	vadd.s32 s3, v0;
	s3 =	sadd.s32 $0x10, s1;
	s19 =	sand.u32 $0xFFFFFE00, s19;
	s5 =	sshra.s32 s5, $0x2  }
0xbb: {  	s22 =	sshll.u32 s22, $0x2;
	s23 =	sadd.s32 $0x873, s7;
	[tilespmem:v2+s21+$0x0] =	vst.idx.msk $0xffff, v1;
	s5 =	sadd.s32 s5, s24  }
0xbc: {  	s8 =	sor.u32 s8, s20;
	s6 =	sor.u32 s6, s15;
	v2 =	vadd.s32 s23, v0;
	v1 =	vld [tilespmem:s5+$0x0];
	s5 =	sadd.s32 $0x20, s16  }
0xbd: {  	s15 =	sor.u32 s22, s19;
	s19 =	sand.u32 $0x7F, s5;
	s5 =	sshll.u32 s5, $0x2  }
0xbe: {  	s6 =	sshra.s32 s6, $0x2;
	s5 =	sand.u32 $0xFFFFFE00, s5;
	s19 =	sshll.u32 s19, $0x2  }
0xbf: {  	s8 =	sshra.s32 s8, $0x2;
	s15 =	sshra.s32 s15, $0x2;
	s5 =	sor.u32 s19, s5  }
0xc0: {  	s8 =	sadd.s32 s8, s24;
	s6 =	sadd.s32 s6, s24;
	s5 =	sshra.s32 s5, $0x2  }
0xc1: {  	v4 =	vadd.s32 s7, v0;
	v3 =	vld [tilespmem:s6+$0xFFFFFE80];
	s6 =	sadd.s32 s15, s24;
	[tilespmem:v2+s21+$0x0] =	vst.idx.msk $0xffff, v1;
	s5 =	sadd.s32 s5, s24;
	s15 =	sadd.s32 $0x10E3, s7  }
0xc2: {  	s20 =	sadd.s32 $0x10, s10;
	s19 =	sadd.s32 $0x10, s17;
	v1 =	vld [tilespmem:s5+$0x0];
	v2 =	vadd.s32 s15, v0;
	s5 =	sadd.s32 $0x30, s16  }
0xc3: {  	v8 =	vadd.s32 s18, v0;
	s18 =	sand.u32 $0x7F, s3;
	v5 =	vld [tilespmem:s8+$0xFFFFFF00];
	s8 =	sand.u32 $0x7F, s5;
	s5 =	sshll.u32 s5, $0x2  }
0xc4: {  	s15 =	sand.u32 $0x7F, s19;
	v7 =	vld [tilespmem:s6+$0xFFFFFF80];
	s5 =	sand.u32 $0xFFFFFE00, s5;
	s6 =	sshll.u32 s8, $0x2  }
0xc5: {  	s16 =	sand.u32 $0x7F, s20;
	s8 =	sshll.u32 s19, $0x2;
	s5 =	sor.u32 s6, s5  }
0xc6: {  	s3 =	sshll.u32 s3, $0x2;
	s6 =	sshll.u32 s20, $0x2;
	[tilespmem:v4+s21+$0x0] =	vst.idx.msk $0xffff, v3;
	s5 =	sshra.s32 s5, $0x2  }
0xc7: {  	s3 =	sand.u32 $0xFFFFFE00, s3;
	s19 =	sadd.s32 $0x1953, s7;
	[tilespmem:v2+s21+$0x0] =	vst.idx.msk $0xffff, v1;
	s5 =	sadd.s32 s5, s24  }
0xc8: {  	s15 =	sshll.u32 s15, $0x2;
	s8 =	sand.u32 $0xFFFFFE00, s8;
	s6 =	sand.u32 $0xFFFFFE00, s6;
	v4 =	vadd.s32 s19, v0;
	[tilespmem:v6+s21+$0x0] =	vst.idx.msk $0xffff, v5;
	v3 =	vld [tilespmem:s5+$0x0]  }
0xc9: {  	s8 =	sor.u32 s15, s8;
	s5 =	sshll.u32 s16, $0x2;
	s16 =	sshll.u32 s18, $0x2;
	[tilespmem:v8+s21+$0x0] =	vst.idx.msk $0xffff, v7  }
.Ltmp9:
0xca: {  	s5 =	sor.u32 s5, s6;
	s3 =	sor.u32 s16, s3;
	(pc) =	sbr.rel @p1 .LBB2_8-.Ltmp9, $4  }
0xcb: {  	s6 =	sshra.s32 s8, $0x2;
	s5 =	sshra.s32 s5, $0x2;
	s3 =	sshra.s32 s3, $0x2  }
0xcc: {  	s6 =	sadd.s32 s6, s24;
	s18 =	sadd.s32 s5, s24;
	s29 =	sadd.s32 s3, s24  }
0xcd: {  	s11 =	sadd.s32 $0x4, s11;
	v2 =	vadd.s32 s30, v0;
	s3 =	sadd.s32 $0x20, s17;
	s5 =	sadd.s32 $0x20, s10;
	v1 =	vld [tilespmem:s6+$0xFFFFFE80];
	[tilespmem:v4+s21+$0x0] =	vst.idx.msk $0xffff, v3  }
0xce: {  	s12 =	sadd.s32 $0x4, s12;
	s8 =	sadd.s32 $0x20, s1;
	s6 =	sand.u32 $0x7F, s3;
	v3 =	vld [tilespmem:s11+$0x0]  }
0xcf: {  	v4 =	vld [tilespmem:s11+$0xFFFFFFFE];
	_ =	sdelay $0x1  }
0xd0: {  	v5 =	vld [tilespmem:s11+$0xFFFFFFFF];
	_ =	sdelay $0x1  }
0xd1: {  	v6 =	vld [tilespmem:s11+$0xFFFFFFFD];
	(v2sf) =	vpush v3, $0x0  }
0xd2: {  	(v2sf) =	vpush v4, $0x0  }
0xd3: {  	s3 =	sshll.u32 s3, $0x2;
	s25 =	sand.u32 $0x7F, s5  }
0xd4: {  	s26 =	sshll.u32 s5, $0x2;
	s12 =	sand.u32 $0x7F, s8;
	s30 =	sshll.u32 s8, $0x2;
	(v2sf) =	vpush v5, $0x0  }
0xd5: {  	s6 =	sshll.u32 s6, $0x2;
	s1 =	sadd.s32 $0x30, s1;
	s3 =	sand.u32 $0xFFFFFE00, s3  }
0xd6: {  	s5 =	sand.u32 $0xFFFFFE00, s26;
	s11 =	sshll.u32 s25, $0x2;
	s8 =	sand.u32 $0xFFFFFE00, s30;
	(v2sf) =	vpush v6, $0x0  }
0xd7: {  	s15 =	sshll.u32 s12, $0x2;
	s12 =	sadd.s32 $0x30, s10;
	s3 =	sor.u32 s6, s3  }
0xd8: {  	s6 =	sor.u32 s11, s5;
	s8 =	sor.u32 s15, s8;
	s11 =	sadd.s32 $0x30, s17  }
0xd9: {  	s16 =	sand.u32 $0x7F, s12;
	s5 =	sshll.u32 s12, $0x2;
	[dreg:$0x1a] =	wrdreg s3  }
0xda: {  	s17 =	sand.u32 $0x7F, s1;
	s1 =	sshll.u32 s1, $0x2;
	[dreg:$0x1b] =	wrdreg s6  }
0xdb: {  	[dreg:$0x1c] =	wrdreg s8;
	s15 =	sand.u32 $0x7F, s11;
	s3 =	sshll.u32 s11, $0x2  }
0xdc: {  	s5 =	sand.u32 $0xFFFFFE00, s5;
	s8 =	sshll.u32 s16, $0x2;
	s1 =	sand.u32 $0xFFFFFE00, s1  }
0xdd: {  	s10 =	sshll.u32 s17, $0x2;
	s3 =	sand.u32 $0xFFFFFE00, s3;
	s19 =	sor.u32 s8, s5  }
0xde: {  	s6 =	sshll.u32 s15, $0x2;
	s1 =	sor.u32 s10, s1;
	[smem:$0x7F8] =	sst s19  }
0xdf: {  	s3 =	sor.u32 s6, s3;
	[smem:$0x7F9] =	sst s1  }
0xe0: {  	[smem:$0x7F7] =	sst s3;
	s3 =	spop (v2sf)  }
0xe1: {  	s20 =	sand.u32 $0x7F, s3;
	s22 =	sshll.u32 s3, $0x2;
	s16 =	spop (v2sf)  }
0xe2: {  	s23 =	sadd.s32 $0x10, s3;
	s6 =	sand.u32 $0xFFFFFE00, s22;
	s5 =	sshll.u32 s20, $0x2  }
0xe3: {  	s10 =	spop (v2sf);
	s8 =	sand.u32 $0x7F, s16;
	s25 =	sand.u32 $0x7F, s23  }
0xe4: {  	s26 =	sshll.u32 s23, $0x2;
	s22 =	sshll.u32 s16, $0x2;
	s12 =	sor.u32 s5, s6  }
0xe5: {  	s11 =	spop (v2sf);
	s6 =	sand.u32 $0xFFFFFE00, s26;
	s5 =	sshll.u32 s25, $0x2  }
0xe6: {  	s23 =	sand.u32 $0xFFFFFE00, s22;
	s25 =	sshll.u32 s8, $0x2;
	s1 =	sshll.u32 s10, $0x2  }
0xe7: {  	s30 =	sand.u32 $0x7F, s11;
	s17 =	sor.u32 s5, s6;
	s19 =	sshll.u32 s11, $0x2  }
0xe8: {  	s25 =	sor.u32 s25, s23;
	s8 =	sand.u32 $0xFFFFFE00, s1;
	s6 =	sadd.s32 $0x20, s3  }
0xe9: {  	s3 =	sadd.s32 $0x30, s3;
	s1 =	sadd.s32 $0x10, s16;
	[smem:$0x7FA] =	sst s17  }
0xea: {  	s5 =	sand.u32 $0xFFFFFE00, s19;
	s20 =	sshll.u32 s30, $0x2;
	s30 =	sand.u32 $0x7F, s10  }
0xeb: {  	s15 =	sshll.u32 s6, $0x2;
	s19 =	sadd.s32 $0x10, s11;
	s26 =	sor.u32 s20, s5  }
0xec: {  	s5 =	sshll.u32 s30, $0x2;
	s15 =	sand.u32 $0xFFFFFE00, s15;
	s17 =	sand.u32 $0x7F, s19  }
0xed: {  	s20 =	sshll.u32 s19, $0x2;
	s23 =	sor.u32 s5, s8;
	s8 =	sand.u32 $0x7F, s6  }
0xee: {  	s19 =	sshll.u32 s1, $0x2;
	s6 =	sand.u32 $0x7F, s1;
	s5 =	sshll.u32 s8, $0x2  }
0xef: {  	s19 =	sand.u32 $0xFFFFFE00, s19;
	s8 =	sadd.s32 $0x10, s10;
	s22 =	sor.u32 s5, s15  }
0xf0: {  	s15 =	sand.u32 $0x7F, s3;
	s3 =	sshll.u32 s3, $0x2;
	s1 =	sshll.u32 s8, $0x2  }
0xf1: {  	s3 =	sand.u32 $0xFFFFFE00, s3;
	s5 =	sshll.u32 s15, $0x2;
	s15 =	sand.u32 $0x7F, s8  }
0xf2: {  	s30 =	sor.u32 s5, s3;
	s5 =	sand.u32 $0xFFFFFE00, s20;
	s3 =	sshll.u32 s17, $0x2  }
0xf3: {  	s8 =	sand.u32 $0xFFFFFE00, s1;
	s17 =	sor.u32 s3, s5;
	s5 =	sshll.u32 s6, $0x2  }
0xf4: {  	s3 =	sadd.s32 $0x20, s11;
	s20 =	sor.u32 s5, s19;
	s19 =	sshll.u32 s15, $0x2  }
0xf5: {  	s6 =	sand.u32 $0x7F, s3;
	s3 =	sshll.u32 s3, $0x2;
	s5 =	sadd.s32 $0x20, s16  }
0xf6: {  	s15 =	sand.u32 $0x7F, s5;
	s3 =	sand.u32 $0xFFFFFE00, s3;
	s6 =	sshll.u32 s6, $0x2  }
0xf7: {  	s1 =	sshll.u32 s5, $0x2;
	s3 =	sor.u32 s6, s3;
	s6 =	rddreg [dreg:$0x1a]  }
0xf8: {  	s5 =	sshll.u32 s15, $0x2;
	s15 =	sor.u32 s19, s8;
	s8 =	rddreg [dreg:$0x1b]  }
0xf9: {  	s1 =	sand.u32 $0xFFFFFE00, s1;
	s19 =	rddreg [dreg:$0x1c]  }
0xfa: {  	[smem:$0x7FB] =	sst s3;
	s1 =	sor.u32 s5, s1;
	s5 =	sshra.s32 s19, $0x2  }
0xfb: {  	s19 =	sadd.s32 s5, s24;
	s5 =	sld [smem:$0x7F8]  }
0xfc: {  	s3 =	sshra.s32 s8, $0x2;
	[smem:$0x7FC] =	sst s1  }
0xfd: {  	s1 =	sshra.s32 s6, $0x2;
	s8 =	sadd.s32 s3, s24;
	s3 =	sld [smem:$0x7F7]  }
0xfe: {  	s6 =	sadd.s32 s1, s24;
	s1 =	sld [smem:$0x7F9];
	s5 =	sshra.s32 s5, $0x2  }
0xff: {  	s5 =	sadd.s32 s5, s24  }
0x100: {  	s3 =	sshra.s32 s3, $0x2;
	[dreg:$0x16] =	wrdreg s5  }
0x101: {  	s1 =	sshra.s32 s1, $0x2;
	s3 =	sadd.s32 s3, s24;
	s5 =	sld [smem:$0x7FA]  }
0x102: {  	[smem:$0x7FD] =	sst s3;
	s1 =	sadd.s32 s1, s24  }
0x103: {  	s3 =	sshra.s32 s12, $0x2;
	s12 =	sadd.s32 $0x200, s24;
	[dreg:$0x12] =	wrdreg s1  }
0x104: {  	v4 =	vadd.s32 s0, v0;
	s1 =	sadd.s32 s3, s12;
	v3 =	vld [tilespmem:s18+$0xFFFFFF00];
	s3 =	sshra.s32 s5, $0x2;
	s5 =	sshra.s32 s25, $0x2  }
0x105: {  	v6 =	vadd.s32 s13, v0;
	v5 =	vld [tilespmem:s29+$0xFFFFFF80];
	s18 =	sadd.s32 s3, s12;
	s3 =	sshra.s32 s26, $0x2;
	s26 =	sadd.s32 $0x3, s2  }
0x106: {  	v7 =	vld [tilespmem:s1+$0x0];
	s25 =	sshra.s32 s23, $0x2;
	s23 =	sadd.s32 $0x1, s2;
	s29 =	sadd.s32 s5, s12;
	v8 =	vadd.s32 s26, v0  }
0x107: {  	v12 =	vadd.s32 s23, v0;
	s0 =	sadd.s32 s3, s12;
	v11 =	vld [tilespmem:s29+$0xFFFFFF00]  }
0x108: {  	v10 =	vadd.s32 s2, v0;
	[tilespmem:v2+s21+$0x0] =	vst.idx.msk $0xffff, v1;
	s5 =	sadd.s32 s25, s12;
	s26 =	sadd.s32 $0x2, s2;
	v9 =	vld [tilespmem:s0+$0xFFFFFE80]  }
0x109: {  	v1 =	vld [tilespmem:s5+$0xFFFFFF80];
	v2 =	vadd.s32 s26, v0;
	[tilespmem:v4+s21+$0x0] =	vst.idx.msk $0xffff, v3  }
0x10a: {  	v3 =	vld [tilespmem:s6+$0xFFFFFE80];
	v4 =	vadd.s32 s14, v0;
	[tilespmem:v6+s21+$0x0] =	vst.idx.msk $0xffff, v5  }
0x10b: {  	v6 =	vadd.s32 s28, v0;
	v5 =	vld [tilespmem:s8+$0xFFFFFF00];
	[tilespmem:v8+s21+$0x0] =	vst.idx.msk $0xffff, v7  }
0x10c: {  	s22 =	sshra.s32 s22, $0x2;
	s6 =	sshra.s32 s15, $0x2;
	s15 =	sadd.s32 $0x873, s2;
	[tilespmem:v12+s21+$0x0] =	vst.idx.msk $0xffff, v11  }
0x10d: {  	s11 =	sadd.s32 $0x30, s11;
	s24 =	sadd.s32 $0x1951, s7;
	s7 =	sadd.s32 $0x1952, s7;
	v56 =	vadd.s32 s15, v0;
	v7 =	vld [tilespmem:s18+$0x0];
	[tilespmem:v10+s21+$0x0] =	vst.idx.msk $0xffff, v9  }
0x10e: {  	s13 =	sadd.s32 s22, s12;
	s22 =	sshra.s32 s30, $0x2;
	s30 =	sadd.s32 $0x870, s2;
	[tilespmem:v2+s21+$0x0] =	vst.idx.msk $0xffff, v1  }
0x10f: {  	v57 =	vadd.s32 s30, v0;
	s30 =	sadd.s32 $0x872, s2;
	s25 =	sshra.s32 s17, $0x2;
	s29 =	sshra.s32 s20, $0x2;
	[tilespmem:v4+s21+$0x0] =	vst.idx.msk $0xffff, v3  }
0x110: {  	s23 =	sadd.s32 $0x20, s10;
	s1 =	sadd.s32 s25, s12;
	s25 =	sadd.s32 s29, s12;
	[tilespmem:v6+s21+$0x0] =	vst.idx.msk $0xffff, v5  }
0x111: {  	s10 =	sadd.s32 $0x30, s10;
	s26 =	sadd.s32 $0x871, s2;
	v11 =	vld [tilespmem:s25+$0xFFFFFF00];
	s25 =	sld [smem:$0x7FB]  }
0x112: {  	s29 =	sshll.u32 s23, $0x2;
	s28 =	sand.u32 $0x7F, s23;
	v58 =	vadd.s32 s26, v0;
	v9 =	vld [tilespmem:s1+$0xFFFFFE80];
	s26 =	sld [smem:$0x7FC];
	[tilespmem:v56+s21+$0x0] =	vst.idx.msk $0xffff, v7  }
0x113: {  	s6 =	sadd.s32 s6, s12;
	s23 =	sshll.u32 s28, $0x2;
	s28 =	sld [smem:$0x7FD]  }
0x114: {  	s20 =	sadd.s32 $0x10E0, s2;
	s3 =	sadd.s32 $0x10E1, s2;
	s15 =	sadd.s32 $0x10E3, s2;
	v2 =	vadd.s32 s30, v0;
	v1 =	vld [tilespmem:s6+$0xFFFFFF80]  }
0x115: {  	s5 =	sadd.s32 $0x10E2, s2;
	v59 =	vadd.s32 s15, v0;
	s15 =	sand.u32 $0x7F, s11;
	s11 =	sshll.u32 s11, $0x2;
	v3 =	vld [tilespmem:s19+$0xFFFFFF80];
	v4 =	vadd.s32 s31, v0  }
0x116: {  	s0 =	sadd.s32 $0x1950, s2;
	s8 =	sadd.s32 $0x1953, s2;
	s11 =	sand.u32 $0xFFFFFE00, s11;
	v6 =	vadd.s32 s4, v0;
	v5 =	vld [tilespmem:s28+$0xFFFFFE80]  }
0x117: {  	s18 =	sand.u32 $0x7F, s10;
	s10 =	sshll.u32 s10, $0x2;
	s1 =	sand.u32 $0xFFFFFE00, s29;
	[tilespmem:v57+s21+$0x0] =	vst.idx.msk $0xffff, v9  }
0x118: {  	s6 =	sadd.s32 s22, s12;
	s31 =	sadd.s32 $0x30, s16;
	s14 =	sshra.s32 s25, $0x2;
	v7 =	vld [tilespmem:s13+$0x0];
	[tilespmem:v58+s21+$0x0] =	vst.idx.msk $0xffff, v11  }
0x119: {  	s1 =	sor.u32 s23, s1;
	s17 =	sshra.s32 s26, $0x2;
	[tilespmem:v2+s21+$0x0] =	vst.idx.msk $0xffff, v1;
	s29 =	sadd.s32 s14, s12  }
0x11a: {  	v60 =	vadd.s32 s20, v0;
	s22 =	sand.u32 $0xFFFFFE00, s10;
	s1 =	sshra.s32 s1, $0x2;
	[tilespmem:v4+s21+$0x0] =	vst.idx.msk $0xffff, v3;
	s30 =	sadd.s32 s17, s12;
	v9 =	vld [tilespmem:s29+$0xFFFFFE80]  }
0x11b: {  	s16 =	sand.u32 $0x7F, s31;
	s4 =	sshll.u32 s15, $0x2;
	s1 =	sadd.s32 s1, s12;
	v2 =	vadd.s32 s3, v0;
	v1 =	vld [tilespmem:s30+$0xFFFFFF00];
	[tilespmem:v6+s21+$0x0] =	vst.idx.msk $0xffff, v5  }
0x11c: {  	s4 =	sor.u32 s4, s11;
	v4 =	vadd.s32 s5, v0;
	s17 =	sshll.u32 s31, $0x2;
	v3 =	vld [tilespmem:s1+$0xFFFFFF80];
	s19 =	rddreg [dreg:$0x16]  }
0x11d: {  	s20 =	sshll.u32 s16, $0x2;
	s25 =	sshra.s32 s4, $0x2;
	s3 =	sand.u32 $0xFFFFFE00, s17;
	v6 =	vadd.s32 s24, v0;
	[tilespmem:v59+s21+$0x0] =	vst.idx.msk $0xffff, v7;
	v5 =	vld [tilespmem:s19+$0xFFFFFF00]  }
0x11e: {  	v63 =	vadd.s32 s8, v0;
	s1 =	sor.u32 s20, s3;
	s24 =	sshll.u32 s18, $0x2;
	s23 =	rddreg [dreg:$0x12];
	v62 =	vld [tilespmem:s6+$0x0]  }
0x11f: {  	v61 =	vadd.s32 s7, v0;
	s3 =	sadd.s32 s25, s12;
	s1 =	sshra.s32 s1, $0x2;
	s26 =	sor.u32 s24, s22;
	[tilespmem:v60+s21+$0x0] =	vst.idx.msk $0xffff, v9;
	v7 =	vld [tilespmem:s23+$0xFFFFFF80]  }
0x120: {  	s28 =	sadd.s32 $0x1951, s2;
	s1 =	sadd.s32 s1, s12;
	s4 =	sshra.s32 s26, $0x2;
	[tilespmem:v2+s21+$0x0] =	vst.idx.msk $0xffff, v1;
	v2 =	vadd.s32 s0, v0;
	v1 =	vld [tilespmem:s3+$0xFFFFFE80]  }
0x121: {  	s30 =	sadd.s32 $0x1952, s2;
	[tilespmem:v4+s21+$0x0] =	vst.idx.msk $0xffff, v3;
	v4 =	vadd.s32 s28, v0;
	s29 =	sadd.s32 s4, s12;
	v3 =	vld [tilespmem:s1+$0xFFFFFF00]  }
0x122: {  	[tilespmem:v6+s21+$0x0] =	vst.idx.msk $0xffff, v5;
	v5 =	vld [tilespmem:s29+$0xFFFFFF80];
	v6 =	vadd.s32 s30, v0  }
0x123: {  	[tilespmem:v63+s21+$0x0] =	vst.idx.msk $0xffff, v62  }
0x124: {  	[tilespmem:v61+s21+$0x0] =	vst.idx.msk $0xffff, v7  }
0x125: {  	[tilespmem:v2+s21+$0x0] =	vst.idx.msk $0xffff, v1  }
0x126: {  	[tilespmem:v4+s21+$0x0] =	vst.idx.msk $0xffff, v3  }
0x127: {  	s31 =	simm.s32 $0x10840;
	[tilespmem:v6+s21+$0x0] =	vst.idx.msk $0xffff, v5  }
0x128: {  	v2 =	vld [tilespmem:s31+$0x30]  }
0x129: {  	v5 =	vld [tilespmem:s31+$0xFFFFFFD0]  }
0x12a: {  	p1 =	por $0x1, $0x1;
	v6 =	vld [tilespmem:s31+$0xFFFFFFE0]  }
.Ltmp10:
0x12b: {  	s0 =	sand.u32 $0x1F80, s9;
	v1 =	vld [tilespmem:s31+$0xFFFFFFF0];
	(pc) =	sbr.rel @!p1 .LBB2_11-.Ltmp10, $4  }
0x12c: {  	s1 =	sadd.s32 $0x12A00, s0;
	v3 =	vld [tilespmem:s31+$0x0]  }
0x12d: {  	v4 =	vld [tilespmem:s31+$0x10];
	[tilespmem:s1+$0x2070] =	vst v2  }
0x12e: {  	[tilespmem:s1+$0x2010] =	vst v5;
	v5 =	vld [tilespmem:s31+$0x20]  }
0x12f: {  	s2 =	simm.s32 $0x0;
	s3 =	simm.s32 $0x108C7;
	v2 =	vld [tilespmem:s31+$0xFFFFFFC0];
	[tilespmem:s1+$0x2020] =	vst v6  }
.LBB2_10:
0x130: {  	v6 =	vld [tilespmem:s3+$0x30];
	s2 =	sadd.s32 $0x8, s2;
	[tilespmem:s1+$0x2030] =	vst v1  }
0x131: {  	v7 =	vld [tilespmem:s3+$0xFFFFFFD0];
	p1 =	slt.u32 s2, $0x1F8;
	[tilespmem:s1+$0x2040] =	vst v3  }
0x132: {  	s9 =	sadd.s32 $0x80, s9;
	v8 =	vld [tilespmem:s3+$0xFFFFFFE0];
	[tilespmem:s1+$0x2050] =	vst v4  }
.Ltmp11:
0x133: {  	s4 =	sand.u32 $0x1F80, s9;
	v1 =	vld [tilespmem:s3+$0xFFFFFFF0];
	[tilespmem:s1+$0x2060] =	vst v5;
	(pc) =	sbr.rel @p1 .LBB2_10-.Ltmp11, $4  }
0x134: {  	s1 =	sadd.s32 $0x12A00, s4;
	v3 =	vld [tilespmem:s3+$0x0];
	[tilespmem:s0+$0x14A00] =	vst v2;
	s0 =	smov.u32 s4  }
0x135: {  	v4 =	vld [tilespmem:s3+$0x10];
	[tilespmem:s1+$0x2070] =	vst v6  }
0x136: {  	[tilespmem:s1+$0x2010] =	vst v7;
	v5 =	vld [tilespmem:s3+$0x20]  }
0x137: {  	v2 =	vld [tilespmem:s3+$0xFFFFFFC0];
	[tilespmem:s1+$0x2020] =	vst v8;
	s3 =	sadd.s32 $0x87, s3  }
.LBB2_11:
0x138: {  	[tilespmem:s1+$0x2030] =	vst v1  }
0x139: {  	[tilespmem:s1+$0x2040] =	vst v3  }
0x13a: {  	s5 =	rddreg [dreg:$0x10];
	[tilespmem:s1+$0x2050] =	vst v4  }
.Ltmp12:
0x13b: {  	s2 =	sshll.u32 s5, $0x14;
	s3 =	rddreg [dreg:$0xa];
	(pc) =	sbr.rel @p0 .LBB2_17-.Ltmp12, $4  }
0x13c: {  	s2 =	sadd.s32 s3, s2  }
0x13d: {  	s28 =	rddreg [dreg:$0x2];
	s29 =	simm.s32 $0x400;
	[tilespmem:s1+$0x2060] =	vst v5;
	s26 =	sshrl.u32 s2, $0x3  }
0x13e: {  	s30 =	simm.s32 $0x8000;
	s31 =	simm.s32 $0x14A00;
	[tilespmem:s0+$0x14A00] =	vst v2;
	s0 =	sadd.s32 s28, s26  }
0x13f: {  	[hbm4b:s0+s29] =	stream.strided.scatter [tilespmem:s31], [sflag:$0xA], $0x2000, s30, s29, $0x38;
	[tilespmem:$0x1AA00] =	vst v63  }
.LBB2_12:
0x140: {  	s0 =	simm.s32 $0x2  }
0x141: {  	_ =	swait.ge [sflag:s0], $0x80  }
0x142: {  	[sflag:s0] =	ssyncset.done $0x0  }
0x143: {  	[sflag:s0] =	ssyncadd.s32 $0xFFFFFF80  }
0x144: {  	v1 =	vld [tilespmem:$0x80];
	_ =	sdelay $0x1  }
0x145: {  	v2 =	vld [tilespmem:$0x90];
	_ =	sdelay $0x1  }
0x146: {  	v3 =	vld [tilespmem:$0xA0]  }
0x147: {  	v4 =	vshrl.u32 v1, $0x1;
	v1 =	vshll.u32 v1, $0x6  }
0x148: {  	v62 =	vld [tilespmem:$0xB0];
	[tilespmem:$0x280] =	vst v4;
	v1 =	vand.u32 $0x40, v1  }
0x149: {  	[tilespmem:$0x480] =	vst v1;
	v1 =	vshrl.u32 v2, $0x1;
	v2 =	vshll.u32 v2, $0x6  }
0x14a: {  	[tilespmem:$0x290] =	vst v1;
	v1 =	vand.u32 $0x40, v2;
	v2 =	vld [tilespmem:$0xC0]  }
0x14b: {  	[tilespmem:$0x490] =	vst v1;
	v1 =	vshrl.u32 v3, $0x1;
	v3 =	vshll.u32 v3, $0x6  }
0x14c: {  	[tilespmem:$0x2A0] =	vst v1;
	v1 =	vand.u32 $0x40, v3;
	v3 =	vld [tilespmem:$0xD0]  }
0x14d: {  	v4 =	vshll.u32 v62, $0x6;
	[tilespmem:$0x4A0] =	vst v1;
	v1 =	vshrl.u32 v62, $0x1  }
0x14e: {  	v63 =	vld [tilespmem:$0xE0];
	[tilespmem:$0x2B0] =	vst v1;
	v1 =	vand.u32 $0x40, v4  }
0x14f: {  	[tilespmem:$0x4B0] =	vst v1;
	v1 =	vshrl.u32 v2, $0x1;
	v2 =	vshll.u32 v2, $0x6  }
0x150: {  	[tilespmem:$0x2C0] =	vst v1;
	v1 =	vand.u32 $0x40, v2;
	v2 =	vld [tilespmem:$0xF0]  }
0x151: {  	[tilespmem:$0x4C0] =	vst v1;
	v1 =	vshrl.u32 v3, $0x1;
	v3 =	vshll.u32 v3, $0x6  }
0x152: {  	p1 =	slt.u32 s5, $0x31;
	[tilespmem:$0x2D0] =	vst v1;
	v1 =	vand.u32 $0x40, v3  }
.Ltmp13:
0x153: {  	v3 =	vshll.u32 v63, $0x6;
	[tilespmem:$0x4D0] =	vst v1;
	v1 =	vshrl.u32 v63, $0x1;
	(pc) =	sbr.rel @!p1 .LBB2_13-.Ltmp13, $4  }
0x154: {  	[tilespmem:$0x2E0] =	vst v1;
	v1 =	vand.u32 $0x40, v3  }
0x155: {  	[tilespmem:$0x4E0] =	vst v1;
	v1 =	vshrl.u32 v2, $0x1;
	v2 =	vshll.u32 v2, $0x6  }
0x156: {  	[tilespmem:$0x2F0] =	vst v1;
	v1 =	vand.u32 $0x40, v2  }
0x157: {  	[tilespmem:$0x4F0] =	vst v1  }
0x158: {  	s6 =	rddreg [dreg:$0x11]  }
0x159: {  	s0 =	sadd.s32 $0x5, s6  }
0x15a: {  	s1 =	sshll.u32 s0, $0x7;
	s0 =	sshll.u32 s0, $0xC  }
0x15b: {  	s1 =	sand.u32 $0x280, s1;
	s0 =	sand.u32 $0x1F8000, s0  }
0x15c: {  	s26 =	rddreg [dreg:$0x5];
	s0 =	sor.u32 s0, s1  }
0x15d: {  	p1 =	seq.s32 s5, $0x0;
	s0 =	sor.u32 s26, s0  }
.Ltmp14:
0x15e: {  	s28 =	rddreg [dreg:$0x0];
	s0 =	sshrl.u32 s0, $0x3;
	(pc) =	sbr.rel @p1 .LBB2_15-.Ltmp14, $4  }
0x15f: {  	s29 =	simm.s32 $0x0;
	s2 =	simm.s32 $0x80;
	s0 =	sadd.s32 s28, s0  }
0x160: {  	[tilespmem:s2], [sflag:$0x2] =	stream.linear.gather [hbm4b:s0+s29], $0x80, $0x38;
	[tilespmem:$0x1AA00] =	vst v63  }
0x161: {  	s30 =	rddreg [dreg:$0x4];
	s31 =	simm.s32 $0x280;
	s3 =	simm.s32 $0x4800  }
0x162: {  	[tilespmem:s3], [sflag:$0x6] =	stream.indirect.gather [hbm4b:s30+s2], $0x80, s31, s2, $0xb8;
	[tilespmem:$0x1AA00] =	vst v63  }
0x163: {  	p1 =	seq.s32 s5, $0x1  }
.Ltmp15:
0x164: {  	_ = 	snop;
	(pc) =	sbr.rel @p1 .LBB2_18-.Ltmp15, $4  }
.Ltmp16:
0x165: {  	_ = 	snop;
	(pc) =	sbr.rel @!p1 .LBB2_17-.Ltmp16, $4  }
0x166: {  	_ = 	snop  }
0x167: {  	_ = 	snop  }
0x168: {  	_ = 	snop  }
0x169: {  	_ = 	snop  }
.LBB2_13:
0x16a: {  	s0 =	rddreg [dreg:$0x4]  }
0x16b: {  	s1 =	simm.s32 $0x80;
	s2 =	simm.s32 $0x280;
	s3 =	simm.s32 $0x4800  }
0x16c: {  	[tilespmem:s3], [sflag:$0x6] =	stream.indirect.gather [hbm4b:s0+s1], $0x80, s2, s1, $0xb8;
	[tilespmem:$0x1AA00] =	vst v63  }
.LBB2_17:
0x16d: {  	s0 =	simm.s32 $0xB  }
0x16e: {  	_ =	swait.ge [sflag:s0], $0x2000  }
0x16f: {  	[sflag:s0] =	ssyncset.done $0x0  }
0x170: {  	[sflag:s0] =	ssyncadd.s32 $0xFFFFE000  }
.LBB2_18:
0x171: {  	s0 =	simm.s32 $0x7  }
0x172: {  	_ =	swait.ge [sflag:s0], $0x4000  }
0x173: {  	[sflag:s0] =	ssyncset.done $0x0  }
0x174: {  	s25 =	simm.s32 $0x503;
	[sflag:s0] =	ssyncadd.s32 $0xFFFFC000  }
0x175: {  	v1 =	vld [tilespmem:s25+$0x0]  }
0x176: {  	v2 =	vld [tilespmem:s25+$0xFFFFFFFE];
	_ =	sdelay $0x1  }
0x177: {  	v3 =	vld [tilespmem:s25+$0xFFFFFFFF];
	_ =	sdelay $0x1  }
0x178: {  	v4 =	vld [tilespmem:s25+$0xFFFFFFFD];
	(v2sf) =	vpush v1, $0x0  }
0x179: {  	(v2sf) =	vpush v2, $0x0;
	_ =	sdelay $0x1  }
0x17a: {  	(v2sf) =	vpush v3, $0x0;
	_ =	sdelay $0x1  }
0x17b: {  	(v2sf) =	vpush v4, $0x0;
	_ =	sdelay $0x4  }
0x17c: {  	s9 =	simm.s32 $0x0  }
0x17d: {  	s24 =	simm.s32 $0x8980;
	s2 =	simm.s32 $0x4;
	s4 =	simm.s32 $0x1950  }
0x17e: {  	s14 =	simm.s32 $0x10E0;
	s28 =	simm.s32 $0x10E1;
	s31 =	simm.s32 $0x10E2  }
0x17f: {  	s7 =	simm.s32 $0x870;
	s13 =	simm.s32 $0x872;
	s11 =	simm.s32 $0x1  }
0x180: {  	s3 =	simm.s32 $0x2;
	s16 =	simm.s32 $0x3;
	v6 =	vadd.s32 s11, v0;
	s11 =	simm.s32 $0x507  }
0x181: {  	s0 =	simm.s32 $0x871;
	s25 =	simm.s32 $0x873;
	s5 =	spop (v2sf)  }
0x182: {  	s1 =	sand.u32 $0x7F, s5;
	s6 =	sshll.u32 s5, $0x2;
	s10 =	spop (v2sf)  }
0x183: {  	s20 =	sadd.s32 $0x10, s5;
	s6 =	sand.u32 $0xFFFFFE00, s6;
	s8 =	sshll.u32 s1, $0x2  }
0x184: {  	s1 =	spop (v2sf);
	s12 =	sand.u32 $0x7F, s10;
	s6 =	sor.u32 s8, s6  }
0x185: {  	s18 =	sshll.u32 s10, $0x2;
	s30 =	sand.u32 $0x7F, s20;
	s6 =	sshra.s32 s6, $0x2  }
0x186: {  	s20 =	sshll.u32 s20, $0x2;
	s17 =	spop (v2sf);
	s6 =	sadd.s32 $0x8980, s6  }
0x187: {  	v2 =	vadd.s32 s16, v0;
	s19 =	sand.u32 $0x7F, s1;
	s22 =	sshll.u32 s1, $0x2;
	s16 =	sand.u32 $0xFFFFFE00, s20;
	v1 =	vld [tilespmem:s6+$0x0]  }
0x188: {  	s18 =	sand.u32 $0xFFFFFE00, s18;
	s12 =	sshll.u32 s12, $0x2;
	s20 =	sadd.s32 $0x10, s10  }
0x189: {  	s26 =	sand.u32 $0x7F, s17;
	s15 =	sshll.u32 s17, $0x2;
	s6 =	sshll.u32 s30, $0x2  }
0x18a: {  	s23 =	sand.u32 $0xFFFFFE00, s22;
	s19 =	sshll.u32 s19, $0x2;
	s6 =	sor.u32 s6, s16  }
0x18b: {  	s12 =	sor.u32 s12, s18;
	s18 =	simm.s32 $0x10E3;
	s6 =	sshra.s32 s6, $0x2  }
0x18c: {  	s22 =	sadd.s32 $0x10, s1;
	s15 =	sand.u32 $0xFFFFFE00, s15;
	s6 =	sadd.s32 $0x8980, s6;
	[tilespmem:v2+s21+$0x0] =	vst.idx.msk $0xffff, v1  }
0x18d: {  	s8 =	sshll.u32 s26, $0x2;
	s26 =	sadd.s32 $0x20, s5;
	s12 =	sshra.s32 s12, $0x2;
	v2 =	vadd.s32 s25, v0;
	v1 =	vld [tilespmem:s6+$0x0]  }
0x18e: {  	s8 =	sor.u32 s8, s15;
	s30 =	sand.u32 $0x7F, s26;
	s15 =	sshll.u32 s26, $0x2  }
0x18f: {  	s5 =	sadd.s32 $0x30, s5;
	s15 =	sand.u32 $0xFFFFFE00, s15;
	s6 =	sshll.u32 s30, $0x2  }
0x190: {  	s12 =	sadd.s32 $0x8980, s12;
	s26 =	sand.u32 $0x7F, s20;
	s6 =	sor.u32 s6, s15  }
0x191: {  	s16 =	sor.u32 s19, s23;
	s8 =	sshra.s32 s8, $0x2;
	s6 =	sshra.s32 s6, $0x2  }
0x192: {  	s19 =	sadd.s32 $0x10, s17;
	s23 =	sand.u32 $0x7F, s5;
	v5 =	vld [tilespmem:s12+$0xFFFFFF00];
	s6 =	sadd.s32 $0x8980, s6;
	[tilespmem:v2+s21+$0x0] =	vst.idx.msk $0xffff, v1  }
0x193: {  	s5 =	sshll.u32 s5, $0x2;
	s12 =	simm.s32 $0x1953;
	s16 =	sshra.s32 s16, $0x2;
	v2 =	vadd.s32 s18, v0;
	v1 =	vld [tilespmem:s6+$0x0]  }
0x194: {  	s8 =	sadd.s32 $0x8980, s8;
	s5 =	sand.u32 $0xFFFFFE00, s5;
	v10 =	vadd.s32 s12, v0;
	s12 =	simm.s32 $0x8  }
0x195: {  	s25 =	sand.u32 $0x7F, s19;
	s30 =	sand.u32 $0x7F, s22;
	s6 =	sshll.u32 s23, $0x2  }
0x196: {  	s15 =	sadd.s32 $0x8980, s16;
	s18 =	sshll.u32 s19, $0x2;
	s5 =	sor.u32 s6, s5  }
0x197: {  	v4 =	vadd.s32 s9, v0;
	v3 =	vld [tilespmem:s8+$0xFFFFFE80];
	s19 =	sshll.u32 s20, $0x2;
	s20 =	sshll.u32 s22, $0x2;
	s5 =	sshra.s32 s5, $0x2  }
0x198: {  	v8 =	vadd.s32 s3, v0;
	v7 =	vld [tilespmem:s15+$0xFFFFFF80];
	s22 =	sand.u32 $0xFFFFFE00, s18;
	s23 =	sshll.u32 s25, $0x2;
	s5 =	sadd.s32 $0x8980, s5;
	[tilespmem:v2+s21+$0x0] =	vst.idx.msk $0xffff, v1  }
0x199: {  	s25 =	sand.u32 $0xFFFFFE00, s19;
	s6 =	sshll.u32 s26, $0x2;
	s3 =	sor.u32 s23, s22;
	v9 =	vld [tilespmem:s5+$0x0]  }
0x19a: {  	s8 =	sshll.u32 s30, $0x2;
	s6 =	sor.u32 s6, s25;
	s3 =	sshra.s32 s3, $0x2  }
0x19b: {  	[tilespmem:v6+s21+$0x0] =	vst.idx.msk $0xffff, v5;
	s26 =	sand.u32 $0xFFFFFE00, s20;
	s6 =	sshra.s32 s6, $0x2;
	s30 =	sadd.s32 $0x8980, s3  }
0x19c: {  	[tilespmem:v4+s21+$0x0] =	vst.idx.msk $0xffff, v3;
	s3 =	sadd.s32 $0x20, s17;
	s18 =	sadd.s32 $0x8980, s6;
	s5 =	sor.u32 s8, s26  }
0x19d: {  	v3 =	vld [tilespmem:s11+$0x0];
	[tilespmem:v8+s21+$0x0] =	vst.idx.msk $0xffff, v7;
	s6 =	sand.u32 $0x7F, s3;
	v2 =	vadd.s32 s7, v0;
	s7 =	simm.s32 $0x0;
	s5 =	sshra.s32 s5, $0x2  }
0x19e: {  	v1 =	vld [tilespmem:s30+$0xFFFFFE80];
	s8 =	sadd.s32 $0x20, s1;
	s29 =	sadd.s32 $0x8980, s5;
	s5 =	sadd.s32 $0x20, s10;
	[tilespmem:v10+s21+$0x0] =	vst.idx.msk $0xffff, v9  }
.LBB2_19:
0x19f: {  	p1 =	slt.u32 s12, $0x7C;
	s15 =	sshll.u32 s3, $0x2;
	s16 =	sand.u32 $0x7F, s5  }
0x1a0: {  	v4 =	vld [tilespmem:s11+$0xFFFFFFFE];
	s3 =	smov.u32 s7;
	s7 =	smov.u32 s2;
	s2 =	smov.u32 s12  }
0x1a1: {  	s5 =	sshll.u32 s5, $0x2;
	s19 =	sand.u32 $0x7F, s8;
	s8 =	sshll.u32 s8, $0x2;
	v5 =	vld [tilespmem:s11+$0xFFFFFFFF]  }
0x1a2: {  	s6 =	sshll.u32 s6, $0x2;
	s15 =	sand.u32 $0xFFFFFE00, s15;
	s5 =	sand.u32 $0xFFFFFE00, s5;
	v6 =	vld [tilespmem:s11+$0xFFFFFFFD]  }
0x1a3: {  	s8 =	sand.u32 $0xFFFFFE00, s8;
	[tilespmem:v2+s21+$0x0] =	vst.idx.msk $0xffff, v1;
	v1 =	vld [tilespmem:s18+$0xFFFFFF00];
	v2 =	vadd.s32 s0, v0;
	s0 =	sshll.u32 s16, $0x2;
	s16 =	sshll.u32 s19, $0x2  }
0x1a4: {  	v7 =	vadd.s32 s13, v0;
	s6 =	sor.u32 s6, s15;
	(v2sf) =	vpush v3, $0x0;
	s0 =	sor.u32 s0, s5;
	v3 =	vld [tilespmem:s29+$0xFFFFFF80];
	s5 =	sor.u32 s16, s8  }
0x1a5: {  	s6 =	sshra.s32 s6, $0x2;
	(v2sf) =	vpush v4, $0x0;
	s0 =	sshra.s32 s0, $0x2;
	s5 =	sshra.s32 s5, $0x2  }
0x1a6: {  	s6 =	sadd.s32 s6, s24;
	(v2sf) =	vpush v5, $0x0;
	s0 =	sadd.s32 s0, s24;
	s5 =	sadd.s32 s5, s24  }
0x1a7: {  	s1 =	sadd.s32 $0x30, s1;
	s8 =	sadd.s32 $0x30, s10;
	v5 =	vadd.s32 s14, v0;
	(v2sf) =	vpush v6, $0x0;
	v4 =	vld [tilespmem:s6+$0xFFFFFE80];
	s6 =	sadd.s32 $0x30, s17  }
0x1a8: {  	s13 =	sand.u32 $0x7F, s8;
	s10 =	sand.u32 $0x7F, s6;
	s6 =	sshll.u32 s6, $0x2;
	[tilespmem:v2+s21+$0x0] =	vst.idx.msk $0xffff, v1  }
0x1a9: {  	v2 =	vadd.s32 s28, v0;
	v1 =	vld [tilespmem:s0+$0xFFFFFF00];
	s0 =	sshll.u32 s8, $0x2;
	[tilespmem:v7+s21+$0x0] =	vst.idx.msk $0xffff, v3;
	s8 =	sand.u32 $0x7F, s1;
	s1 =	sshll.u32 s1, $0x2  }
0x1aa: {  	v6 =	vadd.s32 s31, v0;
	s6 =	sand.u32 $0xFFFFFE00, s6;
	s10 =	sshll.u32 s10, $0x2;
	s0 =	sand.u32 $0xFFFFFE00, s0;
	v3 =	vld [tilespmem:s5+$0xFFFFFF80]  }
0x1ab: {  	s5 =	sshll.u32 s13, $0x2;
	s1 =	sand.u32 $0xFFFFFE00, s1;
	s8 =	sshll.u32 s8, $0x2  }
0x1ac: {  	s6 =	sor.u32 s10, s6;
	s0 =	sor.u32 s5, s0;
	s1 =	sor.u32 s8, s1;
	[tilespmem:v5+s21+$0x0] =	vst.idx.msk $0xffff, v4  }
0x1ad: {  	s5 =	sshra.s32 s6, $0x2;
	s0 =	sshra.s32 s0, $0x2;
	s1 =	sshra.s32 s1, $0x2  }
0x1ae: {  	s5 =	sadd.s32 s5, s24;
	s0 =	sadd.s32 s0, s24;
	s1 =	sadd.s32 s1, s24;
	[tilespmem:v2+s21+$0x0] =	vst.idx.msk $0xffff, v1  }
0x1af: {  	v2 =	vadd.s32 s4, v0;
	v1 =	vld [tilespmem:s5+$0xFFFFFE80];
	s5 =	sadd.s32 $0x1951, s3;
	[tilespmem:v6+s21+$0x0] =	vst.idx.msk $0xffff, v3  }
0x1b0: {  	s30 =	sadd.s32 $0x870, s7;
	s4 =	sadd.s32 $0x1950, s7;
	v3 =	vld [tilespmem:s0+$0xFFFFFF00];
	v4 =	vadd.s32 s5, v0;
	s0 =	sadd.s32 $0x1952, s3  }
0x1b1: {  	s14 =	sadd.s32 $0x10E0, s7;
	s31 =	sadd.s32 $0x10E2, s7;
	s28 =	sadd.s32 $0x10E1, s7;
	v5 =	vld [tilespmem:s1+$0xFFFFFF80];
	v6 =	vadd.s32 s0, v0  }
0x1b2: {  	s18 =	sadd.s32 $0x2, s7;
	s13 =	sadd.s32 $0x872, s7;
	s0 =	sadd.s32 $0x871, s7  }
0x1b3: {  	s19 =	sadd.s32 $0x3, s7;
	s3 =	sadd.s32 $0x1, s7;
	s16 =	spop (v2sf)  }
0x1b4: {  	s1 =	sand.u32 $0x7F, s16;
	s5 =	sshll.u32 s16, $0x2;
	s10 =	spop (v2sf);
	[tilespmem:v2+s21+$0x0] =	vst.idx.msk $0xffff, v1  }
0x1b5: {  	s5 =	sand.u32 $0xFFFFFE00, s5;
	s6 =	sshll.u32 s1, $0x2;
	s1 =	spop (v2sf);
	[tilespmem:v4+s21+$0x0] =	vst.idx.msk $0xffff, v3  }
0x1b6: {  	s8 =	sand.u32 $0x7F, s10;
	s5 =	sor.u32 s6, s5;
	s17 =	spop (v2sf);
	[tilespmem:v6+s21+$0x0] =	vst.idx.msk $0xffff, v5  }
0x1b7: {  	s24 =	sadd.s32 $0x200, s24;
	s6 =	sand.u32 $0x7F, s17;
	s5 =	sshra.s32 s5, $0x2  }
0x1b8: {  	s20 =	sshll.u32 s10, $0x2;
	s15 =	sshll.u32 s17, $0x2;
	s5 =	sadd.s32 s5, s24  }
0x1b9: {  	v2 =	vadd.s32 s19, v0;
	s22 =	sand.u32 $0x7F, s1;
	s19 =	sshll.u32 s1, $0x2;
	v1 =	vld [tilespmem:s5+$0x0];
	s5 =	sadd.s32 $0x10, s16  }
0x1ba: {  	s20 =	sand.u32 $0xFFFFFE00, s20;
	s23 =	sand.u32 $0x7F, s5;
	s5 =	sshll.u32 s5, $0x2  }
0x1bb: {  	s15 =	sand.u32 $0xFFFFFE00, s15;
	s5 =	sand.u32 $0xFFFFFE00, s5;
	s23 =	sshll.u32 s23, $0x2  }
0x1bc: {  	s8 =	sshll.u32 s8, $0x2;
	s6 =	sshll.u32 s6, $0x2;
	s5 =	sor.u32 s23, s5  }
0x1bd: {  	v6 =	vadd.s32 s3, v0;
	s3 =	sadd.s32 $0x10, s1;
	s19 =	sand.u32 $0xFFFFFE00, s19;
	s5 =	sshra.s32 s5, $0x2  }
0x1be: {  	s22 =	sshll.u32 s22, $0x2;
	s23 =	sadd.s32 $0x873, s7;
	[tilespmem:v2+s21+$0x0] =	vst.idx.msk $0xffff, v1;
	s5 =	sadd.s32 s5, s24  }
0x1bf: {  	s8 =	sor.u32 s8, s20;
	s6 =	sor.u32 s6, s15;
	v2 =	vadd.s32 s23, v0;
	v1 =	vld [tilespmem:s5+$0x0];
	s5 =	sadd.s32 $0x20, s16  }
0x1c0: {  	s15 =	sor.u32 s22, s19;
	s19 =	sand.u32 $0x7F, s5;
	s5 =	sshll.u32 s5, $0x2  }
0x1c1: {  	s6 =	sshra.s32 s6, $0x2;
	s5 =	sand.u32 $0xFFFFFE00, s5;
	s19 =	sshll.u32 s19, $0x2  }
0x1c2: {  	s8 =	sshra.s32 s8, $0x2;
	s15 =	sshra.s32 s15, $0x2;
	s5 =	sor.u32 s19, s5  }
0x1c3: {  	s8 =	sadd.s32 s8, s24;
	s6 =	sadd.s32 s6, s24;
	s5 =	sshra.s32 s5, $0x2  }
0x1c4: {  	v4 =	vadd.s32 s7, v0;
	v3 =	vld [tilespmem:s6+$0xFFFFFE80];
	s6 =	sadd.s32 s15, s24;
	[tilespmem:v2+s21+$0x0] =	vst.idx.msk $0xffff, v1;
	s5 =	sadd.s32 s5, s24;
	s15 =	sadd.s32 $0x10E3, s7  }
0x1c5: {  	s20 =	sadd.s32 $0x10, s10;
	s19 =	sadd.s32 $0x10, s17;
	v1 =	vld [tilespmem:s5+$0x0];
	v2 =	vadd.s32 s15, v0;
	s5 =	sadd.s32 $0x30, s16  }
0x1c6: {  	v8 =	vadd.s32 s18, v0;
	s18 =	sand.u32 $0x7F, s3;
	v5 =	vld [tilespmem:s8+$0xFFFFFF00];
	s8 =	sand.u32 $0x7F, s5;
	s5 =	sshll.u32 s5, $0x2  }
0x1c7: {  	s15 =	sand.u32 $0x7F, s19;
	v7 =	vld [tilespmem:s6+$0xFFFFFF80];
	s5 =	sand.u32 $0xFFFFFE00, s5;
	s6 =	sshll.u32 s8, $0x2  }
0x1c8: {  	s16 =	sand.u32 $0x7F, s20;
	s8 =	sshll.u32 s19, $0x2;
	s5 =	sor.u32 s6, s5  }
0x1c9: {  	s3 =	sshll.u32 s3, $0x2;
	s6 =	sshll.u32 s20, $0x2;
	[tilespmem:v4+s21+$0x0] =	vst.idx.msk $0xffff, v3;
	s5 =	sshra.s32 s5, $0x2  }
0x1ca: {  	s3 =	sand.u32 $0xFFFFFE00, s3;
	s19 =	sadd.s32 $0x1953, s7;
	[tilespmem:v2+s21+$0x0] =	vst.idx.msk $0xffff, v1;
	s5 =	sadd.s32 s5, s24  }
0x1cb: {  	s15 =	sshll.u32 s15, $0x2;
	s8 =	sand.u32 $0xFFFFFE00, s8;
	s6 =	sand.u32 $0xFFFFFE00, s6;
	v4 =	vadd.s32 s19, v0;
	[tilespmem:v6+s21+$0x0] =	vst.idx.msk $0xffff, v5;
	v3 =	vld [tilespmem:s5+$0x0]  }
0x1cc: {  	s8 =	sor.u32 s15, s8;
	s5 =	sshll.u32 s16, $0x2;
	s16 =	sshll.u32 s18, $0x2;
	[tilespmem:v8+s21+$0x0] =	vst.idx.msk $0xffff, v7  }
.Ltmp17:
0x1cd: {  	s5 =	sor.u32 s5, s6;
	s3 =	sor.u32 s16, s3;
	(pc) =	sbr.rel @p1 .LBB2_19-.Ltmp17, $4  }
0x1ce: {  	s6 =	sshra.s32 s8, $0x2;
	s5 =	sshra.s32 s5, $0x2;
	s3 =	sshra.s32 s3, $0x2  }
0x1cf: {  	s6 =	sadd.s32 s6, s24;
	s18 =	sadd.s32 s5, s24;
	s29 =	sadd.s32 s3, s24  }
0x1d0: {  	s11 =	sadd.s32 $0x4, s11;
	v2 =	vadd.s32 s30, v0;
	s3 =	sadd.s32 $0x20, s17;
	s5 =	sadd.s32 $0x20, s10;
	v1 =	vld [tilespmem:s6+$0xFFFFFE80];
	[tilespmem:v4+s21+$0x0] =	vst.idx.msk $0xffff, v3  }
0x1d1: {  	s12 =	sadd.s32 $0x4, s12;
	s8 =	sadd.s32 $0x20, s1;
	s6 =	sand.u32 $0x7F, s3;
	v3 =	vld [tilespmem:s11+$0x0]  }
0x1d2: {  	v4 =	vld [tilespmem:s11+$0xFFFFFFFE];
	_ =	sdelay $0x1  }
0x1d3: {  	v5 =	vld [tilespmem:s11+$0xFFFFFFFF];
	_ =	sdelay $0x1  }
0x1d4: {  	v6 =	vld [tilespmem:s11+$0xFFFFFFFD];
	(v2sf) =	vpush v3, $0x0  }
0x1d5: {  	(v2sf) =	vpush v4, $0x0  }
0x1d6: {  	s3 =	sshll.u32 s3, $0x2;
	s25 =	sand.u32 $0x7F, s5  }
0x1d7: {  	s26 =	sshll.u32 s5, $0x2;
	s12 =	sand.u32 $0x7F, s8;
	s30 =	sshll.u32 s8, $0x2;
	(v2sf) =	vpush v5, $0x0  }
0x1d8: {  	s6 =	sshll.u32 s6, $0x2;
	s1 =	sadd.s32 $0x30, s1;
	s3 =	sand.u32 $0xFFFFFE00, s3  }
0x1d9: {  	s5 =	sand.u32 $0xFFFFFE00, s26;
	s11 =	sshll.u32 s25, $0x2;
	s8 =	sand.u32 $0xFFFFFE00, s30;
	(v2sf) =	vpush v6, $0x0  }
0x1da: {  	s15 =	sshll.u32 s12, $0x2;
	s12 =	sadd.s32 $0x30, s10;
	s3 =	sor.u32 s6, s3  }
0x1db: {  	s6 =	sor.u32 s11, s5;
	s8 =	sor.u32 s15, s8;
	s11 =	sadd.s32 $0x30, s17  }
0x1dc: {  	s16 =	sand.u32 $0x7F, s12;
	s5 =	sshll.u32 s12, $0x2;
	[dreg:$0x1d] =	wrdreg s3  }
0x1dd: {  	s17 =	sand.u32 $0x7F, s1;
	s1 =	sshll.u32 s1, $0x2;
	[dreg:$0x1e] =	wrdreg s6  }
0x1de: {  	[dreg:$0x1f] =	wrdreg s8;
	s15 =	sand.u32 $0x7F, s11;
	s3 =	sshll.u32 s11, $0x2  }
0x1df: {  	s5 =	sand.u32 $0xFFFFFE00, s5;
	s8 =	sshll.u32 s16, $0x2;
	s1 =	sand.u32 $0xFFFFFE00, s1  }
0x1e0: {  	s10 =	sshll.u32 s17, $0x2;
	s3 =	sand.u32 $0xFFFFFE00, s3;
	s19 =	sor.u32 s8, s5  }
0x1e1: {  	s6 =	sshll.u32 s15, $0x2;
	s1 =	sor.u32 s10, s1;
	[smem:$0x7F1] =	sst s19  }
0x1e2: {  	s3 =	sor.u32 s6, s3;
	[smem:$0x7F2] =	sst s1  }
0x1e3: {  	[smem:$0x7F0] =	sst s3;
	s3 =	spop (v2sf)  }
0x1e4: {  	s20 =	sand.u32 $0x7F, s3;
	s22 =	sshll.u32 s3, $0x2;
	s16 =	spop (v2sf)  }
0x1e5: {  	s23 =	sadd.s32 $0x10, s3;
	s6 =	sand.u32 $0xFFFFFE00, s22;
	s5 =	sshll.u32 s20, $0x2  }
0x1e6: {  	s10 =	spop (v2sf);
	s8 =	sand.u32 $0x7F, s16;
	s25 =	sand.u32 $0x7F, s23  }
0x1e7: {  	s26 =	sshll.u32 s23, $0x2;
	s22 =	sshll.u32 s16, $0x2;
	s12 =	sor.u32 s5, s6  }
0x1e8: {  	s11 =	spop (v2sf);
	s6 =	sand.u32 $0xFFFFFE00, s26;
	s5 =	sshll.u32 s25, $0x2  }
0x1e9: {  	s23 =	sand.u32 $0xFFFFFE00, s22;
	s25 =	sshll.u32 s8, $0x2;
	s1 =	sshll.u32 s10, $0x2  }
0x1ea: {  	s30 =	sand.u32 $0x7F, s11;
	s17 =	sor.u32 s5, s6;
	s19 =	sshll.u32 s11, $0x2  }
0x1eb: {  	s25 =	sor.u32 s25, s23;
	s8 =	sand.u32 $0xFFFFFE00, s1;
	s6 =	sadd.s32 $0x20, s3  }
0x1ec: {  	s3 =	sadd.s32 $0x30, s3;
	s1 =	sadd.s32 $0x10, s16;
	[smem:$0x7F3] =	sst s17  }
0x1ed: {  	s5 =	sand.u32 $0xFFFFFE00, s19;
	s20 =	sshll.u32 s30, $0x2;
	s30 =	sand.u32 $0x7F, s10  }
0x1ee: {  	s15 =	sshll.u32 s6, $0x2;
	s19 =	sadd.s32 $0x10, s11;
	s26 =	sor.u32 s20, s5  }
0x1ef: {  	s5 =	sshll.u32 s30, $0x2;
	s15 =	sand.u32 $0xFFFFFE00, s15;
	s17 =	sand.u32 $0x7F, s19  }
0x1f0: {  	s20 =	sshll.u32 s19, $0x2;
	s23 =	sor.u32 s5, s8;
	s8 =	sand.u32 $0x7F, s6  }
0x1f1: {  	s19 =	sshll.u32 s1, $0x2;
	s6 =	sand.u32 $0x7F, s1;
	s5 =	sshll.u32 s8, $0x2  }
0x1f2: {  	s19 =	sand.u32 $0xFFFFFE00, s19;
	s8 =	sadd.s32 $0x10, s10;
	s22 =	sor.u32 s5, s15  }
0x1f3: {  	s15 =	sand.u32 $0x7F, s3;
	s3 =	sshll.u32 s3, $0x2;
	s1 =	sshll.u32 s8, $0x2  }
0x1f4: {  	s3 =	sand.u32 $0xFFFFFE00, s3;
	s5 =	sshll.u32 s15, $0x2;
	s15 =	sand.u32 $0x7F, s8  }
0x1f5: {  	s30 =	sor.u32 s5, s3;
	s5 =	sand.u32 $0xFFFFFE00, s20;
	s3 =	sshll.u32 s17, $0x2  }
0x1f6: {  	s8 =	sand.u32 $0xFFFFFE00, s1;
	s17 =	sor.u32 s3, s5;
	s5 =	sshll.u32 s6, $0x2  }
0x1f7: {  	s3 =	sadd.s32 $0x20, s11;
	s20 =	sor.u32 s5, s19;
	s19 =	sshll.u32 s15, $0x2  }
0x1f8: {  	s6 =	sand.u32 $0x7F, s3;
	s3 =	sshll.u32 s3, $0x2;
	s5 =	sadd.s32 $0x20, s16  }
0x1f9: {  	s15 =	sand.u32 $0x7F, s5;
	s3 =	sand.u32 $0xFFFFFE00, s3;
	s6 =	sshll.u32 s6, $0x2  }
0x1fa: {  	s1 =	sshll.u32 s5, $0x2;
	s3 =	sor.u32 s6, s3;
	s6 =	rddreg [dreg:$0x1d]  }
0x1fb: {  	s5 =	sshll.u32 s15, $0x2;
	s15 =	sor.u32 s19, s8;
	s8 =	rddreg [dreg:$0x1e]  }
0x1fc: {  	s1 =	sand.u32 $0xFFFFFE00, s1;
	s19 =	rddreg [dreg:$0x1f]  }
0x1fd: {  	[smem:$0x7F4] =	sst s3;
	s1 =	sor.u32 s5, s1;
	s5 =	sshra.s32 s19, $0x2  }
0x1fe: {  	s19 =	sadd.s32 s5, s24;
	s5 =	sld [smem:$0x7F1]  }
0x1ff: {  	s3 =	sshra.s32 s8, $0x2;
	[smem:$0x7F5] =	sst s1  }
0x200: {  	s1 =	sshra.s32 s6, $0x2;
	s8 =	sadd.s32 s3, s24;
	s3 =	sld [smem:$0x7F0]  }
0x201: {  	s6 =	sadd.s32 s1, s24;
	s1 =	sld [smem:$0x7F2];
	s5 =	sshra.s32 s5, $0x2  }
0x202: {  	s5 =	sadd.s32 s5, s24  }
0x203: {  	s3 =	sshra.s32 s3, $0x2;
	[dreg:$0x17] =	wrdreg s5  }
0x204: {  	s1 =	sshra.s32 s1, $0x2;
	s3 =	sadd.s32 s3, s24;
	s5 =	sld [smem:$0x7F3]  }
0x205: {  	[smem:$0x7F6] =	sst s3;
	s1 =	sadd.s32 s1, s24  }
0x206: {  	s3 =	sshra.s32 s12, $0x2;
	s12 =	sadd.s32 $0x200, s24;
	[dreg:$0x13] =	wrdreg s1  }
0x207: {  	v4 =	vadd.s32 s0, v0;
	s1 =	sadd.s32 s3, s12;
	v3 =	vld [tilespmem:s18+$0xFFFFFF00];
	s3 =	sshra.s32 s5, $0x2;
	s5 =	sshra.s32 s25, $0x2  }
0x208: {  	v6 =	vadd.s32 s13, v0;
	v5 =	vld [tilespmem:s29+$0xFFFFFF80];
	s18 =	sadd.s32 s3, s12;
	s3 =	sshra.s32 s26, $0x2;
	s26 =	sadd.s32 $0x3, s2  }
0x209: {  	v7 =	vld [tilespmem:s1+$0x0];
	s25 =	sshra.s32 s23, $0x2;
	s23 =	sadd.s32 $0x1, s2;
	s29 =	sadd.s32 s5, s12;
	v8 =	vadd.s32 s26, v0  }
0x20a: {  	v12 =	vadd.s32 s23, v0;
	s0 =	sadd.s32 s3, s12;
	v11 =	vld [tilespmem:s29+$0xFFFFFF00]  }
0x20b: {  	v10 =	vadd.s32 s2, v0;
	[tilespmem:v2+s21+$0x0] =	vst.idx.msk $0xffff, v1;
	s5 =	sadd.s32 s25, s12;
	s26 =	sadd.s32 $0x2, s2;
	v9 =	vld [tilespmem:s0+$0xFFFFFE80]  }
0x20c: {  	v1 =	vld [tilespmem:s5+$0xFFFFFF80];
	v2 =	vadd.s32 s26, v0;
	[tilespmem:v4+s21+$0x0] =	vst.idx.msk $0xffff, v3  }
0x20d: {  	v3 =	vld [tilespmem:s6+$0xFFFFFE80];
	v4 =	vadd.s32 s14, v0;
	[tilespmem:v6+s21+$0x0] =	vst.idx.msk $0xffff, v5  }
0x20e: {  	v6 =	vadd.s32 s28, v0;
	v5 =	vld [tilespmem:s8+$0xFFFFFF00];
	[tilespmem:v8+s21+$0x0] =	vst.idx.msk $0xffff, v7  }
0x20f: {  	s22 =	sshra.s32 s22, $0x2;
	s6 =	sshra.s32 s15, $0x2;
	s15 =	sadd.s32 $0x873, s2;
	[tilespmem:v12+s21+$0x0] =	vst.idx.msk $0xffff, v11  }
0x210: {  	s11 =	sadd.s32 $0x30, s11;
	s24 =	sadd.s32 $0x1951, s7;
	s7 =	sadd.s32 $0x1952, s7;
	v56 =	vadd.s32 s15, v0;
	v7 =	vld [tilespmem:s18+$0x0];
	[tilespmem:v10+s21+$0x0] =	vst.idx.msk $0xffff, v9  }
0x211: {  	s13 =	sadd.s32 s22, s12;
	s22 =	sshra.s32 s30, $0x2;
	s30 =	sadd.s32 $0x870, s2;
	[tilespmem:v2+s21+$0x0] =	vst.idx.msk $0xffff, v1  }
0x212: {  	v57 =	vadd.s32 s30, v0;
	s30 =	sadd.s32 $0x872, s2;
	s25 =	sshra.s32 s17, $0x2;
	s29 =	sshra.s32 s20, $0x2;
	[tilespmem:v4+s21+$0x0] =	vst.idx.msk $0xffff, v3  }
0x213: {  	s23 =	sadd.s32 $0x20, s10;
	s1 =	sadd.s32 s25, s12;
	s25 =	sadd.s32 s29, s12;
	[tilespmem:v6+s21+$0x0] =	vst.idx.msk $0xffff, v5  }
0x214: {  	s10 =	sadd.s32 $0x30, s10;
	s26 =	sadd.s32 $0x871, s2;
	v11 =	vld [tilespmem:s25+$0xFFFFFF00];
	s25 =	sld [smem:$0x7F4]  }
0x215: {  	s29 =	sshll.u32 s23, $0x2;
	s28 =	sand.u32 $0x7F, s23;
	v58 =	vadd.s32 s26, v0;
	v9 =	vld [tilespmem:s1+$0xFFFFFE80];
	s26 =	sld [smem:$0x7F5];
	[tilespmem:v56+s21+$0x0] =	vst.idx.msk $0xffff, v7  }
0x216: {  	s6 =	sadd.s32 s6, s12;
	s23 =	sshll.u32 s28, $0x2;
	s28 =	sld [smem:$0x7F6]  }
0x217: {  	s20 =	sadd.s32 $0x10E0, s2;
	s3 =	sadd.s32 $0x10E1, s2;
	s15 =	sadd.s32 $0x10E3, s2;
	v2 =	vadd.s32 s30, v0;
	v1 =	vld [tilespmem:s6+$0xFFFFFF80]  }
0x218: {  	s5 =	sadd.s32 $0x10E2, s2;
	v59 =	vadd.s32 s15, v0;
	s15 =	sand.u32 $0x7F, s11;
	s11 =	sshll.u32 s11, $0x2;
	v3 =	vld [tilespmem:s19+$0xFFFFFF80];
	v4 =	vadd.s32 s31, v0  }
0x219: {  	s0 =	sadd.s32 $0x1950, s2;
	s8 =	sadd.s32 $0x1953, s2;
	s11 =	sand.u32 $0xFFFFFE00, s11;
	v6 =	vadd.s32 s4, v0;
	v5 =	vld [tilespmem:s28+$0xFFFFFE80]  }
0x21a: {  	s18 =	sand.u32 $0x7F, s10;
	s10 =	sshll.u32 s10, $0x2;
	s1 =	sand.u32 $0xFFFFFE00, s29;
	[tilespmem:v57+s21+$0x0] =	vst.idx.msk $0xffff, v9  }
0x21b: {  	s6 =	sadd.s32 s22, s12;
	s31 =	sadd.s32 $0x30, s16;
	s14 =	sshra.s32 s25, $0x2;
	v7 =	vld [tilespmem:s13+$0x0];
	[tilespmem:v58+s21+$0x0] =	vst.idx.msk $0xffff, v11  }
0x21c: {  	s1 =	sor.u32 s23, s1;
	s17 =	sshra.s32 s26, $0x2;
	[tilespmem:v2+s21+$0x0] =	vst.idx.msk $0xffff, v1;
	s29 =	sadd.s32 s14, s12  }
0x21d: {  	v60 =	vadd.s32 s20, v0;
	s22 =	sand.u32 $0xFFFFFE00, s10;
	s1 =	sshra.s32 s1, $0x2;
	[tilespmem:v4+s21+$0x0] =	vst.idx.msk $0xffff, v3;
	s30 =	sadd.s32 s17, s12;
	v9 =	vld [tilespmem:s29+$0xFFFFFE80]  }
0x21e: {  	s16 =	sand.u32 $0x7F, s31;
	s4 =	sshll.u32 s15, $0x2;
	s1 =	sadd.s32 s1, s12;
	v2 =	vadd.s32 s3, v0;
	v1 =	vld [tilespmem:s30+$0xFFFFFF00];
	[tilespmem:v6+s21+$0x0] =	vst.idx.msk $0xffff, v5  }
0x21f: {  	s4 =	sor.u32 s4, s11;
	v4 =	vadd.s32 s5, v0;
	s17 =	sshll.u32 s31, $0x2;
	v3 =	vld [tilespmem:s1+$0xFFFFFF80];
	s19 =	rddreg [dreg:$0x17]  }
0x220: {  	s20 =	sshll.u32 s16, $0x2;
	s25 =	sshra.s32 s4, $0x2;
	s3 =	sand.u32 $0xFFFFFE00, s17;
	v6 =	vadd.s32 s24, v0;
	[tilespmem:v59+s21+$0x0] =	vst.idx.msk $0xffff, v7;
	v5 =	vld [tilespmem:s19+$0xFFFFFF00]  }
0x221: {  	v63 =	vadd.s32 s8, v0;
	s1 =	sor.u32 s20, s3;
	s24 =	sshll.u32 s18, $0x2;
	s23 =	rddreg [dreg:$0x13];
	v62 =	vld [tilespmem:s6+$0x0]  }
0x222: {  	v61 =	vadd.s32 s7, v0;
	s3 =	sadd.s32 s25, s12;
	s1 =	sshra.s32 s1, $0x2;
	s26 =	sor.u32 s24, s22;
	[tilespmem:v60+s21+$0x0] =	vst.idx.msk $0xffff, v9;
	v7 =	vld [tilespmem:s23+$0xFFFFFF80]  }
0x223: {  	s28 =	sadd.s32 $0x1951, s2;
	s1 =	sadd.s32 s1, s12;
	s4 =	sshra.s32 s26, $0x2;
	[tilespmem:v2+s21+$0x0] =	vst.idx.msk $0xffff, v1;
	v2 =	vadd.s32 s0, v0;
	v1 =	vld [tilespmem:s3+$0xFFFFFE80]  }
0x224: {  	s30 =	sadd.s32 $0x1952, s2;
	[tilespmem:v4+s21+$0x0] =	vst.idx.msk $0xffff, v3;
	v4 =	vadd.s32 s28, v0;
	s29 =	sadd.s32 s4, s12;
	v3 =	vld [tilespmem:s1+$0xFFFFFF00]  }
0x225: {  	[tilespmem:v6+s21+$0x0] =	vst.idx.msk $0xffff, v5;
	v5 =	vld [tilespmem:s29+$0xFFFFFF80];
	v6 =	vadd.s32 s30, v0  }
0x226: {  	[tilespmem:v63+s21+$0x0] =	vst.idx.msk $0xffff, v62  }
0x227: {  	[tilespmem:v61+s21+$0x0] =	vst.idx.msk $0xffff, v7  }
0x228: {  	[tilespmem:v2+s21+$0x0] =	vst.idx.msk $0xffff, v1  }
0x229: {  	[tilespmem:v4+s21+$0x0] =	vst.idx.msk $0xffff, v3  }
0x22a: {  	s31 =	simm.s32 $0x10840;
	[tilespmem:v6+s21+$0x0] =	vst.idx.msk $0xffff, v5  }
0x22b: {  	v2 =	vld [tilespmem:s31+$0x30]  }
0x22c: {  	v5 =	vld [tilespmem:s31+$0xFFFFFFD0]  }
0x22d: {  	p1 =	por $0x1, $0x1;
	v6 =	vld [tilespmem:s31+$0xFFFFFFE0]  }
.Ltmp18:
0x22e: {  	s0 =	sand.u32 $0x1F80, s9;
	v1 =	vld [tilespmem:s31+$0xFFFFFFF0];
	(pc) =	sbr.rel @!p1 .LBB2_22-.Ltmp18, $4  }
0x22f: {  	s1 =	sadd.s32 $0x12A00, s0;
	v3 =	vld [tilespmem:s31+$0x0]  }
0x230: {  	v4 =	vld [tilespmem:s31+$0x10];
	[tilespmem:s1+$0x4070] =	vst v2  }
0x231: {  	[tilespmem:s1+$0x4010] =	vst v5;
	v5 =	vld [tilespmem:s31+$0x20]  }
0x232: {  	s2 =	simm.s32 $0x0;
	s3 =	simm.s32 $0x108C7;
	v2 =	vld [tilespmem:s31+$0xFFFFFFC0];
	[tilespmem:s1+$0x4020] =	vst v6  }
.LBB2_21:
0x233: {  	v6 =	vld [tilespmem:s3+$0x30];
	s2 =	sadd.s32 $0x8, s2;
	[tilespmem:s1+$0x4030] =	vst v1  }
0x234: {  	v7 =	vld [tilespmem:s3+$0xFFFFFFD0];
	p1 =	slt.u32 s2, $0x1F8;
	[tilespmem:s1+$0x4040] =	vst v3  }
0x235: {  	s9 =	sadd.s32 $0x80, s9;
	v8 =	vld [tilespmem:s3+$0xFFFFFFE0];
	[tilespmem:s1+$0x4050] =	vst v4  }
.Ltmp19:
0x236: {  	s4 =	sand.u32 $0x1F80, s9;
	v1 =	vld [tilespmem:s3+$0xFFFFFFF0];
	[tilespmem:s1+$0x4060] =	vst v5;
	(pc) =	sbr.rel @p1 .LBB2_21-.Ltmp19, $4  }
0x237: {  	s1 =	sadd.s32 $0x12A00, s4;
	v3 =	vld [tilespmem:s3+$0x0];
	[tilespmem:s0+$0x16A00] =	vst v2;
	s0 =	smov.u32 s4  }
0x238: {  	v4 =	vld [tilespmem:s3+$0x10];
	[tilespmem:s1+$0x4070] =	vst v6  }
0x239: {  	[tilespmem:s1+$0x4010] =	vst v7;
	v5 =	vld [tilespmem:s3+$0x20]  }
0x23a: {  	v2 =	vld [tilespmem:s3+$0xFFFFFFC0];
	[tilespmem:s1+$0x4020] =	vst v8;
	s3 =	sadd.s32 $0x87, s3  }
.LBB2_22:
0x23b: {  	[tilespmem:s1+$0x4030] =	vst v1  }
0x23c: {  	[tilespmem:s1+$0x4040] =	vst v3  }
0x23d: {  	s5 =	rddreg [dreg:$0x10];
	[tilespmem:s1+$0x4050] =	vst v4  }
0x23e: {  	s2 =	sshll.u32 s5, $0x14;
	s3 =	rddreg [dreg:$0xb]  }
.Ltmp20:
0x23f: {  	s28 =	rddreg [dreg:$0x2];
	[tilespmem:s1+$0x4060] =	vst v5;
	s2 =	sadd.s32 s3, s2;
	(pc) =	sbr.rel @!p0 .LBB2_23-.Ltmp20, $4  }
0x240: {  	s29 =	simm.s32 $0x400;
	s30 =	simm.s32 $0x8000;
	[tilespmem:s0+$0x16A00] =	vst v2;
	s26 =	sshrl.u32 s2, $0x3  }
0x241: {  	s31 =	simm.s32 $0x16A00;
	s6 =	rddreg [dreg:$0x11];
	s0 =	sadd.s32 s28, s26  }
0x242: {  	[hbm4b:s0+s29] =	stream.strided.scatter [tilespmem:s31], [sflag:$0xB], $0x2000, s30, s29, $0x38;
	[tilespmem:$0x1AA00] =	vst v63  }
0x243: {  	p1 =	por $0x1, $0x1;
	s0 =	sor.u32 $0x2, s6  }
0x244: {  	p1 =	slt.u32 s0, $0xCB  }
.Ltmp21:
0x245: {  	_ = 	snop;
	(pc) =	sbr.rel @p1 .LBB2_27-.Ltmp21, $4  }
.Ltmp22:
0x246: {  	_ = 	snop;
	(pc) =	sbr.rel @!p1 .LBB2_41-.Ltmp22, $4  }
0x247: {  	_ = 	snop  }
0x248: {  	_ = 	snop  }
0x249: {  	_ = 	snop  }
0x24a: {  	_ = 	snop  }
.LBB2_15:
0x24b: {  	p1 =	por $0x0, $0x0;
	s0 =	simm.s32 $0x2  }
.LBB2_23:
0x24c: {  	s1 =	simm.s32 $0x3  }
0x24d: {  	_ =	swait.ge [sflag:s1], $0x80  }
0x24e: {  	[sflag:s1] =	ssyncset.done $0x0  }
0x24f: {  	[sflag:s1] =	ssyncadd.s32 $0xFFFFFF80  }
0x250: {  	v1 =	vld [tilespmem:$0x100];
	_ =	sdelay $0x1  }
0x251: {  	v2 =	vld [tilespmem:$0x110];
	_ =	sdelay $0x1  }
0x252: {  	v3 =	vld [tilespmem:$0x120]  }
0x253: {  	v4 =	vshrl.u32 v1, $0x1;
	v1 =	vshll.u32 v1, $0x6  }
0x254: {  	v62 =	vld [tilespmem:$0x130];
	[tilespmem:$0x300] =	vst v4;
	v1 =	vand.u32 $0x40, v1  }
0x255: {  	[tilespmem:$0x500] =	vst v1;
	v1 =	vshrl.u32 v2, $0x1;
	v2 =	vshll.u32 v2, $0x6  }
0x256: {  	[tilespmem:$0x310] =	vst v1;
	v1 =	vand.u32 $0x40, v2;
	v2 =	vld [tilespmem:$0x140]  }
0x257: {  	[tilespmem:$0x510] =	vst v1;
	v1 =	vshrl.u32 v3, $0x1;
	v3 =	vshll.u32 v3, $0x6  }
0x258: {  	[tilespmem:$0x320] =	vst v1;
	v1 =	vand.u32 $0x40, v3;
	v3 =	vld [tilespmem:$0x150]  }
0x259: {  	v4 =	vshll.u32 v62, $0x6;
	[tilespmem:$0x520] =	vst v1;
	v1 =	vshrl.u32 v62, $0x1  }
0x25a: {  	v63 =	vld [tilespmem:$0x160];
	[tilespmem:$0x330] =	vst v1;
	v1 =	vand.u32 $0x40, v4  }
0x25b: {  	[tilespmem:$0x530] =	vst v1;
	v1 =	vshrl.u32 v2, $0x1;
	v2 =	vshll.u32 v2, $0x6  }
0x25c: {  	p2 =	sgt.u32 s5, $0x30;
	[tilespmem:$0x340] =	vst v1;
	v1 =	vand.u32 $0x40, v2;
	v2 =	vld [tilespmem:$0x170]  }
0x25d: {  	s1 =	sadd.s32 @!p2 $0x6, s6;
	[tilespmem:$0x540] =	vst v1;
	v1 =	vshrl.u32 v3, $0x1;
	v3 =	vshll.u32 v3, $0x6  }
0x25e: {  	s2 =	sshll.u32 @!p2 s1, $0x7;
	s1 =	sshll.u32 @!p2 s1, $0xC;
	[tilespmem:$0x350] =	vst v1;
	v1 =	vand.u32 $0x40, v3  }
0x25f: {  	p6 =	slt.u32 s0, $0xCB;
	s2 =	sand.u32 @!p2 $0x300, s2;
	s1 =	sand.u32 @!p2 $0x1F8000, s1;
	v3 =	vshll.u32 v63, $0x6;
	[tilespmem:$0x550] =	vst v1;
	v1 =	vshrl.u32 v63, $0x1  }
0x260: {  	p1 =	por !p1, !p6;
	s1 =	sor.u32 @!p2 s1, s2;
	s2 =	rddreg [dreg:$0x5];
	[tilespmem:$0x360] =	vst v1;
	v1 =	vand.u32 $0x40, v3  }
0x261: {  	s30 =	simm.s32 $0x80;
	p1 =	por !p1, !p1;
	s1 =	sor.u32 @!p2 s2, s1;
	[tilespmem:$0x560] =	vst v1;
	v1 =	vshrl.u32 v2, $0x1;
	v2 =	vshll.u32 v2, $0x6  }
.Ltmp23:
0x262: {  	s2 =	rddreg [dreg:$0x0];
	s1 =	sshrl.u32 @!p2 s1, $0x3;
	[tilespmem:$0x370] =	vst v1;
	v1 =	vand.u32 $0x40, v2;
	(pc) =	sbr.rel @!p1 .LBB2_24-.Ltmp23, $4  }
0x263: {  	s3 =	simm.s32 @!p2 $0x100;
	s1 =	sadd.s32 @!p2 s2, s1;
	s2 =	simm.s32 @!p2 $0x0;
	[tilespmem:$0x570] =	vst v1  }
0x264: {  	[tilespmem:s3], [sflag:$0x3] =	stream.linear.gather @!p2 [hbm4b:s1+s2], $0x80, $0x38;
	[tilespmem:$0x1AA00] =	vst v63  }
0x265: {  	s31 =	simm.s32 $0x300;
	s4 =	simm.s32 $0x8800;
	s29 =	rddreg [dreg:$0x4]  }
0x266: {  	[tilespmem:s4], [sflag:$0x7] =	stream.indirect.gather [hbm4b:s29+s30], $0x80, s31, s30, $0xb8;
	[tilespmem:$0x1AA00] =	vst v63  }
0x267: {  	p1 =	slt.u32 s5, $0x2  }
.Ltmp24:
0x268: {  	_ = 	snop;
	(pc) =	sbr.rel @p1 .LBB2_28-.Ltmp24, $1  }
0x269: {  	_ =	sdelay $0x3  }
.LBB2_27:
0x26a: {  	s0 =	simm.s32 $0xC  }
0x26b: {  	_ =	swait.ge [sflag:s0], $0x2000  }
0x26c: {  	[sflag:s0] =	ssyncset.done $0x0  }
0x26d: {  	[sflag:s0] =	ssyncadd.s32 $0xFFFFE000  }
.LBB2_28:
0x26e: {  	s0 =	simm.s32 $0x8  }
0x26f: {  	_ =	swait.ge [sflag:s0], $0x4000  }
0x270: {  	[sflag:s0] =	ssyncset.done $0x0  }
0x271: {  	s25 =	simm.s32 $0x583;
	[sflag:s0] =	ssyncadd.s32 $0xFFFFC000  }
0x272: {  	v1 =	vld [tilespmem:s25+$0x0]  }
0x273: {  	v2 =	vld [tilespmem:s25+$0xFFFFFFFE];
	_ =	sdelay $0x1  }
0x274: {  	v3 =	vld [tilespmem:s25+$0xFFFFFFFF];
	_ =	sdelay $0x1  }
0x275: {  	v4 =	vld [tilespmem:s25+$0xFFFFFFFD];
	(v2sf) =	vpush v1, $0x0  }
0x276: {  	(v2sf) =	vpush v2, $0x0;
	_ =	sdelay $0x1  }
0x277: {  	(v2sf) =	vpush v3, $0x0;
	_ =	sdelay $0x1  }
0x278: {  	(v2sf) =	vpush v4, $0x0;
	_ =	sdelay $0x4  }
0x279: {  	s9 =	simm.s32 $0x0  }
0x27a: {  	s24 =	simm.s32 $0xC980;
	s2 =	simm.s32 $0x4;
	s4 =	simm.s32 $0x1950  }
0x27b: {  	s14 =	simm.s32 $0x10E0;
	s28 =	simm.s32 $0x10E1;
	s31 =	simm.s32 $0x10E2  }
0x27c: {  	s7 =	simm.s32 $0x870;
	s13 =	simm.s32 $0x872;
	s11 =	simm.s32 $0x1  }
0x27d: {  	s3 =	simm.s32 $0x2;
	s16 =	simm.s32 $0x3;
	v6 =	vadd.s32 s11, v0;
	s11 =	simm.s32 $0x587  }
0x27e: {  	s0 =	simm.s32 $0x871;
	s25 =	simm.s32 $0x873;
	s5 =	spop (v2sf)  }
0x27f: {  	s1 =	sand.u32 $0x7F, s5;
	s6 =	sshll.u32 s5, $0x2;
	s10 =	spop (v2sf)  }
0x280: {  	s20 =	sadd.s32 $0x10, s5;
	s6 =	sand.u32 $0xFFFFFE00, s6;
	s8 =	sshll.u32 s1, $0x2  }
0x281: {  	s1 =	spop (v2sf);
	s12 =	sand.u32 $0x7F, s10;
	s6 =	sor.u32 s8, s6  }
0x282: {  	s18 =	sshll.u32 s10, $0x2;
	s30 =	sand.u32 $0x7F, s20;
	s6 =	sshra.s32 s6, $0x2  }
0x283: {  	s20 =	sshll.u32 s20, $0x2;
	s17 =	spop (v2sf);
	s6 =	sadd.s32 $0xC980, s6  }
0x284: {  	v2 =	vadd.s32 s16, v0;
	s19 =	sand.u32 $0x7F, s1;
	s22 =	sshll.u32 s1, $0x2;
	s16 =	sand.u32 $0xFFFFFE00, s20;
	v1 =	vld [tilespmem:s6+$0x0]  }
0x285: {  	s18 =	sand.u32 $0xFFFFFE00, s18;
	s12 =	sshll.u32 s12, $0x2;
	s20 =	sadd.s32 $0x10, s10  }
0x286: {  	s26 =	sand.u32 $0x7F, s17;
	s15 =	sshll.u32 s17, $0x2;
	s6 =	sshll.u32 s30, $0x2  }
0x287: {  	s23 =	sand.u32 $0xFFFFFE00, s22;
	s19 =	sshll.u32 s19, $0x2;
	s6 =	sor.u32 s6, s16  }
0x288: {  	s12 =	sor.u32 s12, s18;
	s18 =	simm.s32 $0x10E3;
	s6 =	sshra.s32 s6, $0x2  }
0x289: {  	s22 =	sadd.s32 $0x10, s1;
	s15 =	sand.u32 $0xFFFFFE00, s15;
	s6 =	sadd.s32 $0xC980, s6;
	[tilespmem:v2+s21+$0x0] =	vst.idx.msk $0xffff, v1  }
0x28a: {  	s8 =	sshll.u32 s26, $0x2;
	s26 =	sadd.s32 $0x20, s5;
	s12 =	sshra.s32 s12, $0x2;
	v2 =	vadd.s32 s25, v0;
	v1 =	vld [tilespmem:s6+$0x0]  }
0x28b: {  	s8 =	sor.u32 s8, s15;
	s30 =	sand.u32 $0x7F, s26;
	s15 =	sshll.u32 s26, $0x2  }
0x28c: {  	s5 =	sadd.s32 $0x30, s5;
	s15 =	sand.u32 $0xFFFFFE00, s15;
	s6 =	sshll.u32 s30, $0x2  }
0x28d: {  	s12 =	sadd.s32 $0xC980, s12;
	s26 =	sand.u32 $0x7F, s20;
	s6 =	sor.u32 s6, s15  }
0x28e: {  	s16 =	sor.u32 s19, s23;
	s8 =	sshra.s32 s8, $0x2;
	s6 =	sshra.s32 s6, $0x2  }
0x28f: {  	s19 =	sadd.s32 $0x10, s17;
	s23 =	sand.u32 $0x7F, s5;
	v5 =	vld [tilespmem:s12+$0xFFFFFF00];
	s6 =	sadd.s32 $0xC980, s6;
	[tilespmem:v2+s21+$0x0] =	vst.idx.msk $0xffff, v1  }
0x290: {  	s5 =	sshll.u32 s5, $0x2;
	s12 =	simm.s32 $0x1953;
	s16 =	sshra.s32 s16, $0x2;
	v2 =	vadd.s32 s18, v0;
	v1 =	vld [tilespmem:s6+$0x0]  }
0x291: {  	s8 =	sadd.s32 $0xC980, s8;
	s5 =	sand.u32 $0xFFFFFE00, s5;
	v10 =	vadd.s32 s12, v0;
	s12 =	simm.s32 $0x8  }
0x292: {  	s25 =	sand.u32 $0x7F, s19;
	s30 =	sand.u32 $0x7F, s22;
	s6 =	sshll.u32 s23, $0x2  }
0x293: {  	s15 =	sadd.s32 $0xC980, s16;
	s18 =	sshll.u32 s19, $0x2;
	s5 =	sor.u32 s6, s5  }
0x294: {  	v4 =	vadd.s32 s9, v0;
	v3 =	vld [tilespmem:s8+$0xFFFFFE80];
	s19 =	sshll.u32 s20, $0x2;
	s20 =	sshll.u32 s22, $0x2;
	s5 =	sshra.s32 s5, $0x2  }
0x295: {  	v8 =	vadd.s32 s3, v0;
	v7 =	vld [tilespmem:s15+$0xFFFFFF80];
	s22 =	sand.u32 $0xFFFFFE00, s18;
	s23 =	sshll.u32 s25, $0x2;
	s5 =	sadd.s32 $0xC980, s5;
	[tilespmem:v2+s21+$0x0] =	vst.idx.msk $0xffff, v1  }
0x296: {  	s25 =	sand.u32 $0xFFFFFE00, s19;
	s6 =	sshll.u32 s26, $0x2;
	s3 =	sor.u32 s23, s22;
	v9 =	vld [tilespmem:s5+$0x0]  }
0x297: {  	s8 =	sshll.u32 s30, $0x2;
	s6 =	sor.u32 s6, s25;
	s3 =	sshra.s32 s3, $0x2  }
0x298: {  	[tilespmem:v6+s21+$0x0] =	vst.idx.msk $0xffff, v5;
	s26 =	sand.u32 $0xFFFFFE00, s20;
	s6 =	sshra.s32 s6, $0x2;
	s30 =	sadd.s32 $0xC980, s3  }
0x299: {  	[tilespmem:v4+s21+$0x0] =	vst.idx.msk $0xffff, v3;
	s3 =	sadd.s32 $0x20, s17;
	s18 =	sadd.s32 $0xC980, s6;
	s5 =	sor.u32 s8, s26  }
0x29a: {  	v3 =	vld [tilespmem:s11+$0x0];
	[tilespmem:v8+s21+$0x0] =	vst.idx.msk $0xffff, v7;
	s6 =	sand.u32 $0x7F, s3;
	v2 =	vadd.s32 s7, v0;
	s7 =	simm.s32 $0x0;
	s5 =	sshra.s32 s5, $0x2  }
0x29b: {  	v1 =	vld [tilespmem:s30+$0xFFFFFE80];
	s8 =	sadd.s32 $0x20, s1;
	s29 =	sadd.s32 $0xC980, s5;
	s5 =	sadd.s32 $0x20, s10;
	[tilespmem:v10+s21+$0x0] =	vst.idx.msk $0xffff, v9  }
.LBB2_29:
0x29c: {  	p1 =	slt.u32 s12, $0x7C;
	s15 =	sshll.u32 s3, $0x2;
	s16 =	sand.u32 $0x7F, s5  }
0x29d: {  	v4 =	vld [tilespmem:s11+$0xFFFFFFFE];
	s3 =	smov.u32 s7;
	s7 =	smov.u32 s2;
	s2 =	smov.u32 s12  }
0x29e: {  	s5 =	sshll.u32 s5, $0x2;
	s19 =	sand.u32 $0x7F, s8;
	s8 =	sshll.u32 s8, $0x2;
	v5 =	vld [tilespmem:s11+$0xFFFFFFFF]  }
0x29f: {  	s6 =	sshll.u32 s6, $0x2;
	s15 =	sand.u32 $0xFFFFFE00, s15;
	s5 =	sand.u32 $0xFFFFFE00, s5;
	v6 =	vld [tilespmem:s11+$0xFFFFFFFD]  }
0x2a0: {  	s8 =	sand.u32 $0xFFFFFE00, s8;
	[tilespmem:v2+s21+$0x0] =	vst.idx.msk $0xffff, v1;
	v1 =	vld [tilespmem:s18+$0xFFFFFF00];
	v2 =	vadd.s32 s0, v0;
	s0 =	sshll.u32 s16, $0x2;
	s16 =	sshll.u32 s19, $0x2  }
0x2a1: {  	v7 =	vadd.s32 s13, v0;
	s6 =	sor.u32 s6, s15;
	(v2sf) =	vpush v3, $0x0;
	s0 =	sor.u32 s0, s5;
	v3 =	vld [tilespmem:s29+$0xFFFFFF80];
	s5 =	sor.u32 s16, s8  }
0x2a2: {  	s6 =	sshra.s32 s6, $0x2;
	(v2sf) =	vpush v4, $0x0;
	s0 =	sshra.s32 s0, $0x2;
	s5 =	sshra.s32 s5, $0x2  }
0x2a3: {  	s6 =	sadd.s32 s6, s24;
	(v2sf) =	vpush v5, $0x0;
	s0 =	sadd.s32 s0, s24;
	s5 =	sadd.s32 s5, s24  }
0x2a4: {  	s1 =	sadd.s32 $0x30, s1;
	s8 =	sadd.s32 $0x30, s10;
	v5 =	vadd.s32 s14, v0;
	(v2sf) =	vpush v6, $0x0;
	v4 =	vld [tilespmem:s6+$0xFFFFFE80];
	s6 =	sadd.s32 $0x30, s17  }
0x2a5: {  	s13 =	sand.u32 $0x7F, s8;
	s10 =	sand.u32 $0x7F, s6;
	s6 =	sshll.u32 s6, $0x2;
	[tilespmem:v2+s21+$0x0] =	vst.idx.msk $0xffff, v1  }
0x2a6: {  	v2 =	vadd.s32 s28, v0;
	v1 =	vld [tilespmem:s0+$0xFFFFFF00];
	s0 =	sshll.u32 s8, $0x2;
	[tilespmem:v7+s21+$0x0] =	vst.idx.msk $0xffff, v3;
	s8 =	sand.u32 $0x7F, s1;
	s1 =	sshll.u32 s1, $0x2  }
0x2a7: {  	v6 =	vadd.s32 s31, v0;
	s6 =	sand.u32 $0xFFFFFE00, s6;
	s10 =	sshll.u32 s10, $0x2;
	s0 =	sand.u32 $0xFFFFFE00, s0;
	v3 =	vld [tilespmem:s5+$0xFFFFFF80]  }
0x2a8: {  	s5 =	sshll.u32 s13, $0x2;
	s1 =	sand.u32 $0xFFFFFE00, s1;
	s8 =	sshll.u32 s8, $0x2  }
0x2a9: {  	s6 =	sor.u32 s10, s6;
	s0 =	sor.u32 s5, s0;
	s1 =	sor.u32 s8, s1;
	[tilespmem:v5+s21+$0x0] =	vst.idx.msk $0xffff, v4  }
0x2aa: {  	s5 =	sshra.s32 s6, $0x2;
	s0 =	sshra.s32 s0, $0x2;
	s1 =	sshra.s32 s1, $0x2  }
0x2ab: {  	s5 =	sadd.s32 s5, s24;
	s0 =	sadd.s32 s0, s24;
	s1 =	sadd.s32 s1, s24;
	[tilespmem:v2+s21+$0x0] =	vst.idx.msk $0xffff, v1  }
0x2ac: {  	v2 =	vadd.s32 s4, v0;
	v1 =	vld [tilespmem:s5+$0xFFFFFE80];
	s5 =	sadd.s32 $0x1951, s3;
	[tilespmem:v6+s21+$0x0] =	vst.idx.msk $0xffff, v3  }
0x2ad: {  	s30 =	sadd.s32 $0x870, s7;
	s4 =	sadd.s32 $0x1950, s7;
	v3 =	vld [tilespmem:s0+$0xFFFFFF00];
	v4 =	vadd.s32 s5, v0;
	s0 =	sadd.s32 $0x1952, s3  }
0x2ae: {  	s14 =	sadd.s32 $0x10E0, s7;
	s31 =	sadd.s32 $0x10E2, s7;
	s28 =	sadd.s32 $0x10E1, s7;
	v5 =	vld [tilespmem:s1+$0xFFFFFF80];
	v6 =	vadd.s32 s0, v0  }
0x2af: {  	s18 =	sadd.s32 $0x2, s7;
	s13 =	sadd.s32 $0x872, s7;
	s0 =	sadd.s32 $0x871, s7  }
0x2b0: {  	s19 =	sadd.s32 $0x3, s7;
	s3 =	sadd.s32 $0x1, s7;
	s16 =	spop (v2sf)  }
0x2b1: {  	s1 =	sand.u32 $0x7F, s16;
	s5 =	sshll.u32 s16, $0x2;
	s10 =	spop (v2sf);
	[tilespmem:v2+s21+$0x0] =	vst.idx.msk $0xffff, v1  }
0x2b2: {  	s5 =	sand.u32 $0xFFFFFE00, s5;
	s6 =	sshll.u32 s1, $0x2;
	s1 =	spop (v2sf);
	[tilespmem:v4+s21+$0x0] =	vst.idx.msk $0xffff, v3  }
0x2b3: {  	s8 =	sand.u32 $0x7F, s10;
	s5 =	sor.u32 s6, s5;
	s17 =	spop (v2sf);
	[tilespmem:v6+s21+$0x0] =	vst.idx.msk $0xffff, v5  }
0x2b4: {  	s24 =	sadd.s32 $0x200, s24;
	s6 =	sand.u32 $0x7F, s17;
	s5 =	sshra.s32 s5, $0x2  }
0x2b5: {  	s20 =	sshll.u32 s10, $0x2;
	s15 =	sshll.u32 s17, $0x2;
	s5 =	sadd.s32 s5, s24  }
0x2b6: {  	v2 =	vadd.s32 s19, v0;
	s22 =	sand.u32 $0x7F, s1;
	s19 =	sshll.u32 s1, $0x2;
	v1 =	vld [tilespmem:s5+$0x0];
	s5 =	sadd.s32 $0x10, s16  }
0x2b7: {  	s20 =	sand.u32 $0xFFFFFE00, s20;
	s23 =	sand.u32 $0x7F, s5;
	s5 =	sshll.u32 s5, $0x2  }
0x2b8: {  	s15 =	sand.u32 $0xFFFFFE00, s15;
	s5 =	sand.u32 $0xFFFFFE00, s5;
	s23 =	sshll.u32 s23, $0x2  }
0x2b9: {  	s8 =	sshll.u32 s8, $0x2;
	s6 =	sshll.u32 s6, $0x2;
	s5 =	sor.u32 s23, s5  }
0x2ba: {  	v6 =	vadd.s32 s3, v0;
	s3 =	sadd.s32 $0x10, s1;
	s19 =	sand.u32 $0xFFFFFE00, s19;
	s5 =	sshra.s32 s5, $0x2  }
0x2bb: {  	s22 =	sshll.u32 s22, $0x2;
	s23 =	sadd.s32 $0x873, s7;
	[tilespmem:v2+s21+$0x0] =	vst.idx.msk $0xffff, v1;
	s5 =	sadd.s32 s5, s24  }
0x2bc: {  	s8 =	sor.u32 s8, s20;
	s6 =	sor.u32 s6, s15;
	v2 =	vadd.s32 s23, v0;
	v1 =	vld [tilespmem:s5+$0x0];
	s5 =	sadd.s32 $0x20, s16  }
0x2bd: {  	s15 =	sor.u32 s22, s19;
	s19 =	sand.u32 $0x7F, s5;
	s5 =	sshll.u32 s5, $0x2  }
0x2be: {  	s6 =	sshra.s32 s6, $0x2;
	s5 =	sand.u32 $0xFFFFFE00, s5;
	s19 =	sshll.u32 s19, $0x2  }
0x2bf: {  	s8 =	sshra.s32 s8, $0x2;
	s15 =	sshra.s32 s15, $0x2;
	s5 =	sor.u32 s19, s5  }
0x2c0: {  	s8 =	sadd.s32 s8, s24;
	s6 =	sadd.s32 s6, s24;
	s5 =	sshra.s32 s5, $0x2  }
0x2c1: {  	v4 =	vadd.s32 s7, v0;
	v3 =	vld [tilespmem:s6+$0xFFFFFE80];
	s6 =	sadd.s32 s15, s24;
	[tilespmem:v2+s21+$0x0] =	vst.idx.msk $0xffff, v1;
	s5 =	sadd.s32 s5, s24;
	s15 =	sadd.s32 $0x10E3, s7  }
0x2c2: {  	s20 =	sadd.s32 $0x10, s10;
	s19 =	sadd.s32 $0x10, s17;
	v1 =	vld [tilespmem:s5+$0x0];
	v2 =	vadd.s32 s15, v0;
	s5 =	sadd.s32 $0x30, s16  }
0x2c3: {  	v8 =	vadd.s32 s18, v0;
	s18 =	sand.u32 $0x7F, s3;
	v5 =	vld [tilespmem:s8+$0xFFFFFF00];
	s8 =	sand.u32 $0x7F, s5;
	s5 =	sshll.u32 s5, $0x2  }
0x2c4: {  	s15 =	sand.u32 $0x7F, s19;
	v7 =	vld [tilespmem:s6+$0xFFFFFF80];
	s5 =	sand.u32 $0xFFFFFE00, s5;
	s6 =	sshll.u32 s8, $0x2  }
0x2c5: {  	s16 =	sand.u32 $0x7F, s20;
	s8 =	sshll.u32 s19, $0x2;
	s5 =	sor.u32 s6, s5  }
0x2c6: {  	s3 =	sshll.u32 s3, $0x2;
	s6 =	sshll.u32 s20, $0x2;
	[tilespmem:v4+s21+$0x0] =	vst.idx.msk $0xffff, v3;
	s5 =	sshra.s32 s5, $0x2  }
0x2c7: {  	s3 =	sand.u32 $0xFFFFFE00, s3;
	s19 =	sadd.s32 $0x1953, s7;
	[tilespmem:v2+s21+$0x0] =	vst.idx.msk $0xffff, v1;
	s5 =	sadd.s32 s5, s24  }
0x2c8: {  	s15 =	sshll.u32 s15, $0x2;
	s8 =	sand.u32 $0xFFFFFE00, s8;
	s6 =	sand.u32 $0xFFFFFE00, s6;
	v4 =	vadd.s32 s19, v0;
	[tilespmem:v6+s21+$0x0] =	vst.idx.msk $0xffff, v5;
	v3 =	vld [tilespmem:s5+$0x0]  }
0x2c9: {  	s8 =	sor.u32 s15, s8;
	s5 =	sshll.u32 s16, $0x2;
	s16 =	sshll.u32 s18, $0x2;
	[tilespmem:v8+s21+$0x0] =	vst.idx.msk $0xffff, v7  }
.Ltmp25:
0x2ca: {  	s5 =	sor.u32 s5, s6;
	s3 =	sor.u32 s16, s3;
	(pc) =	sbr.rel @p1 .LBB2_29-.Ltmp25, $4  }
0x2cb: {  	s6 =	sshra.s32 s8, $0x2;
	s5 =	sshra.s32 s5, $0x2;
	s3 =	sshra.s32 s3, $0x2  }
0x2cc: {  	s6 =	sadd.s32 s6, s24;
	s18 =	sadd.s32 s5, s24;
	s29 =	sadd.s32 s3, s24  }
0x2cd: {  	s11 =	sadd.s32 $0x4, s11;
	v2 =	vadd.s32 s30, v0;
	s3 =	sadd.s32 $0x20, s17;
	s5 =	sadd.s32 $0x20, s10;
	v1 =	vld [tilespmem:s6+$0xFFFFFE80];
	[tilespmem:v4+s21+$0x0] =	vst.idx.msk $0xffff, v3  }
0x2ce: {  	s12 =	sadd.s32 $0x4, s12;
	s8 =	sadd.s32 $0x20, s1;
	s6 =	sand.u32 $0x7F, s3;
	v3 =	vld [tilespmem:s11+$0x0]  }
0x2cf: {  	_ = 	snop  }
0x2d0: {  	v4 =	vld [tilespmem:s11+$0xFFFFFFFE]  }
0x2d1: {  	v5 =	vld [tilespmem:s11+$0xFFFFFFFF];
	_ =	sdelay $0x1  }
0x2d2: {  	v6 =	vld [tilespmem:s11+$0xFFFFFFFD];
	(v2sf) =	vpush v3, $0x0;
	_ =	sdelay $0x1  }
0x2d3: {  	(v2sf) =	vpush v4, $0x0  }
0x2d4: {  	s3 =	sshll.u32 s3, $0x2;
	s25 =	sand.u32 $0x7F, s5;
	(v2sf) =	vpush v5, $0x0  }
0x2d5: {  	s26 =	sshll.u32 s5, $0x2;
	s12 =	sand.u32 $0x7F, s8;
	s30 =	sshll.u32 s8, $0x2  }
0x2d6: {  	s6 =	sshll.u32 s6, $0x2;
	s1 =	sadd.s32 $0x30, s1;
	s3 =	sand.u32 $0xFFFFFE00, s3;
	(v2sf) =	vpush v6, $0x0  }
0x2d7: {  	s5 =	sand.u32 $0xFFFFFE00, s26;
	s11 =	sshll.u32 s25, $0x2;
	s8 =	sand.u32 $0xFFFFFE00, s30  }
0x2d8: {  	s15 =	sshll.u32 s12, $0x2;
	s12 =	sadd.s32 $0x30, s10;
	s3 =	sor.u32 s6, s3  }
0x2d9: {  	s6 =	sor.u32 s11, s5;
	s8 =	sor.u32 s15, s8;
	s11 =	sadd.s32 $0x30, s17  }
0x2da: {  	s16 =	sand.u32 $0x7F, s12;
	s5 =	sshll.u32 s12, $0x2;
	[smem:$0x7E6] =	sst s3  }
0x2db: {  	s17 =	sand.u32 $0x7F, s1;
	s1 =	sshll.u32 s1, $0x2;
	[smem:$0x7E7] =	sst s6  }
0x2dc: {  	[smem:$0x7E8] =	sst s8;
	s15 =	sand.u32 $0x7F, s11;
	s3 =	sshll.u32 s11, $0x2  }
0x2dd: {  	s5 =	sand.u32 $0xFFFFFE00, s5;
	s8 =	sshll.u32 s16, $0x2;
	s1 =	sand.u32 $0xFFFFFE00, s1  }
0x2de: {  	s3 =	sand.u32 $0xFFFFFE00, s3;
	s6 =	sshll.u32 s15, $0x2;
	s19 =	sor.u32 s8, s5  }
0x2df: {  	s10 =	sshll.u32 s17, $0x2;
	s3 =	sor.u32 s6, s3;
	[smem:$0x7EA] =	sst s19  }
0x2e0: {  	s1 =	sor.u32 s10, s1;
	[smem:$0x7E9] =	sst s3;
	s3 =	spop (v2sf)  }
0x2e1: {  	[smem:$0x7EB] =	sst s1;
	s20 =	sand.u32 $0x7F, s3  }
0x2e2: {  	s22 =	sshll.u32 s3, $0x2;
	s16 =	spop (v2sf);
	s23 =	sadd.s32 $0x10, s3  }
0x2e3: {  	s6 =	sand.u32 $0xFFFFFE00, s22;
	s5 =	sshll.u32 s20, $0x2;
	s10 =	spop (v2sf)  }
0x2e4: {  	s8 =	sand.u32 $0x7F, s16;
	s25 =	sand.u32 $0x7F, s23;
	s26 =	sshll.u32 s23, $0x2  }
0x2e5: {  	s22 =	sshll.u32 s16, $0x2;
	s12 =	sor.u32 s5, s6;
	s11 =	spop (v2sf)  }
0x2e6: {  	s6 =	sand.u32 $0xFFFFFE00, s26;
	s5 =	sshll.u32 s25, $0x2;
	s23 =	sand.u32 $0xFFFFFE00, s22  }
0x2e7: {  	s25 =	sshll.u32 s8, $0x2;
	s1 =	sshll.u32 s10, $0x2;
	s30 =	sand.u32 $0x7F, s11  }
0x2e8: {  	s17 =	sor.u32 s5, s6;
	s19 =	sshll.u32 s11, $0x2;
	s25 =	sor.u32 s25, s23  }
0x2e9: {  	s8 =	sand.u32 $0xFFFFFE00, s1;
	s6 =	sadd.s32 $0x20, s3;
	s3 =	sadd.s32 $0x30, s3  }
0x2ea: {  	s1 =	sadd.s32 $0x10, s16;
	[smem:$0x7EC] =	sst s17;
	s5 =	sand.u32 $0xFFFFFE00, s19  }
0x2eb: {  	s20 =	sshll.u32 s30, $0x2;
	s30 =	sand.u32 $0x7F, s10;
	s15 =	sshll.u32 s6, $0x2  }
0x2ec: {  	s19 =	sadd.s32 $0x10, s11;
	s26 =	sor.u32 s20, s5;
	s5 =	sshll.u32 s30, $0x2  }
0x2ed: {  	s15 =	sand.u32 $0xFFFFFE00, s15;
	s17 =	sand.u32 $0x7F, s19;
	s20 =	sshll.u32 s19, $0x2  }
0x2ee: {  	s19 =	sshll.u32 s1, $0x2;
	s23 =	sor.u32 s5, s8;
	s8 =	sand.u32 $0x7F, s6  }
0x2ef: {  	s6 =	sand.u32 $0x7F, s1;
	s5 =	sshll.u32 s8, $0x2;
	s8 =	sadd.s32 $0x10, s10  }
0x2f0: {  	s22 =	sor.u32 s5, s15;
	s15 =	sand.u32 $0x7F, s3;
	s3 =	sshll.u32 s3, $0x2  }
0x2f1: {  	s19 =	sand.u32 $0xFFFFFE00, s19;
	s1 =	sshll.u32 s8, $0x2;
	s3 =	sand.u32 $0xFFFFFE00, s3  }
0x2f2: {  	s5 =	sshll.u32 s15, $0x2;
	s15 =	sand.u32 $0x7F, s8;
	s8 =	sand.u32 $0xFFFFFE00, s1  }
0x2f3: {  	s30 =	sor.u32 s5, s3;
	s5 =	sand.u32 $0xFFFFFE00, s20;
	s3 =	sshll.u32 s17, $0x2  }
0x2f4: {  	s17 =	sor.u32 s3, s5;
	s5 =	sshll.u32 s6, $0x2;
	s3 =	sadd.s32 $0x20, s11  }
0x2f5: {  	s20 =	sor.u32 s5, s19;
	s19 =	sshll.u32 s15, $0x2;
	s5 =	sadd.s32 $0x20, s16  }
0x2f6: {  	s6 =	sand.u32 $0x7F, s3;
	s3 =	sshll.u32 s3, $0x2;
	s15 =	sand.u32 $0x7F, s5  }
0x2f7: {  	s1 =	sshll.u32 s5, $0x2;
	s3 =	sand.u32 $0xFFFFFE00, s3;
	s6 =	sshll.u32 s6, $0x2  }
0x2f8: {  	s5 =	sshll.u32 s15, $0x2;
	s15 =	sor.u32 s19, s8;
	s19 =	sld [smem:$0x7E8]  }
0x2f9: {  	s3 =	sor.u32 s6, s3;
	s6 =	sld [smem:$0x7E6]  }
0x2fa: {  	s1 =	sand.u32 $0xFFFFFE00, s1;
	s8 =	sld [smem:$0x7E7]  }
0x2fb: {  	[smem:$0x7ED] =	sst s3;
	s1 =	sor.u32 s5, s1;
	s5 =	sshra.s32 s19, $0x2  }
0x2fc: {  	s19 =	sadd.s32 s5, s24;
	s5 =	sld [smem:$0x7EA]  }
0x2fd: {  	[smem:$0x7EE] =	sst s1;
	s3 =	sshra.s32 s8, $0x2  }
0x2fe: {  	s1 =	sshra.s32 s6, $0x2;
	s8 =	sadd.s32 s3, s24;
	s3 =	sld [smem:$0x7E9]  }
0x2ff: {  	s6 =	sadd.s32 s1, s24;
	s1 =	sld [smem:$0x7EB];
	s5 =	sshra.s32 s5, $0x2  }
0x300: {  	s5 =	sadd.s32 s5, s24  }
0x301: {  	s3 =	sshra.s32 s3, $0x2;
	[dreg:$0x18] =	wrdreg s5  }
0x302: {  	s1 =	sshra.s32 s1, $0x2;
	s3 =	sadd.s32 s3, s24;
	s5 =	sld [smem:$0x7EC]  }
0x303: {  	s1 =	sadd.s32 s1, s24;
	[smem:$0x7EF] =	sst s3  }
0x304: {  	[dreg:$0x14] =	wrdreg s1;
	s3 =	sshra.s32 s12, $0x2;
	s12 =	sadd.s32 $0x200, s24  }
0x305: {  	v4 =	vadd.s32 s0, v0;
	s1 =	sadd.s32 s3, s12;
	v3 =	vld [tilespmem:s18+$0xFFFFFF00];
	s3 =	sshra.s32 s5, $0x2;
	s5 =	sshra.s32 s25, $0x2  }
0x306: {  	v6 =	vadd.s32 s13, v0;
	v5 =	vld [tilespmem:s29+$0xFFFFFF80];
	s18 =	sadd.s32 s3, s12;
	s3 =	sshra.s32 s26, $0x2;
	s26 =	sadd.s32 $0x3, s2  }
0x307: {  	v7 =	vld [tilespmem:s1+$0x0];
	s25 =	sshra.s32 s23, $0x2;
	s23 =	sadd.s32 $0x1, s2;
	s29 =	sadd.s32 s5, s12;
	v8 =	vadd.s32 s26, v0  }
0x308: {  	v12 =	vadd.s32 s23, v0;
	s0 =	sadd.s32 s3, s12;
	v11 =	vld [tilespmem:s29+$0xFFFFFF00]  }
0x309: {  	v10 =	vadd.s32 s2, v0;
	[tilespmem:v2+s21+$0x0] =	vst.idx.msk $0xffff, v1;
	s5 =	sadd.s32 s25, s12;
	s26 =	sadd.s32 $0x2, s2;
	v9 =	vld [tilespmem:s0+$0xFFFFFE80]  }
0x30a: {  	v1 =	vld [tilespmem:s5+$0xFFFFFF80];
	v2 =	vadd.s32 s26, v0;
	[tilespmem:v4+s21+$0x0] =	vst.idx.msk $0xffff, v3  }
0x30b: {  	v3 =	vld [tilespmem:s6+$0xFFFFFE80];
	v4 =	vadd.s32 s14, v0;
	[tilespmem:v6+s21+$0x0] =	vst.idx.msk $0xffff, v5  }
0x30c: {  	v6 =	vadd.s32 s28, v0;
	v5 =	vld [tilespmem:s8+$0xFFFFFF00];
	[tilespmem:v8+s21+$0x0] =	vst.idx.msk $0xffff, v7  }
0x30d: {  	s22 =	sshra.s32 s22, $0x2;
	s6 =	sshra.s32 s15, $0x2;
	s15 =	sadd.s32 $0x873, s2;
	[tilespmem:v12+s21+$0x0] =	vst.idx.msk $0xffff, v11  }
0x30e: {  	s11 =	sadd.s32 $0x30, s11;
	s24 =	sadd.s32 $0x1951, s7;
	s7 =	sadd.s32 $0x1952, s7;
	v56 =	vadd.s32 s15, v0;
	v7 =	vld [tilespmem:s18+$0x0];
	[tilespmem:v10+s21+$0x0] =	vst.idx.msk $0xffff, v9  }
0x30f: {  	s13 =	sadd.s32 s22, s12;
	s22 =	sshra.s32 s30, $0x2;
	s30 =	sadd.s32 $0x870, s2;
	[tilespmem:v2+s21+$0x0] =	vst.idx.msk $0xffff, v1  }
0x310: {  	v57 =	vadd.s32 s30, v0;
	s30 =	sadd.s32 $0x872, s2;
	s25 =	sshra.s32 s17, $0x2;
	s29 =	sshra.s32 s20, $0x2;
	[tilespmem:v4+s21+$0x0] =	vst.idx.msk $0xffff, v3  }
0x311: {  	s23 =	sadd.s32 $0x20, s10;
	s1 =	sadd.s32 s25, s12;
	s25 =	sadd.s32 s29, s12;
	[tilespmem:v6+s21+$0x0] =	vst.idx.msk $0xffff, v5  }
0x312: {  	s10 =	sadd.s32 $0x30, s10;
	s26 =	sadd.s32 $0x871, s2;
	v11 =	vld [tilespmem:s25+$0xFFFFFF00];
	s25 =	sld [smem:$0x7ED]  }
0x313: {  	s28 =	sand.u32 $0x7F, s23;
	s29 =	sshll.u32 s23, $0x2;
	v58 =	vadd.s32 s26, v0;
	v9 =	vld [tilespmem:s1+$0xFFFFFE80];
	s26 =	sld [smem:$0x7EE];
	[tilespmem:v56+s21+$0x0] =	vst.idx.msk $0xffff, v7  }
0x314: {  	s6 =	sadd.s32 s6, s12;
	s23 =	sshll.u32 s28, $0x2;
	s28 =	sld [smem:$0x7EF]  }
0x315: {  	s20 =	sadd.s32 $0x10E0, s2;
	s3 =	sadd.s32 $0x10E1, s2;
	s15 =	sadd.s32 $0x10E3, s2;
	v2 =	vadd.s32 s30, v0;
	v1 =	vld [tilespmem:s6+$0xFFFFFF80]  }
0x316: {  	s5 =	sadd.s32 $0x10E2, s2;
	v59 =	vadd.s32 s15, v0;
	s15 =	sand.u32 $0x7F, s11;
	s11 =	sshll.u32 s11, $0x2;
	v3 =	vld [tilespmem:s19+$0xFFFFFF80];
	v4 =	vadd.s32 s31, v0  }
0x317: {  	s0 =	sadd.s32 $0x1950, s2;
	s8 =	sadd.s32 $0x1953, s2;
	s11 =	sand.u32 $0xFFFFFE00, s11;
	v6 =	vadd.s32 s4, v0;
	v5 =	vld [tilespmem:s28+$0xFFFFFE80]  }
0x318: {  	s31 =	sadd.s32 $0x30, s16;
	s18 =	sand.u32 $0x7F, s10;
	s10 =	sshll.u32 s10, $0x2;
	[tilespmem:v57+s21+$0x0] =	vst.idx.msk $0xffff, v9  }
0x319: {  	s1 =	sand.u32 $0xFFFFFE00, s29;
	s6 =	sadd.s32 s22, s12;
	s14 =	sshra.s32 s25, $0x2;
	v7 =	vld [tilespmem:s13+$0x0];
	[tilespmem:v58+s21+$0x0] =	vst.idx.msk $0xffff, v11  }
0x31a: {  	s1 =	sor.u32 s23, s1;
	s17 =	sshra.s32 s26, $0x2;
	s29 =	sadd.s32 s14, s12;
	[tilespmem:v2+s21+$0x0] =	vst.idx.msk $0xffff, v1  }
0x31b: {  	v60 =	vadd.s32 s20, v0;
	s16 =	sand.u32 $0x7F, s31;
	s1 =	sshra.s32 s1, $0x2;
	s30 =	sadd.s32 s17, s12;
	[tilespmem:v4+s21+$0x0] =	vst.idx.msk $0xffff, v3;
	v9 =	vld [tilespmem:s29+$0xFFFFFE80]  }
0x31c: {  	s4 =	sshll.u32 s15, $0x2;
	s22 =	sand.u32 $0xFFFFFE00, s10;
	s1 =	sadd.s32 s1, s12;
	v2 =	vadd.s32 s3, v0;
	v1 =	vld [tilespmem:s30+$0xFFFFFF00];
	[tilespmem:v6+s21+$0x0] =	vst.idx.msk $0xffff, v5  }
0x31d: {  	s4 =	sor.u32 s4, s11;
	s17 =	sshll.u32 s31, $0x2;
	v4 =	vadd.s32 s5, v0;
	v3 =	vld [tilespmem:s1+$0xFFFFFF80];
	s19 =	rddreg [dreg:$0x18]  }
0x31e: {  	s20 =	sshll.u32 s16, $0x2;
	s25 =	sshra.s32 s4, $0x2;
	s3 =	sand.u32 $0xFFFFFE00, s17;
	v6 =	vadd.s32 s24, v0;
	[tilespmem:v59+s21+$0x0] =	vst.idx.msk $0xffff, v7;
	v5 =	vld [tilespmem:s19+$0xFFFFFF00]  }
0x31f: {  	v63 =	vadd.s32 s8, v0;
	s1 =	sor.u32 s20, s3;
	s24 =	sshll.u32 s18, $0x2;
	s23 =	rddreg [dreg:$0x14];
	v62 =	vld [tilespmem:s6+$0x0]  }
0x320: {  	v61 =	vadd.s32 s7, v0;
	s3 =	sadd.s32 s25, s12;
	s1 =	sshra.s32 s1, $0x2;
	s26 =	sor.u32 s24, s22;
	[tilespmem:v60+s21+$0x0] =	vst.idx.msk $0xffff, v9;
	v7 =	vld [tilespmem:s23+$0xFFFFFF80]  }
0x321: {  	s28 =	sadd.s32 $0x1951, s2;
	s1 =	sadd.s32 s1, s12;
	s4 =	sshra.s32 s26, $0x2;
	[tilespmem:v2+s21+$0x0] =	vst.idx.msk $0xffff, v1;
	v2 =	vadd.s32 s0, v0;
	v1 =	vld [tilespmem:s3+$0xFFFFFE80]  }
0x322: {  	s30 =	sadd.s32 $0x1952, s2;
	[tilespmem:v4+s21+$0x0] =	vst.idx.msk $0xffff, v3;
	v4 =	vadd.s32 s28, v0;
	s29 =	sadd.s32 s4, s12;
	v3 =	vld [tilespmem:s1+$0xFFFFFF00]  }
0x323: {  	[tilespmem:v6+s21+$0x0] =	vst.idx.msk $0xffff, v5;
	v5 =	vld [tilespmem:s29+$0xFFFFFF80];
	v6 =	vadd.s32 s30, v0  }
0x324: {  	[tilespmem:v63+s21+$0x0] =	vst.idx.msk $0xffff, v62  }
0x325: {  	[tilespmem:v61+s21+$0x0] =	vst.idx.msk $0xffff, v7  }
0x326: {  	[tilespmem:v2+s21+$0x0] =	vst.idx.msk $0xffff, v1  }
0x327: {  	[tilespmem:v4+s21+$0x0] =	vst.idx.msk $0xffff, v3  }
0x328: {  	s31 =	simm.s32 $0x10840;
	[tilespmem:v6+s21+$0x0] =	vst.idx.msk $0xffff, v5  }
0x329: {  	v2 =	vld [tilespmem:s31+$0x30]  }
0x32a: {  	v5 =	vld [tilespmem:s31+$0xFFFFFFD0]  }
0x32b: {  	p1 =	por $0x1, $0x1;
	v6 =	vld [tilespmem:s31+$0xFFFFFFE0]  }
.Ltmp26:
0x32c: {  	s0 =	sand.u32 $0x1F80, s9;
	v1 =	vld [tilespmem:s31+$0xFFFFFFF0];
	(pc) =	sbr.rel @!p1 .LBB2_32-.Ltmp26, $4  }
0x32d: {  	s1 =	sadd.s32 $0x12A00, s0;
	v3 =	vld [tilespmem:s31+$0x0]  }
0x32e: {  	v4 =	vld [tilespmem:s31+$0x10];
	[tilespmem:s1+$0x6070] =	vst v2  }
0x32f: {  	[tilespmem:s1+$0x6010] =	vst v5;
	v5 =	vld [tilespmem:s31+$0x20]  }
0x330: {  	s2 =	simm.s32 $0x0;
	s3 =	simm.s32 $0x108C7;
	v2 =	vld [tilespmem:s31+$0xFFFFFFC0];
	[tilespmem:s1+$0x6020] =	vst v6  }
.LBB2_31:
0x331: {  	v6 =	vld [tilespmem:s3+$0x30];
	s2 =	sadd.s32 $0x8, s2;
	[tilespmem:s1+$0x6030] =	vst v1  }
0x332: {  	v7 =	vld [tilespmem:s3+$0xFFFFFFD0];
	p1 =	slt.u32 s2, $0x1F8;
	[tilespmem:s1+$0x6040] =	vst v3  }
0x333: {  	s9 =	sadd.s32 $0x80, s9;
	v8 =	vld [tilespmem:s3+$0xFFFFFFE0];
	[tilespmem:s1+$0x6050] =	vst v4  }
.Ltmp27:
0x334: {  	s4 =	sand.u32 $0x1F80, s9;
	v1 =	vld [tilespmem:s3+$0xFFFFFFF0];
	[tilespmem:s1+$0x6060] =	vst v5;
	(pc) =	sbr.rel @p1 .LBB2_31-.Ltmp27, $4  }
0x335: {  	s1 =	sadd.s32 $0x12A00, s4;
	v3 =	vld [tilespmem:s3+$0x0];
	[tilespmem:s0+$0x18A00] =	vst v2;
	s0 =	smov.u32 s4  }
0x336: {  	v4 =	vld [tilespmem:s3+$0x10];
	[tilespmem:s1+$0x6070] =	vst v6  }
0x337: {  	[tilespmem:s1+$0x6010] =	vst v7;
	v5 =	vld [tilespmem:s3+$0x20]  }
0x338: {  	v2 =	vld [tilespmem:s3+$0xFFFFFFC0];
	[tilespmem:s1+$0x6020] =	vst v8;
	s3 =	sadd.s32 $0x87, s3  }
.LBB2_32:
0x339: {  	[tilespmem:s1+$0x6030] =	vst v1  }
0x33a: {  	s28 =	rddreg [dreg:$0x2];
	[tilespmem:s1+$0x6040] =	vst v3  }
0x33b: {  	s5 =	rddreg [dreg:$0x10];
	[tilespmem:s1+$0x6050] =	vst v4  }
0x33c: {  	s2 =	sshll.u32 s5, $0x14;
	s3 =	rddreg [dreg:$0xc]  }
.Ltmp28:
0x33d: {  	s29 =	simm.s32 $0x400;
	[tilespmem:s1+$0x6060] =	vst v5;
	s2 =	sadd.s32 s3, s2;
	(pc) =	sbr.rel @p0 .LBB2_34-.Ltmp28, $4  }
.Ltmp29:
0x33e: {  	s30 =	simm.s32 $0x8000;
	[tilespmem:s0+$0x18A00] =	vst v2;
	s26 =	sshrl.u32 s2, $0x3;
	(pc) =	sbr.rel @!p0 .LBB2_33-.Ltmp29, $4  }
0x33f: {  	s31 =	simm.s32 $0x18A00;
	s6 =	rddreg [dreg:$0x11];
	s0 =	sadd.s32 s28, s26  }
0x340: {  	[hbm4b:s0+s29] =	stream.strided.scatter [tilespmem:s31], [sflag:$0xC], $0x2000, s30, s29, $0x38;
	[tilespmem:$0x1AA00] =	vst v63  }
0x341: {  	s0 =	sor.u32 $0x3, s6  }
0x342: {  	_ = 	snop  }
.LBB2_24:
0x343: {  	s0 =	sor.u32 $0x3, s6  }
.LBB2_33:
0x344: {  	s1 =	simm.s32 $0x4  }
0x345: {  	_ =	swait.ge [sflag:s1], $0x80  }
0x346: {  	[sflag:s1] =	ssyncset.done $0x0  }
0x347: {  	[sflag:s1] =	ssyncadd.s32 $0xFFFFFF80  }
0x348: {  	v1 =	vld [tilespmem:$0x180];
	_ =	sdelay $0x1  }
0x349: {  	v2 =	vld [tilespmem:$0x190];
	_ =	sdelay $0x1  }
0x34a: {  	v3 =	vld [tilespmem:$0x1A0]  }
0x34b: {  	v4 =	vshrl.u32 v1, $0x1;
	v1 =	vshll.u32 v1, $0x6  }
0x34c: {  	v62 =	vld [tilespmem:$0x1B0];
	[tilespmem:$0x380] =	vst v4;
	v1 =	vand.u32 $0x40, v1  }
0x34d: {  	[tilespmem:$0x580] =	vst v1;
	v1 =	vshrl.u32 v2, $0x1;
	v2 =	vshll.u32 v2, $0x6  }
0x34e: {  	[tilespmem:$0x390] =	vst v1;
	v1 =	vand.u32 $0x40, v2;
	v2 =	vld [tilespmem:$0x1C0]  }
0x34f: {  	[tilespmem:$0x590] =	vst v1;
	v1 =	vshrl.u32 v3, $0x1;
	v3 =	vshll.u32 v3, $0x6  }
0x350: {  	[tilespmem:$0x3A0] =	vst v1;
	v1 =	vand.u32 $0x40, v3;
	v3 =	vld [tilespmem:$0x1D0]  }
0x351: {  	v4 =	vshll.u32 v62, $0x6;
	[tilespmem:$0x5A0] =	vst v1;
	v1 =	vshrl.u32 v62, $0x1  }
0x352: {  	v63 =	vld [tilespmem:$0x1E0];
	[tilespmem:$0x3B0] =	vst v1;
	v1 =	vand.u32 $0x40, v4  }
0x353: {  	[tilespmem:$0x5B0] =	vst v1;
	v1 =	vshrl.u32 v2, $0x1;
	v2 =	vshll.u32 v2, $0x6  }
0x354: {  	p0 =	sgt.u32 s5, $0x30;
	[tilespmem:$0x3C0] =	vst v1;
	v1 =	vand.u32 $0x40, v2;
	v2 =	vld [tilespmem:$0x1F0]  }
0x355: {  	s1 =	sadd.s32 @!p0 $0x7, s6;
	[tilespmem:$0x5C0] =	vst v1;
	v1 =	vshrl.u32 v3, $0x1;
	v3 =	vshll.u32 v3, $0x6  }
0x356: {  	s2 =	sshll.u32 @!p0 s1, $0x7;
	s1 =	sshll.u32 @!p0 s1, $0xC;
	[tilespmem:$0x3D0] =	vst v1;
	v1 =	vand.u32 $0x40, v3  }
0x357: {  	s2 =	sand.u32 @!p0 $0x380, s2;
	s1 =	sand.u32 @!p0 $0x1F8000, s1;
	v3 =	vshll.u32 v63, $0x6;
	[tilespmem:$0x5D0] =	vst v1;
	v1 =	vshrl.u32 v63, $0x1  }
0x358: {  	s1 =	sor.u32 @!p0 s1, s2;
	s2 =	rddreg [dreg:$0x5];
	[tilespmem:$0x3E0] =	vst v1;
	v1 =	vand.u32 $0x40, v3  }
0x359: {  	s1 =	sor.u32 @!p0 s2, s1;
	[tilespmem:$0x5E0] =	vst v1;
	v1 =	vshrl.u32 v2, $0x1;
	v2 =	vshll.u32 v2, $0x6  }
0x35a: {  	s30 =	simm.s32 $0x80;
	s2 =	rddreg [dreg:$0x0];
	s1 =	sshrl.u32 @!p0 s1, $0x3;
	[tilespmem:$0x3F0] =	vst v1;
	v1 =	vand.u32 $0x40, v2  }
0x35b: {  	s3 =	simm.s32 @!p0 $0x180;
	s1 =	sadd.s32 @!p0 s2, s1;
	s2 =	simm.s32 @!p0 $0x0;
	[tilespmem:$0x5F0] =	vst v1  }
0x35c: {  	[tilespmem:s3], [sflag:$0x4] =	stream.linear.gather @!p0 [hbm4b:s1+s2], $0x80, $0x38;
	[tilespmem:$0x1AA00] =	vst v63  }
0x35d: {  	s31 =	simm.s32 $0x380;
	s4 =	simm.s32 $0xC800;
	s29 =	rddreg [dreg:$0x4]  }
0x35e: {  	[tilespmem:s4], [sflag:$0x8] =	stream.indirect.gather [hbm4b:s29+s30], $0x80, s31, s30, $0xb8;
	[tilespmem:$0x1AA00] =	vst v63  }
.LBB2_34:
0x35f: {  	p0 =	sgt.u32 s0, $0xCA  }
.Ltmp30:
0x360: {  	_ = 	snop;
	(pc) =	sbr.rel @p0 .LBB2_40-.Ltmp30, $1  }
0x361: {  	_ =	sdelay $0x3  }
0x362: {  	p0 =	slt.u32 s0, $0x7  }
0x363: {  	s0 =	simm.s32 @!p0 $0x9  }
0x364: {  	_ =	swait.ge @!p0 [sflag:s0], $0x2000  }
0x365: {  	[sflag:s0] =	ssyncset.done @!p0 $0x0  }
0x366: {  	s25 =	simm.s32 $0x5;
	[sflag:s0] =	ssyncadd.s32 @!p0 $0xFFFFE000  }
0x367: {  	_ =	swait.ge [sflag:s25], $0x4000  }
0x368: {  	[sflag:s25] =	ssyncset.done $0x0  }
0x369: {  	s26 =	simm.s32 $0x402;
	[sflag:s25] =	ssyncadd.s32 $0xFFFFC000  }
0x36a: {  	v1 =	vld [tilespmem:s26+$0x1]  }
0x36b: {  	v2 =	vld [tilespmem:s26+$0xFFFFFFFF];
	_ =	sdelay $0x1  }
0x36c: {  	v3 =	vld [tilespmem:s26+$0x0];
	_ =	sdelay $0x1  }
0x36d: {  	v4 =	vld [tilespmem:s26+$0xFFFFFFFE];
	(v2sf) =	vpush v1, $0x0  }
0x36e: {  	(v2sf) =	vpush v2, $0x0;
	_ =	sdelay $0x1  }
0x36f: {  	(v2sf) =	vpush v3, $0x0;
	_ =	sdelay $0x1  }
0x370: {  	(v2sf) =	vpush v4, $0x0;
	_ =	sdelay $0x4  }
0x371: {  	s8 =	simm.s32 $0x0  }
0x372: {  	s24 =	simm.s32 $0x980;
	s2 =	simm.s32 $0x4;
	s4 =	simm.s32 $0x1950  }
0x373: {  	s14 =	simm.s32 $0x10E0;
	s28 =	simm.s32 $0x10E1;
	s9 =	simm.s32 $0x10E2  }
0x374: {  	s7 =	simm.s32 $0x870;
	s13 =	simm.s32 $0x872;
	s11 =	simm.s32 $0x1  }
0x375: {  	s3 =	simm.s32 $0x2;
	s18 =	simm.s32 $0x3;
	v6 =	vadd.s32 s11, v0;
	s11 =	simm.s32 $0x406  }
0x376: {  	s0 =	simm.s32 $0x871;
	s26 =	simm.s32 $0x873;
	s5 =	spop (v2sf)  }
0x377: {  	s1 =	sand.u32 $0x7F, s5;
	s6 =	sshll.u32 s5, $0x2;
	s10 =	spop (v2sf)  }
0x378: {  	s22 =	sadd.s32 $0x10, s5;
	s6 =	sand.u32 $0xFFFFFE00, s6;
	s12 =	sshll.u32 s1, $0x2  }
0x379: {  	s1 =	spop (v2sf);
	s15 =	sand.u32 $0x7F, s10;
	s6 =	sor.u32 s12, s6  }
0x37a: {  	s19 =	sshll.u32 s10, $0x2;
	s31 =	sand.u32 $0x7F, s22;
	s6 =	sshra.s32 s6, $0x2  }
0x37b: {  	s22 =	sshll.u32 s22, $0x2;
	s17 =	spop (v2sf);
	s6 =	sadd.s32 $0x980, s6  }
0x37c: {  	v2 =	vadd.s32 s18, v0;
	s20 =	sand.u32 $0x7F, s1;
	s23 =	sshll.u32 s1, $0x2;
	s18 =	sand.u32 $0xFFFFFE00, s22;
	v1 =	vld [tilespmem:s6+$0x0]  }
0x37d: {  	s19 =	sand.u32 $0xFFFFFE00, s19;
	s15 =	sshll.u32 s15, $0x2;
	s22 =	sadd.s32 $0x10, s10  }
0x37e: {  	s30 =	sand.u32 $0x7F, s17;
	s16 =	sshll.u32 s17, $0x2;
	s6 =	sshll.u32 s31, $0x2  }
0x37f: {  	s25 =	sand.u32 $0xFFFFFE00, s23;
	s20 =	sshll.u32 s20, $0x2;
	s6 =	sor.u32 s6, s18  }
0x380: {  	s15 =	sor.u32 s15, s19;
	s19 =	simm.s32 $0x10E3;
	s6 =	sshra.s32 s6, $0x2  }
0x381: {  	s23 =	sadd.s32 $0x10, s1;
	s16 =	sand.u32 $0xFFFFFE00, s16;
	s6 =	sadd.s32 $0x980, s6;
	[tilespmem:v2+s21+$0x0] =	vst.idx.msk $0xffff, v1  }
0x382: {  	s12 =	sshll.u32 s30, $0x2;
	s30 =	sadd.s32 $0x20, s5;
	s15 =	sshra.s32 s15, $0x2;
	v2 =	vadd.s32 s26, v0;
	v1 =	vld [tilespmem:s6+$0x0]  }
0x383: {  	s12 =	sor.u32 s12, s16;
	s31 =	sand.u32 $0x7F, s30;
	s16 =	sshll.u32 s30, $0x2  }
0x384: {  	s5 =	sadd.s32 $0x30, s5;
	s16 =	sand.u32 $0xFFFFFE00, s16;
	s6 =	sshll.u32 s31, $0x2  }
0x385: {  	s15 =	sadd.s32 $0x980, s15;
	s30 =	sand.u32 $0x7F, s22;
	s6 =	sor.u32 s6, s16  }
0x386: {  	s18 =	sor.u32 s20, s25;
	s12 =	sshra.s32 s12, $0x2;
	s6 =	sshra.s32 s6, $0x2  }
0x387: {  	s20 =	sadd.s32 $0x10, s17;
	s25 =	sand.u32 $0x7F, s5;
	v5 =	vld [tilespmem:s15+$0xFFFFFF00];
	s6 =	sadd.s32 $0x980, s6;
	[tilespmem:v2+s21+$0x0] =	vst.idx.msk $0xffff, v1  }
0x388: {  	s5 =	sshll.u32 s5, $0x2;
	s15 =	simm.s32 $0x1953;
	s18 =	sshra.s32 s18, $0x2;
	v2 =	vadd.s32 s19, v0;
	v1 =	vld [tilespmem:s6+$0x0]  }
0x389: {  	s12 =	sadd.s32 $0x980, s12;
	s5 =	sand.u32 $0xFFFFFE00, s5;
	v10 =	vadd.s32 s15, v0;
	s15 =	sadd.s32 $0x20, s1  }
0x38a: {  	v3 =	vld [tilespmem:s12+$0xFFFFFE80];
	s12 =	simm.s32 $0x8;
	s26 =	sand.u32 $0x7F, s20;
	s6 =	sshll.u32 s25, $0x2  }
0x38b: {  	s31 =	sand.u32 $0x7F, s23;
	s16 =	sadd.s32 $0x980, s18;
	s5 =	sor.u32 s6, s5  }
0x38c: {  	v4 =	vadd.s32 s8, v0;
	s19 =	sshll.u32 s20, $0x2;
	s20 =	sshll.u32 s22, $0x2;
	s5 =	sshra.s32 s5, $0x2  }
0x38d: {  	v8 =	vadd.s32 s3, v0;
	v7 =	vld [tilespmem:s16+$0xFFFFFF80];
	s22 =	sshll.u32 s23, $0x2;
	s23 =	sshll.u32 s26, $0x2;
	s5 =	sadd.s32 $0x980, s5;
	[tilespmem:v2+s21+$0x0] =	vst.idx.msk $0xffff, v1  }
0x38e: {  	s19 =	sand.u32 $0xFFFFFE00, s19;
	s25 =	sand.u32 $0xFFFFFE00, s20;
	s6 =	sshll.u32 s30, $0x2;
	v9 =	vld [tilespmem:s5+$0x0]  }
0x38f: {  	s26 =	sand.u32 $0xFFFFFE00, s22;
	s3 =	sor.u32 s23, s19;
	s6 =	sor.u32 s6, s25  }
0x390: {  	[tilespmem:v6+s21+$0x0] =	vst.idx.msk $0xffff, v5;
	s30 =	sshll.u32 s31, $0x2;
	s3 =	sshra.s32 s3, $0x2;
	s6 =	sshra.s32 s6, $0x2  }
0x391: {  	[tilespmem:v4+s21+$0x0] =	vst.idx.msk $0xffff, v3;
	s31 =	sadd.s32 $0x980, s3;
	s3 =	sadd.s32 $0x20, s17;
	s5 =	sor.u32 s30, s26  }
0x392: {  	v3 =	vld [tilespmem:s11+$0x1];
	[tilespmem:v8+s21+$0x0] =	vst.idx.msk $0xffff, v7;
	s18 =	sadd.s32 $0x980, s6;
	s6 =	sand.u32 $0x7F, s3;
	s5 =	sshra.s32 s5, $0x2  }
0x393: {  	v1 =	vld [tilespmem:s31+$0xFFFFFE80];
	v2 =	vadd.s32 s7, v0;
	s7 =	simm.s32 $0x0;
	s29 =	sadd.s32 $0x980, s5;
	s5 =	sadd.s32 $0x20, s10;
	[tilespmem:v10+s21+$0x0] =	vst.idx.msk $0xffff, v9  }
.LBB2_36:
0x394: {  	p0 =	slt.u32 s12, $0x7C;
	s16 =	sshll.u32 s3, $0x2;
	s19 =	sand.u32 $0x7F, s5  }
0x395: {  	v4 =	vld [tilespmem:s11+$0xFFFFFFFF];
	s3 =	smov.u32 s7;
	s7 =	smov.u32 s2;
	s2 =	smov.u32 s12  }
0x396: {  	s5 =	sshll.u32 s5, $0x2;
	s20 =	sand.u32 $0x7F, s15;
	s15 =	sshll.u32 s15, $0x2;
	v5 =	vld [tilespmem:s11+$0x0]  }
0x397: {  	s6 =	sshll.u32 s6, $0x2;
	s16 =	sand.u32 $0xFFFFFE00, s16;
	s5 =	sand.u32 $0xFFFFFE00, s5;
	v6 =	vld [tilespmem:s11+$0xFFFFFFFE]  }
0x398: {  	s15 =	sand.u32 $0xFFFFFE00, s15;
	[tilespmem:v2+s21+$0x0] =	vst.idx.msk $0xffff, v1;
	v1 =	vld [tilespmem:s18+$0xFFFFFF00];
	v2 =	vadd.s32 s0, v0;
	s0 =	sshll.u32 s19, $0x2;
	s18 =	sshll.u32 s20, $0x2  }
0x399: {  	v7 =	vadd.s32 s13, v0;
	s6 =	sor.u32 s6, s16;
	(v2sf) =	vpush v3, $0x0;
	s0 =	sor.u32 s0, s5;
	v3 =	vld [tilespmem:s29+$0xFFFFFF80];
	s5 =	sor.u32 s18, s15  }
0x39a: {  	s6 =	sshra.s32 s6, $0x2;
	(v2sf) =	vpush v4, $0x0;
	s0 =	sshra.s32 s0, $0x2;
	s5 =	sshra.s32 s5, $0x2  }
0x39b: {  	s6 =	sadd.s32 s6, s24;
	(v2sf) =	vpush v5, $0x0;
	s0 =	sadd.s32 s0, s24;
	s5 =	sadd.s32 s5, s24  }
0x39c: {  	s10 =	sadd.s32 $0x30, s10;
	s1 =	sadd.s32 $0x30, s1;
	v5 =	vadd.s32 s14, v0;
	(v2sf) =	vpush v6, $0x0;
	v4 =	vld [tilespmem:s6+$0xFFFFFE80];
	s6 =	sadd.s32 $0x30, s17  }
0x39d: {  	s14 =	sand.u32 $0x7F, s10;
	s13 =	sand.u32 $0x7F, s6;
	s6 =	sshll.u32 s6, $0x2;
	[tilespmem:v2+s21+$0x0] =	vst.idx.msk $0xffff, v1  }
0x39e: {  	v2 =	vadd.s32 s28, v0;
	v1 =	vld [tilespmem:s0+$0xFFFFFF00];
	s0 =	sshll.u32 s10, $0x2;
	[tilespmem:v7+s21+$0x0] =	vst.idx.msk $0xffff, v3;
	s10 =	sand.u32 $0x7F, s1;
	s1 =	sshll.u32 s1, $0x2  }
0x39f: {  	v6 =	vadd.s32 s9, v0;
	s6 =	sand.u32 $0xFFFFFE00, s6;
	s13 =	sshll.u32 s13, $0x2;
	s0 =	sand.u32 $0xFFFFFE00, s0;
	v3 =	vld [tilespmem:s5+$0xFFFFFF80]  }
0x3a0: {  	s5 =	sshll.u32 s14, $0x2;
	s1 =	sand.u32 $0xFFFFFE00, s1;
	s9 =	sshll.u32 s10, $0x2  }
0x3a1: {  	s6 =	sor.u32 s13, s6;
	s0 =	sor.u32 s5, s0;
	s1 =	sor.u32 s9, s1;
	[tilespmem:v5+s21+$0x0] =	vst.idx.msk $0xffff, v4  }
0x3a2: {  	s5 =	sshra.s32 s6, $0x2;
	s0 =	sshra.s32 s0, $0x2;
	s1 =	sshra.s32 s1, $0x2  }
0x3a3: {  	s5 =	sadd.s32 s5, s24;
	s0 =	sadd.s32 s0, s24;
	s1 =	sadd.s32 s1, s24;
	[tilespmem:v2+s21+$0x0] =	vst.idx.msk $0xffff, v1  }
0x3a4: {  	v2 =	vadd.s32 s4, v0;
	v1 =	vld [tilespmem:s5+$0xFFFFFE80];
	s5 =	sadd.s32 $0x1951, s3;
	[tilespmem:v6+s21+$0x0] =	vst.idx.msk $0xffff, v3  }
0x3a5: {  	s30 =	sadd.s32 $0x870, s7;
	s4 =	sadd.s32 $0x1950, s7;
	v3 =	vld [tilespmem:s0+$0xFFFFFF00];
	v4 =	vadd.s32 s5, v0;
	s0 =	sadd.s32 $0x1952, s3  }
0x3a6: {  	s28 =	sadd.s32 $0x10E1, s7;
	s14 =	sadd.s32 $0x10E0, s7;
	s9 =	sadd.s32 $0x10E2, s7;
	v5 =	vld [tilespmem:s1+$0xFFFFFF80];
	v6 =	vadd.s32 s0, v0  }
0x3a7: {  	s20 =	sadd.s32 $0x3, s7;
	s13 =	sadd.s32 $0x872, s7;
	s0 =	sadd.s32 $0x871, s7  }
0x3a8: {  	s18 =	sadd.s32 $0x2, s7;
	s3 =	sadd.s32 $0x1, s7;
	s16 =	spop (v2sf)  }
0x3a9: {  	s1 =	sand.u32 $0x7F, s16;
	s5 =	sshll.u32 s16, $0x2;
	s10 =	spop (v2sf);
	[tilespmem:v2+s21+$0x0] =	vst.idx.msk $0xffff, v1  }
0x3aa: {  	s5 =	sand.u32 $0xFFFFFE00, s5;
	s6 =	sshll.u32 s1, $0x2;
	s1 =	spop (v2sf);
	[tilespmem:v4+s21+$0x0] =	vst.idx.msk $0xffff, v3  }
0x3ab: {  	s15 =	sand.u32 $0x7F, s10;
	s5 =	sor.u32 s6, s5;
	s17 =	spop (v2sf);
	[tilespmem:v6+s21+$0x0] =	vst.idx.msk $0xffff, v5  }
0x3ac: {  	s24 =	sadd.s32 $0x200, s24;
	s6 =	sand.u32 $0x7F, s17;
	s5 =	sshra.s32 s5, $0x2  }
0x3ad: {  	s22 =	sshll.u32 s10, $0x2;
	s19 =	sshll.u32 s17, $0x2;
	s5 =	sadd.s32 s5, s24  }
0x3ae: {  	v2 =	vadd.s32 s20, v0;
	s23 =	sand.u32 $0x7F, s1;
	s20 =	sshll.u32 s1, $0x2;
	v1 =	vld [tilespmem:s5+$0x0];
	s5 =	sadd.s32 $0x10, s16  }
0x3af: {  	s22 =	sand.u32 $0xFFFFFE00, s22;
	s25 =	sand.u32 $0x7F, s5;
	s5 =	sshll.u32 s5, $0x2  }
0x3b0: {  	s19 =	sand.u32 $0xFFFFFE00, s19;
	s5 =	sand.u32 $0xFFFFFE00, s5;
	s25 =	sshll.u32 s25, $0x2  }
0x3b1: {  	s15 =	sshll.u32 s15, $0x2;
	s6 =	sshll.u32 s6, $0x2;
	s5 =	sor.u32 s25, s5  }
0x3b2: {  	v6 =	vadd.s32 s3, v0;
	s3 =	sadd.s32 $0x10, s1;
	s20 =	sand.u32 $0xFFFFFE00, s20;
	s5 =	sshra.s32 s5, $0x2  }
0x3b3: {  	s23 =	sshll.u32 s23, $0x2;
	s25 =	sadd.s32 $0x873, s7;
	[tilespmem:v2+s21+$0x0] =	vst.idx.msk $0xffff, v1;
	s5 =	sadd.s32 s5, s24  }
0x3b4: {  	s15 =	sor.u32 s15, s22;
	s6 =	sor.u32 s6, s19;
	v2 =	vadd.s32 s25, v0;
	v1 =	vld [tilespmem:s5+$0x0];
	s5 =	sadd.s32 $0x20, s16  }
0x3b5: {  	s19 =	sor.u32 s23, s20;
	s20 =	sand.u32 $0x7F, s5;
	s5 =	sshll.u32 s5, $0x2  }
0x3b6: {  	s6 =	sshra.s32 s6, $0x2;
	s5 =	sand.u32 $0xFFFFFE00, s5;
	s20 =	sshll.u32 s20, $0x2  }
0x3b7: {  	s15 =	sshra.s32 s15, $0x2;
	s19 =	sshra.s32 s19, $0x2;
	s5 =	sor.u32 s20, s5  }
0x3b8: {  	s15 =	sadd.s32 s15, s24;
	s6 =	sadd.s32 s6, s24;
	s5 =	sshra.s32 s5, $0x2  }
0x3b9: {  	v4 =	vadd.s32 s7, v0;
	v3 =	vld [tilespmem:s6+$0xFFFFFE80];
	s6 =	sadd.s32 s19, s24;
	[tilespmem:v2+s21+$0x0] =	vst.idx.msk $0xffff, v1;
	s5 =	sadd.s32 s5, s24;
	s19 =	sadd.s32 $0x10E3, s7  }
0x3ba: {  	s22 =	sadd.s32 $0x10, s10;
	s20 =	sadd.s32 $0x10, s17;
	v1 =	vld [tilespmem:s5+$0x0];
	v2 =	vadd.s32 s19, v0;
	s5 =	sadd.s32 $0x30, s16  }
0x3bb: {  	v8 =	vadd.s32 s18, v0;
	s18 =	sand.u32 $0x7F, s22;
	v5 =	vld [tilespmem:s15+$0xFFFFFF00];
	s15 =	sand.u32 $0x7F, s5;
	s5 =	sshll.u32 s5, $0x2  }
0x3bc: {  	s16 =	sand.u32 $0x7F, s20;
	v7 =	vld [tilespmem:s6+$0xFFFFFF80];
	s5 =	sand.u32 $0xFFFFFE00, s5;
	s6 =	sshll.u32 s15, $0x2  }
0x3bd: {  	s19 =	sand.u32 $0x7F, s3;
	s15 =	sshll.u32 s20, $0x2;
	s5 =	sor.u32 s6, s5  }
0x3be: {  	s3 =	sshll.u32 s3, $0x2;
	s6 =	sshll.u32 s22, $0x2;
	[tilespmem:v4+s21+$0x0] =	vst.idx.msk $0xffff, v3;
	s5 =	sshra.s32 s5, $0x2  }
0x3bf: {  	s16 =	sshll.u32 s16, $0x2;
	s20 =	sadd.s32 $0x1953, s7;
	[tilespmem:v2+s21+$0x0] =	vst.idx.msk $0xffff, v1;
	s5 =	sadd.s32 s5, s24  }
0x3c0: {  	s3 =	sand.u32 $0xFFFFFE00, s3;
	s15 =	sand.u32 $0xFFFFFE00, s15;
	s6 =	sand.u32 $0xFFFFFE00, s6;
	v4 =	vadd.s32 s20, v0;
	[tilespmem:v6+s21+$0x0] =	vst.idx.msk $0xffff, v5;
	v3 =	vld [tilespmem:s5+$0x0]  }
0x3c1: {  	s15 =	sor.u32 s16, s15;
	s5 =	sshll.u32 s18, $0x2;
	s18 =	sshll.u32 s19, $0x2;
	[tilespmem:v8+s21+$0x0] =	vst.idx.msk $0xffff, v7  }
.Ltmp31:
0x3c2: {  	s5 =	sor.u32 s5, s6;
	s3 =	sor.u32 s18, s3;
	(pc) =	sbr.rel @p0 .LBB2_36-.Ltmp31, $4  }
0x3c3: {  	s6 =	sshra.s32 s15, $0x2;
	s5 =	sshra.s32 s5, $0x2;
	s3 =	sshra.s32 s3, $0x2  }
0x3c4: {  	s6 =	sadd.s32 s6, s24;
	s18 =	sadd.s32 s5, s24;
	s29 =	sadd.s32 s3, s24  }
0x3c5: {  	s11 =	sadd.s32 $0x4, s11;
	v2 =	vadd.s32 s30, v0;
	s3 =	sadd.s32 $0x20, s17;
	s5 =	sadd.s32 $0x20, s10;
	v1 =	vld [tilespmem:s6+$0xFFFFFE80];
	[tilespmem:v4+s21+$0x0] =	vst.idx.msk $0xffff, v3  }
0x3c6: {  	s12 =	sadd.s32 $0x4, s12;
	s15 =	sadd.s32 $0x20, s1;
	s6 =	sand.u32 $0x7F, s3;
	v3 =	vld [tilespmem:s11+$0x1]  }
0x3c7: {  	_ = 	snop  }
0x3c8: {  	v4 =	vld [tilespmem:s11+$0xFFFFFFFF];
	_ =	sdelay $0x1  }
0x3c9: {  	v5 =	vld [tilespmem:s11+$0x0]  }
0x3ca: {  	(v2sf) =	vpush v3, $0x0  }
0x3cb: {  	v6 =	vld [tilespmem:s11+$0xFFFFFFFE]  }
0x3cc: {  	(v2sf) =	vpush v4, $0x0  }
0x3cd: {  	s3 =	sshll.u32 s3, $0x2;
	s26 =	sand.u32 $0x7F, s5  }
0x3ce: {  	s30 =	sshll.u32 s5, $0x2;
	s12 =	sand.u32 $0x7F, s15;
	s31 =	sshll.u32 s15, $0x2;
	(v2sf) =	vpush v5, $0x0  }
0x3cf: {  	s6 =	sshll.u32 s6, $0x2;
	s1 =	sadd.s32 $0x30, s1;
	s3 =	sand.u32 $0xFFFFFE00, s3  }
0x3d0: {  	s5 =	sand.u32 $0xFFFFFE00, s30;
	s11 =	sshll.u32 s26, $0x2;
	s15 =	sand.u32 $0xFFFFFE00, s31;
	(v2sf) =	vpush v6, $0x0  }
0x3d1: {  	s16 =	sshll.u32 s12, $0x2;
	s19 =	sand.u32 $0x7F, s1;
	s3 =	sor.u32 s6, s3  }
0x3d2: {  	s1 =	sshll.u32 s1, $0x2;
	s11 =	sor.u32 s11, s5;
	[smem:$0x7DC] =	sst s3  }
0x3d3: {  	s12 =	sor.u32 s16, s15;
	s15 =	sadd.s32 $0x30, s17;
	[smem:$0x7DD] =	sst s11  }
0x3d4: {  	s16 =	sadd.s32 $0x30, s10;
	s1 =	sand.u32 $0xFFFFFE00, s1;
	[smem:$0x7DE] =	sst s12  }
0x3d5: {  	s17 =	sand.u32 $0x7F, s15;
	s3 =	sshll.u32 s15, $0x2;
	s10 =	sand.u32 $0x7F, s16  }
0x3d6: {  	s5 =	sshll.u32 s16, $0x2;
	s11 =	sshll.u32 s19, $0x2;
	s3 =	sand.u32 $0xFFFFFE00, s3  }
0x3d7: {  	s6 =	sshll.u32 s17, $0x2;
	s5 =	sand.u32 $0xFFFFFE00, s5;
	s1 =	sor.u32 s11, s1  }
0x3d8: {  	s10 =	sshll.u32 s10, $0x2;
	s3 =	sor.u32 s6, s3;
	[smem:$0x7E1] =	sst s1  }
0x3d9: {  	s20 =	sor.u32 s10, s5;
	[smem:$0x7DF] =	sst s3;
	s3 =	spop (v2sf)  }
0x3da: {  	[smem:$0x7E0] =	sst s20;
	s22 =	sand.u32 $0x7F, s3  }
0x3db: {  	s23 =	sshll.u32 s3, $0x2;
	s20 =	spop (v2sf);
	s25 =	sadd.s32 $0x10, s3  }
0x3dc: {  	s1 =	sadd.s32 $0x20, s3;
	s3 =	sadd.s32 $0x30, s3;
	s6 =	sand.u32 $0xFFFFFE00, s23  }
0x3dd: {  	s5 =	sshll.u32 s22, $0x2;
	s17 =	spop (v2sf);
	s15 =	sand.u32 $0x7F, s20  }
0x3de: {  	s26 =	sand.u32 $0x7F, s25;
	s30 =	sshll.u32 s25, $0x2;
	s12 =	sor.u32 s5, s6  }
0x3df: {  	s11 =	spop (v2sf);
	s6 =	sand.u32 $0xFFFFFE00, s30;
	s5 =	sshll.u32 s26, $0x2  }
0x3e0: {  	s25 =	sshll.u32 s15, $0x2;
	s30 =	sand.u32 $0x7F, s17;
	s31 =	sand.u32 $0x7F, s11  }
0x3e1: {  	s10 =	sor.u32 s5, s6;
	s19 =	sshll.u32 s11, $0x2;
	s6 =	sand.u32 $0x7F, s1  }
0x3e2: {  	[smem:$0x7E2] =	sst s10;
	s5 =	sand.u32 $0xFFFFFE00, s19;
	s22 =	sshll.u32 s31, $0x2  }
0x3e3: {  	s19 =	sshll.u32 s20, $0x2;
	s31 =	sshll.u32 s17, $0x2;
	s10 =	sand.u32 $0x7F, s3  }
0x3e4: {  	s3 =	sshll.u32 s3, $0x2;
	s26 =	sor.u32 s22, s5;
	s23 =	sand.u32 $0xFFFFFE00, s19  }
0x3e5: {  	s15 =	sand.u32 $0xFFFFFE00, s31;
	s5 =	sshll.u32 s30, $0x2;
	s19 =	sshll.u32 s1, $0x2  }
0x3e6: {  	s3 =	sand.u32 $0xFFFFFE00, s3;
	s1 =	sadd.s32 $0x10, s20;
	s25 =	sor.u32 s25, s23  }
0x3e7: {  	s23 =	sor.u32 s5, s15;
	s19 =	sand.u32 $0xFFFFFE00, s19;
	s5 =	sshll.u32 s6, $0x2  }
0x3e8: {  	s15 =	sadd.s32 $0x10, s11;
	s6 =	sand.u32 $0x7F, s1;
	s31 =	sor.u32 s5, s19  }
0x3e9: {  	s5 =	sshll.u32 s10, $0x2;
	s16 =	sand.u32 $0x7F, s15;
	s22 =	sshll.u32 s15, $0x2  }
0x3ea: {  	s19 =	sshll.u32 s1, $0x2;
	s10 =	sadd.s32 $0x10, s17;
	s30 =	sor.u32 s5, s3  }
0x3eb: {  	s5 =	sand.u32 $0xFFFFFE00, s22;
	s3 =	sshll.u32 s16, $0x2;
	s19 =	sand.u32 $0xFFFFFE00, s19  }
0x3ec: {  	s15 =	sand.u32 $0x7F, s10;
	s1 =	sshll.u32 s10, $0x2;
	s22 =	sor.u32 s3, s5  }
0x3ed: {  	s5 =	sshll.u32 s6, $0x2;
	s10 =	sand.u32 $0xFFFFFE00, s1;
	s3 =	sadd.s32 $0x20, s11  }
0x3ee: {  	s16 =	sor.u32 s5, s19;
	s19 =	sshll.u32 s15, $0x2;
	s5 =	sadd.s32 $0x20, s20  }
0x3ef: {  	s6 =	sand.u32 $0x7F, s3;
	s3 =	sshll.u32 s3, $0x2;
	s15 =	sand.u32 $0x7F, s5  }
0x3f0: {  	s1 =	sshll.u32 s5, $0x2;
	s3 =	sand.u32 $0xFFFFFE00, s3;
	s6 =	sshll.u32 s6, $0x2  }
0x3f1: {  	s5 =	sshll.u32 s15, $0x2;
	s15 =	sor.u32 s19, s10;
	s19 =	sld [smem:$0x7DE]  }
0x3f2: {  	s3 =	sor.u32 s6, s3;
	s6 =	sld [smem:$0x7DC]  }
0x3f3: {  	s1 =	sand.u32 $0xFFFFFE00, s1;
	s10 =	sld [smem:$0x7DD]  }
0x3f4: {  	[smem:$0x7E3] =	sst s3;
	s1 =	sor.u32 s5, s1;
	s5 =	sshra.s32 s19, $0x2  }
0x3f5: {  	s19 =	sadd.s32 s5, s24;
	s5 =	sld [smem:$0x7E0]  }
0x3f6: {  	[smem:$0x7E4] =	sst s1;
	s3 =	sshra.s32 s10, $0x2  }
0x3f7: {  	s1 =	sshra.s32 s6, $0x2;
	s10 =	sadd.s32 s3, s24;
	s3 =	sld [smem:$0x7DF]  }
0x3f8: {  	s6 =	sadd.s32 s1, s24;
	s1 =	sld [smem:$0x7E1];
	s5 =	sshra.s32 s5, $0x2  }
0x3f9: {  	s5 =	sadd.s32 s5, s24  }
0x3fa: {  	s3 =	sshra.s32 s3, $0x2;
	[dreg:$0x19] =	wrdreg s5  }
0x3fb: {  	s1 =	sshra.s32 s1, $0x2;
	s3 =	sadd.s32 s3, s24;
	s5 =	sld [smem:$0x7E2]  }
0x3fc: {  	s1 =	sadd.s32 s1, s24;
	[smem:$0x7E5] =	sst s3  }
0x3fd: {  	[dreg:$0x15] =	wrdreg s1;
	s3 =	sshra.s32 s12, $0x2;
	s12 =	sadd.s32 $0x200, s24  }
0x3fe: {  	v4 =	vadd.s32 s0, v0;
	s1 =	sadd.s32 s3, s12;
	v3 =	vld [tilespmem:s18+$0xFFFFFF00];
	s3 =	sshra.s32 s5, $0x2  }
0x3ff: {  	v6 =	vadd.s32 s13, v0;
	v5 =	vld [tilespmem:s29+$0xFFFFFF80];
	s18 =	sadd.s32 s3, s12;
	s3 =	sshra.s32 s26, $0x2;
	s26 =	sadd.s32 $0x3, s2  }
0x400: {  	v7 =	vld [tilespmem:s1+$0x0];
	s5 =	sshra.s32 s25, $0x2;
	s0 =	sadd.s32 s3, s12;
	v8 =	vadd.s32 s26, v0  }
0x401: {  	v10 =	vadd.s32 s2, v0;
	s25 =	sshra.s32 s23, $0x2;
	s29 =	sadd.s32 s5, s12;
	s3 =	sadd.s32 $0x1, s2;
	v9 =	vld [tilespmem:s0+$0xFFFFFE80]  }
0x402: {  	[tilespmem:v2+s21+$0x0] =	vst.idx.msk $0xffff, v1;
	s5 =	sadd.s32 s25, s12;
	v11 =	vld [tilespmem:s29+$0xFFFFFF00];
	s26 =	sadd.s32 $0x2, s2;
	v12 =	vadd.s32 s3, v0  }
0x403: {  	v1 =	vld [tilespmem:s5+$0xFFFFFF80];
	v2 =	vadd.s32 s26, v0;
	[tilespmem:v4+s21+$0x0] =	vst.idx.msk $0xffff, v3  }
0x404: {  	v3 =	vld [tilespmem:s6+$0xFFFFFE80];
	v4 =	vadd.s32 s14, v0;
	[tilespmem:v6+s21+$0x0] =	vst.idx.msk $0xffff, v5  }
0x405: {  	v6 =	vadd.s32 s28, v0;
	v5 =	vld [tilespmem:s10+$0xFFFFFF00];
	[tilespmem:v8+s21+$0x0] =	vst.idx.msk $0xffff, v7  }
0x406: {  	s31 =	sshra.s32 s31, $0x2;
	s23 =	sshra.s32 s30, $0x2;
	s30 =	sadd.s32 $0x873, s2;
	[tilespmem:v10+s21+$0x0] =	vst.idx.msk $0xffff, v9  }
0x407: {  	s11 =	sadd.s32 $0x30, s11;
	s16 =	sshra.s32 s16, $0x2;
	s24 =	sadd.s32 $0x1951, s7;
	v56 =	vadd.s32 s30, v0;
	v7 =	vld [tilespmem:s18+$0x0];
	[tilespmem:v12+s21+$0x0] =	vst.idx.msk $0xffff, v11  }
0x408: {  	s7 =	sadd.s32 $0x1952, s7;
	s13 =	sadd.s32 s31, s12;
	s31 =	sadd.s32 $0x20, s17;
	[tilespmem:v2+s21+$0x0] =	vst.idx.msk $0xffff, v1  }
0x409: {  	s25 =	sshra.s32 s22, $0x2;
	s22 =	sadd.s32 $0x10E0, s2;
	s30 =	sadd.s32 $0x872, s2;
	[tilespmem:v4+s21+$0x0] =	vst.idx.msk $0xffff, v3  }
0x40a: {  	s29 =	sadd.s32 $0x870, s2;
	s1 =	sadd.s32 s25, s12;
	s25 =	sadd.s32 s16, s12;
	v3 =	vld [tilespmem:s19+$0xFFFFFF80];
	[tilespmem:v6+s21+$0x0] =	vst.idx.msk $0xffff, v5  }
0x40b: {  	s6 =	sshra.s32 s15, $0x2;
	s26 =	sadd.s32 $0x871, s2;
	v9 =	vld [tilespmem:s1+$0xFFFFFE80];
	s18 =	sld [smem:$0x7E3]  }
0x40c: {  	s28 =	sand.u32 $0x7F, s31;
	v57 =	vadd.s32 s29, v0;
	s6 =	sadd.s32 s6, s12;
	v11 =	vld [tilespmem:s25+$0xFFFFFF00];
	s19 =	sld [smem:$0x7E4];
	[tilespmem:v56+s21+$0x0] =	vst.idx.msk $0xffff, v7  }
0x40d: {  	s29 =	sshll.u32 s31, $0x2;
	v58 =	vadd.s32 s26, v0;
	v1 =	vld [tilespmem:s6+$0xFFFFFF80];
	s6 =	sadd.s32 s23, s12;
	s23 =	sld [smem:$0x7E5]  }
0x40e: {  	s31 =	sadd.s32 $0x10E3, s2;
	s16 =	sshll.u32 s28, $0x2;
	s28 =	sadd.s32 $0x30, s20;
	v2 =	vadd.s32 s30, v0  }
0x40f: {  	s5 =	sadd.s32 $0x10E2, s2;
	s0 =	sadd.s32 $0x1950, s2;
	v59 =	vadd.s32 s31, v0;
	s31 =	sand.u32 $0x7F, s28;
	v4 =	vadd.s32 s9, v0  }
0x410: {  	s3 =	sadd.s32 $0x10E1, s2;
	s10 =	sadd.s32 $0x1953, s2;
	s20 =	sshll.u32 s31, $0x2;
	v6 =	vadd.s32 s4, v0;
	v5 =	vld [tilespmem:s23+$0xFFFFFE80]  }
0x411: {  	s30 =	sand.u32 $0x7F, s11;
	s11 =	sshll.u32 s11, $0x2;
	s1 =	sand.u32 $0xFFFFFE00, s29;
	[tilespmem:v57+s21+$0x0] =	vst.idx.msk $0xffff, v9  }
0x412: {  	s29 =	sadd.s32 $0x30, s17;
	s11 =	sand.u32 $0xFFFFFE00, s11;
	s9 =	sshra.s32 s18, $0x2;
	v7 =	vld [tilespmem:s13+$0x0];
	[tilespmem:v58+s21+$0x0] =	vst.idx.msk $0xffff, v11  }
0x413: {  	s1 =	sor.u32 s16, s1;
	s14 =	sshra.s32 s19, $0x2;
	s25 =	sadd.s32 s9, s12;
	[tilespmem:v2+s21+$0x0] =	vst.idx.msk $0xffff, v1  }
0x414: {  	v60 =	vadd.s32 s22, v0;
	s4 =	sshll.u32 s30, $0x2;
	s1 =	sshra.s32 s1, $0x2;
	s26 =	sadd.s32 s14, s12;
	[tilespmem:v4+s21+$0x0] =	vst.idx.msk $0xffff, v3;
	v9 =	vld [tilespmem:s25+$0xFFFFFE80]  }
0x415: {  	s16 =	sshll.u32 s28, $0x2;
	s17 =	sand.u32 $0x7F, s29;
	s1 =	sadd.s32 s1, s12;
	v2 =	vadd.s32 s3, v0;
	v1 =	vld [tilespmem:s26+$0xFFFFFF00];
	[tilespmem:v6+s21+$0x0] =	vst.idx.msk $0xffff, v5  }
0x416: {  	s18 =	sshll.u32 s29, $0x2;
	s3 =	sand.u32 $0xFFFFFE00, s16;
	v4 =	vadd.s32 s5, v0;
	v3 =	vld [tilespmem:s1+$0xFFFFFF80];
	s19 =	rddreg [dreg:$0x19]  }
0x417: {  	s4 =	sor.u32 s4, s11;
	s22 =	sand.u32 $0xFFFFFE00, s18;
	s1 =	sor.u32 s20, s3;
	v6 =	vadd.s32 s24, v0;
	[tilespmem:v59+s21+$0x0] =	vst.idx.msk $0xffff, v7;
	v5 =	vld [tilespmem:s19+$0xFFFFFF00]  }
0x418: {  	v63 =	vadd.s32 s10, v0;
	s25 =	sshra.s32 s4, $0x2;
	s24 =	sshll.u32 s17, $0x2;
	s23 =	rddreg [dreg:$0x15];
	v62 =	vld [tilespmem:s6+$0x0]  }
0x419: {  	v61 =	vadd.s32 s7, v0;
	s1 =	sshra.s32 s1, $0x2;
	s3 =	sadd.s32 s25, s12;
	s26 =	sor.u32 s24, s22;
	[tilespmem:v60+s21+$0x0] =	vst.idx.msk $0xffff, v9;
	v7 =	vld [tilespmem:s23+$0xFFFFFF80]  }
0x41a: {  	s28 =	sadd.s32 $0x1951, s2;
	s1 =	sadd.s32 s1, s12;
	s4 =	sshra.s32 s26, $0x2;
	[tilespmem:v2+s21+$0x0] =	vst.idx.msk $0xffff, v1;
	v2 =	vadd.s32 s0, v0;
	v1 =	vld [tilespmem:s3+$0xFFFFFE80]  }
0x41b: {  	s30 =	sadd.s32 $0x1952, s2;
	[tilespmem:v4+s21+$0x0] =	vst.idx.msk $0xffff, v3;
	v4 =	vadd.s32 s28, v0;
	s29 =	sadd.s32 s4, s12;
	v3 =	vld [tilespmem:s1+$0xFFFFFF00]  }
0x41c: {  	[tilespmem:v6+s21+$0x0] =	vst.idx.msk $0xffff, v5;
	v5 =	vld [tilespmem:s29+$0xFFFFFF80];
	v6 =	vadd.s32 s30, v0  }
0x41d: {  	[tilespmem:v63+s21+$0x0] =	vst.idx.msk $0xffff, v62  }
0x41e: {  	[tilespmem:v61+s21+$0x0] =	vst.idx.msk $0xffff, v7  }
0x41f: {  	[tilespmem:v2+s21+$0x0] =	vst.idx.msk $0xffff, v1  }
0x420: {  	[tilespmem:v4+s21+$0x0] =	vst.idx.msk $0xffff, v3  }
0x421: {  	s31 =	simm.s32 $0x10840;
	[tilespmem:v6+s21+$0x0] =	vst.idx.msk $0xffff, v5  }
0x422: {  	v4 =	vld [tilespmem:s31+$0x30]  }
0x423: {  	v5 =	vld [tilespmem:s31+$0xFFFFFFD0]  }
0x424: {  	p0 =	por $0x1, $0x1;
	v6 =	vld [tilespmem:s31+$0xFFFFFFE0]  }
.Ltmp32:
0x425: {  	s0 =	sand.u32 $0x1F80, s8;
	v1 =	vld [tilespmem:s31+$0xFFFFFFF0];
	(pc) =	sbr.rel @!p0 .LBB2_39-.Ltmp32, $4  }
0x426: {  	s1 =	sadd.s32 $0x12A00, s0;
	v2 =	vld [tilespmem:s31+$0x0]  }
0x427: {  	v3 =	vld [tilespmem:s31+$0x10];
	[tilespmem:s1+$0x70] =	vst v4  }
0x428: {  	[tilespmem:s1+$0x10] =	vst v5;
	v5 =	vld [tilespmem:s31+$0x20]  }
0x429: {  	s2 =	simm.s32 $0x0;
	s3 =	simm.s32 $0x108C7;
	v4 =	vld [tilespmem:s31+$0xFFFFFFC0];
	[tilespmem:s1+$0x20] =	vst v6  }
.LBB2_38:
0x42a: {  	v6 =	vld [tilespmem:s3+$0x30];
	s2 =	sadd.s32 $0x8, s2;
	[tilespmem:s1+$0x30] =	vst v1  }
0x42b: {  	v7 =	vld [tilespmem:s3+$0xFFFFFFD0];
	p0 =	slt.u32 s2, $0x1F8;
	[tilespmem:s1+$0x40] =	vst v2  }
0x42c: {  	s8 =	sadd.s32 $0x80, s8;
	v8 =	vld [tilespmem:s3+$0xFFFFFFE0];
	[tilespmem:s1+$0x50] =	vst v3  }
.Ltmp33:
0x42d: {  	s4 =	sand.u32 $0x1F80, s8;
	v1 =	vld [tilespmem:s3+$0xFFFFFFF0];
	[tilespmem:s1+$0x60] =	vst v5;
	(pc) =	sbr.rel @p0 .LBB2_38-.Ltmp33, $4  }
0x42e: {  	s1 =	sadd.s32 $0x12A00, s4;
	v2 =	vld [tilespmem:s3+$0x0];
	[tilespmem:s0+$0x12A00] =	vst v4;
	s0 =	smov.u32 s4  }
0x42f: {  	v3 =	vld [tilespmem:s3+$0x10];
	[tilespmem:s1+$0x70] =	vst v6  }
0x430: {  	[tilespmem:s1+$0x10] =	vst v7;
	v5 =	vld [tilespmem:s3+$0x20]  }
0x431: {  	v4 =	vld [tilespmem:s3+$0xFFFFFFC0];
	[tilespmem:s1+$0x20] =	vst v8;
	s3 =	sadd.s32 $0x87, s3  }
.Ltmp34:
0x432: {  	_ = 	snop;
	(pc) =	sbr.rel .LBB2_39-.Ltmp34, $1  }
0x433: {  	_ =	sdelay $0x3  }
.LBB2_42:
0x434: {  	_ =	sfence.sel $0x180000  }
0x435: {  	[bflag:$0x0] =	sbarrier.arrive $0xFFFF  }
0x436: {  	_ =	strace $0x9000004A  }
0x437: {  	s0 =	stileid.u32;
	[bflag:$0x2] =	sbarrier.arrive $0xFFFF  }
0x438: {  	p0 =	sne.s32 s0, $0x0;
	s0 =	rddreg [dreg:$0x3]  }
0x439: {  	s0 =	sadd.s32 @!p0 $0x100000, s0  }
0x43a: {  	[sflag:s0] =	ssyncadd.tile.s32 @!p0 $0x1;
	_ =	shalt  }
.Lfunc_end2:
_tile_overlayer_lowered:
.L_overlay_start_2:
0x43b: {  	(tag) =	ssettag $0x2  }
0x43c: {  	s0 =	rddreg [dreg:$0x0];
	s2 =	stileid.u32  }
0x43d: {  	s1 =	rddreg [dreg:$0x1];
	p0 =	sne.s32 s2, $0x0  }
0x43e: {  	s3 =	rddreg [dreg:$0x2];
	[bflag:$0x3] =	sbarrier.arrive $0xFFFF;
	s2 =	simm.s32 @!p0 $0x1C0D  }
0x43f: {  	[timem:s3], [sflag:s2] =	dma.local @!p0 [hbm:s0], s1  }
0x440: {  	s0 =	simm.s32 @!p0 $0xD  }
0x441: {  	_ =	swait.ge @!p0 [sflag:s0], s1  }
0x442: {  	s1 =	ssub.s32 @!p0 $0x0, s1;
	[sflag:s0] =	ssyncset.done @!p0 $0x0  }
0x443: {  	[sflag:s0] =	ssyncadd.s32 @!p0 s1  }
0x444: {  	[bflag:$0x3] =	sbarrier.arrive $0xFFFF  }
0x445: {  	_ =	shalt  }

</sc_bundles>
